<compile_context>
chip_gen: v7x
topology: tpu7x:2x2x1
jax: 0.10.2.dev20260603
libtpu: 0.0.44.dev20260713+nightly
codegen_flags: <defaults>
</compile_context>

<pallas_src>
import jax
import jax.numpy as jnp
from jax import lax
from jax.experimental import pallas as pl
from jax.experimental.pallas import tpu as pltpu
from jax.experimental.pallas import tpu_sc as plsc

_B, _N = 64, 8192
_K = _N // 2
_NC, _NS = 2, 16
_NW = _NC * _NS
_B_SC = 32
_B_TC = _B - _B_SC
_RPW = _B_SC // _NW
_L = 16
_VPR = _N // _L
_NBINS = 256
_BIG = 2 ** 30


def _scan_select(hist_ref, kk):
    carry = jnp.int32(0)
    cnt_vec = jnp.zeros((_L,), jnp.int32)
    a_vec = jnp.zeros((_L,), jnp.int32)
    m_vec = jnp.full((_L,), _BIG, jnp.int32)
    for j in range(_NBINS // _L):
        v = hist_ref[pl.ds((_NBINS // _L - 1 - j) * _L, _L)]
        rv = lax.rev(v, (0,))
        cs = plsc.cumsum(rv) + carry
        ge = cs >= kk
        cnt_vec = cnt_vec + ge.astype(jnp.int32)
        a_vec = jnp.maximum(a_vec, jnp.where(ge, 0, cs))
        m_vec = jnp.minimum(m_vec, jnp.where(ge, cs, _BIG))
        carry = jnp.max(cs)
    b = jnp.sum(cnt_vec) - 1
    return b, jnp.max(a_vec), jnp.min(m_vec)


def _zero_hist(hist_ref):
    zeros = jnp.zeros((_L,), jnp.int32)
    for i in range(_NBINS // _L):
        hist_ref[pl.ds(i * _L, _L)] = zeros


def _process_row(xrow, krow, hist_ref, cb1, cb2):
    ones = jnp.ones((_L,), jnp.int32)

    _zero_hist(hist_ref)

    @plsc.parallel_loop(0, _N, step=_L, unroll=8)
    def body1(i):
        xvec = xrow[pl.ds(i, _L)]
        u = lax.bitcast_convert_type(xvec, jnp.uint32)
        ku = jnp.where(u >= jnp.uint32(0x80000000), ~u, u | jnp.uint32(0x80000000))
        krow[pl.ds(i, _L)] = ku
        digit = jnp.right_shift(ku, jnp.uint32(24)).astype(jnp.int32)
        plsc.addupdate_scatter(hist_ref, [digit], ones)

    kk = jnp.int32(_K)
    b, A, M = _scan_select(hist_ref, kk)
    kk = kk - A
    prefix = b.astype(jnp.uint32)

    _zero_hist(hist_ref)

    @plsc.parallel_loop(0, _N, step=_L, unroll=8,
                        carry=jnp.zeros((_L,), jnp.int32))
    def body2(i, off_vec):
        kvec = krow[pl.ds(i, _L)]
        cand = jnp.right_shift(kvec, jnp.uint32(24)) == prefix
        digit = (jnp.right_shift(kvec, jnp.uint32(16))
                 & jnp.uint32(0xFF)).astype(jnp.int32)
        plsc.addupdate_scatter(hist_ref, [digit], ones, mask=cand)
        rank = plsc.cumsum(cand.astype(jnp.int32))
        idx = off_vec + rank - 1
        plsc.store_scatter(cb1, [idx], lax.bitcast_convert_type(kvec, jnp.int32),
                           mask=cand)
        return off_vec + plsc.all_reduce_population_count(cand)

    ncand1 = jnp.max(body2)
    b, A, M = _scan_select(hist_ref, kk)
    kk = kk - A
    prefix = jnp.left_shift(prefix, jnp.uint32(8)) | b.astype(jnp.uint32)

    iota = lax.broadcasted_iota(jnp.int32, (_L,), 0)
    _zero_hist(hist_ref)

    def body3(i, off_vec):
        base = i * _L
        kvec = lax.bitcast_convert_type(cb1[pl.ds(base, _L)], jnp.uint32)
        valid = (iota + base) < ncand1
        cand = valid & (jnp.right_shift(kvec, jnp.uint32(16)) == prefix)
        digit = (jnp.right_shift(kvec, jnp.uint32(8))
                 & jnp.uint32(0xFF)).astype(jnp.int32)
        plsc.addupdate_scatter(hist_ref, [digit], ones, mask=cand)
        rank = plsc.cumsum(cand.astype(jnp.int32))
        idx = off_vec + rank - 1
        plsc.store_scatter(cb2, [idx], lax.bitcast_convert_type(kvec, jnp.int32),
                           mask=cand)
        return off_vec + plsc.all_reduce_population_count(cand)

    nvec3 = (ncand1 + (_L - 1)) // _L
    ncand2 = jnp.max(lax.fori_loop(0, nvec3, body3,
                                   jnp.zeros((_L,), jnp.int32)))
    b, A, M = _scan_select(hist_ref, kk)
    kk = kk - A
    prefix = jnp.left_shift(prefix, jnp.uint32(8)) | b.astype(jnp.uint32)

    _zero_hist(hist_ref)

    def body4(i, c):
        base = i * _L
        kvec = lax.bitcast_convert_type(cb2[pl.ds(base, _L)], jnp.uint32)
        cand = (((iota + base) < ncand2)
                & (jnp.right_shift(kvec, jnp.uint32(8)) == prefix))
        digit = (kvec & jnp.uint32(0xFF)).astype(jnp.int32)
        plsc.addupdate_scatter(hist_ref, [digit], ones, mask=cand)
        return c

    nvec4 = (ncand2 + (_L - 1)) // _L
    lax.fori_loop(0, nvec4, body4, 0)
    b, A, M = _scan_select(hist_ref, kk)
    kk = kk - A
    prefix = jnp.left_shift(prefix, jnp.uint32(8)) | b.astype(jnp.uint32)

    t = prefix
    rem = (M - A) - kk

    @plsc.parallel_loop(0, _N, step=_L, unroll=8)
    def body_mask(i):
        kvec = krow[pl.ds(i, _L)]
        xvec = xrow[pl.ds(i, _L)]
        xrow[pl.ds(i, _L)] = jnp.where(kvec >= t, xvec, jnp.float32(0.0))

    @pl.when(rem > 0)
    def _fixup():
        def bodyf(j, r):
            i = _VPR - 1 - j
            kvec = krow[pl.ds(i * _L, _L)]
            eq = kvec == t
            rcs = plsc.cumsum(lax.rev(eq.astype(jnp.int32), (0,)))
            zmask = eq & (lax.rev(rcs, (0,)) <= r)
            xvec = xrow[pl.ds(i * _L, _L)]
            xrow[pl.ds(i * _L, _L)] = jnp.where(zmask, jnp.float32(0.0), xvec)
            return r - jnp.max(rcs)

        lax.fori_loop(0, _VPR, bodyf, rem)


def _sc_body(x_hbm, o_hbm, xv, kv, hist, cb1, cb2):
    wid = lax.axis_index("s") * _NC + lax.axis_index("c")
    base = _B_TC + wid * _RPW
    for r in range(_RPW):
        pltpu.sync_copy(x_hbm.at[base + r], xv.at[pl.ds(r * _N, _N)])
    for r in range(_RPW):
        _process_row(xv.at[pl.ds(r * _N, _N)], kv, hist, cb1, cb2)
    for r in range(_RPW):
        pltpu.sync_copy(xv.at[pl.ds(r * _N, _N)], o_hbm.at[base + r])


def _tc_topk_mask(x_ref, o_ref):
    x = x_ref[...]
    u = lax.bitcast_convert_type(x, jnp.uint32)
    sign = jnp.uint32(0x80000000)
    ku = jnp.where(u >= sign, ~u, u | sign)

    def body(s, prefix):
        bit = jnp.left_shift(jnp.uint32(1), jnp.uint32(31) - s.astype(jnp.uint32))
        tryv = prefix | bit
        c = jnp.sum((ku >= tryv).astype(jnp.int32), axis=1, keepdims=True)
        return jnp.where(c >= _K, tryv, prefix)

    T = lax.fori_loop(0, 32, body, jnp.zeros((x.shape[0], 1), jnp.uint32))

    ge = ku >= T
    count_ge = jnp.sum(ge.astype(jnp.int32), axis=1, keepdims=True)
    ties = jnp.sum(count_ge - _K)

    @pl.when(ties == 0)
    def _no_ties():
        o_ref[...] = x * ge.astype(x.dtype)

    @pl.when(ties > 0)
    def _with_ties():
        gt = ku > T
        eq = ku == T
        count_gt = jnp.sum(gt.astype(jnp.int32), axis=1, keepdims=True)
        need = _K - count_gt

        csum = eq.astype(jnp.int32)
        d = 1
        while d < _N:
            shifted = jnp.concatenate(
                [jnp.zeros((x.shape[0], d), jnp.int32), csum[:, : _N - d]],
                axis=1,
            )
            csum = csum + shifted
            d *= 2

        mask = gt | (eq & (csum <= need))
        o_ref[...] = x * mask.astype(x.dtype)


@jax.jit
def kernel(input):
    mesh = plsc.VectorSubcoreMesh(
        core_axis_name="c", subcore_axis_name="s",
        num_cores=_NC, num_subcores=_NS,
    )
    f = pl.kernel(
        _sc_body,
        out_type=jax.ShapeDtypeStruct((_B, _N), jnp.float32),
        mesh=mesh,
        compiler_params=pltpu.CompilerParams(needs_layout_passes=False),
        scratch_types=[
            pltpu.VMEM((_RPW * _N,), jnp.float32),
            pltpu.VMEM((_N,), jnp.uint32),
            pltpu.VMEM((_NBINS,), jnp.int32),
            pltpu.VMEM((_N,), jnp.int32),
            pltpu.VMEM((_N,), jnp.int32),
        ],
    )
    out_sc = f(input)
    out_tc = pl.pallas_call(
        _tc_topk_mask,
        grid=(2,),
        in_specs=[pl.BlockSpec((_B_TC // 2, _N), lambda i: (i, 0))],
        out_specs=pl.BlockSpec((_B_TC // 2, _N), lambda i: (i, 0)),
        out_shape=jax.ShapeDtypeStruct((_B_TC, _N), jnp.float32),
        compiler_params=pltpu.CompilerParams(
            dimension_semantics=("parallel",),
        ),
    )(input)
    return lax.dynamic_update_slice(out_sc, out_tc, (0, 0))

# --- scband reference (transcript-rebuilt; emitter-appended) ---
"""Pipeline reference for scband-sparse-activation-85864986182239 (READ-ONLY COPY).

The authoritative reference and input builder live on the scoring server;
editing this copy changes nothing except your own understanding.
"""

import jax, jax.numpy as jnp
import numpy as np

TOPK = 0  # init_kwargs: 0 -> half sparsity (k = N/2)

def setup_inputs(seed: int = 0) -> dict:
    key = jax.random.key(seed)
    x = jax.random.normal(key, (64, 8192), dtype=jnp.float32)
    return {"input": x}

def reference(input):
    N = input.shape[-1]
    if TOPK == 0:
        k = N // 2
    elif TOPK == -1:
        k = N
    else:
        k = TOPK
    # topk indices along last dim (computed without grad in the torch original)
    _, idx = jax.lax.top_k(input, k)  # idx: [B, k]
    B = input.shape[0]
    rows = jnp.arange(B)[:, None]
    mask = jnp.zeros_like(input).at[rows, idx].set(1.0)
    return input * mask

if __name__ == "__main__":
    import jax
    _d = setup_inputs()
    print(jax.jit(kernel)(*tuple(_d.values())))

</pallas_src>

<mosaic_0001>
#map = affine_map<(d0, d1) -> (0, 0)>
module attributes {stable_mosaic.version = 14 : i64} {
  func.func @_sc_body(%arg0: i32, %arg1: i32, %arg2: memref<64x8192xf32, #tpu.memory_space<hbm>>, %arg3: memref<64x8192xf32, #tpu.memory_space<hbm>>, %arg4: memref<8192xf32, #tpu.memory_space<vmem>>, %arg5: memref<8192xi32, #tpu.memory_space<vmem>>, %arg6: memref<256xi32, #tpu.memory_space<vmem>>, %arg7: memref<8192xi32, #tpu.memory_space<vmem>>, %arg8: memref<8192xi32, #tpu.memory_space<vmem>>) attributes {dimension_semantics = [#tpu.dimension_semantics<core_parallel>, #tpu.dimension_semantics<subcore_parallel>], iteration_bounds = array<i64: 2, 16>, scalar_prefetch = 0 : i64, scratch_operands = 5 : i64, tpu.core_type = #tpu.core_type<sc_vector_subcore>, window_params = [{transform_indices = #map}, {transform_indices = #map}]} {
    %mul3A = arith.constant 2 : i32
    %mul3A_0 = arith.muli %arg1, %mul3A : i32
    %add3A = arith.addi %mul3A_0, %arg0 : i32
    %mul3A_1 = arith.constant 1 : i32
    %mul3A_2 = arith.muli %add3A, %mul3A_1 : i32
    %add3A_3 = arith.constant 32 : i32
    %add3A_4 = arith.addi %add3A_3, %mul3A_2 : i32
    %add3A_5 = arith.constant 0 : i32
    %add3A_6 = arith.addi %add3A_4, %add3A_5 : i32
    "tpu.region"() ({
      %run_scoped3A = tpu.sem_alloc : memref<!tpu.dma_semaphore, #tpu.memory_space<semaphore_mem>>
      %dma_start3A = arith.constant 0 : i32
      %dma_start3A_2425 = tpu.memref_slice %arg4[%dma_start3A] : memref<8192xf32, #tpu.memory_space<vmem>> -> memref<8192xf32, #tpu.memory_space<vmem>>
      %dma_start3A_2426 = arith.constant 0 : i32
      %dma_start3A_2427 = tpu.memref_slice %arg2[%add3A_6, %dma_start3A_2426] : memref<64x8192xf32, #tpu.memory_space<hbm>> -> memref<1x8192xf32, #tpu.memory_space<hbm>>
      %dma_start3A_2428 = tpu.memref_squeeze %dma_start3A_2427 : memref<1x8192xf32, #tpu.memory_space<hbm>> -> memref<8192xf32, #tpu.memory_space<hbm>>
      %dma_start3A_2429 = arith.constant 0 : i32
      %dma_start3A_2430 = tpu.memref_slice %arg4[%dma_start3A_2429] : memref<8192xf32, #tpu.memory_space<vmem>> -> memref<8192xf32, #tpu.memory_space<vmem>>
      %dma_start3A_2431 = arith.constant 0 : i32
      %dma_start3A_2432 = tpu.memref_slice %arg2[%add3A_6, %dma_start3A_2431] : memref<64x8192xf32, #tpu.memory_space<hbm>> -> memref<1x8192xf32, #tpu.memory_space<hbm>>
      %dma_start3A_2433 = tpu.memref_squeeze %dma_start3A_2432 : memref<1x8192xf32, #tpu.memory_space<hbm>> -> memref<8192xf32, #tpu.memory_space<hbm>>
      tpu.enqueue_dma source(%dma_start3A_2433 : memref<8192xf32, #tpu.memory_space<hbm>>) target(%dma_start3A_2430 : memref<8192xf32, #tpu.memory_space<vmem>>) target_semaphore(%run_scoped3A : memref<!tpu.dma_semaphore, #tpu.memory_space<semaphore_mem>>)
      %dma_wait3A = arith.constant 0 : i32
      %dma_wait3A_2434 = tpu.memref_slice %arg4[%dma_wait3A] : memref<8192xf32, #tpu.memory_space<vmem>> -> memref<8192xf32, #tpu.memory_space<vmem>>
      %dma_wait3A_2435 = arith.constant 0 : i32
      %dma_wait3A_2436 = tpu.memref_slice %arg2[%add3A_6, %dma_wait3A_2435] : memref<64x8192xf32, #tpu.memory_space<hbm>> -> memref<1x8192xf32, #tpu.memory_space<hbm>>
      %dma_wait3A_2437 = tpu.memref_squeeze %dma_wait3A_2436 : memref<1x8192xf32, #tpu.memory_space<hbm>> -> memref<8192xf32, #tpu.memory_space<hbm>>
      %dma_wait3A_2438 = arith.constant 0 : i32
      %dma_wait3A_2439 = tpu.memref_slice %arg4[%dma_wait3A_2438] : memref<8192xf32, #tpu.memory_space<vmem>> -> memref<8192xf32, #tpu.memory_space<vmem>>
      %dma_wait3A_2440 = arith.constant 0 : i32
      %dma_wait3A_2441 = tpu.memref_slice %arg2[%add3A_6, %dma_wait3A_2440] : memref<64x8192xf32, #tpu.memory_space<hbm>> -> memref<1x8192xf32, #tpu.memory_space<hbm>>
      %dma_wait3A_2442 = tpu.memref_squeeze %dma_wait3A_2441 : memref<1x8192xf32, #tpu.memory_space<hbm>> -> memref<8192xf32, #tpu.memory_space<hbm>>
      tpu.wait_dma2 semaphore(%run_scoped3A : memref<!tpu.dma_semaphore, #tpu.memory_space<semaphore_mem>>) src(%dma_wait3A_2442 : memref<8192xf32, #tpu.memory_space<hbm>>) dst(%dma_wait3A_2439 : memref<8192xf32, #tpu.memory_space<vmem>>)
      tpu.yield
    }) : () -> ()
    %broadcast_in_dim3A = arith.constant 1 : i32
    %broadcast_in_dim3A_7 = vector.broadcast %broadcast_in_dim3A : i32 to vector<16xi32>
    %broadcast_in_dim3A_8 = arith.constant 0 : i32
    %broadcast_in_dim3A_9 = vector.broadcast %broadcast_in_dim3A_8 : i32 to vector<16xi32>
    %swap3A = arith.constant 0 : index
    %swap3A_10 = tpu.vector_load %arg6[%swap3A] {strides = array<i32>} : memref<256xi32, #tpu.memory_space<vmem>>, vector<16xi32>,
    tpu.vector_store %arg6[%swap3A], %broadcast_in_dim3A_9 {strides = array<i32>} : memref<256xi32, #tpu.memory_space<vmem>>, vector<16xi32>,
    %swap3A_11 = arith.constant 16 : index
    %swap3A_12 = tpu.vector_load %arg6[%swap3A_11] {strides = array<i32>} : memref<256xi32, #tpu.memory_space<vmem>>, vector<16xi32>,
    tpu.vector_store %arg6[%swap3A_11], %broadcast_in_dim3A_9 {strides = array<i32>} : memref<256xi32, #tpu.memory_space<vmem>>, vector<16xi32>,
    %swap3A_13 = arith.constant 32 : index
    %swap3A_14 = tpu.vector_load %arg6[%swap3A_13] {strides = array<i32>} : memref<256xi32, #tpu.memory_space<vmem>>, vector<16xi32>,
    tpu.vector_store %arg6[%swap3A_13], %broadcast_in_dim3A_9 {strides = array<i32>} : memref<256xi32, #tpu.memory_space<vmem>>, vector<16xi32>,
    %swap3A_15 = arith.constant 48 : index
    %swap3A_16 = tpu.vector_load %arg6[%swap3A_15] {strides = array<i32>} : memref<256xi32, #tpu.memory_space<vmem>>, vector<16xi32>,
    tpu.vector_store %arg6[%swap3A_15], %broadcast_in_dim3A_9 {strides = array<i32>} : memref<256xi32, #tpu.memory_space<vmem>>, vector<16xi32>,
    %swap3A_17 = arith.constant 64 : index
    %swap3A_18 = tpu.vector_load %arg6[%swap3A_17] {strides = array<i32>} : memref<256xi32, #tpu.memory_space<vmem>>, vector<16xi32>,
    tpu.vector_store %arg6[%swap3A_17], %broadcast_in_dim3A_9 {strides = array<i32>} : memref<256xi32, #tpu.memory_space<vmem>>, vector<16xi32>,
    %swap3A_19 = arith.constant 80 : index
    %swap3A_20 = tpu.vector_load %arg6[%swap3A_19] {strides = array<i32>} : memref<256xi32, #tpu.memory_space<vmem>>, vector<16xi32>,
    tpu.vector_store %arg6[%swap3A_19], %broadcast_in_dim3A_9 {strides = array<i32>} : memref<256xi32, #tpu.memory_space<vmem>>, vector<16xi32>,
    %swap3A_21 = arith.constant 96 : index
    %swap3A_22 = tpu.vector_load %arg6[%swap3A_21] {strides = array<i32>} : memref<256xi32, #tpu.memory_space<vmem>>, vector<16xi32>,
    tpu.vector_store %arg6[%swap3A_21], %broadcast_in_dim3A_9 {strides = array<i32>} : memref<256xi32, #tpu.memory_space<vmem>>, vector<16xi32>,
    %swap3A_23 = arith.constant 112 : index
    %swap3A_24 = tpu.vector_load %arg6[%swap3A_23] {strides = array<i32>} : memref<256xi32, #tpu.memory_space<vmem>>, vector<16xi32>,
    tpu.vector_store %arg6[%swap3A_23], %broadcast_in_dim3A_9 {strides = array<i32>} : memref<256xi32, #tpu.memory_space<vmem>>, vector<16xi32>,
    %swap3A_25 = arith.constant 128 : index
    %swap3A_26 = tpu.vector_load %arg6[%swap3A_25] {strides = array<i32>} : memref<256xi32, #tpu.memory_space<vmem>>, vector<16xi32>,
    tpu.vector_store %arg6[%swap3A_25], %broadcast_in_dim3A_9 {strides = array<i32>} : memref<256xi32, #tpu.memory_space<vmem>>, vector<16xi32>,
    %swap3A_27 = arith.constant 144 : index
    %swap3A_28 = tpu.vector_load %arg6[%swap3A_27] {strides = array<i32>} : memref<256xi32, #tpu.memory_space<vmem>>, vector<16xi32>,
    tpu.vector_store %arg6[%swap3A_27], %broadcast_in_dim3A_9 {strides = array<i32>} : memref<256xi32, #tpu.memory_space<vmem>>, vector<16xi32>,
    %swap3A_29 = arith.constant 160 : index
    %swap3A_30 = tpu.vector_load %arg6[%swap3A_29] {strides = array<i32>} : memref<256xi32, #tpu.memory_space<vmem>>, vector<16xi32>,
    tpu.vector_store %arg6[%swap3A_29], %broadcast_in_dim3A_9 {strides = array<i32>} : memref<256xi32, #tpu.memory_space<vmem>>, vector<16xi32>,
    %swap3A_31 = arith.constant 176 : index
    %swap3A_32 = tpu.vector_load %arg6[%swap3A_31] {strides = array<i32>} : memref<256xi32, #tpu.memory_space<vmem>>, vector<16xi32>,
    tpu.vector_store %arg6[%swap3A_31], %broadcast_in_dim3A_9 {strides = array<i32>} : memref<256xi32, #tpu.memory_space<vmem>>, vector<16xi32>,
    %swap3A_33 = arith.constant 192 : index
    %swap3A_34 = tpu.vector_load %arg6[%swap3A_33] {strides = array<i32>} : memref<256xi32, #tpu.memory_space<vmem>>, vector<16xi32>,
    tpu.vector_store %arg6[%swap3A_33], %broadcast_in_dim3A_9 {strides = array<i32>} : memref<256xi32, #tpu.memory_space<vmem>>, vector<16xi32>,
    %swap3A_35 = arith.constant 208 : index
    %swap3A_36 = tpu.vector_load %arg6[%swap3A_35] {strides = array<i32>} : memref<256xi32, #tpu.memory_space<vmem>>, vector<16xi32>,
    tpu.vector_store %arg6[%swap3A_35], %broadcast_in_dim3A_9 {strides = array<i32>} : memref<256xi32, #tpu.memory_space<vmem>>, vector<16xi32>,
    %swap3A_37 = arith.constant 224 : index
    %swap3A_38 = tpu.vector_load %arg6[%swap3A_37] {strides = array<i32>} : memref<256xi32, #tpu.memory_space<vmem>>, vector<16xi32>,
    tpu.vector_store %arg6[%swap3A_37], %broadcast_in_dim3A_9 {strides = array<i32>} : memref<256xi32, #tpu.memory_space<vmem>>, vector<16xi32>,
    %swap3A_39 = arith.constant 240 : index
    %swap3A_40 = tpu.vector_load %arg6[%swap3A_39] {strides = array<i32>} : memref<256xi32, #tpu.memory_space<vmem>>, vector<16xi32>,
    tpu.vector_store %arg6[%swap3A_39], %broadcast_in_dim3A_9 {strides = array<i32>} : memref<256xi32, #tpu.memory_space<vmem>>, vector<16xi32>,
    %parallel_loop3A = arith.constant 0 : i32
    %parallel_loop3A_41 = arith.constant 8192 : i32
    %parallel_loop3A_42 = arith.constant 16 : i32
    scf.for %parallel_loop3A_2425 = %parallel_loop3A to %parallel_loop3A_41 step %parallel_loop3A_42  : i32 {
      %parallel_loop3A_2426 = arith.constant 0 : i32
      %parallel_loop3A_2427 = tpu.memref_slice %arg4[%parallel_loop3A_2426] : memref<8192xf32, #tpu.memory_space<vmem>> -> memref<8192xf32, #tpu.memory_space<vmem>>
      %parallel_loop3A_2428 = arith.index_cast %parallel_loop3A_2425 : i32 to index
      %parallel_loop3A_2429 = tpu.vector_load %parallel_loop3A_2427[%parallel_loop3A_2428] {strides = array<i32>} : memref<8192xf32, #tpu.memory_space<vmem>>, vector<16xf32>,
      %parallel_loop3A_2430 = tpu.bitcast %parallel_loop3A_2429 : vector<16xf32> -> vector<16xi32>
      %parallel_loop3A_2431 = arith.constant -2147483648 : i32
      %parallel_loop3A_2432 = vector.broadcast %parallel_loop3A_2431 : i32 to vector<16xi32>
      %parallel_loop3A_2433 = arith.cmpi uge, %parallel_loop3A_2430, %parallel_loop3A_2432 : vector<16xi32>
      %parallel_loop3A_2434 = arith.constant dense<-1> : vector<16xi32>
      %parallel_loop3A_2435 = arith.xori %parallel_loop3A_2430, %parallel_loop3A_2434 : vector<16xi32>
      %parallel_loop3A_2436 = arith.constant -2147483648 : i32
      %parallel_loop3A_2437 = vector.broadcast %parallel_loop3A_2436 : i32 to vector<16xi32>
      %parallel_loop3A_2438 = arith.ori %parallel_loop3A_2430, %parallel_loop3A_2437 : vector<16xi32>
      %parallel_loop3A_2439 = arith.select %parallel_loop3A_2433, %parallel_loop3A_2435, %parallel_loop3A_2438 : vector<16xi1>, vector<16xi32>
      %parallel_loop3A_2440 = arith.index_cast %parallel_loop3A_2425 : i32 to index
      %parallel_loop3A_2441 = tpu.vector_load %arg5[%parallel_loop3A_2440] {strides = array<i32>} : memref<8192xi32, #tpu.memory_space<vmem>>, vector<16xi32>,
      tpu.vector_store %arg5[%parallel_loop3A_2440], %parallel_loop3A_2439 {strides = array<i32>} : memref<8192xi32, #tpu.memory_space<vmem>>, vector<16xi32>,
      %parallel_loop3A_2442 = arith.constant 24 : i32
      %parallel_loop3A_2443 = vector.broadcast %parallel_loop3A_2442 : i32 to vector<16xi32>
      %parallel_loop3A_2444 = arith.shrui %parallel_loop3A_2439, %parallel_loop3A_2443 : vector<16xi32>
      tpu.vector_store_idx %arg6[%parallel_loop3A_2444], %broadcast_in_dim3A_7 {add = true} : memref<256xi32, #tpu.memory_space<vmem>>[vector<16xi32>], vector<16xi32>,
    } {sc.loop_unroll_factor = 8 : i64, sc.parallel_access}
    %broadcast_in_dim3A_43 = arith.constant 0 : i32
    %broadcast_in_dim3A_44 = vector.broadcast %broadcast_in_dim3A_43 : i32 to vector<16xi32>
    %broadcast_in_dim3A_45 = arith.constant 0 : i32
    %broadcast_in_dim3A_46 = vector.broadcast %broadcast_in_dim3A_45 : i32 to vector<16xi32>
    %broadcast_in_dim3A_47 = arith.constant 1073741824 : i32
    %broadcast_in_dim3A_48 = vector.broadcast %broadcast_in_dim3A_47 : i32 to vector<16xi32>
    %get3A = arith.constant 240 : index
    %get3A_49 = tpu.vector_load %arg6[%get3A] {strides = array<i32>} : memref<256xi32, #tpu.memory_space<vmem>>, vector<16xi32>,
    %rev3A = arith.constant 15 : i32
    %rev3A_50 = vector.broadcast %rev3A : i32 to vector<16xi32>
    %rev3A_51 = tpu.iota {dimensions = array<i32: 0>} : vector<16xi32>
    %rev3A_52 = arith.subi %rev3A_50, %rev3A_51 : vector<16xi32>
    %rev3A_53 = tpu.dynamic_gather %get3A_49[%rev3A_52] in [0] : vector<16xi32>, vector<16xi32> -> vector<16xi32>
    %broadcast_in_dim3A_54 = arith.constant true
    %broadcast_in_dim3A_55 = vector.broadcast %broadcast_in_dim3A_54 : i1 to vector<16xi1>
    %masked_cumsum3A = tpu.scan <sum>, %rev3A_53 masked %broadcast_in_dim3A_55 : vector<16xi32>, vector<16xi1> -> vector<16xi32>
    %add3A_56 = arith.constant 0 : i32
    %add3A_57 = vector.broadcast %add3A_56 : i32 to vector<16xi32>
    %add3A_58 = arith.addi %masked_cumsum3A, %add3A_57 : vector<16xi32>
    %ge3A = arith.constant 4096 : i32
    %ge3A_59 = vector.broadcast %ge3A : i32 to vector<16xi32>
    %ge3A_60 = arith.cmpi sge, %add3A_58, %ge3A_59 : vector<16xi32>
    %convert_element_type3A = arith.extui %ge3A_60 : vector<16xi1> to vector<16xi32>
    %add3A_61 = arith.addi %broadcast_in_dim3A_44, %convert_element_type3A : vector<16xi32>
    %jit3A = arith.constant 0 : i32
    %broadcast_in_dim3A_62 = vector.broadcast %jit3A : i32 to vector<16xi32>
    %select_n3A = arith.select %ge3A_60, %broadcast_in_dim3A_62, %add3A_58 : vector<16xi1>, vector<16xi32>
    %max3A = arith.maxsi %broadcast_in_dim3A_46, %select_n3A : vector<16xi32>
    %jit3A_63 = arith.constant 1073741824 : i32
    %broadcast_in_dim3A_64 = vector.broadcast %jit3A_63 : i32 to vector<16xi32>
    %select_n3A_65 = arith.select %ge3A_60, %add3A_58, %broadcast_in_dim3A_64 : vector<16xi1>, vector<16xi32>
    %min3A = arith.minsi %broadcast_in_dim3A_48, %select_n3A_65 : vector<16xi32>
    %reduce_max3A = arith.constant true
    %reduce_max3A_66 = vector.broadcast %reduce_max3A : i1 to vector<16xi1>
    %reduce_max3A_67 = arith.constant -2147483648 : i32
    %reduce_max3A_68 = vector.broadcast %reduce_max3A_67 : i32 to vector<16xi32>
    %reduce_max3A_69 = arith.xori %add3A_58, %reduce_max3A_68 : vector<16xi32>
    %reduce_max3A_70 = tpu.scan <max>, %reduce_max3A_69 masked %reduce_max3A_66 : vector<16xi32>, vector<16xi1> -> vector<16xi32>
    %reduce_max3A_71 = arith.xori %reduce_max3A_70, %reduce_max3A_68 : vector<16xi32>
    %reduce_max3A_72 = vector.extract %reduce_max3A_71[15] : i32 from vector<16xi32>
    %get3A_73 = arith.constant 224 : index
    %get3A_74 = tpu.vector_load %arg6[%get3A_73] {strides = array<i32>} : memref<256xi32, #tpu.memory_space<vmem>>, vector<16xi32>,
    %rev3A_75 = arith.constant 15 : i32
    %rev3A_76 = vector.broadcast %rev3A_75 : i32 to vector<16xi32>
    %rev3A_77 = tpu.iota {dimensions = array<i32: 0>} : vector<16xi32>
    %rev3A_78 = arith.subi %rev3A_76, %rev3A_77 : vector<16xi32>
    %rev3A_79 = tpu.dynamic_gather %get3A_74[%rev3A_78] in [0] : vector<16xi32>, vector<16xi32> -> vector<16xi32>
    %broadcast_in_dim3A_80 = arith.constant true
    %broadcast_in_dim3A_81 = vector.broadcast %broadcast_in_dim3A_80 : i1 to vector<16xi1>
    %masked_cumsum3A_82 = tpu.scan <sum>, %rev3A_79 masked %broadcast_in_dim3A_81 : vector<16xi32>, vector<16xi1> -> vector<16xi32>
    %add3A_83 = vector.broadcast %reduce_max3A_72 : i32 to vector<16xi32>
    %add3A_84 = arith.addi %masked_cumsum3A_82, %add3A_83 : vector<16xi32>
    %ge3A_85 = arith.constant 4096 : i32
    %ge3A_86 = vector.broadcast %ge3A_85 : i32 to vector<16xi32>
    %ge3A_87 = arith.cmpi sge, %add3A_84, %ge3A_86 : vector<16xi32>
    %convert_element_type3A_88 = arith.extui %ge3A_87 : vector<16xi1> to vector<16xi32>
    %add3A_89 = arith.addi %add3A_61, %convert_element_type3A_88 : vector<16xi32>
    %jit3A_90 = arith.constant 0 : i32
    %broadcast_in_dim3A_91 = vector.broadcast %jit3A_90 : i32 to vector<16xi32>
    %select_n3A_92 = arith.select %ge3A_87, %broadcast_in_dim3A_91, %add3A_84 : vector<16xi1>, vector<16xi32>
    %max3A_93 = arith.maxsi %max3A, %select_n3A_92 : vector<16xi32>
    %jit3A_94 = arith.constant 1073741824 : i32
    %broadcast_in_dim3A_95 = vector.broadcast %jit3A_94 : i32 to vector<16xi32>
    %select_n3A_96 = arith.select %ge3A_87, %add3A_84, %broadcast_in_dim3A_95 : vector<16xi1>, vector<16xi32>
    %min3A_97 = arith.minsi %min3A, %select_n3A_96 : vector<16xi32>
    %reduce_max3A_98 = arith.constant true
    %reduce_max3A_99 = vector.broadcast %reduce_max3A_98 : i1 to vector<16xi1>
    %reduce_max3A_100 = arith.constant -2147483648 : i32
    %reduce_max3A_101 = vector.broadcast %reduce_max3A_100 : i32 to vector<16xi32>
    %reduce_max3A_102 = arith.xori %add3A_84, %reduce_max3A_101 : vector<16xi32>
    %reduce_max3A_103 = tpu.scan <max>, %reduce_max3A_102 masked %reduce_max3A_99 : vector<16xi32>, vector<16xi1> -> vector<16xi32>
    %reduce_max3A_104 = arith.xori %reduce_max3A_103, %reduce_max3A_101 : vector<16xi32>
    %reduce_max3A_105 = vector.extract %reduce_max3A_104[15] : i32 from vector<16xi32>
    %get3A_106 = arith.constant 208 : index
    %get3A_107 = tpu.vector_load %arg6[%get3A_106] {strides = array<i32>} : memref<256xi32, #tpu.memory_space<vmem>>, vector<16xi32>,
    %rev3A_108 = arith.constant 15 : i32
    %rev3A_109 = vector.broadcast %rev3A_108 : i32 to vector<16xi32>
    %rev3A_110 = tpu.iota {dimensions = array<i32: 0>} : vector<16xi32>
    %rev3A_111 = arith.subi %rev3A_109, %rev3A_110 : vector<16xi32>
    %rev3A_112 = tpu.dynamic_gather %get3A_107[%rev3A_111] in [0] : vector<16xi32>, vector<16xi32> -> vector<16xi32>
    %broadcast_in_dim3A_113 = arith.constant true
    %broadcast_in_dim3A_114 = vector.broadcast %broadcast_in_dim3A_113 : i1 to vector<16xi1>
    %masked_cumsum3A_115 = tpu.scan <sum>, %rev3A_112 masked %broadcast_in_dim3A_114 : vector<16xi32>, vector<16xi1> -> vector<16xi32>
    %add3A_116 = vector.broadcast %reduce_max3A_105 : i32 to vector<16xi32>
    %add3A_117 = arith.addi %masked_cumsum3A_115, %add3A_116 : vector<16xi32>
    %ge3A_118 = arith.constant 4096 : i32
    %ge3A_119 = vector.broadcast %ge3A_118 : i32 to vector<16xi32>
    %ge3A_120 = arith.cmpi sge, %add3A_117, %ge3A_119 : vector<16xi32>
    %convert_element_type3A_121 = arith.extui %ge3A_120 : vector<16xi1> to vector<16xi32>
    %add3A_122 = arith.addi %add3A_89, %convert_element_type3A_121 : vector<16xi32>
    %jit3A_123 = arith.constant 0 : i32
    %broadcast_in_dim3A_124 = vector.broadcast %jit3A_123 : i32 to vector<16xi32>
    %select_n3A_125 = arith.select %ge3A_120, %broadcast_in_dim3A_124, %add3A_117 : vector<16xi1>, vector<16xi32>
    %max3A_126 = arith.maxsi %max3A_93, %select_n3A_125 : vector<16xi32>
    %jit3A_127 = arith.constant 1073741824 : i32
    %broadcast_in_dim3A_128 = vector.broadcast %jit3A_127 : i32 to vector<16xi32>
    %select_n3A_129 = arith.select %ge3A_120, %add3A_117, %broadcast_in_dim3A_128 : vector<16xi1>, vector<16xi32>
    %min3A_130 = arith.minsi %min3A_97, %select_n3A_129 : vector<16xi32>
    %reduce_max3A_131 = arith.constant true
    %reduce_max3A_132 = vector.broadcast %reduce_max3A_131 : i1 to vector<16xi1>
    %reduce_max3A_133 = arith.constant -2147483648 : i32
    %reduce_max3A_134 = vector.broadcast %reduce_max3A_133 : i32 to vector<16xi32>
    %reduce_max3A_135 = arith.xori %add3A_117, %reduce_max3A_134 : vector<16xi32>
    %reduce_max3A_136 = tpu.scan <max>, %reduce_max3A_135 masked %reduce_max3A_132 : vector<16xi32>, vector<16xi1> -> vector<16xi32>
    %reduce_max3A_137 = arith.xori %reduce_max3A_136, %reduce_max3A_134 : vector<16xi32>
    %reduce_max3A_138 = vector.extract %reduce_max3A_137[15] : i32 from vector<16xi32>
    %get3A_139 = arith.constant 192 : index
    %get3A_140 = tpu.vector_load %arg6[%get3A_139] {strides = array<i32>} : memref<256xi32, #tpu.memory_space<vmem>>, vector<16xi32>,
    %rev3A_141 = arith.constant 15 : i32
    %rev3A_142 = vector.broadcast %rev3A_141 : i32 to vector<16xi32>
    %rev3A_143 = tpu.iota {dimensions = array<i32: 0>} : vector<16xi32>
    %rev3A_144 = arith.subi %rev3A_142, %rev3A_143 : vector<16xi32>
    %rev3A_145 = tpu.dynamic_gather %get3A_140[%rev3A_144] in [0] : vector<16xi32>, vector<16xi32> -> vector<16xi32>
    %broadcast_in_dim3A_146 = arith.constant true
    %broadcast_in_dim3A_147 = vector.broadcast %broadcast_in_dim3A_146 : i1 to vector<16xi1>
    %masked_cumsum3A_148 = tpu.scan <sum>, %rev3A_145 masked %broadcast_in_dim3A_147 : vector<16xi32>, vector<16xi1> -> vector<16xi32>
    %add3A_149 = vector.broadcast %reduce_max3A_138 : i32 to vector<16xi32>
    %add3A_150 = arith.addi %masked_cumsum3A_148, %add3A_149 : vector<16xi32>
    %ge3A_151 = arith.constant 4096 : i32
    %ge3A_152 = vector.broadcast %ge3A_151 : i32 to vector<16xi32>
    %ge3A_153 = arith.cmpi sge, %add3A_150, %ge3A_152 : vector<16xi32>
    %convert_element_type3A_154 = arith.extui %ge3A_153 : vector<16xi1> to vector<16xi32>
    %add3A_155 = arith.addi %add3A_122, %convert_element_type3A_154 : vector<16xi32>
    %jit3A_156 = arith.constant 0 : i32
    %broadcast_in_dim3A_157 = vector.broadcast %jit3A_156 : i32 to vector<16xi32>
    %select_n3A_158 = arith.select %ge3A_153, %broadcast_in_dim3A_157, %add3A_150 : vector<16xi1>, vector<16xi32>
    %max3A_159 = arith.maxsi %max3A_126, %select_n3A_158 : vector<16xi32>
    %jit3A_160 = arith.constant 1073741824 : i32
    %broadcast_in_dim3A_161 = vector.broadcast %jit3A_160 : i32 to vector<16xi32>
    %select_n3A_162 = arith.select %ge3A_153, %add3A_150, %broadcast_in_dim3A_161 : vector<16xi1>, vector<16xi32>
    %min3A_163 = arith.minsi %min3A_130, %select_n3A_162 : vector<16xi32>
    %reduce_max3A_164 = arith.constant true
    %reduce_max3A_165 = vector.broadcast %reduce_max3A_164 : i1 to vector<16xi1>
    %reduce_max3A_166 = arith.constant -2147483648 : i32
    %reduce_max3A_167 = vector.broadcast %reduce_max3A_166 : i32 to vector<16xi32>
    %reduce_max3A_168 = arith.xori %add3A_150, %reduce_max3A_167 : vector<16xi32>
    %reduce_max3A_169 = tpu.scan <max>, %reduce_max3A_168 masked %reduce_max3A_165 : vector<16xi32>, vector<16xi1> -> vector<16xi32>
    %reduce_max3A_170 = arith.xori %reduce_max3A_169, %reduce_max3A_167 : vector<16xi32>
    %reduce_max3A_171 = vector.extract %reduce_max3A_170[15] : i32 from vector<16xi32>
    %get3A_172 = arith.constant 176 : index
    %get3A_173 = tpu.vector_load %arg6[%get3A_172] {strides = array<i32>} : memref<256xi32, #tpu.memory_space<vmem>>, vector<16xi32>,
    %rev3A_174 = arith.constant 15 : i32
    %rev3A_175 = vector.broadcast %rev3A_174 : i32 to vector<16xi32>
    %rev3A_176 = tpu.iota {dimensions = array<i32: 0>} : vector<16xi32>
    %rev3A_177 = arith.subi %rev3A_175, %rev3A_176 : vector<16xi32>
    %rev3A_178 = tpu.dynamic_gather %get3A_173[%rev3A_177] in [0] : vector<16xi32>, vector<16xi32> -> vector<16xi32>
    %broadcast_in_dim3A_179 = arith.constant true
    %broadcast_in_dim3A_180 = vector.broadcast %broadcast_in_dim3A_179 : i1 to vector<16xi1>
    %masked_cumsum3A_181 = tpu.scan <sum>, %rev3A_178 masked %broadcast_in_dim3A_180 : vector<16xi32>, vector<16xi1> -> vector<16xi32>
    %add3A_182 = vector.broadcast %reduce_max3A_171 : i32 to vector<16xi32>
    %add3A_183 = arith.addi %masked_cumsum3A_181, %add3A_182 : vector<16xi32>
    %ge3A_184 = arith.constant 4096 : i32
    %ge3A_185 = vector.broadcast %ge3A_184 : i32 to vector<16xi32>
    %ge3A_186 = arith.cmpi sge, %add3A_183, %ge3A_185 : vector<16xi32>
    %convert_element_type3A_187 = arith.extui %ge3A_186 : vector<16xi1> to vector<16xi32>
    %add3A_188 = arith.addi %add3A_155, %convert_element_type3A_187 : vector<16xi32>
    %jit3A_189 = arith.constant 0 : i32
    %broadcast_in_dim3A_190 = vector.broadcast %jit3A_189 : i32 to vector<16xi32>
    %select_n3A_191 = arith.select %ge3A_186, %broadcast_in_dim3A_190, %add3A_183 : vector<16xi1>, vector<16xi32>
    %max3A_192 = arith.maxsi %max3A_159, %select_n3A_191 : vector<16xi32>
    %jit3A_193 = arith.constant 1073741824 : i32
    %broadcast_in_dim3A_194 = vector.broadcast %jit3A_193 : i32 to vector<16xi32>
    %select_n3A_195 = arith.select %ge3A_186, %add3A_183, %broadcast_in_dim3A_194 : vector<16xi1>, vector<16xi32>
    %min3A_196 = arith.minsi %min3A_163, %select_n3A_195 : vector<16xi32>
    %reduce_max3A_197 = arith.constant true
    %reduce_max3A_198 = vector.broadcast %reduce_max3A_197 : i1 to vector<16xi1>
    %reduce_max3A_199 = arith.constant -2147483648 : i32
    %reduce_max3A_200 = vector.broadcast %reduce_max3A_199 : i32 to vector<16xi32>
    %reduce_max3A_201 = arith.xori %add3A_183, %reduce_max3A_200 : vector<16xi32>
    %reduce_max3A_202 = tpu.scan <max>, %reduce_max3A_201 masked %reduce_max3A_198 : vector<16xi32>, vector<16xi1> -> vector<16xi32>
    %reduce_max3A_203 = arith.xori %reduce_max3A_202, %reduce_max3A_200 : vector<16xi32>
    %reduce_max3A_204 = vector.extract %reduce_max3A_203[15] : i32 from vector<16xi32>
    %get3A_205 = arith.constant 160 : index
    %get3A_206 = tpu.vector_load %arg6[%get3A_205] {strides = array<i32>} : memref<256xi32, #tpu.memory_space<vmem>>, vector<16xi32>,
    %rev3A_207 = arith.constant 15 : i32
    %rev3A_208 = vector.broadcast %rev3A_207 : i32 to vector<16xi32>
    %rev3A_209 = tpu.iota {dimensions = array<i32: 0>} : vector<16xi32>
    %rev3A_210 = arith.subi %rev3A_208, %rev3A_209 : vector<16xi32>
    %rev3A_211 = tpu.dynamic_gather %get3A_206[%rev3A_210] in [0] : vector<16xi32>, vector<16xi32> -> vector<16xi32>
    %broadcast_in_dim3A_212 = arith.constant true
    %broadcast_in_dim3A_213 = vector.broadcast %broadcast_in_dim3A_212 : i1 to vector<16xi1>
    %masked_cumsum3A_214 = tpu.scan <sum>, %rev3A_211 masked %broadcast_in_dim3A_213 : vector<16xi32>, vector<16xi1> -> vector<16xi32>
    %add3A_215 = vector.broadcast %reduce_max3A_204 : i32 to vector<16xi32>
    %add3A_216 = arith.addi %masked_cumsum3A_214, %add3A_215 : vector<16xi32>
    %ge3A_217 = arith.constant 4096 : i32
    %ge3A_218 = vector.broadcast %ge3A_217 : i32 to vector<16xi32>
    %ge3A_219 = arith.cmpi sge, %add3A_216, %ge3A_218 : vector<16xi32>
    %convert_element_type3A_220 = arith.extui %ge3A_219 : vector<16xi1> to vector<16xi32>
    %add3A_221 = arith.addi %add3A_188, %convert_element_type3A_220 : vector<16xi32>
    %jit3A_222 = arith.constant 0 : i32
    %broadcast_in_dim3A_223 = vector.broadcast %jit3A_222 : i32 to vector<16xi32>
    %select_n3A_224 = arith.select %ge3A_219, %broadcast_in_dim3A_223, %add3A_216 : vector<16xi1>, vector<16xi32>
    %max3A_225 = arith.maxsi %max3A_192, %select_n3A_224 : vector<16xi32>
    %jit3A_226 = arith.constant 1073741824 : i32
    %broadcast_in_dim3A_227 = vector.broadcast %jit3A_226 : i32 to vector<16xi32>
    %select_n3A_228 = arith.select %ge3A_219, %add3A_216, %broadcast_in_dim3A_227 : vector<16xi1>, vector<16xi32>
    %min3A_229 = arith.minsi %min3A_196, %select_n3A_228 : vector<16xi32>
    %reduce_max3A_230 = arith.constant true
    %reduce_max3A_231 = vector.broadcast %reduce_max3A_230 : i1 to vector<16xi1>
    %reduce_max3A_232 = arith.constant -2147483648 : i32
    %reduce_max3A_233 = vector.broadcast %reduce_max3A_232 : i32 to vector<16xi32>
    %reduce_max3A_234 = arith.xori %add3A_216, %reduce_max3A_233 : vector<16xi32>
    %reduce_max3A_235 = tpu.scan <max>, %reduce_max3A_234 masked %reduce_max3A_231 : vector<16xi32>, vector<16xi1> -> vector<16xi32>
    %reduce_max3A_236 = arith.xori %reduce_max3A_235, %reduce_max3A_233 : vector<16xi32>
    %reduce_max3A_237 = vector.extract %reduce_max3A_236[15] : i32 from vector<16xi32>
    %get3A_238 = arith.constant 144 : index
    %get3A_239 = tpu.vector_load %arg6[%get3A_238] {strides = array<i32>} : memref<256xi32, #tpu.memory_space<vmem>>, vector<16xi32>,
    %rev3A_240 = arith.constant 15 : i32
    %rev3A_241 = vector.broadcast %rev3A_240 : i32 to vector<16xi32>
    %rev3A_242 = tpu.iota {dimensions = array<i32: 0>} : vector<16xi32>
    %rev3A_243 = arith.subi %rev3A_241, %rev3A_242 : vector<16xi32>
    %rev3A_244 = tpu.dynamic_gather %get3A_239[%rev3A_243] in [0] : vector<16xi32>, vector<16xi32> -> vector<16xi32>
    %broadcast_in_dim3A_245 = arith.constant true
    %broadcast_in_dim3A_246 = vector.broadcast %broadcast_in_dim3A_245 : i1 to vector<16xi1>
    %masked_cumsum3A_247 = tpu.scan <sum>, %rev3A_244 masked %broadcast_in_dim3A_246 : vector<16xi32>, vector<16xi1> -> vector<16xi32>
    %add3A_248 = vector.broadcast %reduce_max3A_237 : i32 to vector<16xi32>
    %add3A_249 = arith.addi %masked_cumsum3A_247, %add3A_248 : vector<16xi32>
    %ge3A_250 = arith.constant 4096 : i32
    %ge3A_251 = vector.broadcast %ge3A_250 : i32 to vector<16xi32>
    %ge3A_252 = arith.cmpi sge, %add3A_249, %ge3A_251 : vector<16xi32>
    %convert_element_type3A_253 = arith.extui %ge3A_252 : vector<16xi1> to vector<16xi32>
    %add3A_254 = arith.addi %add3A_221, %convert_element_type3A_253 : vector<16xi32>
    %jit3A_255 = arith.constant 0 : i32
    %broadcast_in_dim3A_256 = vector.broadcast %jit3A_255 : i32 to vector<16xi32>
    %select_n3A_257 = arith.select %ge3A_252, %broadcast_in_dim3A_256, %add3A_249 : vector<16xi1>, vector<16xi32>
    %max3A_258 = arith.maxsi %max3A_225, %select_n3A_257 : vector<16xi32>
    %jit3A_259 = arith.constant 1073741824 : i32
    %broadcast_in_dim3A_260 = vector.broadcast %jit3A_259 : i32 to vector<16xi32>
    %select_n3A_261 = arith.select %ge3A_252, %add3A_249, %broadcast_in_dim3A_260 : vector<16xi1>, vector<16xi32>
    %min3A_262 = arith.minsi %min3A_229, %select_n3A_261 : vector<16xi32>
    %reduce_max3A_263 = arith.constant true
    %reduce_max3A_264 = vector.broadcast %reduce_max3A_263 : i1 to vector<16xi1>
    %reduce_max3A_265 = arith.constant -2147483648 : i32
    %reduce_max3A_266 = vector.broadcast %reduce_max3A_265 : i32 to vector<16xi32>
    %reduce_max3A_267 = arith.xori %add3A_249, %reduce_max3A_266 : vector<16xi32>
    %reduce_max3A_268 = tpu.scan <max>, %reduce_max3A_267 masked %reduce_max3A_264 : vector<16xi32>, vector<16xi1> -> vector<16xi32>
    %reduce_max3A_269 = arith.xori %reduce_max3A_268, %reduce_max3A_266 : vector<16xi32>
    %reduce_max3A_270 = vector.extract %reduce_max3A_269[15] : i32 from vector<16xi32>
    %get3A_271 = arith.constant 128 : index
    %get3A_272 = tpu.vector_load %arg6[%get3A_271] {strides = array<i32>} : memref<256xi32, #tpu.memory_space<vmem>>, vector<16xi32>,
    %rev3A_273 = arith.constant 15 : i32
    %rev3A_274 = vector.broadcast %rev3A_273 : i32 to vector<16xi32>
    %rev3A_275 = tpu.iota {dimensions = array<i32: 0>} : vector<16xi32>
    %rev3A_276 = arith.subi %rev3A_274, %rev3A_275 : vector<16xi32>
    %rev3A_277 = tpu.dynamic_gather %get3A_272[%rev3A_276] in [0] : vector<16xi32>, vector<16xi32> -> vector<16xi32>
    %broadcast_in_dim3A_278 = arith.constant true
    %broadcast_in_dim3A_279 = vector.broadcast %broadcast_in_dim3A_278 : i1 to vector<16xi1>
    %masked_cumsum3A_280 = tpu.scan <sum>, %rev3A_277 masked %broadcast_in_dim3A_279 : vector<16xi32>, vector<16xi1> -> vector<16xi32>
    %add3A_281 = vector.broadcast %reduce_max3A_270 : i32 to vector<16xi32>
    %add3A_282 = arith.addi %masked_cumsum3A_280, %add3A_281 : vector<16xi32>
    %ge3A_283 = arith.constant 4096 : i32
    %ge3A_284 = vector.broadcast %ge3A_283 : i32 to vector<16xi32>
    %ge3A_285 = arith.cmpi sge, %add3A_282, %ge3A_284 : vector<16xi32>
    %convert_element_type3A_286 = arith.extui %ge3A_285 : vector<16xi1> to vector<16xi32>
    %add3A_287 = arith.addi %add3A_254, %convert_element_type3A_286 : vector<16xi32>
    %jit3A_288 = arith.constant 0 : i32
    %broadcast_in_dim3A_289 = vector.broadcast %jit3A_288 : i32 to vector<16xi32>
    %select_n3A_290 = arith.select %ge3A_285, %broadcast_in_dim3A_289, %add3A_282 : vector<16xi1>, vector<16xi32>
    %max3A_291 = arith.maxsi %max3A_258, %select_n3A_290 : vector<16xi32>
    %jit3A_292 = arith.constant 1073741824 : i32
    %broadcast_in_dim3A_293 = vector.broadcast %jit3A_292 : i32 to vector<16xi32>
    %select_n3A_294 = arith.select %ge3A_285, %add3A_282, %broadcast_in_dim3A_293 : vector<16xi1>, vector<16xi32>
    %min3A_295 = arith.minsi %min3A_262, %select_n3A_294 : vector<16xi32>
    %reduce_max3A_296 = arith.constant true
    %reduce_max3A_297 = vector.broadcast %reduce_max3A_296 : i1 to vector<16xi1>
    %reduce_max3A_298 = arith.constant -2147483648 : i32
    %reduce_max3A_299 = vector.broadcast %reduce_max3A_298 : i32 to vector<16xi32>
    %reduce_max3A_300 = arith.xori %add3A_282, %reduce_max3A_299 : vector<16xi32>
    %reduce_max3A_301 = tpu.scan <max>, %reduce_max3A_300 masked %reduce_max3A_297 : vector<16xi32>, vector<16xi1> -> vector<16xi32>
    %reduce_max3A_302 = arith.xori %reduce_max3A_301, %reduce_max3A_299 : vector<16xi32>
    %reduce_max3A_303 = vector.extract %reduce_max3A_302[15] : i32 from vector<16xi32>
    %get3A_304 = arith.constant 112 : index
    %get3A_305 = tpu.vector_load %arg6[%get3A_304] {strides = array<i32>} : memref<256xi32, #tpu.memory_space<vmem>>, vector<16xi32>,
    %rev3A_306 = arith.constant 15 : i32
    %rev3A_307 = vector.broadcast %rev3A_306 : i32 to vector<16xi32>
    %rev3A_308 = tpu.iota {dimensions = array<i32: 0>} : vector<16xi32>
    %rev3A_309 = arith.subi %rev3A_307, %rev3A_308 : vector<16xi32>
    %rev3A_310 = tpu.dynamic_gather %get3A_305[%rev3A_309] in [0] : vector<16xi32>, vector<16xi32> -> vector<16xi32>
    %broadcast_in_dim3A_311 = arith.constant true
    %broadcast_in_dim3A_312 = vector.broadcast %broadcast_in_dim3A_311 : i1 to vector<16xi1>
    %masked_cumsum3A_313 = tpu.scan <sum>, %rev3A_310 masked %broadcast_in_dim3A_312 : vector<16xi32>, vector<16xi1> -> vector<16xi32>
    %add3A_314 = vector.broadcast %reduce_max3A_303 : i32 to vector<16xi32>
    %add3A_315 = arith.addi %masked_cumsum3A_313, %add3A_314 : vector<16xi32>
    %ge3A_316 = arith.constant 4096 : i32
    %ge3A_317 = vector.broadcast %ge3A_316 : i32 to vector<16xi32>
    %ge3A_318 = arith.cmpi sge, %add3A_315, %ge3A_317 : vector<16xi32>
    %convert_element_type3A_319 = arith.extui %ge3A_318 : vector<16xi1> to vector<16xi32>
    %add3A_320 = arith.addi %add3A_287, %convert_element_type3A_319 : vector<16xi32>
    %jit3A_321 = arith.constant 0 : i32
    %broadcast_in_dim3A_322 = vector.broadcast %jit3A_321 : i32 to vector<16xi32>
    %select_n3A_323 = arith.select %ge3A_318, %broadcast_in_dim3A_322, %add3A_315 : vector<16xi1>, vector<16xi32>
    %max3A_324 = arith.maxsi %max3A_291, %select_n3A_323 : vector<16xi32>
    %jit3A_325 = arith.constant 1073741824 : i32
    %broadcast_in_dim3A_326 = vector.broadcast %jit3A_325 : i32 to vector<16xi32>
    %select_n3A_327 = arith.select %ge3A_318, %add3A_315, %broadcast_in_dim3A_326 : vector<16xi1>, vector<16xi32>
    %min3A_328 = arith.minsi %min3A_295, %select_n3A_327 : vector<16xi32>
    %reduce_max3A_329 = arith.constant true
    %reduce_max3A_330 = vector.broadcast %reduce_max3A_329 : i1 to vector<16xi1>
    %reduce_max3A_331 = arith.constant -2147483648 : i32
    %reduce_max3A_332 = vector.broadcast %reduce_max3A_331 : i32 to vector<16xi32>
    %reduce_max3A_333 = arith.xori %add3A_315, %reduce_max3A_332 : vector<16xi32>
    %reduce_max3A_334 = tpu.scan <max>, %reduce_max3A_333 masked %reduce_max3A_330 : vector<16xi32>, vector<16xi1> -> vector<16xi32>
    %reduce_max3A_335 = arith.xori %reduce_max3A_334, %reduce_max3A_332 : vector<16xi32>
    %reduce_max3A_336 = vector.extract %reduce_max3A_335[15] : i32 from vector<16xi32>
    %get3A_337 = arith.constant 96 : index
    %get3A_338 = tpu.vector_load %arg6[%get3A_337] {strides = array<i32>} : memref<256xi32, #tpu.memory_space<vmem>>, vector<16xi32>,
    %rev3A_339 = arith.constant 15 : i32
    %rev3A_340 = vector.broadcast %rev3A_339 : i32 to vector<16xi32>
    %rev3A_341 = tpu.iota {dimensions = array<i32: 0>} : vector<16xi32>
    %rev3A_342 = arith.subi %rev3A_340, %rev3A_341 : vector<16xi32>
    %rev3A_343 = tpu.dynamic_gather %get3A_338[%rev3A_342] in [0] : vector<16xi32>, vector<16xi32> -> vector<16xi32>
    %broadcast_in_dim3A_344 = arith.constant true
    %broadcast_in_dim3A_345 = vector.broadcast %broadcast_in_dim3A_344 : i1 to vector<16xi1>
    %masked_cumsum3A_346 = tpu.scan <sum>, %rev3A_343 masked %broadcast_in_dim3A_345 : vector<16xi32>, vector<16xi1> -> vector<16xi32>
    %add3A_347 = vector.broadcast %reduce_max3A_336 : i32 to vector<16xi32>
    %add3A_348 = arith.addi %masked_cumsum3A_346, %add3A_347 : vector<16xi32>
    %ge3A_349 = arith.constant 4096 : i32
    %ge3A_350 = vector.broadcast %ge3A_349 : i32 to vector<16xi32>
    %ge3A_351 = arith.cmpi sge, %add3A_348, %ge3A_350 : vector<16xi32>
    %convert_element_type3A_352 = arith.extui %ge3A_351 : vector<16xi1> to vector<16xi32>
    %add3A_353 = arith.addi %add3A_320, %convert_element_type3A_352 : vector<16xi32>
    %jit3A_354 = arith.constant 0 : i32
    %broadcast_in_dim3A_355 = vector.broadcast %jit3A_354 : i32 to vector<16xi32>
    %select_n3A_356 = arith.select %ge3A_351, %broadcast_in_dim3A_355, %add3A_348 : vector<16xi1>, vector<16xi32>
    %max3A_357 = arith.maxsi %max3A_324, %select_n3A_356 : vector<16xi32>
    %jit3A_358 = arith.constant 1073741824 : i32
    %broadcast_in_dim3A_359 = vector.broadcast %jit3A_358 : i32 to vector<16xi32>
    %select_n3A_360 = arith.select %ge3A_351, %add3A_348, %broadcast_in_dim3A_359 : vector<16xi1>, vector<16xi32>
    %min3A_361 = arith.minsi %min3A_328, %select_n3A_360 : vector<16xi32>
    %reduce_max3A_362 = arith.constant true
    %reduce_max3A_363 = vector.broadcast %reduce_max3A_362 : i1 to vector<16xi1>
    %reduce_max3A_364 = arith.constant -2147483648 : i32
    %reduce_max3A_365 = vector.broadcast %reduce_max3A_364 : i32 to vector<16xi32>
    %reduce_max3A_366 = arith.xori %add3A_348, %reduce_max3A_365 : vector<16xi32>
    %reduce_max3A_367 = tpu.scan <max>, %reduce_max3A_366 masked %reduce_max3A_363 : vector<16xi32>, vector<16xi1> -> vector<16xi32>
    %reduce_max3A_368 = arith.xori %reduce_max3A_367, %reduce_max3A_365 : vector<16xi32>
    %reduce_max3A_369 = vector.extract %reduce_max3A_368[15] : i32 from vector<16xi32>
    %get3A_370 = arith.constant 80 : index
    %get3A_371 = tpu.vector_load %arg6[%get3A_370] {strides = array<i32>} : memref<256xi32, #tpu.memory_space<vmem>>, vector<16xi32>,
    %rev3A_372 = arith.constant 15 : i32
    %rev3A_373 = vector.broadcast %rev3A_372 : i32 to vector<16xi32>
    %rev3A_374 = tpu.iota {dimensions = array<i32: 0>} : vector<16xi32>
    %rev3A_375 = arith.subi %rev3A_373, %rev3A_374 : vector<16xi32>
    %rev3A_376 = tpu.dynamic_gather %get3A_371[%rev3A_375] in [0] : vector<16xi32>, vector<16xi32> -> vector<16xi32>
    %broadcast_in_dim3A_377 = arith.constant true
    %broadcast_in_dim3A_378 = vector.broadcast %broadcast_in_dim3A_377 : i1 to vector<16xi1>
    %masked_cumsum3A_379 = tpu.scan <sum>, %rev3A_376 masked %broadcast_in_dim3A_378 : vector<16xi32>, vector<16xi1> -> vector<16xi32>
    %add3A_380 = vector.broadcast %reduce_max3A_369 : i32 to vector<16xi32>
    %add3A_381 = arith.addi %masked_cumsum3A_379, %add3A_380 : vector<16xi32>
    %ge3A_382 = arith.constant 4096 : i32
    %ge3A_383 = vector.broadcast %ge3A_382 : i32 to vector<16xi32>
    %ge3A_384 = arith.cmpi sge, %add3A_381, %ge3A_383 : vector<16xi32>
    %convert_element_type3A_385 = arith.extui %ge3A_384 : vector<16xi1> to vector<16xi32>
    %add3A_386 = arith.addi %add3A_353, %convert_element_type3A_385 : vector<16xi32>
    %jit3A_387 = arith.constant 0 : i32
    %broadcast_in_dim3A_388 = vector.broadcast %jit3A_387 : i32 to vector<16xi32>
    %select_n3A_389 = arith.select %ge3A_384, %broadcast_in_dim3A_388, %add3A_381 : vector<16xi1>, vector<16xi32>
    %max3A_390 = arith.maxsi %max3A_357, %select_n3A_389 : vector<16xi32>
    %jit3A_391 = arith.constant 1073741824 : i32
    %broadcast_in_dim3A_392 = vector.broadcast %jit3A_391 : i32 to vector<16xi32>
    %select_n3A_393 = arith.select %ge3A_384, %add3A_381, %broadcast_in_dim3A_392 : vector<16xi1>, vector<16xi32>
    %min3A_394 = arith.minsi %min3A_361, %select_n3A_393 : vector<16xi32>
    %reduce_max3A_395 = arith.constant true
    %reduce_max3A_396 = vector.broadcast %reduce_max3A_395 : i1 to vector<16xi1>
    %reduce_max3A_397 = arith.constant -2147483648 : i32
    %reduce_max3A_398 = vector.broadcast %reduce_max3A_397 : i32 to vector<16xi32>
    %reduce_max3A_399 = arith.xori %add3A_381, %reduce_max3A_398 : vector<16xi32>
    %reduce_max3A_400 = tpu.scan <max>, %reduce_max3A_399 masked %reduce_max3A_396 : vector<16xi32>, vector<16xi1> -> vector<16xi32>
    %reduce_max3A_401 = arith.xori %reduce_max3A_400, %reduce_max3A_398 : vector<16xi32>
    %reduce_max3A_402 = vector.extract %reduce_max3A_401[15] : i32 from vector<16xi32>
    %get3A_403 = arith.constant 64 : index
    %get3A_404 = tpu.vector_load %arg6[%get3A_403] {strides = array<i32>} : memref<256xi32, #tpu.memory_space<vmem>>, vector<16xi32>,
    %rev3A_405 = arith.constant 15 : i32
    %rev3A_406 = vector.broadcast %rev3A_405 : i32 to vector<16xi32>
    %rev3A_407 = tpu.iota {dimensions = array<i32: 0>} : vector<16xi32>
    %rev3A_408 = arith.subi %rev3A_406, %rev3A_407 : vector<16xi32>
    %rev3A_409 = tpu.dynamic_gather %get3A_404[%rev3A_408] in [0] : vector<16xi32>, vector<16xi32> -> vector<16xi32>
    %broadcast_in_dim3A_410 = arith.constant true
    %broadcast_in_dim3A_411 = vector.broadcast %broadcast_in_dim3A_410 : i1 to vector<16xi1>
    %masked_cumsum3A_412 = tpu.scan <sum>, %rev3A_409 masked %broadcast_in_dim3A_411 : vector<16xi32>, vector<16xi1> -> vector<16xi32>
    %add3A_413 = vector.broadcast %reduce_max3A_402 : i32 to vector<16xi32>
    %add3A_414 = arith.addi %masked_cumsum3A_412, %add3A_413 : vector<16xi32>
    %ge3A_415 = arith.constant 4096 : i32
    %ge3A_416 = vector.broadcast %ge3A_415 : i32 to vector<16xi32>
    %ge3A_417 = arith.cmpi sge, %add3A_414, %ge3A_416 : vector<16xi32>
    %convert_element_type3A_418 = arith.extui %ge3A_417 : vector<16xi1> to vector<16xi32>
    %add3A_419 = arith.addi %add3A_386, %convert_element_type3A_418 : vector<16xi32>
    %jit3A_420 = arith.constant 0 : i32
    %broadcast_in_dim3A_421 = vector.broadcast %jit3A_420 : i32 to vector<16xi32>
    %select_n3A_422 = arith.select %ge3A_417, %broadcast_in_dim3A_421, %add3A_414 : vector<16xi1>, vector<16xi32>
    %max3A_423 = arith.maxsi %max3A_390, %select_n3A_422 : vector<16xi32>
    %jit3A_424 = arith.constant 1073741824 : i32
    %broadcast_in_dim3A_425 = vector.broadcast %jit3A_424 : i32 to vector<16xi32>
    %select_n3A_426 = arith.select %ge3A_417, %add3A_414, %broadcast_in_dim3A_425 : vector<16xi1>, vector<16xi32>
    %min3A_427 = arith.minsi %min3A_394, %select_n3A_426 : vector<16xi32>
    %reduce_max3A_428 = arith.constant true
    %reduce_max3A_429 = vector.broadcast %reduce_max3A_428 : i1 to vector<16xi1>
    %reduce_max3A_430 = arith.constant -2147483648 : i32
    %reduce_max3A_431 = vector.broadcast %reduce_max3A_430 : i32 to vector<16xi32>
    %reduce_max3A_432 = arith.xori %add3A_414, %reduce_max3A_431 : vector<16xi32>
    %reduce_max3A_433 = tpu.scan <max>, %reduce_max3A_432 masked %reduce_max3A_429 : vector<16xi32>, vector<16xi1> -> vector<16xi32>
    %reduce_max3A_434 = arith.xori %reduce_max3A_433, %reduce_max3A_431 : vector<16xi32>
    %reduce_max3A_435 = vector.extract %reduce_max3A_434[15] : i32 from vector<16xi32>
    %get3A_436 = arith.constant 48 : index
    %get3A_437 = tpu.vector_load %arg6[%get3A_436] {strides = array<i32>} : memref<256xi32, #tpu.memory_space<vmem>>, vector<16xi32>,
    %rev3A_438 = arith.constant 15 : i32
    %rev3A_439 = vector.broadcast %rev3A_438 : i32 to vector<16xi32>
    %rev3A_440 = tpu.iota {dimensions = array<i32: 0>} : vector<16xi32>
    %rev3A_441 = arith.subi %rev3A_439, %rev3A_440 : vector<16xi32>
    %rev3A_442 = tpu.dynamic_gather %get3A_437[%rev3A_441] in [0] : vector<16xi32>, vector<16xi32> -> vector<16xi32>
    %broadcast_in_dim3A_443 = arith.constant true
    %broadcast_in_dim3A_444 = vector.broadcast %broadcast_in_dim3A_443 : i1 to vector<16xi1>
    %masked_cumsum3A_445 = tpu.scan <sum>, %rev3A_442 masked %broadcast_in_dim3A_444 : vector<16xi32>, vector<16xi1> -> vector<16xi32>
    %add3A_446 = vector.broadcast %reduce_max3A_435 : i32 to vector<16xi32>
    %add3A_447 = arith.addi %masked_cumsum3A_445, %add3A_446 : vector<16xi32>
    %ge3A_448 = arith.constant 4096 : i32
    %ge3A_449 = vector.broadcast %ge3A_448 : i32 to vector<16xi32>
    %ge3A_450 = arith.cmpi sge, %add3A_447, %ge3A_449 : vector<16xi32>
    %convert_element_type3A_451 = arith.extui %ge3A_450 : vector<16xi1> to vector<16xi32>
    %add3A_452 = arith.addi %add3A_419, %convert_element_type3A_451 : vector<16xi32>
    %jit3A_453 = arith.constant 0 : i32
    %broadcast_in_dim3A_454 = vector.broadcast %jit3A_453 : i32 to vector<16xi32>
    %select_n3A_455 = arith.select %ge3A_450, %broadcast_in_dim3A_454, %add3A_447 : vector<16xi1>, vector<16xi32>
    %max3A_456 = arith.maxsi %max3A_423, %select_n3A_455 : vector<16xi32>
    %jit3A_457 = arith.constant 1073741824 : i32
    %broadcast_in_dim3A_458 = vector.broadcast %jit3A_457 : i32 to vector<16xi32>
    %select_n3A_459 = arith.select %ge3A_450, %add3A_447, %broadcast_in_dim3A_458 : vector<16xi1>, vector<16xi32>
    %min3A_460 = arith.minsi %min3A_427, %select_n3A_459 : vector<16xi32>
    %reduce_max3A_461 = arith.constant true
    %reduce_max3A_462 = vector.broadcast %reduce_max3A_461 : i1 to vector<16xi1>
    %reduce_max3A_463 = arith.constant -2147483648 : i32
    %reduce_max3A_464 = vector.broadcast %reduce_max3A_463 : i32 to vector<16xi32>
    %reduce_max3A_465 = arith.xori %add3A_447, %reduce_max3A_464 : vector<16xi32>
    %reduce_max3A_466 = tpu.scan <max>, %reduce_max3A_465 masked %reduce_max3A_462 : vector<16xi32>, vector<16xi1> -> vector<16xi32>
    %reduce_max3A_467 = arith.xori %reduce_max3A_466, %reduce_max3A_464 : vector<16xi32>
    %reduce_max3A_468 = vector.extract %reduce_max3A_467[15] : i32 from vector<16xi32>
    %get3A_469 = arith.constant 32 : index
    %get3A_470 = tpu.vector_load %arg6[%get3A_469] {strides = array<i32>} : memref<256xi32, #tpu.memory_space<vmem>>, vector<16xi32>,
    %rev3A_471 = arith.constant 15 : i32
    %rev3A_472 = vector.broadcast %rev3A_471 : i32 to vector<16xi32>
    %rev3A_473 = tpu.iota {dimensions = array<i32: 0>} : vector<16xi32>
    %rev3A_474 = arith.subi %rev3A_472, %rev3A_473 : vector<16xi32>
    %rev3A_475 = tpu.dynamic_gather %get3A_470[%rev3A_474] in [0] : vector<16xi32>, vector<16xi32> -> vector<16xi32>
    %broadcast_in_dim3A_476 = arith.constant true
    %broadcast_in_dim3A_477 = vector.broadcast %broadcast_in_dim3A_476 : i1 to vector<16xi1>
    %masked_cumsum3A_478 = tpu.scan <sum>, %rev3A_475 masked %broadcast_in_dim3A_477 : vector<16xi32>, vector<16xi1> -> vector<16xi32>
    %add3A_479 = vector.broadcast %reduce_max3A_468 : i32 to vector<16xi32>
    %add3A_480 = arith.addi %masked_cumsum3A_478, %add3A_479 : vector<16xi32>
    %ge3A_481 = arith.constant 4096 : i32
    %ge3A_482 = vector.broadcast %ge3A_481 : i32 to vector<16xi32>
    %ge3A_483 = arith.cmpi sge, %add3A_480, %ge3A_482 : vector<16xi32>
    %convert_element_type3A_484 = arith.extui %ge3A_483 : vector<16xi1> to vector<16xi32>
    %add3A_485 = arith.addi %add3A_452, %convert_element_type3A_484 : vector<16xi32>
    %jit3A_486 = arith.constant 0 : i32
    %broadcast_in_dim3A_487 = vector.broadcast %jit3A_486 : i32 to vector<16xi32>
    %select_n3A_488 = arith.select %ge3A_483, %broadcast_in_dim3A_487, %add3A_480 : vector<16xi1>, vector<16xi32>
    %max3A_489 = arith.maxsi %max3A_456, %select_n3A_488 : vector<16xi32>
    %jit3A_490 = arith.constant 1073741824 : i32
    %broadcast_in_dim3A_491 = vector.broadcast %jit3A_490 : i32 to vector<16xi32>
    %select_n3A_492 = arith.select %ge3A_483, %add3A_480, %broadcast_in_dim3A_491 : vector<16xi1>, vector<16xi32>
    %min3A_493 = arith.minsi %min3A_460, %select_n3A_492 : vector<16xi32>
    %reduce_max3A_494 = arith.constant true
    %reduce_max3A_495 = vector.broadcast %reduce_max3A_494 : i1 to vector<16xi1>
    %reduce_max3A_496 = arith.constant -2147483648 : i32
    %reduce_max3A_497 = vector.broadcast %reduce_max3A_496 : i32 to vector<16xi32>
    %reduce_max3A_498 = arith.xori %add3A_480, %reduce_max3A_497 : vector<16xi32>
    %reduce_max3A_499 = tpu.scan <max>, %reduce_max3A_498 masked %reduce_max3A_495 : vector<16xi32>, vector<16xi1> -> vector<16xi32>
    %reduce_max3A_500 = arith.xori %reduce_max3A_499, %reduce_max3A_497 : vector<16xi32>
    %reduce_max3A_501 = vector.extract %reduce_max3A_500[15] : i32 from vector<16xi32>
    %get3A_502 = arith.constant 16 : index
    %get3A_503 = tpu.vector_load %arg6[%get3A_502] {strides = array<i32>} : memref<256xi32, #tpu.memory_space<vmem>>, vector<16xi32>,
    %rev3A_504 = arith.constant 15 : i32
    %rev3A_505 = vector.broadcast %rev3A_504 : i32 to vector<16xi32>
    %rev3A_506 = tpu.iota {dimensions = array<i32: 0>} : vector<16xi32>
    %rev3A_507 = arith.subi %rev3A_505, %rev3A_506 : vector<16xi32>
    %rev3A_508 = tpu.dynamic_gather %get3A_503[%rev3A_507] in [0] : vector<16xi32>, vector<16xi32> -> vector<16xi32>
    %broadcast_in_dim3A_509 = arith.constant true
    %broadcast_in_dim3A_510 = vector.broadcast %broadcast_in_dim3A_509 : i1 to vector<16xi1>
    %masked_cumsum3A_511 = tpu.scan <sum>, %rev3A_508 masked %broadcast_in_dim3A_510 : vector<16xi32>, vector<16xi1> -> vector<16xi32>
    %add3A_512 = vector.broadcast %reduce_max3A_501 : i32 to vector<16xi32>
    %add3A_513 = arith.addi %masked_cumsum3A_511, %add3A_512 : vector<16xi32>
    %ge3A_514 = arith.constant 4096 : i32
    %ge3A_515 = vector.broadcast %ge3A_514 : i32 to vector<16xi32>
    %ge3A_516 = arith.cmpi sge, %add3A_513, %ge3A_515 : vector<16xi32>
    %convert_element_type3A_517 = arith.extui %ge3A_516 : vector<16xi1> to vector<16xi32>
    %add3A_518 = arith.addi %add3A_485, %convert_element_type3A_517 : vector<16xi32>
    %jit3A_519 = arith.constant 0 : i32
    %broadcast_in_dim3A_520 = vector.broadcast %jit3A_519 : i32 to vector<16xi32>
    %select_n3A_521 = arith.select %ge3A_516, %broadcast_in_dim3A_520, %add3A_513 : vector<16xi1>, vector<16xi32>
    %max3A_522 = arith.maxsi %max3A_489, %select_n3A_521 : vector<16xi32>
    %jit3A_523 = arith.constant 1073741824 : i32
    %broadcast_in_dim3A_524 = vector.broadcast %jit3A_523 : i32 to vector<16xi32>
    %select_n3A_525 = arith.select %ge3A_516, %add3A_513, %broadcast_in_dim3A_524 : vector<16xi1>, vector<16xi32>
    %min3A_526 = arith.minsi %min3A_493, %select_n3A_525 : vector<16xi32>
    %reduce_max3A_527 = arith.constant true
    %reduce_max3A_528 = vector.broadcast %reduce_max3A_527 : i1 to vector<16xi1>
    %reduce_max3A_529 = arith.constant -2147483648 : i32
    %reduce_max3A_530 = vector.broadcast %reduce_max3A_529 : i32 to vector<16xi32>
    %reduce_max3A_531 = arith.xori %add3A_513, %reduce_max3A_530 : vector<16xi32>
    %reduce_max3A_532 = tpu.scan <max>, %reduce_max3A_531 masked %reduce_max3A_528 : vector<16xi32>, vector<16xi1> -> vector<16xi32>
    %reduce_max3A_533 = arith.xori %reduce_max3A_532, %reduce_max3A_530 : vector<16xi32>
    %reduce_max3A_534 = vector.extract %reduce_max3A_533[15] : i32 from vector<16xi32>
    %get3A_535 = arith.constant 0 : index
    %get3A_536 = tpu.vector_load %arg6[%get3A_535] {strides = array<i32>} : memref<256xi32, #tpu.memory_space<vmem>>, vector<16xi32>,
    %rev3A_537 = arith.constant 15 : i32
    %rev3A_538 = vector.broadcast %rev3A_537 : i32 to vector<16xi32>
    %rev3A_539 = tpu.iota {dimensions = array<i32: 0>} : vector<16xi32>
    %rev3A_540 = arith.subi %rev3A_538, %rev3A_539 : vector<16xi32>
    %rev3A_541 = tpu.dynamic_gather %get3A_536[%rev3A_540] in [0] : vector<16xi32>, vector<16xi32> -> vector<16xi32>
    %broadcast_in_dim3A_542 = arith.constant true
    %broadcast_in_dim3A_543 = vector.broadcast %broadcast_in_dim3A_542 : i1 to vector<16xi1>
    %masked_cumsum3A_544 = tpu.scan <sum>, %rev3A_541 masked %broadcast_in_dim3A_543 : vector<16xi32>, vector<16xi1> -> vector<16xi32>
    %add3A_545 = vector.broadcast %reduce_max3A_534 : i32 to vector<16xi32>
    %add3A_546 = arith.addi %masked_cumsum3A_544, %add3A_545 : vector<16xi32>
    %ge3A_547 = arith.constant 4096 : i32
    %ge3A_548 = vector.broadcast %ge3A_547 : i32 to vector<16xi32>
    %ge3A_549 = arith.cmpi sge, %add3A_546, %ge3A_548 : vector<16xi32>
    %convert_element_type3A_550 = arith.extui %ge3A_549 : vector<16xi1> to vector<16xi32>
    %add3A_551 = arith.addi %add3A_518, %convert_element_type3A_550 : vector<16xi32>
    %jit3A_552 = arith.constant 0 : i32
    %broadcast_in_dim3A_553 = vector.broadcast %jit3A_552 : i32 to vector<16xi32>
    %select_n3A_554 = arith.select %ge3A_549, %broadcast_in_dim3A_553, %add3A_546 : vector<16xi1>, vector<16xi32>
    %max3A_555 = arith.maxsi %max3A_522, %select_n3A_554 : vector<16xi32>
    %jit3A_556 = arith.constant 1073741824 : i32
    %broadcast_in_dim3A_557 = vector.broadcast %jit3A_556 : i32 to vector<16xi32>
    %select_n3A_558 = arith.select %ge3A_549, %add3A_546, %broadcast_in_dim3A_557 : vector<16xi1>, vector<16xi32>
    %min3A_559 = arith.minsi %min3A_526, %select_n3A_558 : vector<16xi32>
    %reduce_max3A_560 = arith.constant true
    %reduce_max3A_561 = vector.broadcast %reduce_max3A_560 : i1 to vector<16xi1>
    %reduce_max3A_562 = arith.constant -2147483648 : i32
    %reduce_max3A_563 = vector.broadcast %reduce_max3A_562 : i32 to vector<16xi32>
    %reduce_max3A_564 = arith.xori %add3A_546, %reduce_max3A_563 : vector<16xi32>
    %reduce_max3A_565 = tpu.scan <max>, %reduce_max3A_564 masked %reduce_max3A_561 : vector<16xi32>, vector<16xi1> -> vector<16xi32>
    %reduce_max3A_566 = arith.xori %reduce_max3A_565, %reduce_max3A_563 : vector<16xi32>
    %reduce_max3A_567 = vector.extract %reduce_max3A_566[15] : i32 from vector<16xi32>
    %reduce_sum3A = arith.constant true
    %reduce_sum3A_568 = vector.broadcast %reduce_sum3A : i1 to vector<16xi1>
    %reduce_sum3A_569 = tpu.scan <sum>, %add3A_551 masked %reduce_sum3A_568 : vector<16xi32>, vector<16xi1> -> vector<16xi32>
    %reduce_sum3A_570 = vector.extract %reduce_sum3A_569[15] : i32 from vector<16xi32>
    %sub3A = arith.constant 1 : i32
    %sub3A_571 = arith.subi %reduce_sum3A_570, %sub3A : i32
    %reduce_max3A_572 = arith.constant true
    %reduce_max3A_573 = vector.broadcast %reduce_max3A_572 : i1 to vector<16xi1>
    %reduce_max3A_574 = arith.constant -2147483648 : i32
    %reduce_max3A_575 = vector.broadcast %reduce_max3A_574 : i32 to vector<16xi32>
    %reduce_max3A_576 = arith.xori %max3A_555, %reduce_max3A_575 : vector<16xi32>
    %reduce_max3A_577 = tpu.scan <max>, %reduce_max3A_576 masked %reduce_max3A_573 : vector<16xi32>, vector<16xi1> -> vector<16xi32>
    %reduce_max3A_578 = arith.xori %reduce_max3A_577, %reduce_max3A_575 : vector<16xi32>
    %reduce_max3A_579 = vector.extract %reduce_max3A_578[15] : i32 from vector<16xi32>
    %reduce_min3A = arith.constant true
    %reduce_min3A_580 = vector.broadcast %reduce_min3A : i1 to vector<16xi1>
    %reduce_min3A_581 = arith.constant -2147483648 : i32
    %reduce_min3A_582 = vector.broadcast %reduce_min3A_581 : i32 to vector<16xi32>
    %reduce_min3A_583 = arith.xori %min3A_559, %reduce_min3A_582 : vector<16xi32>
    %reduce_min3A_584 = tpu.scan <min>, %reduce_min3A_583 masked %reduce_min3A_580 : vector<16xi32>, vector<16xi1> -> vector<16xi32>
    %reduce_min3A_585 = arith.xori %reduce_min3A_584, %reduce_min3A_582 : vector<16xi32>
    %reduce_min3A_586 = vector.extract %reduce_min3A_585[15] : i32 from vector<16xi32>
    %sub3A_587 = arith.constant 4096 : i32
    %sub3A_588 = arith.subi %sub3A_587, %reduce_max3A_579 : i32
    %broadcast_in_dim3A_589 = arith.constant 0 : i32
    %broadcast_in_dim3A_590 = vector.broadcast %broadcast_in_dim3A_589 : i32 to vector<16xi32>
    %swap3A_591 = arith.constant 0 : index
    %swap3A_592 = tpu.vector_load %arg6[%swap3A_591] {strides = array<i32>} : memref<256xi32, #tpu.memory_space<vmem>>, vector<16xi32>,
    tpu.vector_store %arg6[%swap3A_591], %broadcast_in_dim3A_590 {strides = array<i32>} : memref<256xi32, #tpu.memory_space<vmem>>, vector<16xi32>,
    %swap3A_593 = arith.constant 16 : index
    %swap3A_594 = tpu.vector_load %arg6[%swap3A_593] {strides = array<i32>} : memref<256xi32, #tpu.memory_space<vmem>>, vector<16xi32>,
    tpu.vector_store %arg6[%swap3A_593], %broadcast_in_dim3A_590 {strides = array<i32>} : memref<256xi32, #tpu.memory_space<vmem>>, vector<16xi32>,
    %swap3A_595 = arith.constant 32 : index
    %swap3A_596 = tpu.vector_load %arg6[%swap3A_595] {strides = array<i32>} : memref<256xi32, #tpu.memory_space<vmem>>, vector<16xi32>,
    tpu.vector_store %arg6[%swap3A_595], %broadcast_in_dim3A_590 {strides = array<i32>} : memref<256xi32, #tpu.memory_space<vmem>>, vector<16xi32>,
    %swap3A_597 = arith.constant 48 : index
    %swap3A_598 = tpu.vector_load %arg6[%swap3A_597] {strides = array<i32>} : memref<256xi32, #tpu.memory_space<vmem>>, vector<16xi32>,
    tpu.vector_store %arg6[%swap3A_597], %broadcast_in_dim3A_590 {strides = array<i32>} : memref<256xi32, #tpu.memory_space<vmem>>, vector<16xi32>,
    %swap3A_599 = arith.constant 64 : index
    %swap3A_600 = tpu.vector_load %arg6[%swap3A_599] {strides = array<i32>} : memref<256xi32, #tpu.memory_space<vmem>>, vector<16xi32>,
    tpu.vector_store %arg6[%swap3A_599], %broadcast_in_dim3A_590 {strides = array<i32>} : memref<256xi32, #tpu.memory_space<vmem>>, vector<16xi32>,
    %swap3A_601 = arith.constant 80 : index
    %swap3A_602 = tpu.vector_load %arg6[%swap3A_601] {strides = array<i32>} : memref<256xi32, #tpu.memory_space<vmem>>, vector<16xi32>,
    tpu.vector_store %arg6[%swap3A_601], %broadcast_in_dim3A_590 {strides = array<i32>} : memref<256xi32, #tpu.memory_space<vmem>>, vector<16xi32>,
    %swap3A_603 = arith.constant 96 : index
    %swap3A_604 = tpu.vector_load %arg6[%swap3A_603] {strides = array<i32>} : memref<256xi32, #tpu.memory_space<vmem>>, vector<16xi32>,
    tpu.vector_store %arg6[%swap3A_603], %broadcast_in_dim3A_590 {strides = array<i32>} : memref<256xi32, #tpu.memory_space<vmem>>, vector<16xi32>,
    %swap3A_605 = arith.constant 112 : index
    %swap3A_606 = tpu.vector_load %arg6[%swap3A_605] {strides = array<i32>} : memref<256xi32, #tpu.memory_space<vmem>>, vector<16xi32>,
    tpu.vector_store %arg6[%swap3A_605], %broadcast_in_dim3A_590 {strides = array<i32>} : memref<256xi32, #tpu.memory_space<vmem>>, vector<16xi32>,
    %swap3A_607 = arith.constant 128 : index
    %swap3A_608 = tpu.vector_load %arg6[%swap3A_607] {strides = array<i32>} : memref<256xi32, #tpu.memory_space<vmem>>, vector<16xi32>,
    tpu.vector_store %arg6[%swap3A_607], %broadcast_in_dim3A_590 {strides = array<i32>} : memref<256xi32, #tpu.memory_space<vmem>>, vector<16xi32>,
    %swap3A_609 = arith.constant 144 : index
    %swap3A_610 = tpu.vector_load %arg6[%swap3A_609] {strides = array<i32>} : memref<256xi32, #tpu.memory_space<vmem>>, vector<16xi32>,
    tpu.vector_store %arg6[%swap3A_609], %broadcast_in_dim3A_590 {strides = array<i32>} : memref<256xi32, #tpu.memory_space<vmem>>, vector<16xi32>,
    %swap3A_611 = arith.constant 160 : index
    %swap3A_612 = tpu.vector_load %arg6[%swap3A_611] {strides = array<i32>} : memref<256xi32, #tpu.memory_space<vmem>>, vector<16xi32>,
    tpu.vector_store %arg6[%swap3A_611], %broadcast_in_dim3A_590 {strides = array<i32>} : memref<256xi32, #tpu.memory_space<vmem>>, vector<16xi32>,
    %swap3A_613 = arith.constant 176 : index
    %swap3A_614 = tpu.vector_load %arg6[%swap3A_613] {strides = array<i32>} : memref<256xi32, #tpu.memory_space<vmem>>, vector<16xi32>,
    tpu.vector_store %arg6[%swap3A_613], %broadcast_in_dim3A_590 {strides = array<i32>} : memref<256xi32, #tpu.memory_space<vmem>>, vector<16xi32>,
    %swap3A_615 = arith.constant 192 : index
    %swap3A_616 = tpu.vector_load %arg6[%swap3A_615] {strides = array<i32>} : memref<256xi32, #tpu.memory_space<vmem>>, vector<16xi32>,
    tpu.vector_store %arg6[%swap3A_615], %broadcast_in_dim3A_590 {strides = array<i32>} : memref<256xi32, #tpu.memory_space<vmem>>, vector<16xi32>,
    %swap3A_617 = arith.constant 208 : index
    %swap3A_618 = tpu.vector_load %arg6[%swap3A_617] {strides = array<i32>} : memref<256xi32, #tpu.memory_space<vmem>>, vector<16xi32>,
    tpu.vector_store %arg6[%swap3A_617], %broadcast_in_dim3A_590 {strides = array<i32>} : memref<256xi32, #tpu.memory_space<vmem>>, vector<16xi32>,
    %swap3A_619 = arith.constant 224 : index
    %swap3A_620 = tpu.vector_load %arg6[%swap3A_619] {strides = array<i32>} : memref<256xi32, #tpu.memory_space<vmem>>, vector<16xi32>,
    tpu.vector_store %arg6[%swap3A_619], %broadcast_in_dim3A_590 {strides = array<i32>} : memref<256xi32, #tpu.memory_space<vmem>>, vector<16xi32>,
    %swap3A_621 = arith.constant 240 : index
    %swap3A_622 = tpu.vector_load %arg6[%swap3A_621] {strides = array<i32>} : memref<256xi32, #tpu.memory_space<vmem>>, vector<16xi32>,
    tpu.vector_store %arg6[%swap3A_621], %broadcast_in_dim3A_590 {strides = array<i32>} : memref<256xi32, #tpu.memory_space<vmem>>, vector<16xi32>,
    %broadcast_in_dim3A_623 = arith.constant 0 : i32
    %broadcast_in_dim3A_624 = vector.broadcast %broadcast_in_dim3A_623 : i32 to vector<16xi32>
    %parallel_loop3A_625 = arith.constant 0 : i32
    %parallel_loop3A_626 = arith.constant 8192 : i32
    %parallel_loop3A_627 = arith.constant 16 : i32
    %parallel_loop3A_628 = scf.for %parallel_loop3A_2425 = %parallel_loop3A_625 to %parallel_loop3A_626 step %parallel_loop3A_627 iter_args(%parallel_loop3A_2426 = %broadcast_in_dim3A_624) -> (vector<16xi32>)  : i32 {
      %parallel_loop3A_2427 = arith.index_cast %parallel_loop3A_2425 : i32 to index
      %parallel_loop3A_2428 = tpu.vector_load %arg5[%parallel_loop3A_2427] {strides = array<i32>} : memref<8192xi32, #tpu.memory_space<vmem>>, vector<16xi32>,
      %parallel_loop3A_2429 = arith.constant 24 : i32
      %parallel_loop3A_2430 = vector.broadcast %parallel_loop3A_2429 : i32 to vector<16xi32>
      %parallel_loop3A_2431 = arith.shrui %parallel_loop3A_2428, %parallel_loop3A_2430 : vector<16xi32>
      %parallel_loop3A_2432 = vector.broadcast %sub3A_571 : i32 to vector<16xi32>
      %parallel_loop3A_2433 = arith.cmpi eq, %parallel_loop3A_2431, %parallel_loop3A_2432 : vector<16xi32>
      %parallel_loop3A_2434 = arith.constant 16 : i32
      %parallel_loop3A_2435 = vector.broadcast %parallel_loop3A_2434 : i32 to vector<16xi32>
      %parallel_loop3A_2436 = arith.shrui %parallel_loop3A_2428, %parallel_loop3A_2435 : vector<16xi32>
      %parallel_loop3A_2437 = arith.constant 255 : i32
      %parallel_loop3A_2438 = vector.broadcast %parallel_loop3A_2437 : i32 to vector<16xi32>
      %parallel_loop3A_2439 = arith.andi %parallel_loop3A_2436, %parallel_loop3A_2438 : vector<16xi32>
      tpu.vector_store_idx %arg6[%parallel_loop3A_2439], %broadcast_in_dim3A_7 masked %parallel_loop3A_2433 {add = true} : memref<256xi32, #tpu.memory_space<vmem>>[vector<16xi32>], vector<16xi32>, vector<16xi1>
      %parallel_loop3A_2440 = arith.extui %parallel_loop3A_2433 : vector<16xi1> to vector<16xi32>
      %parallel_loop3A_2441 = arith.constant true
      %parallel_loop3A_2442 = vector.broadcast %parallel_loop3A_2441 : i1 to vector<16xi1>
      %parallel_loop3A_2443 = tpu.scan <sum>, %parallel_loop3A_2440 masked %parallel_loop3A_2442 : vector<16xi32>, vector<16xi1> -> vector<16xi32>
      %parallel_loop3A_2444 = arith.addi %parallel_loop3A_2426, %parallel_loop3A_2443 : vector<16xi32>
      %parallel_loop3A_2445 = arith.constant 1 : i32
      %parallel_loop3A_2446 = vector.broadcast %parallel_loop3A_2445 : i32 to vector<16xi32>
      %parallel_loop3A_2447 = arith.subi %parallel_loop3A_2444, %parallel_loop3A_2446 : vector<16xi32>
      %parallel_loop3A_2448 = tpu.bitcast %parallel_loop3A_2428 : vector<16xi32> -> vector<16xi32>
      tpu.vector_store_idx %arg7[%parallel_loop3A_2447], %parallel_loop3A_2448 masked %parallel_loop3A_2433 : memref<8192xi32, #tpu.memory_space<vmem>>[vector<16xi32>], vector<16xi32>, vector<16xi1>
      %parallel_loop3A_2449 = tpu.all_reduce %parallel_loop3A_2433 {dim = 0 : i64, kind = #tpu.reduction_kind<sum>} : vector<16xi1> -> vector<16xi32>
      %parallel_loop3A_2450 = arith.addi %parallel_loop3A_2426, %parallel_loop3A_2449 : vector<16xi32>
      scf.yield %parallel_loop3A_2450 : vector<16xi32>
    } {sc.loop_unroll_factor = 8 : i64, sc.parallel_access}
    %reduce_max3A_629 = arith.constant true
    %reduce_max3A_630 = vector.broadcast %reduce_max3A_629 : i1 to vector<16xi1>
    %reduce_max3A_631 = arith.constant -2147483648 : i32
    %reduce_max3A_632 = vector.broadcast %reduce_max3A_631 : i32 to vector<16xi32>
    %reduce_max3A_633 = arith.xori %parallel_loop3A_628, %reduce_max3A_632 : vector<16xi32>
    %reduce_max3A_634 = tpu.scan <max>, %reduce_max3A_633 masked %reduce_max3A_630 : vector<16xi32>, vector<16xi1> -> vector<16xi32>
    %reduce_max3A_635 = arith.xori %reduce_max3A_634, %reduce_max3A_632 : vector<16xi32>
    %reduce_max3A_636 = vector.extract %reduce_max3A_635[15] : i32 from vector<16xi32>
    %broadcast_in_dim3A_637 = arith.constant 0 : i32
    %broadcast_in_dim3A_638 = vector.broadcast %broadcast_in_dim3A_637 : i32 to vector<16xi32>
    %broadcast_in_dim3A_639 = arith.constant 0 : i32
    %broadcast_in_dim3A_640 = vector.broadcast %broadcast_in_dim3A_639 : i32 to vector<16xi32>
    %broadcast_in_dim3A_641 = arith.constant 1073741824 : i32
    %broadcast_in_dim3A_642 = vector.broadcast %broadcast_in_dim3A_641 : i32 to vector<16xi32>
    %get3A_643 = arith.constant 240 : index
    %get3A_644 = tpu.vector_load %arg6[%get3A_643] {strides = array<i32>} : memref<256xi32, #tpu.memory_space<vmem>>, vector<16xi32>,
    %rev3A_645 = arith.constant 15 : i32
    %rev3A_646 = vector.broadcast %rev3A_645 : i32 to vector<16xi32>
    %rev3A_647 = tpu.iota {dimensions = array<i32: 0>} : vector<16xi32>
    %rev3A_648 = arith.subi %rev3A_646, %rev3A_647 : vector<16xi32>
    %rev3A_649 = tpu.dynamic_gather %get3A_644[%rev3A_648] in [0] : vector<16xi32>, vector<16xi32> -> vector<16xi32>
    %broadcast_in_dim3A_650 = arith.constant true
    %broadcast_in_dim3A_651 = vector.broadcast %broadcast_in_dim3A_650 : i1 to vector<16xi1>
    %masked_cumsum3A_652 = tpu.scan <sum>, %rev3A_649 masked %broadcast_in_dim3A_651 : vector<16xi32>, vector<16xi1> -> vector<16xi32>
    %add3A_653 = arith.constant 0 : i32
    %add3A_654 = vector.broadcast %add3A_653 : i32 to vector<16xi32>
    %add3A_655 = arith.addi %masked_cumsum3A_652, %add3A_654 : vector<16xi32>
    %ge3A_656 = vector.broadcast %sub3A_588 : i32 to vector<16xi32>
    %ge3A_657 = arith.cmpi sge, %add3A_655, %ge3A_656 : vector<16xi32>
    %convert_element_type3A_658 = arith.extui %ge3A_657 : vector<16xi1> to vector<16xi32>
    %add3A_659 = arith.addi %broadcast_in_dim3A_638, %convert_element_type3A_658 : vector<16xi32>
    %jit3A_660 = arith.constant 0 : i32
    %broadcast_in_dim3A_661 = vector.broadcast %jit3A_660 : i32 to vector<16xi32>
    %select_n3A_662 = arith.select %ge3A_657, %broadcast_in_dim3A_661, %add3A_655 : vector<16xi1>, vector<16xi32>
    %max3A_663 = arith.maxsi %broadcast_in_dim3A_640, %select_n3A_662 : vector<16xi32>
    %jit3A_664 = arith.constant 1073741824 : i32
    %broadcast_in_dim3A_665 = vector.broadcast %jit3A_664 : i32 to vector<16xi32>
    %select_n3A_666 = arith.select %ge3A_657, %add3A_655, %broadcast_in_dim3A_665 : vector<16xi1>, vector<16xi32>
    %min3A_667 = arith.minsi %broadcast_in_dim3A_642, %select_n3A_666 : vector<16xi32>
    %reduce_max3A_668 = arith.constant true
    %reduce_max3A_669 = vector.broadcast %reduce_max3A_668 : i1 to vector<16xi1>
    %reduce_max3A_670 = arith.constant -2147483648 : i32
    %reduce_max3A_671 = vector.broadcast %reduce_max3A_670 : i32 to vector<16xi32>
    %reduce_max3A_672 = arith.xori %add3A_655, %reduce_max3A_671 : vector<16xi32>
    %reduce_max3A_673 = tpu.scan <max>, %reduce_max3A_672 masked %reduce_max3A_669 : vector<16xi32>, vector<16xi1> -> vector<16xi32>
    %reduce_max3A_674 = arith.xori %reduce_max3A_673, %reduce_max3A_671 : vector<16xi32>
    %reduce_max3A_675 = vector.extract %reduce_max3A_674[15] : i32 from vector<16xi32>
    %get3A_676 = arith.constant 224 : index
    %get3A_677 = tpu.vector_load %arg6[%get3A_676] {strides = array<i32>} : memref<256xi32, #tpu.memory_space<vmem>>, vector<16xi32>,
    %rev3A_678 = arith.constant 15 : i32
    %rev3A_679 = vector.broadcast %rev3A_678 : i32 to vector<16xi32>
    %rev3A_680 = tpu.iota {dimensions = array<i32: 0>} : vector<16xi32>
    %rev3A_681 = arith.subi %rev3A_679, %rev3A_680 : vector<16xi32>
    %rev3A_682 = tpu.dynamic_gather %get3A_677[%rev3A_681] in [0] : vector<16xi32>, vector<16xi32> -> vector<16xi32>
    %broadcast_in_dim3A_683 = arith.constant true
    %broadcast_in_dim3A_684 = vector.broadcast %broadcast_in_dim3A_683 : i1 to vector<16xi1>
    %masked_cumsum3A_685 = tpu.scan <sum>, %rev3A_682 masked %broadcast_in_dim3A_684 : vector<16xi32>, vector<16xi1> -> vector<16xi32>
    %add3A_686 = vector.broadcast %reduce_max3A_675 : i32 to vector<16xi32>
    %add3A_687 = arith.addi %masked_cumsum3A_685, %add3A_686 : vector<16xi32>
    %ge3A_688 = vector.broadcast %sub3A_588 : i32 to vector<16xi32>
    %ge3A_689 = arith.cmpi sge, %add3A_687, %ge3A_688 : vector<16xi32>
    %convert_element_type3A_690 = arith.extui %ge3A_689 : vector<16xi1> to vector<16xi32>
    %add3A_691 = arith.addi %add3A_659, %convert_element_type3A_690 : vector<16xi32>
    %jit3A_692 = arith.constant 0 : i32
    %broadcast_in_dim3A_693 = vector.broadcast %jit3A_692 : i32 to vector<16xi32>
    %select_n3A_694 = arith.select %ge3A_689, %broadcast_in_dim3A_693, %add3A_687 : vector<16xi1>, vector<16xi32>
    %max3A_695 = arith.maxsi %max3A_663, %select_n3A_694 : vector<16xi32>
    %jit3A_696 = arith.constant 1073741824 : i32
    %broadcast_in_dim3A_697 = vector.broadcast %jit3A_696 : i32 to vector<16xi32>
    %select_n3A_698 = arith.select %ge3A_689, %add3A_687, %broadcast_in_dim3A_697 : vector<16xi1>, vector<16xi32>
    %min3A_699 = arith.minsi %min3A_667, %select_n3A_698 : vector<16xi32>
    %reduce_max3A_700 = arith.constant true
    %reduce_max3A_701 = vector.broadcast %reduce_max3A_700 : i1 to vector<16xi1>
    %reduce_max3A_702 = arith.constant -2147483648 : i32
    %reduce_max3A_703 = vector.broadcast %reduce_max3A_702 : i32 to vector<16xi32>
    %reduce_max3A_704 = arith.xori %add3A_687, %reduce_max3A_703 : vector<16xi32>
    %reduce_max3A_705 = tpu.scan <max>, %reduce_max3A_704 masked %reduce_max3A_701 : vector<16xi32>, vector<16xi1> -> vector<16xi32>
    %reduce_max3A_706 = arith.xori %reduce_max3A_705, %reduce_max3A_703 : vector<16xi32>
    %reduce_max3A_707 = vector.extract %reduce_max3A_706[15] : i32 from vector<16xi32>
    %get3A_708 = arith.constant 208 : index
    %get3A_709 = tpu.vector_load %arg6[%get3A_708] {strides = array<i32>} : memref<256xi32, #tpu.memory_space<vmem>>, vector<16xi32>,
    %rev3A_710 = arith.constant 15 : i32
    %rev3A_711 = vector.broadcast %rev3A_710 : i32 to vector<16xi32>
    %rev3A_712 = tpu.iota {dimensions = array<i32: 0>} : vector<16xi32>
    %rev3A_713 = arith.subi %rev3A_711, %rev3A_712 : vector<16xi32>
    %rev3A_714 = tpu.dynamic_gather %get3A_709[%rev3A_713] in [0] : vector<16xi32>, vector<16xi32> -> vector<16xi32>
    %broadcast_in_dim3A_715 = arith.constant true
    %broadcast_in_dim3A_716 = vector.broadcast %broadcast_in_dim3A_715 : i1 to vector<16xi1>
    %masked_cumsum3A_717 = tpu.scan <sum>, %rev3A_714 masked %broadcast_in_dim3A_716 : vector<16xi32>, vector<16xi1> -> vector<16xi32>
    %add3A_718 = vector.broadcast %reduce_max3A_707 : i32 to vector<16xi32>
    %add3A_719 = arith.addi %masked_cumsum3A_717, %add3A_718 : vector<16xi32>
    %ge3A_720 = vector.broadcast %sub3A_588 : i32 to vector<16xi32>
    %ge3A_721 = arith.cmpi sge, %add3A_719, %ge3A_720 : vector<16xi32>
    %convert_element_type3A_722 = arith.extui %ge3A_721 : vector<16xi1> to vector<16xi32>
    %add3A_723 = arith.addi %add3A_691, %convert_element_type3A_722 : vector<16xi32>
    %jit3A_724 = arith.constant 0 : i32
    %broadcast_in_dim3A_725 = vector.broadcast %jit3A_724 : i32 to vector<16xi32>
    %select_n3A_726 = arith.select %ge3A_721, %broadcast_in_dim3A_725, %add3A_719 : vector<16xi1>, vector<16xi32>
    %max3A_727 = arith.maxsi %max3A_695, %select_n3A_726 : vector<16xi32>
    %jit3A_728 = arith.constant 1073741824 : i32
    %broadcast_in_dim3A_729 = vector.broadcast %jit3A_728 : i32 to vector<16xi32>
    %select_n3A_730 = arith.select %ge3A_721, %add3A_719, %broadcast_in_dim3A_729 : vector<16xi1>, vector<16xi32>
    %min3A_731 = arith.minsi %min3A_699, %select_n3A_730 : vector<16xi32>
    %reduce_max3A_732 = arith.constant true
    %reduce_max3A_733 = vector.broadcast %reduce_max3A_732 : i1 to vector<16xi1>
    %reduce_max3A_734 = arith.constant -2147483648 : i32
    %reduce_max3A_735 = vector.broadcast %reduce_max3A_734 : i32 to vector<16xi32>
    %reduce_max3A_736 = arith.xori %add3A_719, %reduce_max3A_735 : vector<16xi32>
    %reduce_max3A_737 = tpu.scan <max>, %reduce_max3A_736 masked %reduce_max3A_733 : vector<16xi32>, vector<16xi1> -> vector<16xi32>
    %reduce_max3A_738 = arith.xori %reduce_max3A_737, %reduce_max3A_735 : vector<16xi32>
    %reduce_max3A_739 = vector.extract %reduce_max3A_738[15] : i32 from vector<16xi32>
    %get3A_740 = arith.constant 192 : index
    %get3A_741 = tpu.vector_load %arg6[%get3A_740] {strides = array<i32>} : memref<256xi32, #tpu.memory_space<vmem>>, vector<16xi32>,
    %rev3A_742 = arith.constant 15 : i32
    %rev3A_743 = vector.broadcast %rev3A_742 : i32 to vector<16xi32>
    %rev3A_744 = tpu.iota {dimensions = array<i32: 0>} : vector<16xi32>
    %rev3A_745 = arith.subi %rev3A_743, %rev3A_744 : vector<16xi32>
    %rev3A_746 = tpu.dynamic_gather %get3A_741[%rev3A_745] in [0] : vector<16xi32>, vector<16xi32> -> vector<16xi32>
    %broadcast_in_dim3A_747 = arith.constant true
    %broadcast_in_dim3A_748 = vector.broadcast %broadcast_in_dim3A_747 : i1 to vector<16xi1>
    %masked_cumsum3A_749 = tpu.scan <sum>, %rev3A_746 masked %broadcast_in_dim3A_748 : vector<16xi32>, vector<16xi1> -> vector<16xi32>
    %add3A_750 = vector.broadcast %reduce_max3A_739 : i32 to vector<16xi32>
    %add3A_751 = arith.addi %masked_cumsum3A_749, %add3A_750 : vector<16xi32>
    %ge3A_752 = vector.broadcast %sub3A_588 : i32 to vector<16xi32>
    %ge3A_753 = arith.cmpi sge, %add3A_751, %ge3A_752 : vector<16xi32>
    %convert_element_type3A_754 = arith.extui %ge3A_753 : vector<16xi1> to vector<16xi32>
    %add3A_755 = arith.addi %add3A_723, %convert_element_type3A_754 : vector<16xi32>
    %jit3A_756 = arith.constant 0 : i32
    %broadcast_in_dim3A_757 = vector.broadcast %jit3A_756 : i32 to vector<16xi32>
    %select_n3A_758 = arith.select %ge3A_753, %broadcast_in_dim3A_757, %add3A_751 : vector<16xi1>, vector<16xi32>
    %max3A_759 = arith.maxsi %max3A_727, %select_n3A_758 : vector<16xi32>
    %jit3A_760 = arith.constant 1073741824 : i32
    %broadcast_in_dim3A_761 = vector.broadcast %jit3A_760 : i32 to vector<16xi32>
    %select_n3A_762 = arith.select %ge3A_753, %add3A_751, %broadcast_in_dim3A_761 : vector<16xi1>, vector<16xi32>
    %min3A_763 = arith.minsi %min3A_731, %select_n3A_762 : vector<16xi32>
    %reduce_max3A_764 = arith.constant true
    %reduce_max3A_765 = vector.broadcast %reduce_max3A_764 : i1 to vector<16xi1>
    %reduce_max3A_766 = arith.constant -2147483648 : i32
    %reduce_max3A_767 = vector.broadcast %reduce_max3A_766 : i32 to vector<16xi32>
    %reduce_max3A_768 = arith.xori %add3A_751, %reduce_max3A_767 : vector<16xi32>
    %reduce_max3A_769 = tpu.scan <max>, %reduce_max3A_768 masked %reduce_max3A_765 : vector<16xi32>, vector<16xi1> -> vector<16xi32>
    %reduce_max3A_770 = arith.xori %reduce_max3A_769, %reduce_max3A_767 : vector<16xi32>
    %reduce_max3A_771 = vector.extract %reduce_max3A_770[15] : i32 from vector<16xi32>
    %get3A_772 = arith.constant 176 : index
    %get3A_773 = tpu.vector_load %arg6[%get3A_772] {strides = array<i32>} : memref<256xi32, #tpu.memory_space<vmem>>, vector<16xi32>,
    %rev3A_774 = arith.constant 15 : i32
    %rev3A_775 = vector.broadcast %rev3A_774 : i32 to vector<16xi32>
    %rev3A_776 = tpu.iota {dimensions = array<i32: 0>} : vector<16xi32>
    %rev3A_777 = arith.subi %rev3A_775, %rev3A_776 : vector<16xi32>
    %rev3A_778 = tpu.dynamic_gather %get3A_773[%rev3A_777] in [0] : vector<16xi32>, vector<16xi32> -> vector<16xi32>
    %broadcast_in_dim3A_779 = arith.constant true
    %broadcast_in_dim3A_780 = vector.broadcast %broadcast_in_dim3A_779 : i1 to vector<16xi1>
    %masked_cumsum3A_781 = tpu.scan <sum>, %rev3A_778 masked %broadcast_in_dim3A_780 : vector<16xi32>, vector<16xi1> -> vector<16xi32>
    %add3A_782 = vector.broadcast %reduce_max3A_771 : i32 to vector<16xi32>
    %add3A_783 = arith.addi %masked_cumsum3A_781, %add3A_782 : vector<16xi32>
    %ge3A_784 = vector.broadcast %sub3A_588 : i32 to vector<16xi32>
    %ge3A_785 = arith.cmpi sge, %add3A_783, %ge3A_784 : vector<16xi32>
    %convert_element_type3A_786 = arith.extui %ge3A_785 : vector<16xi1> to vector<16xi32>
    %add3A_787 = arith.addi %add3A_755, %convert_element_type3A_786 : vector<16xi32>
    %jit3A_788 = arith.constant 0 : i32
    %broadcast_in_dim3A_789 = vector.broadcast %jit3A_788 : i32 to vector<16xi32>
    %select_n3A_790 = arith.select %ge3A_785, %broadcast_in_dim3A_789, %add3A_783 : vector<16xi1>, vector<16xi32>
    %max3A_791 = arith.maxsi %max3A_759, %select_n3A_790 : vector<16xi32>
    %jit3A_792 = arith.constant 1073741824 : i32
    %broadcast_in_dim3A_793 = vector.broadcast %jit3A_792 : i32 to vector<16xi32>
    %select_n3A_794 = arith.select %ge3A_785, %add3A_783, %broadcast_in_dim3A_793 : vector<16xi1>, vector<16xi32>
    %min3A_795 = arith.minsi %min3A_763, %select_n3A_794 : vector<16xi32>
    %reduce_max3A_796 = arith.constant true
    %reduce_max3A_797 = vector.broadcast %reduce_max3A_796 : i1 to vector<16xi1>
    %reduce_max3A_798 = arith.constant -2147483648 : i32
    %reduce_max3A_799 = vector.broadcast %reduce_max3A_798 : i32 to vector<16xi32>
    %reduce_max3A_800 = arith.xori %add3A_783, %reduce_max3A_799 : vector<16xi32>
    %reduce_max3A_801 = tpu.scan <max>, %reduce_max3A_800 masked %reduce_max3A_797 : vector<16xi32>, vector<16xi1> -> vector<16xi32>
    %reduce_max3A_802 = arith.xori %reduce_max3A_801, %reduce_max3A_799 : vector<16xi32>
    %reduce_max3A_803 = vector.extract %reduce_max3A_802[15] : i32 from vector<16xi32>
    %get3A_804 = arith.constant 160 : index
    %get3A_805 = tpu.vector_load %arg6[%get3A_804] {strides = array<i32>} : memref<256xi32, #tpu.memory_space<vmem>>, vector<16xi32>,
    %rev3A_806 = arith.constant 15 : i32
    %rev3A_807 = vector.broadcast %rev3A_806 : i32 to vector<16xi32>
    %rev3A_808 = tpu.iota {dimensions = array<i32: 0>} : vector<16xi32>
    %rev3A_809 = arith.subi %rev3A_807, %rev3A_808 : vector<16xi32>
    %rev3A_810 = tpu.dynamic_gather %get3A_805[%rev3A_809] in [0] : vector<16xi32>, vector<16xi32> -> vector<16xi32>
    %broadcast_in_dim3A_811 = arith.constant true
    %broadcast_in_dim3A_812 = vector.broadcast %broadcast_in_dim3A_811 : i1 to vector<16xi1>
    %masked_cumsum3A_813 = tpu.scan <sum>, %rev3A_810 masked %broadcast_in_dim3A_812 : vector<16xi32>, vector<16xi1> -> vector<16xi32>
    %add3A_814 = vector.broadcast %reduce_max3A_803 : i32 to vector<16xi32>
    %add3A_815 = arith.addi %masked_cumsum3A_813, %add3A_814 : vector<16xi32>
    %ge3A_816 = vector.broadcast %sub3A_588 : i32 to vector<16xi32>
    %ge3A_817 = arith.cmpi sge, %add3A_815, %ge3A_816 : vector<16xi32>
    %convert_element_type3A_818 = arith.extui %ge3A_817 : vector<16xi1> to vector<16xi32>
    %add3A_819 = arith.addi %add3A_787, %convert_element_type3A_818 : vector<16xi32>
    %jit3A_820 = arith.constant 0 : i32
    %broadcast_in_dim3A_821 = vector.broadcast %jit3A_820 : i32 to vector<16xi32>
    %select_n3A_822 = arith.select %ge3A_817, %broadcast_in_dim3A_821, %add3A_815 : vector<16xi1>, vector<16xi32>
    %max3A_823 = arith.maxsi %max3A_791, %select_n3A_822 : vector<16xi32>
    %jit3A_824 = arith.constant 1073741824 : i32
    %broadcast_in_dim3A_825 = vector.broadcast %jit3A_824 : i32 to vector<16xi32>
    %select_n3A_826 = arith.select %ge3A_817, %add3A_815, %broadcast_in_dim3A_825 : vector<16xi1>, vector<16xi32>
    %min3A_827 = arith.minsi %min3A_795, %select_n3A_826 : vector<16xi32>
    %reduce_max3A_828 = arith.constant true
    %reduce_max3A_829 = vector.broadcast %reduce_max3A_828 : i1 to vector<16xi1>
    %reduce_max3A_830 = arith.constant -2147483648 : i32
    %reduce_max3A_831 = vector.broadcast %reduce_max3A_830 : i32 to vector<16xi32>
    %reduce_max3A_832 = arith.xori %add3A_815, %reduce_max3A_831 : vector<16xi32>
    %reduce_max3A_833 = tpu.scan <max>, %reduce_max3A_832 masked %reduce_max3A_829 : vector<16xi32>, vector<16xi1> -> vector<16xi32>
    %reduce_max3A_834 = arith.xori %reduce_max3A_833, %reduce_max3A_831 : vector<16xi32>
    %reduce_max3A_835 = vector.extract %reduce_max3A_834[15] : i32 from vector<16xi32>
    %get3A_836 = arith.constant 144 : index
    %get3A_837 = tpu.vector_load %arg6[%get3A_836] {strides = array<i32>} : memref<256xi32, #tpu.memory_space<vmem>>, vector<16xi32>,
    %rev3A_838 = arith.constant 15 : i32
    %rev3A_839 = vector.broadcast %rev3A_838 : i32 to vector<16xi32>
    %rev3A_840 = tpu.iota {dimensions = array<i32: 0>} : vector<16xi32>
    %rev3A_841 = arith.subi %rev3A_839, %rev3A_840 : vector<16xi32>
    %rev3A_842 = tpu.dynamic_gather %get3A_837[%rev3A_841] in [0] : vector<16xi32>, vector<16xi32> -> vector<16xi32>
    %broadcast_in_dim3A_843 = arith.constant true
    %broadcast_in_dim3A_844 = vector.broadcast %broadcast_in_dim3A_843 : i1 to vector<16xi1>
    %masked_cumsum3A_845 = tpu.scan <sum>, %rev3A_842 masked %broadcast_in_dim3A_844 : vector<16xi32>, vector<16xi1> -> vector<16xi32>
    %add3A_846 = vector.broadcast %reduce_max3A_835 : i32 to vector<16xi32>
    %add3A_847 = arith.addi %masked_cumsum3A_845, %add3A_846 : vector<16xi32>
    %ge3A_848 = vector.broadcast %sub3A_588 : i32 to vector<16xi32>
    %ge3A_849 = arith.cmpi sge, %add3A_847, %ge3A_848 : vector<16xi32>
    %convert_element_type3A_850 = arith.extui %ge3A_849 : vector<16xi1> to vector<16xi32>
    %add3A_851 = arith.addi %add3A_819, %convert_element_type3A_850 : vector<16xi32>
    %jit3A_852 = arith.constant 0 : i32
    %broadcast_in_dim3A_853 = vector.broadcast %jit3A_852 : i32 to vector<16xi32>
    %select_n3A_854 = arith.select %ge3A_849, %broadcast_in_dim3A_853, %add3A_847 : vector<16xi1>, vector<16xi32>
    %max3A_855 = arith.maxsi %max3A_823, %select_n3A_854 : vector<16xi32>
    %jit3A_856 = arith.constant 1073741824 : i32
    %broadcast_in_dim3A_857 = vector.broadcast %jit3A_856 : i32 to vector<16xi32>
    %select_n3A_858 = arith.select %ge3A_849, %add3A_847, %broadcast_in_dim3A_857 : vector<16xi1>, vector<16xi32>
    %min3A_859 = arith.minsi %min3A_827, %select_n3A_858 : vector<16xi32>
    %reduce_max3A_860 = arith.constant true
    %reduce_max3A_861 = vector.broadcast %reduce_max3A_860 : i1 to vector<16xi1>
    %reduce_max3A_862 = arith.constant -2147483648 : i32
    %reduce_max3A_863 = vector.broadcast %reduce_max3A_862 : i32 to vector<16xi32>
    %reduce_max3A_864 = arith.xori %add3A_847, %reduce_max3A_863 : vector<16xi32>
    %reduce_max3A_865 = tpu.scan <max>, %reduce_max3A_864 masked %reduce_max3A_861 : vector<16xi32>, vector<16xi1> -> vector<16xi32>
    %reduce_max3A_866 = arith.xori %reduce_max3A_865, %reduce_max3A_863 : vector<16xi32>
    %reduce_max3A_867 = vector.extract %reduce_max3A_866[15] : i32 from vector<16xi32>
    %get3A_868 = arith.constant 128 : index
    %get3A_869 = tpu.vector_load %arg6[%get3A_868] {strides = array<i32>} : memref<256xi32, #tpu.memory_space<vmem>>, vector<16xi32>,
    %rev3A_870 = arith.constant 15 : i32
    %rev3A_871 = vector.broadcast %rev3A_870 : i32 to vector<16xi32>
    %rev3A_872 = tpu.iota {dimensions = array<i32: 0>} : vector<16xi32>
    %rev3A_873 = arith.subi %rev3A_871, %rev3A_872 : vector<16xi32>
    %rev3A_874 = tpu.dynamic_gather %get3A_869[%rev3A_873] in [0] : vector<16xi32>, vector<16xi32> -> vector<16xi32>
    %broadcast_in_dim3A_875 = arith.constant true
    %broadcast_in_dim3A_876 = vector.broadcast %broadcast_in_dim3A_875 : i1 to vector<16xi1>
    %masked_cumsum3A_877 = tpu.scan <sum>, %rev3A_874 masked %broadcast_in_dim3A_876 : vector<16xi32>, vector<16xi1> -> vector<16xi32>
    %add3A_878 = vector.broadcast %reduce_max3A_867 : i32 to vector<16xi32>
    %add3A_879 = arith.addi %masked_cumsum3A_877, %add3A_878 : vector<16xi32>
    %ge3A_880 = vector.broadcast %sub3A_588 : i32 to vector<16xi32>
    %ge3A_881 = arith.cmpi sge, %add3A_879, %ge3A_880 : vector<16xi32>
    %convert_element_type3A_882 = arith.extui %ge3A_881 : vector<16xi1> to vector<16xi32>
    %add3A_883 = arith.addi %add3A_851, %convert_element_type3A_882 : vector<16xi32>
    %jit3A_884 = arith.constant 0 : i32
    %broadcast_in_dim3A_885 = vector.broadcast %jit3A_884 : i32 to vector<16xi32>
    %select_n3A_886 = arith.select %ge3A_881, %broadcast_in_dim3A_885, %add3A_879 : vector<16xi1>, vector<16xi32>
    %max3A_887 = arith.maxsi %max3A_855, %select_n3A_886 : vector<16xi32>
    %jit3A_888 = arith.constant 1073741824 : i32
    %broadcast_in_dim3A_889 = vector.broadcast %jit3A_888 : i32 to vector<16xi32>
    %select_n3A_890 = arith.select %ge3A_881, %add3A_879, %broadcast_in_dim3A_889 : vector<16xi1>, vector<16xi32>
    %min3A_891 = arith.minsi %min3A_859, %select_n3A_890 : vector<16xi32>
    %reduce_max3A_892 = arith.constant true
    %reduce_max3A_893 = vector.broadcast %reduce_max3A_892 : i1 to vector<16xi1>
    %reduce_max3A_894 = arith.constant -2147483648 : i32
    %reduce_max3A_895 = vector.broadcast %reduce_max3A_894 : i32 to vector<16xi32>
    %reduce_max3A_896 = arith.xori %add3A_879, %reduce_max3A_895 : vector<16xi32>
    %reduce_max3A_897 = tpu.scan <max>, %reduce_max3A_896 masked %reduce_max3A_893 : vector<16xi32>, vector<16xi1> -> vector<16xi32>
    %reduce_max3A_898 = arith.xori %reduce_max3A_897, %reduce_max3A_895 : vector<16xi32>
    %reduce_max3A_899 = vector.extract %reduce_max3A_898[15] : i32 from vector<16xi32>
    %get3A_900 = arith.constant 112 : index
    %get3A_901 = tpu.vector_load %arg6[%get3A_900] {strides = array<i32>} : memref<256xi32, #tpu.memory_space<vmem>>, vector<16xi32>,
    %rev3A_902 = arith.constant 15 : i32
    %rev3A_903 = vector.broadcast %rev3A_902 : i32 to vector<16xi32>
    %rev3A_904 = tpu.iota {dimensions = array<i32: 0>} : vector<16xi32>
    %rev3A_905 = arith.subi %rev3A_903, %rev3A_904 : vector<16xi32>
    %rev3A_906 = tpu.dynamic_gather %get3A_901[%rev3A_905] in [0] : vector<16xi32>, vector<16xi32> -> vector<16xi32>
    %broadcast_in_dim3A_907 = arith.constant true
    %broadcast_in_dim3A_908 = vector.broadcast %broadcast_in_dim3A_907 : i1 to vector<16xi1>
    %masked_cumsum3A_909 = tpu.scan <sum>, %rev3A_906 masked %broadcast_in_dim3A_908 : vector<16xi32>, vector<16xi1> -> vector<16xi32>
    %add3A_910 = vector.broadcast %reduce_max3A_899 : i32 to vector<16xi32>
    %add3A_911 = arith.addi %masked_cumsum3A_909, %add3A_910 : vector<16xi32>
    %ge3A_912 = vector.broadcast %sub3A_588 : i32 to vector<16xi32>
    %ge3A_913 = arith.cmpi sge, %add3A_911, %ge3A_912 : vector<16xi32>
    %convert_element_type3A_914 = arith.extui %ge3A_913 : vector<16xi1> to vector<16xi32>
    %add3A_915 = arith.addi %add3A_883, %convert_element_type3A_914 : vector<16xi32>
    %jit3A_916 = arith.constant 0 : i32
    %broadcast_in_dim3A_917 = vector.broadcast %jit3A_916 : i32 to vector<16xi32>
    %select_n3A_918 = arith.select %ge3A_913, %broadcast_in_dim3A_917, %add3A_911 : vector<16xi1>, vector<16xi32>
    %max3A_919 = arith.maxsi %max3A_887, %select_n3A_918 : vector<16xi32>
    %jit3A_920 = arith.constant 1073741824 : i32
    %broadcast_in_dim3A_921 = vector.broadcast %jit3A_920 : i32 to vector<16xi32>
    %select_n3A_922 = arith.select %ge3A_913, %add3A_911, %broadcast_in_dim3A_921 : vector<16xi1>, vector<16xi32>
    %min3A_923 = arith.minsi %min3A_891, %select_n3A_922 : vector<16xi32>
    %reduce_max3A_924 = arith.constant true
    %reduce_max3A_925 = vector.broadcast %reduce_max3A_924 : i1 to vector<16xi1>
    %reduce_max3A_926 = arith.constant -2147483648 : i32
    %reduce_max3A_927 = vector.broadcast %reduce_max3A_926 : i32 to vector<16xi32>
    %reduce_max3A_928 = arith.xori %add3A_911, %reduce_max3A_927 : vector<16xi32>
    %reduce_max3A_929 = tpu.scan <max>, %reduce_max3A_928 masked %reduce_max3A_925 : vector<16xi32>, vector<16xi1> -> vector<16xi32>
    %reduce_max3A_930 = arith.xori %reduce_max3A_929, %reduce_max3A_927 : vector<16xi32>
    %reduce_max3A_931 = vector.extract %reduce_max3A_930[15] : i32 from vector<16xi32>
    %get3A_932 = arith.constant 96 : index
    %get3A_933 = tpu.vector_load %arg6[%get3A_932] {strides = array<i32>} : memref<256xi32, #tpu.memory_space<vmem>>, vector<16xi32>,
    %rev3A_934 = arith.constant 15 : i32
    %rev3A_935 = vector.broadcast %rev3A_934 : i32 to vector<16xi32>
    %rev3A_936 = tpu.iota {dimensions = array<i32: 0>} : vector<16xi32>
    %rev3A_937 = arith.subi %rev3A_935, %rev3A_936 : vector<16xi32>
    %rev3A_938 = tpu.dynamic_gather %get3A_933[%rev3A_937] in [0] : vector<16xi32>, vector<16xi32> -> vector<16xi32>
    %broadcast_in_dim3A_939 = arith.constant true
    %broadcast_in_dim3A_940 = vector.broadcast %broadcast_in_dim3A_939 : i1 to vector<16xi1>
    %masked_cumsum3A_941 = tpu.scan <sum>, %rev3A_938 masked %broadcast_in_dim3A_940 : vector<16xi32>, vector<16xi1> -> vector<16xi32>
    %add3A_942 = vector.broadcast %reduce_max3A_931 : i32 to vector<16xi32>
    %add3A_943 = arith.addi %masked_cumsum3A_941, %add3A_942 : vector<16xi32>
    %ge3A_944 = vector.broadcast %sub3A_588 : i32 to vector<16xi32>
    %ge3A_945 = arith.cmpi sge, %add3A_943, %ge3A_944 : vector<16xi32>
    %convert_element_type3A_946 = arith.extui %ge3A_945 : vector<16xi1> to vector<16xi32>
    %add3A_947 = arith.addi %add3A_915, %convert_element_type3A_946 : vector<16xi32>
    %jit3A_948 = arith.constant 0 : i32
    %broadcast_in_dim3A_949 = vector.broadcast %jit3A_948 : i32 to vector<16xi32>
    %select_n3A_950 = arith.select %ge3A_945, %broadcast_in_dim3A_949, %add3A_943 : vector<16xi1>, vector<16xi32>
    %max3A_951 = arith.maxsi %max3A_919, %select_n3A_950 : vector<16xi32>
    %jit3A_952 = arith.constant 1073741824 : i32
    %broadcast_in_dim3A_953 = vector.broadcast %jit3A_952 : i32 to vector<16xi32>
    %select_n3A_954 = arith.select %ge3A_945, %add3A_943, %broadcast_in_dim3A_953 : vector<16xi1>, vector<16xi32>
    %min3A_955 = arith.minsi %min3A_923, %select_n3A_954 : vector<16xi32>
    %reduce_max3A_956 = arith.constant true
    %reduce_max3A_957 = vector.broadcast %reduce_max3A_956 : i1 to vector<16xi1>
    %reduce_max3A_958 = arith.constant -2147483648 : i32
    %reduce_max3A_959 = vector.broadcast %reduce_max3A_958 : i32 to vector<16xi32>
    %reduce_max3A_960 = arith.xori %add3A_943, %reduce_max3A_959 : vector<16xi32>
    %reduce_max3A_961 = tpu.scan <max>, %reduce_max3A_960 masked %reduce_max3A_957 : vector<16xi32>, vector<16xi1> -> vector<16xi32>
    %reduce_max3A_962 = arith.xori %reduce_max3A_961, %reduce_max3A_959 : vector<16xi32>
    %reduce_max3A_963 = vector.extract %reduce_max3A_962[15] : i32 from vector<16xi32>
    %get3A_964 = arith.constant 80 : index
    %get3A_965 = tpu.vector_load %arg6[%get3A_964] {strides = array<i32>} : memref<256xi32, #tpu.memory_space<vmem>>, vector<16xi32>,
    %rev3A_966 = arith.constant 15 : i32
    %rev3A_967 = vector.broadcast %rev3A_966 : i32 to vector<16xi32>
    %rev3A_968 = tpu.iota {dimensions = array<i32: 0>} : vector<16xi32>
    %rev3A_969 = arith.subi %rev3A_967, %rev3A_968 : vector<16xi32>
    %rev3A_970 = tpu.dynamic_gather %get3A_965[%rev3A_969] in [0] : vector<16xi32>, vector<16xi32> -> vector<16xi32>
    %broadcast_in_dim3A_971 = arith.constant true
    %broadcast_in_dim3A_972 = vector.broadcast %broadcast_in_dim3A_971 : i1 to vector<16xi1>
    %masked_cumsum3A_973 = tpu.scan <sum>, %rev3A_970 masked %broadcast_in_dim3A_972 : vector<16xi32>, vector<16xi1> -> vector<16xi32>
    %add3A_974 = vector.broadcast %reduce_max3A_963 : i32 to vector<16xi32>
    %add3A_975 = arith.addi %masked_cumsum3A_973, %add3A_974 : vector<16xi32>
    %ge3A_976 = vector.broadcast %sub3A_588 : i32 to vector<16xi32>
    %ge3A_977 = arith.cmpi sge, %add3A_975, %ge3A_976 : vector<16xi32>
    %convert_element_type3A_978 = arith.extui %ge3A_977 : vector<16xi1> to vector<16xi32>
    %add3A_979 = arith.addi %add3A_947, %convert_element_type3A_978 : vector<16xi32>
    %jit3A_980 = arith.constant 0 : i32
    %broadcast_in_dim3A_981 = vector.broadcast %jit3A_980 : i32 to vector<16xi32>
    %select_n3A_982 = arith.select %ge3A_977, %broadcast_in_dim3A_981, %add3A_975 : vector<16xi1>, vector<16xi32>
    %max3A_983 = arith.maxsi %max3A_951, %select_n3A_982 : vector<16xi32>
    %jit3A_984 = arith.constant 1073741824 : i32
    %broadcast_in_dim3A_985 = vector.broadcast %jit3A_984 : i32 to vector<16xi32>
    %select_n3A_986 = arith.select %ge3A_977, %add3A_975, %broadcast_in_dim3A_985 : vector<16xi1>, vector<16xi32>
    %min3A_987 = arith.minsi %min3A_955, %select_n3A_986 : vector<16xi32>
    %reduce_max3A_988 = arith.constant true
    %reduce_max3A_989 = vector.broadcast %reduce_max3A_988 : i1 to vector<16xi1>
    %reduce_max3A_990 = arith.constant -2147483648 : i32
    %reduce_max3A_991 = vector.broadcast %reduce_max3A_990 : i32 to vector<16xi32>
    %reduce_max3A_992 = arith.xori %add3A_975, %reduce_max3A_991 : vector<16xi32>
    %reduce_max3A_993 = tpu.scan <max>, %reduce_max3A_992 masked %reduce_max3A_989 : vector<16xi32>, vector<16xi1> -> vector<16xi32>
    %reduce_max3A_994 = arith.xori %reduce_max3A_993, %reduce_max3A_991 : vector<16xi32>
    %reduce_max3A_995 = vector.extract %reduce_max3A_994[15] : i32 from vector<16xi32>
    %get3A_996 = arith.constant 64 : index
    %get3A_997 = tpu.vector_load %arg6[%get3A_996] {strides = array<i32>} : memref<256xi32, #tpu.memory_space<vmem>>, vector<16xi32>,
    %rev3A_998 = arith.constant 15 : i32
    %rev3A_999 = vector.broadcast %rev3A_998 : i32 to vector<16xi32>
    %rev3A_1000 = tpu.iota {dimensions = array<i32: 0>} : vector<16xi32>
    %rev3A_1001 = arith.subi %rev3A_999, %rev3A_1000 : vector<16xi32>
    %rev3A_1002 = tpu.dynamic_gather %get3A_997[%rev3A_1001] in [0] : vector<16xi32>, vector<16xi32> -> vector<16xi32>
    %broadcast_in_dim3A_1003 = arith.constant true
    %broadcast_in_dim3A_1004 = vector.broadcast %broadcast_in_dim3A_1003 : i1 to vector<16xi1>
    %masked_cumsum3A_1005 = tpu.scan <sum>, %rev3A_1002 masked %broadcast_in_dim3A_1004 : vector<16xi32>, vector<16xi1> -> vector<16xi32>
    %add3A_1006 = vector.broadcast %reduce_max3A_995 : i32 to vector<16xi32>
    %add3A_1007 = arith.addi %masked_cumsum3A_1005, %add3A_1006 : vector<16xi32>
    %ge3A_1008 = vector.broadcast %sub3A_588 : i32 to vector<16xi32>
    %ge3A_1009 = arith.cmpi sge, %add3A_1007, %ge3A_1008 : vector<16xi32>
    %convert_element_type3A_1010 = arith.extui %ge3A_1009 : vector<16xi1> to vector<16xi32>
    %add3A_1011 = arith.addi %add3A_979, %convert_element_type3A_1010 : vector<16xi32>
    %jit3A_1012 = arith.constant 0 : i32
    %broadcast_in_dim3A_1013 = vector.broadcast %jit3A_1012 : i32 to vector<16xi32>
    %select_n3A_1014 = arith.select %ge3A_1009, %broadcast_in_dim3A_1013, %add3A_1007 : vector<16xi1>, vector<16xi32>
    %max3A_1015 = arith.maxsi %max3A_983, %select_n3A_1014 : vector<16xi32>
    %jit3A_1016 = arith.constant 1073741824 : i32
    %broadcast_in_dim3A_1017 = vector.broadcast %jit3A_1016 : i32 to vector<16xi32>
    %select_n3A_1018 = arith.select %ge3A_1009, %add3A_1007, %broadcast_in_dim3A_1017 : vector<16xi1>, vector<16xi32>
    %min3A_1019 = arith.minsi %min3A_987, %select_n3A_1018 : vector<16xi32>
    %reduce_max3A_1020 = arith.constant true
    %reduce_max3A_1021 = vector.broadcast %reduce_max3A_1020 : i1 to vector<16xi1>
    %reduce_max3A_1022 = arith.constant -2147483648 : i32
    %reduce_max3A_1023 = vector.broadcast %reduce_max3A_1022 : i32 to vector<16xi32>
    %reduce_max3A_1024 = arith.xori %add3A_1007, %reduce_max3A_1023 : vector<16xi32>
    %reduce_max3A_1025 = tpu.scan <max>, %reduce_max3A_1024 masked %reduce_max3A_1021 : vector<16xi32>, vector<16xi1> -> vector<16xi32>
    %reduce_max3A_1026 = arith.xori %reduce_max3A_1025, %reduce_max3A_1023 : vector<16xi32>
    %reduce_max3A_1027 = vector.extract %reduce_max3A_1026[15] : i32 from vector<16xi32>
    %get3A_1028 = arith.constant 48 : index
    %get3A_1029 = tpu.vector_load %arg6[%get3A_1028] {strides = array<i32>} : memref<256xi32, #tpu.memory_space<vmem>>, vector<16xi32>,
    %rev3A_1030 = arith.constant 15 : i32
    %rev3A_1031 = vector.broadcast %rev3A_1030 : i32 to vector<16xi32>
    %rev3A_1032 = tpu.iota {dimensions = array<i32: 0>} : vector<16xi32>
    %rev3A_1033 = arith.subi %rev3A_1031, %rev3A_1032 : vector<16xi32>
    %rev3A_1034 = tpu.dynamic_gather %get3A_1029[%rev3A_1033] in [0] : vector<16xi32>, vector<16xi32> -> vector<16xi32>
    %broadcast_in_dim3A_1035 = arith.constant true
    %broadcast_in_dim3A_1036 = vector.broadcast %broadcast_in_dim3A_1035 : i1 to vector<16xi1>
    %masked_cumsum3A_1037 = tpu.scan <sum>, %rev3A_1034 masked %broadcast_in_dim3A_1036 : vector<16xi32>, vector<16xi1> -> vector<16xi32>
    %add3A_1038 = vector.broadcast %reduce_max3A_1027 : i32 to vector<16xi32>
    %add3A_1039 = arith.addi %masked_cumsum3A_1037, %add3A_1038 : vector<16xi32>
    %ge3A_1040 = vector.broadcast %sub3A_588 : i32 to vector<16xi32>
    %ge3A_1041 = arith.cmpi sge, %add3A_1039, %ge3A_1040 : vector<16xi32>
    %convert_element_type3A_1042 = arith.extui %ge3A_1041 : vector<16xi1> to vector<16xi32>
    %add3A_1043 = arith.addi %add3A_1011, %convert_element_type3A_1042 : vector<16xi32>
    %jit3A_1044 = arith.constant 0 : i32
    %broadcast_in_dim3A_1045 = vector.broadcast %jit3A_1044 : i32 to vector<16xi32>
    %select_n3A_1046 = arith.select %ge3A_1041, %broadcast_in_dim3A_1045, %add3A_1039 : vector<16xi1>, vector<16xi32>
    %max3A_1047 = arith.maxsi %max3A_1015, %select_n3A_1046 : vector<16xi32>
    %jit3A_1048 = arith.constant 1073741824 : i32
    %broadcast_in_dim3A_1049 = vector.broadcast %jit3A_1048 : i32 to vector<16xi32>
    %select_n3A_1050 = arith.select %ge3A_1041, %add3A_1039, %broadcast_in_dim3A_1049 : vector<16xi1>, vector<16xi32>
    %min3A_1051 = arith.minsi %min3A_1019, %select_n3A_1050 : vector<16xi32>
    %reduce_max3A_1052 = arith.constant true
    %reduce_max3A_1053 = vector.broadcast %reduce_max3A_1052 : i1 to vector<16xi1>
    %reduce_max3A_1054 = arith.constant -2147483648 : i32
    %reduce_max3A_1055 = vector.broadcast %reduce_max3A_1054 : i32 to vector<16xi32>
    %reduce_max3A_1056 = arith.xori %add3A_1039, %reduce_max3A_1055 : vector<16xi32>
    %reduce_max3A_1057 = tpu.scan <max>, %reduce_max3A_1056 masked %reduce_max3A_1053 : vector<16xi32>, vector<16xi1> -> vector<16xi32>
    %reduce_max3A_1058 = arith.xori %reduce_max3A_1057, %reduce_max3A_1055 : vector<16xi32>
    %reduce_max3A_1059 = vector.extract %reduce_max3A_1058[15] : i32 from vector<16xi32>
    %get3A_1060 = arith.constant 32 : index
    %get3A_1061 = tpu.vector_load %arg6[%get3A_1060] {strides = array<i32>} : memref<256xi32, #tpu.memory_space<vmem>>, vector<16xi32>,
    %rev3A_1062 = arith.constant 15 : i32
    %rev3A_1063 = vector.broadcast %rev3A_1062 : i32 to vector<16xi32>
    %rev3A_1064 = tpu.iota {dimensions = array<i32: 0>} : vector<16xi32>
    %rev3A_1065 = arith.subi %rev3A_1063, %rev3A_1064 : vector<16xi32>
    %rev3A_1066 = tpu.dynamic_gather %get3A_1061[%rev3A_1065] in [0] : vector<16xi32>, vector<16xi32> -> vector<16xi32>
    %broadcast_in_dim3A_1067 = arith.constant true
    %broadcast_in_dim3A_1068 = vector.broadcast %broadcast_in_dim3A_1067 : i1 to vector<16xi1>
    %masked_cumsum3A_1069 = tpu.scan <sum>, %rev3A_1066 masked %broadcast_in_dim3A_1068 : vector<16xi32>, vector<16xi1> -> vector<16xi32>
    %add3A_1070 = vector.broadcast %reduce_max3A_1059 : i32 to vector<16xi32>
    %add3A_1071 = arith.addi %masked_cumsum3A_1069, %add3A_1070 : vector<16xi32>
    %ge3A_1072 = vector.broadcast %sub3A_588 : i32 to vector<16xi32>
    %ge3A_1073 = arith.cmpi sge, %add3A_1071, %ge3A_1072 : vector<16xi32>
    %convert_element_type3A_1074 = arith.extui %ge3A_1073 : vector<16xi1> to vector<16xi32>
    %add3A_1075 = arith.addi %add3A_1043, %convert_element_type3A_1074 : vector<16xi32>
    %jit3A_1076 = arith.constant 0 : i32
    %broadcast_in_dim3A_1077 = vector.broadcast %jit3A_1076 : i32 to vector<16xi32>
    %select_n3A_1078 = arith.select %ge3A_1073, %broadcast_in_dim3A_1077, %add3A_1071 : vector<16xi1>, vector<16xi32>
    %max3A_1079 = arith.maxsi %max3A_1047, %select_n3A_1078 : vector<16xi32>
    %jit3A_1080 = arith.constant 1073741824 : i32
    %broadcast_in_dim3A_1081 = vector.broadcast %jit3A_1080 : i32 to vector<16xi32>
    %select_n3A_1082 = arith.select %ge3A_1073, %add3A_1071, %broadcast_in_dim3A_1081 : vector<16xi1>, vector<16xi32>
    %min3A_1083 = arith.minsi %min3A_1051, %select_n3A_1082 : vector<16xi32>
    %reduce_max3A_1084 = arith.constant true
    %reduce_max3A_1085 = vector.broadcast %reduce_max3A_1084 : i1 to vector<16xi1>
    %reduce_max3A_1086 = arith.constant -2147483648 : i32
    %reduce_max3A_1087 = vector.broadcast %reduce_max3A_1086 : i32 to vector<16xi32>
    %reduce_max3A_1088 = arith.xori %add3A_1071, %reduce_max3A_1087 : vector<16xi32>
    %reduce_max3A_1089 = tpu.scan <max>, %reduce_max3A_1088 masked %reduce_max3A_1085 : vector<16xi32>, vector<16xi1> -> vector<16xi32>
    %reduce_max3A_1090 = arith.xori %reduce_max3A_1089, %reduce_max3A_1087 : vector<16xi32>
    %reduce_max3A_1091 = vector.extract %reduce_max3A_1090[15] : i32 from vector<16xi32>
    %get3A_1092 = arith.constant 16 : index
    %get3A_1093 = tpu.vector_load %arg6[%get3A_1092] {strides = array<i32>} : memref<256xi32, #tpu.memory_space<vmem>>, vector<16xi32>,
    %rev3A_1094 = arith.constant 15 : i32
    %rev3A_1095 = vector.broadcast %rev3A_1094 : i32 to vector<16xi32>
    %rev3A_1096 = tpu.iota {dimensions = array<i32: 0>} : vector<16xi32>
    %rev3A_1097 = arith.subi %rev3A_1095, %rev3A_1096 : vector<16xi32>
    %rev3A_1098 = tpu.dynamic_gather %get3A_1093[%rev3A_1097] in [0] : vector<16xi32>, vector<16xi32> -> vector<16xi32>
    %broadcast_in_dim3A_1099 = arith.constant true
    %broadcast_in_dim3A_1100 = vector.broadcast %broadcast_in_dim3A_1099 : i1 to vector<16xi1>
    %masked_cumsum3A_1101 = tpu.scan <sum>, %rev3A_1098 masked %broadcast_in_dim3A_1100 : vector<16xi32>, vector<16xi1> -> vector<16xi32>
    %add3A_1102 = vector.broadcast %reduce_max3A_1091 : i32 to vector<16xi32>
    %add3A_1103 = arith.addi %masked_cumsum3A_1101, %add3A_1102 : vector<16xi32>
    %ge3A_1104 = vector.broadcast %sub3A_588 : i32 to vector<16xi32>
    %ge3A_1105 = arith.cmpi sge, %add3A_1103, %ge3A_1104 : vector<16xi32>
    %convert_element_type3A_1106 = arith.extui %ge3A_1105 : vector<16xi1> to vector<16xi32>
    %add3A_1107 = arith.addi %add3A_1075, %convert_element_type3A_1106 : vector<16xi32>
    %jit3A_1108 = arith.constant 0 : i32
    %broadcast_in_dim3A_1109 = vector.broadcast %jit3A_1108 : i32 to vector<16xi32>
    %select_n3A_1110 = arith.select %ge3A_1105, %broadcast_in_dim3A_1109, %add3A_1103 : vector<16xi1>, vector<16xi32>
    %max3A_1111 = arith.maxsi %max3A_1079, %select_n3A_1110 : vector<16xi32>
    %jit3A_1112 = arith.constant 1073741824 : i32
    %broadcast_in_dim3A_1113 = vector.broadcast %jit3A_1112 : i32 to vector<16xi32>
    %select_n3A_1114 = arith.select %ge3A_1105, %add3A_1103, %broadcast_in_dim3A_1113 : vector<16xi1>, vector<16xi32>
    %min3A_1115 = arith.minsi %min3A_1083, %select_n3A_1114 : vector<16xi32>
    %reduce_max3A_1116 = arith.constant true
    %reduce_max3A_1117 = vector.broadcast %reduce_max3A_1116 : i1 to vector<16xi1>
    %reduce_max3A_1118 = arith.constant -2147483648 : i32
    %reduce_max3A_1119 = vector.broadcast %reduce_max3A_1118 : i32 to vector<16xi32>
    %reduce_max3A_1120 = arith.xori %add3A_1103, %reduce_max3A_1119 : vector<16xi32>
    %reduce_max3A_1121 = tpu.scan <max>, %reduce_max3A_1120 masked %reduce_max3A_1117 : vector<16xi32>, vector<16xi1> -> vector<16xi32>
    %reduce_max3A_1122 = arith.xori %reduce_max3A_1121, %reduce_max3A_1119 : vector<16xi32>
    %reduce_max3A_1123 = vector.extract %reduce_max3A_1122[15] : i32 from vector<16xi32>
    %get3A_1124 = arith.constant 0 : index
    %get3A_1125 = tpu.vector_load %arg6[%get3A_1124] {strides = array<i32>} : memref<256xi32, #tpu.memory_space<vmem>>, vector<16xi32>,
    %rev3A_1126 = arith.constant 15 : i32
    %rev3A_1127 = vector.broadcast %rev3A_1126 : i32 to vector<16xi32>
    %rev3A_1128 = tpu.iota {dimensions = array<i32: 0>} : vector<16xi32>
    %rev3A_1129 = arith.subi %rev3A_1127, %rev3A_1128 : vector<16xi32>
    %rev3A_1130 = tpu.dynamic_gather %get3A_1125[%rev3A_1129] in [0] : vector<16xi32>, vector<16xi32> -> vector<16xi32>
    %broadcast_in_dim3A_1131 = arith.constant true
    %broadcast_in_dim3A_1132 = vector.broadcast %broadcast_in_dim3A_1131 : i1 to vector<16xi1>
    %masked_cumsum3A_1133 = tpu.scan <sum>, %rev3A_1130 masked %broadcast_in_dim3A_1132 : vector<16xi32>, vector<16xi1> -> vector<16xi32>
    %add3A_1134 = vector.broadcast %reduce_max3A_1123 : i32 to vector<16xi32>
    %add3A_1135 = arith.addi %masked_cumsum3A_1133, %add3A_1134 : vector<16xi32>
    %ge3A_1136 = vector.broadcast %sub3A_588 : i32 to vector<16xi32>
    %ge3A_1137 = arith.cmpi sge, %add3A_1135, %ge3A_1136 : vector<16xi32>
    %convert_element_type3A_1138 = arith.extui %ge3A_1137 : vector<16xi1> to vector<16xi32>
    %add3A_1139 = arith.addi %add3A_1107, %convert_element_type3A_1138 : vector<16xi32>
    %jit3A_1140 = arith.constant 0 : i32
    %broadcast_in_dim3A_1141 = vector.broadcast %jit3A_1140 : i32 to vector<16xi32>
    %select_n3A_1142 = arith.select %ge3A_1137, %broadcast_in_dim3A_1141, %add3A_1135 : vector<16xi1>, vector<16xi32>
    %max3A_1143 = arith.maxsi %max3A_1111, %select_n3A_1142 : vector<16xi32>
    %jit3A_1144 = arith.constant 1073741824 : i32
    %broadcast_in_dim3A_1145 = vector.broadcast %jit3A_1144 : i32 to vector<16xi32>
    %select_n3A_1146 = arith.select %ge3A_1137, %add3A_1135, %broadcast_in_dim3A_1145 : vector<16xi1>, vector<16xi32>
    %min3A_1147 = arith.minsi %min3A_1115, %select_n3A_1146 : vector<16xi32>
    %reduce_max3A_1148 = arith.constant true
    %reduce_max3A_1149 = vector.broadcast %reduce_max3A_1148 : i1 to vector<16xi1>
    %reduce_max3A_1150 = arith.constant -2147483648 : i32
    %reduce_max3A_1151 = vector.broadcast %reduce_max3A_1150 : i32 to vector<16xi32>
    %reduce_max3A_1152 = arith.xori %add3A_1135, %reduce_max3A_1151 : vector<16xi32>
    %reduce_max3A_1153 = tpu.scan <max>, %reduce_max3A_1152 masked %reduce_max3A_1149 : vector<16xi32>, vector<16xi1> -> vector<16xi32>
    %reduce_max3A_1154 = arith.xori %reduce_max3A_1153, %reduce_max3A_1151 : vector<16xi32>
    %reduce_max3A_1155 = vector.extract %reduce_max3A_1154[15] : i32 from vector<16xi32>
    %reduce_sum3A_1156 = arith.constant true
    %reduce_sum3A_1157 = vector.broadcast %reduce_sum3A_1156 : i1 to vector<16xi1>
    %reduce_sum3A_1158 = tpu.scan <sum>, %add3A_1139 masked %reduce_sum3A_1157 : vector<16xi32>, vector<16xi1> -> vector<16xi32>
    %reduce_sum3A_1159 = vector.extract %reduce_sum3A_1158[15] : i32 from vector<16xi32>
    %sub3A_1160 = arith.constant 1 : i32
    %sub3A_1161 = arith.subi %reduce_sum3A_1159, %sub3A_1160 : i32
    %reduce_max3A_1162 = arith.constant true
    %reduce_max3A_1163 = vector.broadcast %reduce_max3A_1162 : i1 to vector<16xi1>
    %reduce_max3A_1164 = arith.constant -2147483648 : i32
    %reduce_max3A_1165 = vector.broadcast %reduce_max3A_1164 : i32 to vector<16xi32>
    %reduce_max3A_1166 = arith.xori %max3A_1143, %reduce_max3A_1165 : vector<16xi32>
    %reduce_max3A_1167 = tpu.scan <max>, %reduce_max3A_1166 masked %reduce_max3A_1163 : vector<16xi32>, vector<16xi1> -> vector<16xi32>
    %reduce_max3A_1168 = arith.xori %reduce_max3A_1167, %reduce_max3A_1165 : vector<16xi32>
    %reduce_max3A_1169 = vector.extract %reduce_max3A_1168[15] : i32 from vector<16xi32>
    %reduce_min3A_1170 = arith.constant true
    %reduce_min3A_1171 = vector.broadcast %reduce_min3A_1170 : i1 to vector<16xi1>
    %reduce_min3A_1172 = arith.constant -2147483648 : i32
    %reduce_min3A_1173 = vector.broadcast %reduce_min3A_1172 : i32 to vector<16xi32>
    %reduce_min3A_1174 = arith.xori %min3A_1147, %reduce_min3A_1173 : vector<16xi32>
    %reduce_min3A_1175 = tpu.scan <min>, %reduce_min3A_1174 masked %reduce_min3A_1171 : vector<16xi32>, vector<16xi1> -> vector<16xi32>
    %reduce_min3A_1176 = arith.xori %reduce_min3A_1175, %reduce_min3A_1173 : vector<16xi32>
    %reduce_min3A_1177 = vector.extract %reduce_min3A_1176[15] : i32 from vector<16xi32>
    %sub3A_1178 = arith.subi %sub3A_588, %reduce_max3A_1169 : i32
    %shift_left3A = arith.constant 8 : i32
    %shift_left3A_1179 = arith.shli %sub3A_571, %shift_left3A : i32
    %or3A = arith.ori %shift_left3A_1179, %sub3A_1161 : i32
    %iota3A = tpu.iota {dimensions = array<i32: 0>} : vector<16xi32>
    %broadcast_in_dim3A_1180 = arith.constant 0 : i32
    %broadcast_in_dim3A_1181 = vector.broadcast %broadcast_in_dim3A_1180 : i32 to vector<16xi32>
    %swap3A_1182 = arith.constant 0 : index
    %swap3A_1183 = tpu.vector_load %arg6[%swap3A_1182] {strides = array<i32>} : memref<256xi32, #tpu.memory_space<vmem>>, vector<16xi32>,
    tpu.vector_store %arg6[%swap3A_1182], %broadcast_in_dim3A_1181 {strides = array<i32>} : memref<256xi32, #tpu.memory_space<vmem>>, vector<16xi32>,
    %swap3A_1184 = arith.constant 16 : index
    %swap3A_1185 = tpu.vector_load %arg6[%swap3A_1184] {strides = array<i32>} : memref<256xi32, #tpu.memory_space<vmem>>, vector<16xi32>,
    tpu.vector_store %arg6[%swap3A_1184], %broadcast_in_dim3A_1181 {strides = array<i32>} : memref<256xi32, #tpu.memory_space<vmem>>, vector<16xi32>,
    %swap3A_1186 = arith.constant 32 : index
    %swap3A_1187 = tpu.vector_load %arg6[%swap3A_1186] {strides = array<i32>} : memref<256xi32, #tpu.memory_space<vmem>>, vector<16xi32>,
    tpu.vector_store %arg6[%swap3A_1186], %broadcast_in_dim3A_1181 {strides = array<i32>} : memref<256xi32, #tpu.memory_space<vmem>>, vector<16xi32>,
    %swap3A_1188 = arith.constant 48 : index
    %swap3A_1189 = tpu.vector_load %arg6[%swap3A_1188] {strides = array<i32>} : memref<256xi32, #tpu.memory_space<vmem>>, vector<16xi32>,
    tpu.vector_store %arg6[%swap3A_1188], %broadcast_in_dim3A_1181 {strides = array<i32>} : memref<256xi32, #tpu.memory_space<vmem>>, vector<16xi32>,
    %swap3A_1190 = arith.constant 64 : index
    %swap3A_1191 = tpu.vector_load %arg6[%swap3A_1190] {strides = array<i32>} : memref<256xi32, #tpu.memory_space<vmem>>, vector<16xi32>,
    tpu.vector_store %arg6[%swap3A_1190], %broadcast_in_dim3A_1181 {strides = array<i32>} : memref<256xi32, #tpu.memory_space<vmem>>, vector<16xi32>,
    %swap3A_1192 = arith.constant 80 : index
    %swap3A_1193 = tpu.vector_load %arg6[%swap3A_1192] {strides = array<i32>} : memref<256xi32, #tpu.memory_space<vmem>>, vector<16xi32>,
    tpu.vector_store %arg6[%swap3A_1192], %broadcast_in_dim3A_1181 {strides = array<i32>} : memref<256xi32, #tpu.memory_space<vmem>>, vector<16xi32>,
    %swap3A_1194 = arith.constant 96 : index
    %swap3A_1195 = tpu.vector_load %arg6[%swap3A_1194] {strides = array<i32>} : memref<256xi32, #tpu.memory_space<vmem>>, vector<16xi32>,
    tpu.vector_store %arg6[%swap3A_1194], %broadcast_in_dim3A_1181 {strides = array<i32>} : memref<256xi32, #tpu.memory_space<vmem>>, vector<16xi32>,
    %swap3A_1196 = arith.constant 112 : index
    %swap3A_1197 = tpu.vector_load %arg6[%swap3A_1196] {strides = array<i32>} : memref<256xi32, #tpu.memory_space<vmem>>, vector<16xi32>,
    tpu.vector_store %arg6[%swap3A_1196], %broadcast_in_dim3A_1181 {strides = array<i32>} : memref<256xi32, #tpu.memory_space<vmem>>, vector<16xi32>,
    %swap3A_1198 = arith.constant 128 : index
    %swap3A_1199 = tpu.vector_load %arg6[%swap3A_1198] {strides = array<i32>} : memref<256xi32, #tpu.memory_space<vmem>>, vector<16xi32>,
    tpu.vector_store %arg6[%swap3A_1198], %broadcast_in_dim3A_1181 {strides = array<i32>} : memref<256xi32, #tpu.memory_space<vmem>>, vector<16xi32>,
    %swap3A_1200 = arith.constant 144 : index
    %swap3A_1201 = tpu.vector_load %arg6[%swap3A_1200] {strides = array<i32>} : memref<256xi32, #tpu.memory_space<vmem>>, vector<16xi32>,
    tpu.vector_store %arg6[%swap3A_1200], %broadcast_in_dim3A_1181 {strides = array<i32>} : memref<256xi32, #tpu.memory_space<vmem>>, vector<16xi32>,
    %swap3A_1202 = arith.constant 160 : index
    %swap3A_1203 = tpu.vector_load %arg6[%swap3A_1202] {strides = array<i32>} : memref<256xi32, #tpu.memory_space<vmem>>, vector<16xi32>,
    tpu.vector_store %arg6[%swap3A_1202], %broadcast_in_dim3A_1181 {strides = array<i32>} : memref<256xi32, #tpu.memory_space<vmem>>, vector<16xi32>,
    %swap3A_1204 = arith.constant 176 : index
    %swap3A_1205 = tpu.vector_load %arg6[%swap3A_1204] {strides = array<i32>} : memref<256xi32, #tpu.memory_space<vmem>>, vector<16xi32>,
    tpu.vector_store %arg6[%swap3A_1204], %broadcast_in_dim3A_1181 {strides = array<i32>} : memref<256xi32, #tpu.memory_space<vmem>>, vector<16xi32>,
    %swap3A_1206 = arith.constant 192 : index
    %swap3A_1207 = tpu.vector_load %arg6[%swap3A_1206] {strides = array<i32>} : memref<256xi32, #tpu.memory_space<vmem>>, vector<16xi32>,
    tpu.vector_store %arg6[%swap3A_1206], %broadcast_in_dim3A_1181 {strides = array<i32>} : memref<256xi32, #tpu.memory_space<vmem>>, vector<16xi32>,
    %swap3A_1208 = arith.constant 208 : index
    %swap3A_1209 = tpu.vector_load %arg6[%swap3A_1208] {strides = array<i32>} : memref<256xi32, #tpu.memory_space<vmem>>, vector<16xi32>,
    tpu.vector_store %arg6[%swap3A_1208], %broadcast_in_dim3A_1181 {strides = array<i32>} : memref<256xi32, #tpu.memory_space<vmem>>, vector<16xi32>,
    %swap3A_1210 = arith.constant 224 : index
    %swap3A_1211 = tpu.vector_load %arg6[%swap3A_1210] {strides = array<i32>} : memref<256xi32, #tpu.memory_space<vmem>>, vector<16xi32>,
    tpu.vector_store %arg6[%swap3A_1210], %broadcast_in_dim3A_1181 {strides = array<i32>} : memref<256xi32, #tpu.memory_space<vmem>>, vector<16xi32>,
    %swap3A_1212 = arith.constant 240 : index
    %swap3A_1213 = tpu.vector_load %arg6[%swap3A_1212] {strides = array<i32>} : memref<256xi32, #tpu.memory_space<vmem>>, vector<16xi32>,
    tpu.vector_store %arg6[%swap3A_1212], %broadcast_in_dim3A_1181 {strides = array<i32>} : memref<256xi32, #tpu.memory_space<vmem>>, vector<16xi32>,
    %add3A_1214 = arith.constant 15 : i32
    %add3A_1215 = arith.addi %reduce_max3A_636, %add3A_1214 : i32
    %jit3A_1216 = arith.constant 16 : i32
    %div3A = arith.divsi %add3A_1215, %jit3A_1216 : i32
    %sign3A = arith.constant 0 : i32
    %sign3A_1217 = arith.cmpi sgt, %add3A_1215, %sign3A : i32
    %sign3A_1218 = arith.extui %sign3A_1217 : i1 to i32
    %sign3A_1219 = arith.constant 0 : i32
    %sign3A_1220 = arith.cmpi slt, %add3A_1215, %sign3A_1219 : i32
    %sign3A_1221 = arith.extui %sign3A_1220 : i1 to i32
    %sign3A_1222 = arith.subi %sign3A_1218, %sign3A_1221 : i32
    %sign3A_1223 = arith.constant 0 : i32
    %sign3A_1224 = arith.cmpi sgt, %jit3A_1216, %sign3A_1223 : i32
    %sign3A_1225 = arith.extui %sign3A_1224 : i1 to i32
    %sign3A_1226 = arith.constant 0 : i32
    %sign3A_1227 = arith.cmpi slt, %jit3A_1216, %sign3A_1226 : i32
    %sign3A_1228 = arith.extui %sign3A_1227 : i1 to i32
    %sign3A_1229 = arith.subi %sign3A_1225, %sign3A_1228 : i32
    %ne3A = arith.cmpi ne, %sign3A_1222, %sign3A_1229 : i32
    %rem3A = arith.remsi %add3A_1215, %jit3A_1216 : i32
    %ne3A_1230 = arith.constant 0 : i32
    %ne3A_1231 = arith.cmpi ne, %rem3A, %ne3A_1230 : i32
    %and3A = arith.andi %ne3A, %ne3A_1231 : i1
    %sub3A_1232 = arith.constant 1 : i32
    %sub3A_1233 = arith.subi %div3A, %sub3A_1232 : i32
    %select_n3A_1234 = arith.select %and3A, %sub3A_1233, %div3A : i32
    %broadcast_in_dim3A_1235 = arith.constant 0 : i32
    %broadcast_in_dim3A_1236 = vector.broadcast %broadcast_in_dim3A_1235 : i32 to vector<16xi32>
    %while3A = arith.constant 0 : i32
    %while3A_1237 = arith.subi %select_n3A_1234, %while3A : i32
    %while3A_1238 = arith.addi %while3A, %while3A_1237 : i32
    %while3A_1239 = arith.constant 1 : i32
    %while3A_1240 = arith.divsi %while3A_1237, %while3A_1239 : i32
    %while3A_1241 = arith.muli %while3A_1240, %while3A_1239 : i32
    %while3A_1242 = arith.addi %while3A, %while3A_1241 : i32
    %while3A_1243 = arith.constant 1 : i32
    %while3A_1244 = scf.for %while3A_2425 = %while3A to %while3A_1242 step %while3A_1243 iter_args(%while3A_2426 = %broadcast_in_dim3A_1236) -> (vector<16xi32>)  : i32 {
      %mul3A_2427 = arith.constant 16 : i32
      %mul3A_2428 = arith.muli %while3A_2425, %mul3A_2427 : i32
      %get3A_2429 = arith.index_cast %mul3A_2428 : i32 to index
      %get3A_2430 = tpu.vector_load %arg7[%get3A_2429] {strides = array<i32>} : memref<8192xi32, #tpu.memory_space<vmem>>, vector<16xi32>,
      %bitcast_convert_type3A = tpu.bitcast %get3A_2430 : vector<16xi32> -> vector<16xi32>
      %add3A_2431 = vector.broadcast %mul3A_2428 : i32 to vector<16xi32>
      %add3A_2432 = arith.addi %iota3A, %add3A_2431 : vector<16xi32>
      %lt3A = vector.broadcast %reduce_max3A_636 : i32 to vector<16xi32>
      %lt3A_2433 = arith.cmpi slt, %add3A_2432, %lt3A : vector<16xi32>
      %shift_right_logical3A = arith.constant 16 : i32
      %shift_right_logical3A_2434 = vector.broadcast %shift_right_logical3A : i32 to vector<16xi32>
      %shift_right_logical3A_2435 = arith.shrui %bitcast_convert_type3A, %shift_right_logical3A_2434 : vector<16xi32>
      %eq3A = vector.broadcast %or3A : i32 to vector<16xi32>
      %eq3A_2436 = arith.cmpi eq, %shift_right_logical3A_2435, %eq3A : vector<16xi32>
      %and3A_2437 = arith.andi %lt3A_2433, %eq3A_2436 : vector<16xi1>
      %shift_right_logical3A_2438 = arith.constant 8 : i32
      %shift_right_logical3A_2439 = vector.broadcast %shift_right_logical3A_2438 : i32 to vector<16xi32>
      %shift_right_logical3A_2440 = arith.shrui %bitcast_convert_type3A, %shift_right_logical3A_2439 : vector<16xi32>
      %and3A_2441 = arith.constant 255 : i32
      %and3A_2442 = vector.broadcast %and3A_2441 : i32 to vector<16xi32>
      %and3A_2443 = arith.andi %shift_right_logical3A_2440, %and3A_2442 : vector<16xi32>
      tpu.vector_store_idx %arg6[%and3A_2443], %broadcast_in_dim3A_7 masked %and3A_2437 {add = true} : memref<256xi32, #tpu.memory_space<vmem>>[vector<16xi32>], vector<16xi32>, vector<16xi1>
      %convert_element_type3A_2444 = arith.extui %and3A_2437 : vector<16xi1> to vector<16xi32>
      %broadcast_in_dim3A_2445 = arith.constant true
      %broadcast_in_dim3A_2446 = vector.broadcast %broadcast_in_dim3A_2445 : i1 to vector<16xi1>
      %masked_cumsum3A_2447 = tpu.scan <sum>, %convert_element_type3A_2444 masked %broadcast_in_dim3A_2446 : vector<16xi32>, vector<16xi1> -> vector<16xi32>
      %add3A_2448 = arith.addi %while3A_2426, %masked_cumsum3A_2447 : vector<16xi32>
      %sub3A_2449 = arith.constant 1 : i32
      %sub3A_2450 = vector.broadcast %sub3A_2449 : i32 to vector<16xi32>
      %sub3A_2451 = arith.subi %add3A_2448, %sub3A_2450 : vector<16xi32>
      %bitcast_convert_type3A_2452 = tpu.bitcast %bitcast_convert_type3A : vector<16xi32> -> vector<16xi32>
      tpu.vector_store_idx %arg8[%sub3A_2451], %bitcast_convert_type3A_2452 masked %and3A_2437 : memref<8192xi32, #tpu.memory_space<vmem>>[vector<16xi32>], vector<16xi32>, vector<16xi1>
      %all_reduce_population_count3A = tpu.all_reduce %and3A_2437 {dim = 0 : i64, kind = #tpu.reduction_kind<sum>} : vector<16xi1> -> vector<16xi32>
      %add3A_2453 = arith.addi %while3A_2426, %all_reduce_population_count3A : vector<16xi32>
      scf.yield %add3A_2453 : vector<16xi32>
    }
    %while3A_1245 = arith.constant 1 : i32
    %while3A_1246 = scf.for %while3A_2425 = %while3A_1242 to %while3A_1238 step %while3A_1245 iter_args(%while3A_2426 = %while3A_1244) -> (vector<16xi32>)  : i32 {
      %mul3A_2427 = arith.constant 16 : i32
      %mul3A_2428 = arith.muli %while3A_2425, %mul3A_2427 : i32
      %get3A_2429 = arith.index_cast %mul3A_2428 : i32 to index
      %get3A_2430 = tpu.vector_load %arg7[%get3A_2429] {strides = array<i32>} : memref<8192xi32, #tpu.memory_space<vmem>>, vector<16xi32>,
      %bitcast_convert_type3A = tpu.bitcast %get3A_2430 : vector<16xi32> -> vector<16xi32>
      %add3A_2431 = vector.broadcast %mul3A_2428 : i32 to vector<16xi32>
      %add3A_2432 = arith.addi %iota3A, %add3A_2431 : vector<16xi32>
      %lt3A = vector.broadcast %reduce_max3A_636 : i32 to vector<16xi32>
      %lt3A_2433 = arith.cmpi slt, %add3A_2432, %lt3A : vector<16xi32>
      %shift_right_logical3A = arith.constant 16 : i32
      %shift_right_logical3A_2434 = vector.broadcast %shift_right_logical3A : i32 to vector<16xi32>
      %shift_right_logical3A_2435 = arith.shrui %bitcast_convert_type3A, %shift_right_logical3A_2434 : vector<16xi32>
      %eq3A = vector.broadcast %or3A : i32 to vector<16xi32>
      %eq3A_2436 = arith.cmpi eq, %shift_right_logical3A_2435, %eq3A : vector<16xi32>
      %and3A_2437 = arith.andi %lt3A_2433, %eq3A_2436 : vector<16xi1>
      %shift_right_logical3A_2438 = arith.constant 8 : i32
      %shift_right_logical3A_2439 = vector.broadcast %shift_right_logical3A_2438 : i32 to vector<16xi32>
      %shift_right_logical3A_2440 = arith.shrui %bitcast_convert_type3A, %shift_right_logical3A_2439 : vector<16xi32>
      %and3A_2441 = arith.constant 255 : i32
      %and3A_2442 = vector.broadcast %and3A_2441 : i32 to vector<16xi32>
      %and3A_2443 = arith.andi %shift_right_logical3A_2440, %and3A_2442 : vector<16xi32>
      tpu.vector_store_idx %arg6[%and3A_2443], %broadcast_in_dim3A_7 masked %and3A_2437 {add = true} : memref<256xi32, #tpu.memory_space<vmem>>[vector<16xi32>], vector<16xi32>, vector<16xi1>
      %convert_element_type3A_2444 = arith.extui %and3A_2437 : vector<16xi1> to vector<16xi32>
      %broadcast_in_dim3A_2445 = arith.constant true
      %broadcast_in_dim3A_2446 = vector.broadcast %broadcast_in_dim3A_2445 : i1 to vector<16xi1>
      %masked_cumsum3A_2447 = tpu.scan <sum>, %convert_element_type3A_2444 masked %broadcast_in_dim3A_2446 : vector<16xi32>, vector<16xi1> -> vector<16xi32>
      %add3A_2448 = arith.addi %while3A_2426, %masked_cumsum3A_2447 : vector<16xi32>
      %sub3A_2449 = arith.constant 1 : i32
      %sub3A_2450 = vector.broadcast %sub3A_2449 : i32 to vector<16xi32>
      %sub3A_2451 = arith.subi %add3A_2448, %sub3A_2450 : vector<16xi32>
      %bitcast_convert_type3A_2452 = tpu.bitcast %bitcast_convert_type3A : vector<16xi32> -> vector<16xi32>
      tpu.vector_store_idx %arg8[%sub3A_2451], %bitcast_convert_type3A_2452 masked %and3A_2437 : memref<8192xi32, #tpu.memory_space<vmem>>[vector<16xi32>], vector<16xi32>, vector<16xi1>
      %all_reduce_population_count3A = tpu.all_reduce %and3A_2437 {dim = 0 : i64, kind = #tpu.reduction_kind<sum>} : vector<16xi1> -> vector<16xi32>
      %add3A_2453 = arith.addi %while3A_2426, %all_reduce_population_count3A : vector<16xi32>
      scf.yield %add3A_2453 : vector<16xi32>
    }
    %reduce_max3A_1247 = arith.constant true
    %reduce_max3A_1248 = vector.broadcast %reduce_max3A_1247 : i1 to vector<16xi1>
    %reduce_max3A_1249 = arith.constant -2147483648 : i32
    %reduce_max3A_1250 = vector.broadcast %reduce_max3A_1249 : i32 to vector<16xi32>
    %reduce_max3A_1251 = arith.xori %while3A_1246, %reduce_max3A_1250 : vector<16xi32>
    %reduce_max3A_1252 = tpu.scan <max>, %reduce_max3A_1251 masked %reduce_max3A_1248 : vector<16xi32>, vector<16xi1> -> vector<16xi32>
    %reduce_max3A_1253 = arith.xori %reduce_max3A_1252, %reduce_max3A_1250 : vector<16xi32>
    %reduce_max3A_1254 = vector.extract %reduce_max3A_1253[15] : i32 from vector<16xi32>
    %broadcast_in_dim3A_1255 = arith.constant 0 : i32
    %broadcast_in_dim3A_1256 = vector.broadcast %broadcast_in_dim3A_1255 : i32 to vector<16xi32>
    %broadcast_in_dim3A_1257 = arith.constant 0 : i32
    %broadcast_in_dim3A_1258 = vector.broadcast %broadcast_in_dim3A_1257 : i32 to vector<16xi32>
    %broadcast_in_dim3A_1259 = arith.constant 1073741824 : i32
    %broadcast_in_dim3A_1260 = vector.broadcast %broadcast_in_dim3A_1259 : i32 to vector<16xi32>
    %get3A_1261 = arith.constant 240 : index
    %get3A_1262 = tpu.vector_load %arg6[%get3A_1261] {strides = array<i32>} : memref<256xi32, #tpu.memory_space<vmem>>, vector<16xi32>,
    %rev3A_1263 = arith.constant 15 : i32
    %rev3A_1264 = vector.broadcast %rev3A_1263 : i32 to vector<16xi32>
    %rev3A_1265 = tpu.iota {dimensions = array<i32: 0>} : vector<16xi32>
    %rev3A_1266 = arith.subi %rev3A_1264, %rev3A_1265 : vector<16xi32>
    %rev3A_1267 = tpu.dynamic_gather %get3A_1262[%rev3A_1266] in [0] : vector<16xi32>, vector<16xi32> -> vector<16xi32>
    %broadcast_in_dim3A_1268 = arith.constant true
    %broadcast_in_dim3A_1269 = vector.broadcast %broadcast_in_dim3A_1268 : i1 to vector<16xi1>
    %masked_cumsum3A_1270 = tpu.scan <sum>, %rev3A_1267 masked %broadcast_in_dim3A_1269 : vector<16xi32>, vector<16xi1> -> vector<16xi32>
    %add3A_1271 = arith.constant 0 : i32
    %add3A_1272 = vector.broadcast %add3A_1271 : i32 to vector<16xi32>
    %add3A_1273 = arith.addi %masked_cumsum3A_1270, %add3A_1272 : vector<16xi32>
    %ge3A_1274 = vector.broadcast %sub3A_1178 : i32 to vector<16xi32>
    %ge3A_1275 = arith.cmpi sge, %add3A_1273, %ge3A_1274 : vector<16xi32>
    %convert_element_type3A_1276 = arith.extui %ge3A_1275 : vector<16xi1> to vector<16xi32>
    %add3A_1277 = arith.addi %broadcast_in_dim3A_1256, %convert_element_type3A_1276 : vector<16xi32>
    %jit3A_1278 = arith.constant 0 : i32
    %broadcast_in_dim3A_1279 = vector.broadcast %jit3A_1278 : i32 to vector<16xi32>
    %select_n3A_1280 = arith.select %ge3A_1275, %broadcast_in_dim3A_1279, %add3A_1273 : vector<16xi1>, vector<16xi32>
    %max3A_1281 = arith.maxsi %broadcast_in_dim3A_1258, %select_n3A_1280 : vector<16xi32>
    %jit3A_1282 = arith.constant 1073741824 : i32
    %broadcast_in_dim3A_1283 = vector.broadcast %jit3A_1282 : i32 to vector<16xi32>
    %select_n3A_1284 = arith.select %ge3A_1275, %add3A_1273, %broadcast_in_dim3A_1283 : vector<16xi1>, vector<16xi32>
    %min3A_1285 = arith.minsi %broadcast_in_dim3A_1260, %select_n3A_1284 : vector<16xi32>
    %reduce_max3A_1286 = arith.constant true
    %reduce_max3A_1287 = vector.broadcast %reduce_max3A_1286 : i1 to vector<16xi1>
    %reduce_max3A_1288 = arith.constant -2147483648 : i32
    %reduce_max3A_1289 = vector.broadcast %reduce_max3A_1288 : i32 to vector<16xi32>
    %reduce_max3A_1290 = arith.xori %add3A_1273, %reduce_max3A_1289 : vector<16xi32>
    %reduce_max3A_1291 = tpu.scan <max>, %reduce_max3A_1290 masked %reduce_max3A_1287 : vector<16xi32>, vector<16xi1> -> vector<16xi32>
    %reduce_max3A_1292 = arith.xori %reduce_max3A_1291, %reduce_max3A_1289 : vector<16xi32>
    %reduce_max3A_1293 = vector.extract %reduce_max3A_1292[15] : i32 from vector<16xi32>
    %get3A_1294 = arith.constant 224 : index
    %get3A_1295 = tpu.vector_load %arg6[%get3A_1294] {strides = array<i32>} : memref<256xi32, #tpu.memory_space<vmem>>, vector<16xi32>,
    %rev3A_1296 = arith.constant 15 : i32
    %rev3A_1297 = vector.broadcast %rev3A_1296 : i32 to vector<16xi32>
    %rev3A_1298 = tpu.iota {dimensions = array<i32: 0>} : vector<16xi32>
    %rev3A_1299 = arith.subi %rev3A_1297, %rev3A_1298 : vector<16xi32>
    %rev3A_1300 = tpu.dynamic_gather %get3A_1295[%rev3A_1299] in [0] : vector<16xi32>, vector<16xi32> -> vector<16xi32>
    %broadcast_in_dim3A_1301 = arith.constant true
    %broadcast_in_dim3A_1302 = vector.broadcast %broadcast_in_dim3A_1301 : i1 to vector<16xi1>
    %masked_cumsum3A_1303 = tpu.scan <sum>, %rev3A_1300 masked %broadcast_in_dim3A_1302 : vector<16xi32>, vector<16xi1> -> vector<16xi32>
    %add3A_1304 = vector.broadcast %reduce_max3A_1293 : i32 to vector<16xi32>
    %add3A_1305 = arith.addi %masked_cumsum3A_1303, %add3A_1304 : vector<16xi32>
    %ge3A_1306 = vector.broadcast %sub3A_1178 : i32 to vector<16xi32>
    %ge3A_1307 = arith.cmpi sge, %add3A_1305, %ge3A_1306 : vector<16xi32>
    %convert_element_type3A_1308 = arith.extui %ge3A_1307 : vector<16xi1> to vector<16xi32>
    %add3A_1309 = arith.addi %add3A_1277, %convert_element_type3A_1308 : vector<16xi32>
    %jit3A_1310 = arith.constant 0 : i32
    %broadcast_in_dim3A_1311 = vector.broadcast %jit3A_1310 : i32 to vector<16xi32>
    %select_n3A_1312 = arith.select %ge3A_1307, %broadcast_in_dim3A_1311, %add3A_1305 : vector<16xi1>, vector<16xi32>
    %max3A_1313 = arith.maxsi %max3A_1281, %select_n3A_1312 : vector<16xi32>
    %jit3A_1314 = arith.constant 1073741824 : i32
    %broadcast_in_dim3A_1315 = vector.broadcast %jit3A_1314 : i32 to vector<16xi32>
    %select_n3A_1316 = arith.select %ge3A_1307, %add3A_1305, %broadcast_in_dim3A_1315 : vector<16xi1>, vector<16xi32>
    %min3A_1317 = arith.minsi %min3A_1285, %select_n3A_1316 : vector<16xi32>
    %reduce_max3A_1318 = arith.constant true
    %reduce_max3A_1319 = vector.broadcast %reduce_max3A_1318 : i1 to vector<16xi1>
    %reduce_max3A_1320 = arith.constant -2147483648 : i32
    %reduce_max3A_1321 = vector.broadcast %reduce_max3A_1320 : i32 to vector<16xi32>
    %reduce_max3A_1322 = arith.xori %add3A_1305, %reduce_max3A_1321 : vector<16xi32>
    %reduce_max3A_1323 = tpu.scan <max>, %reduce_max3A_1322 masked %reduce_max3A_1319 : vector<16xi32>, vector<16xi1> -> vector<16xi32>
    %reduce_max3A_1324 = arith.xori %reduce_max3A_1323, %reduce_max3A_1321 : vector<16xi32>
    %reduce_max3A_1325 = vector.extract %reduce_max3A_1324[15] : i32 from vector<16xi32>
    %get3A_1326 = arith.constant 208 : index
    %get3A_1327 = tpu.vector_load %arg6[%get3A_1326] {strides = array<i32>} : memref<256xi32, #tpu.memory_space<vmem>>, vector<16xi32>,
    %rev3A_1328 = arith.constant 15 : i32
    %rev3A_1329 = vector.broadcast %rev3A_1328 : i32 to vector<16xi32>
    %rev3A_1330 = tpu.iota {dimensions = array<i32: 0>} : vector<16xi32>
    %rev3A_1331 = arith.subi %rev3A_1329, %rev3A_1330 : vector<16xi32>
    %rev3A_1332 = tpu.dynamic_gather %get3A_1327[%rev3A_1331] in [0] : vector<16xi32>, vector<16xi32> -> vector<16xi32>
    %broadcast_in_dim3A_1333 = arith.constant true
    %broadcast_in_dim3A_1334 = vector.broadcast %broadcast_in_dim3A_1333 : i1 to vector<16xi1>
    %masked_cumsum3A_1335 = tpu.scan <sum>, %rev3A_1332 masked %broadcast_in_dim3A_1334 : vector<16xi32>, vector<16xi1> -> vector<16xi32>
    %add3A_1336 = vector.broadcast %reduce_max3A_1325 : i32 to vector<16xi32>
    %add3A_1337 = arith.addi %masked_cumsum3A_1335, %add3A_1336 : vector<16xi32>
    %ge3A_1338 = vector.broadcast %sub3A_1178 : i32 to vector<16xi32>
    %ge3A_1339 = arith.cmpi sge, %add3A_1337, %ge3A_1338 : vector<16xi32>
    %convert_element_type3A_1340 = arith.extui %ge3A_1339 : vector<16xi1> to vector<16xi32>
    %add3A_1341 = arith.addi %add3A_1309, %convert_element_type3A_1340 : vector<16xi32>
    %jit3A_1342 = arith.constant 0 : i32
    %broadcast_in_dim3A_1343 = vector.broadcast %jit3A_1342 : i32 to vector<16xi32>
    %select_n3A_1344 = arith.select %ge3A_1339, %broadcast_in_dim3A_1343, %add3A_1337 : vector<16xi1>, vector<16xi32>
    %max3A_1345 = arith.maxsi %max3A_1313, %select_n3A_1344 : vector<16xi32>
    %jit3A_1346 = arith.constant 1073741824 : i32
    %broadcast_in_dim3A_1347 = vector.broadcast %jit3A_1346 : i32 to vector<16xi32>
    %select_n3A_1348 = arith.select %ge3A_1339, %add3A_1337, %broadcast_in_dim3A_1347 : vector<16xi1>, vector<16xi32>
    %min3A_1349 = arith.minsi %min3A_1317, %select_n3A_1348 : vector<16xi32>
    %reduce_max3A_1350 = arith.constant true
    %reduce_max3A_1351 = vector.broadcast %reduce_max3A_1350 : i1 to vector<16xi1>
    %reduce_max3A_1352 = arith.constant -2147483648 : i32
    %reduce_max3A_1353 = vector.broadcast %reduce_max3A_1352 : i32 to vector<16xi32>
    %reduce_max3A_1354 = arith.xori %add3A_1337, %reduce_max3A_1353 : vector<16xi32>
    %reduce_max3A_1355 = tpu.scan <max>, %reduce_max3A_1354 masked %reduce_max3A_1351 : vector<16xi32>, vector<16xi1> -> vector<16xi32>
    %reduce_max3A_1356 = arith.xori %reduce_max3A_1355, %reduce_max3A_1353 : vector<16xi32>
    %reduce_max3A_1357 = vector.extract %reduce_max3A_1356[15] : i32 from vector<16xi32>
    %get3A_1358 = arith.constant 192 : index
    %get3A_1359 = tpu.vector_load %arg6[%get3A_1358] {strides = array<i32>} : memref<256xi32, #tpu.memory_space<vmem>>, vector<16xi32>,
    %rev3A_1360 = arith.constant 15 : i32
    %rev3A_1361 = vector.broadcast %rev3A_1360 : i32 to vector<16xi32>
    %rev3A_1362 = tpu.iota {dimensions = array<i32: 0>} : vector<16xi32>
    %rev3A_1363 = arith.subi %rev3A_1361, %rev3A_1362 : vector<16xi32>
    %rev3A_1364 = tpu.dynamic_gather %get3A_1359[%rev3A_1363] in [0] : vector<16xi32>, vector<16xi32> -> vector<16xi32>
    %broadcast_in_dim3A_1365 = arith.constant true
    %broadcast_in_dim3A_1366 = vector.broadcast %broadcast_in_dim3A_1365 : i1 to vector<16xi1>
    %masked_cumsum3A_1367 = tpu.scan <sum>, %rev3A_1364 masked %broadcast_in_dim3A_1366 : vector<16xi32>, vector<16xi1> -> vector<16xi32>
    %add3A_1368 = vector.broadcast %reduce_max3A_1357 : i32 to vector<16xi32>
    %add3A_1369 = arith.addi %masked_cumsum3A_1367, %add3A_1368 : vector<16xi32>
    %ge3A_1370 = vector.broadcast %sub3A_1178 : i32 to vector<16xi32>
    %ge3A_1371 = arith.cmpi sge, %add3A_1369, %ge3A_1370 : vector<16xi32>
    %convert_element_type3A_1372 = arith.extui %ge3A_1371 : vector<16xi1> to vector<16xi32>
    %add3A_1373 = arith.addi %add3A_1341, %convert_element_type3A_1372 : vector<16xi32>
    %jit3A_1374 = arith.constant 0 : i32
    %broadcast_in_dim3A_1375 = vector.broadcast %jit3A_1374 : i32 to vector<16xi32>
    %select_n3A_1376 = arith.select %ge3A_1371, %broadcast_in_dim3A_1375, %add3A_1369 : vector<16xi1>, vector<16xi32>
    %max3A_1377 = arith.maxsi %max3A_1345, %select_n3A_1376 : vector<16xi32>
    %jit3A_1378 = arith.constant 1073741824 : i32
    %broadcast_in_dim3A_1379 = vector.broadcast %jit3A_1378 : i32 to vector<16xi32>
    %select_n3A_1380 = arith.select %ge3A_1371, %add3A_1369, %broadcast_in_dim3A_1379 : vector<16xi1>, vector<16xi32>
    %min3A_1381 = arith.minsi %min3A_1349, %select_n3A_1380 : vector<16xi32>
    %reduce_max3A_1382 = arith.constant true
    %reduce_max3A_1383 = vector.broadcast %reduce_max3A_1382 : i1 to vector<16xi1>
    %reduce_max3A_1384 = arith.constant -2147483648 : i32
    %reduce_max3A_1385 = vector.broadcast %reduce_max3A_1384 : i32 to vector<16xi32>
    %reduce_max3A_1386 = arith.xori %add3A_1369, %reduce_max3A_1385 : vector<16xi32>
    %reduce_max3A_1387 = tpu.scan <max>, %reduce_max3A_1386 masked %reduce_max3A_1383 : vector<16xi32>, vector<16xi1> -> vector<16xi32>
    %reduce_max3A_1388 = arith.xori %reduce_max3A_1387, %reduce_max3A_1385 : vector<16xi32>
    %reduce_max3A_1389 = vector.extract %reduce_max3A_1388[15] : i32 from vector<16xi32>
    %get3A_1390 = arith.constant 176 : index
    %get3A_1391 = tpu.vector_load %arg6[%get3A_1390] {strides = array<i32>} : memref<256xi32, #tpu.memory_space<vmem>>, vector<16xi32>,
    %rev3A_1392 = arith.constant 15 : i32
    %rev3A_1393 = vector.broadcast %rev3A_1392 : i32 to vector<16xi32>
    %rev3A_1394 = tpu.iota {dimensions = array<i32: 0>} : vector<16xi32>
    %rev3A_1395 = arith.subi %rev3A_1393, %rev3A_1394 : vector<16xi32>
    %rev3A_1396 = tpu.dynamic_gather %get3A_1391[%rev3A_1395] in [0] : vector<16xi32>, vector<16xi32> -> vector<16xi32>
    %broadcast_in_dim3A_1397 = arith.constant true
    %broadcast_in_dim3A_1398 = vector.broadcast %broadcast_in_dim3A_1397 : i1 to vector<16xi1>
    %masked_cumsum3A_1399 = tpu.scan <sum>, %rev3A_1396 masked %broadcast_in_dim3A_1398 : vector<16xi32>, vector<16xi1> -> vector<16xi32>
    %add3A_1400 = vector.broadcast %reduce_max3A_1389 : i32 to vector<16xi32>
    %add3A_1401 = arith.addi %masked_cumsum3A_1399, %add3A_1400 : vector<16xi32>
    %ge3A_1402 = vector.broadcast %sub3A_1178 : i32 to vector<16xi32>
    %ge3A_1403 = arith.cmpi sge, %add3A_1401, %ge3A_1402 : vector<16xi32>
    %convert_element_type3A_1404 = arith.extui %ge3A_1403 : vector<16xi1> to vector<16xi32>
    %add3A_1405 = arith.addi %add3A_1373, %convert_element_type3A_1404 : vector<16xi32>
    %jit3A_1406 = arith.constant 0 : i32
    %broadcast_in_dim3A_1407 = vector.broadcast %jit3A_1406 : i32 to vector<16xi32>
    %select_n3A_1408 = arith.select %ge3A_1403, %broadcast_in_dim3A_1407, %add3A_1401 : vector<16xi1>, vector<16xi32>
    %max3A_1409 = arith.maxsi %max3A_1377, %select_n3A_1408 : vector<16xi32>
    %jit3A_1410 = arith.constant 1073741824 : i32
    %broadcast_in_dim3A_1411 = vector.broadcast %jit3A_1410 : i32 to vector<16xi32>
    %select_n3A_1412 = arith.select %ge3A_1403, %add3A_1401, %broadcast_in_dim3A_1411 : vector<16xi1>, vector<16xi32>
    %min3A_1413 = arith.minsi %min3A_1381, %select_n3A_1412 : vector<16xi32>
    %reduce_max3A_1414 = arith.constant true
    %reduce_max3A_1415 = vector.broadcast %reduce_max3A_1414 : i1 to vector<16xi1>
    %reduce_max3A_1416 = arith.constant -2147483648 : i32
    %reduce_max3A_1417 = vector.broadcast %reduce_max3A_1416 : i32 to vector<16xi32>
    %reduce_max3A_1418 = arith.xori %add3A_1401, %reduce_max3A_1417 : vector<16xi32>
    %reduce_max3A_1419 = tpu.scan <max>, %reduce_max3A_1418 masked %reduce_max3A_1415 : vector<16xi32>, vector<16xi1> -> vector<16xi32>
    %reduce_max3A_1420 = arith.xori %reduce_max3A_1419, %reduce_max3A_1417 : vector<16xi32>
    %reduce_max3A_1421 = vector.extract %reduce_max3A_1420[15] : i32 from vector<16xi32>
    %get3A_1422 = arith.constant 160 : index
    %get3A_1423 = tpu.vector_load %arg6[%get3A_1422] {strides = array<i32>} : memref<256xi32, #tpu.memory_space<vmem>>, vector<16xi32>,
    %rev3A_1424 = arith.constant 15 : i32
    %rev3A_1425 = vector.broadcast %rev3A_1424 : i32 to vector<16xi32>
    %rev3A_1426 = tpu.iota {dimensions = array<i32: 0>} : vector<16xi32>
    %rev3A_1427 = arith.subi %rev3A_1425, %rev3A_1426 : vector<16xi32>
    %rev3A_1428 = tpu.dynamic_gather %get3A_1423[%rev3A_1427] in [0] : vector<16xi32>, vector<16xi32> -> vector<16xi32>
    %broadcast_in_dim3A_1429 = arith.constant true
    %broadcast_in_dim3A_1430 = vector.broadcast %broadcast_in_dim3A_1429 : i1 to vector<16xi1>
    %masked_cumsum3A_1431 = tpu.scan <sum>, %rev3A_1428 masked %broadcast_in_dim3A_1430 : vector<16xi32>, vector<16xi1> -> vector<16xi32>
    %add3A_1432 = vector.broadcast %reduce_max3A_1421 : i32 to vector<16xi32>
    %add3A_1433 = arith.addi %masked_cumsum3A_1431, %add3A_1432 : vector<16xi32>
    %ge3A_1434 = vector.broadcast %sub3A_1178 : i32 to vector<16xi32>
    %ge3A_1435 = arith.cmpi sge, %add3A_1433, %ge3A_1434 : vector<16xi32>
    %convert_element_type3A_1436 = arith.extui %ge3A_1435 : vector<16xi1> to vector<16xi32>
    %add3A_1437 = arith.addi %add3A_1405, %convert_element_type3A_1436 : vector<16xi32>
    %jit3A_1438 = arith.constant 0 : i32
    %broadcast_in_dim3A_1439 = vector.broadcast %jit3A_1438 : i32 to vector<16xi32>
    %select_n3A_1440 = arith.select %ge3A_1435, %broadcast_in_dim3A_1439, %add3A_1433 : vector<16xi1>, vector<16xi32>
    %max3A_1441 = arith.maxsi %max3A_1409, %select_n3A_1440 : vector<16xi32>
    %jit3A_1442 = arith.constant 1073741824 : i32
    %broadcast_in_dim3A_1443 = vector.broadcast %jit3A_1442 : i32 to vector<16xi32>
    %select_n3A_1444 = arith.select %ge3A_1435, %add3A_1433, %broadcast_in_dim3A_1443 : vector<16xi1>, vector<16xi32>
    %min3A_1445 = arith.minsi %min3A_1413, %select_n3A_1444 : vector<16xi32>
    %reduce_max3A_1446 = arith.constant true
    %reduce_max3A_1447 = vector.broadcast %reduce_max3A_1446 : i1 to vector<16xi1>
    %reduce_max3A_1448 = arith.constant -2147483648 : i32
    %reduce_max3A_1449 = vector.broadcast %reduce_max3A_1448 : i32 to vector<16xi32>
    %reduce_max3A_1450 = arith.xori %add3A_1433, %reduce_max3A_1449 : vector<16xi32>
    %reduce_max3A_1451 = tpu.scan <max>, %reduce_max3A_1450 masked %reduce_max3A_1447 : vector<16xi32>, vector<16xi1> -> vector<16xi32>
    %reduce_max3A_1452 = arith.xori %reduce_max3A_1451, %reduce_max3A_1449 : vector<16xi32>
    %reduce_max3A_1453 = vector.extract %reduce_max3A_1452[15] : i32 from vector<16xi32>
    %get3A_1454 = arith.constant 144 : index
    %get3A_1455 = tpu.vector_load %arg6[%get3A_1454] {strides = array<i32>} : memref<256xi32, #tpu.memory_space<vmem>>, vector<16xi32>,
    %rev3A_1456 = arith.constant 15 : i32
    %rev3A_1457 = vector.broadcast %rev3A_1456 : i32 to vector<16xi32>
    %rev3A_1458 = tpu.iota {dimensions = array<i32: 0>} : vector<16xi32>
    %rev3A_1459 = arith.subi %rev3A_1457, %rev3A_1458 : vector<16xi32>
    %rev3A_1460 = tpu.dynamic_gather %get3A_1455[%rev3A_1459] in [0] : vector<16xi32>, vector<16xi32> -> vector<16xi32>
    %broadcast_in_dim3A_1461 = arith.constant true
    %broadcast_in_dim3A_1462 = vector.broadcast %broadcast_in_dim3A_1461 : i1 to vector<16xi1>
    %masked_cumsum3A_1463 = tpu.scan <sum>, %rev3A_1460 masked %broadcast_in_dim3A_1462 : vector<16xi32>, vector<16xi1> -> vector<16xi32>
    %add3A_1464 = vector.broadcast %reduce_max3A_1453 : i32 to vector<16xi32>
    %add3A_1465 = arith.addi %masked_cumsum3A_1463, %add3A_1464 : vector<16xi32>
    %ge3A_1466 = vector.broadcast %sub3A_1178 : i32 to vector<16xi32>
    %ge3A_1467 = arith.cmpi sge, %add3A_1465, %ge3A_1466 : vector<16xi32>
    %convert_element_type3A_1468 = arith.extui %ge3A_1467 : vector<16xi1> to vector<16xi32>
    %add3A_1469 = arith.addi %add3A_1437, %convert_element_type3A_1468 : vector<16xi32>
    %jit3A_1470 = arith.constant 0 : i32
    %broadcast_in_dim3A_1471 = vector.broadcast %jit3A_1470 : i32 to vector<16xi32>
    %select_n3A_1472 = arith.select %ge3A_1467, %broadcast_in_dim3A_1471, %add3A_1465 : vector<16xi1>, vector<16xi32>
    %max3A_1473 = arith.maxsi %max3A_1441, %select_n3A_1472 : vector<16xi32>
    %jit3A_1474 = arith.constant 1073741824 : i32
    %broadcast_in_dim3A_1475 = vector.broadcast %jit3A_1474 : i32 to vector<16xi32>
    %select_n3A_1476 = arith.select %ge3A_1467, %add3A_1465, %broadcast_in_dim3A_1475 : vector<16xi1>, vector<16xi32>
    %min3A_1477 = arith.minsi %min3A_1445, %select_n3A_1476 : vector<16xi32>
    %reduce_max3A_1478 = arith.constant true
    %reduce_max3A_1479 = vector.broadcast %reduce_max3A_1478 : i1 to vector<16xi1>
    %reduce_max3A_1480 = arith.constant -2147483648 : i32
    %reduce_max3A_1481 = vector.broadcast %reduce_max3A_1480 : i32 to vector<16xi32>
    %reduce_max3A_1482 = arith.xori %add3A_1465, %reduce_max3A_1481 : vector<16xi32>
    %reduce_max3A_1483 = tpu.scan <max>, %reduce_max3A_1482 masked %reduce_max3A_1479 : vector<16xi32>, vector<16xi1> -> vector<16xi32>
    %reduce_max3A_1484 = arith.xori %reduce_max3A_1483, %reduce_max3A_1481 : vector<16xi32>
    %reduce_max3A_1485 = vector.extract %reduce_max3A_1484[15] : i32 from vector<16xi32>
    %get3A_1486 = arith.constant 128 : index
    %get3A_1487 = tpu.vector_load %arg6[%get3A_1486] {strides = array<i32>} : memref<256xi32, #tpu.memory_space<vmem>>, vector<16xi32>,
    %rev3A_1488 = arith.constant 15 : i32
    %rev3A_1489 = vector.broadcast %rev3A_1488 : i32 to vector<16xi32>
    %rev3A_1490 = tpu.iota {dimensions = array<i32: 0>} : vector<16xi32>
    %rev3A_1491 = arith.subi %rev3A_1489, %rev3A_1490 : vector<16xi32>
    %rev3A_1492 = tpu.dynamic_gather %get3A_1487[%rev3A_1491] in [0] : vector<16xi32>, vector<16xi32> -> vector<16xi32>
    %broadcast_in_dim3A_1493 = arith.constant true
    %broadcast_in_dim3A_1494 = vector.broadcast %broadcast_in_dim3A_1493 : i1 to vector<16xi1>
    %masked_cumsum3A_1495 = tpu.scan <sum>, %rev3A_1492 masked %broadcast_in_dim3A_1494 : vector<16xi32>, vector<16xi1> -> vector<16xi32>
    %add3A_1496 = vector.broadcast %reduce_max3A_1485 : i32 to vector<16xi32>
    %add3A_1497 = arith.addi %masked_cumsum3A_1495, %add3A_1496 : vector<16xi32>
    %ge3A_1498 = vector.broadcast %sub3A_1178 : i32 to vector<16xi32>
    %ge3A_1499 = arith.cmpi sge, %add3A_1497, %ge3A_1498 : vector<16xi32>
    %convert_element_type3A_1500 = arith.extui %ge3A_1499 : vector<16xi1> to vector<16xi32>
    %add3A_1501 = arith.addi %add3A_1469, %convert_element_type3A_1500 : vector<16xi32>
    %jit3A_1502 = arith.constant 0 : i32
    %broadcast_in_dim3A_1503 = vector.broadcast %jit3A_1502 : i32 to vector<16xi32>
    %select_n3A_1504 = arith.select %ge3A_1499, %broadcast_in_dim3A_1503, %add3A_1497 : vector<16xi1>, vector<16xi32>
    %max3A_1505 = arith.maxsi %max3A_1473, %select_n3A_1504 : vector<16xi32>
    %jit3A_1506 = arith.constant 1073741824 : i32
    %broadcast_in_dim3A_1507 = vector.broadcast %jit3A_1506 : i32 to vector<16xi32>
    %select_n3A_1508 = arith.select %ge3A_1499, %add3A_1497, %broadcast_in_dim3A_1507 : vector<16xi1>, vector<16xi32>
    %min3A_1509 = arith.minsi %min3A_1477, %select_n3A_1508 : vector<16xi32>
    %reduce_max3A_1510 = arith.constant true
    %reduce_max3A_1511 = vector.broadcast %reduce_max3A_1510 : i1 to vector<16xi1>
    %reduce_max3A_1512 = arith.constant -2147483648 : i32
    %reduce_max3A_1513 = vector.broadcast %reduce_max3A_1512 : i32 to vector<16xi32>
    %reduce_max3A_1514 = arith.xori %add3A_1497, %reduce_max3A_1513 : vector<16xi32>
    %reduce_max3A_1515 = tpu.scan <max>, %reduce_max3A_1514 masked %reduce_max3A_1511 : vector<16xi32>, vector<16xi1> -> vector<16xi32>
    %reduce_max3A_1516 = arith.xori %reduce_max3A_1515, %reduce_max3A_1513 : vector<16xi32>
    %reduce_max3A_1517 = vector.extract %reduce_max3A_1516[15] : i32 from vector<16xi32>
    %get3A_1518 = arith.constant 112 : index
    %get3A_1519 = tpu.vector_load %arg6[%get3A_1518] {strides = array<i32>} : memref<256xi32, #tpu.memory_space<vmem>>, vector<16xi32>,
    %rev3A_1520 = arith.constant 15 : i32
    %rev3A_1521 = vector.broadcast %rev3A_1520 : i32 to vector<16xi32>
    %rev3A_1522 = tpu.iota {dimensions = array<i32: 0>} : vector<16xi32>
    %rev3A_1523 = arith.subi %rev3A_1521, %rev3A_1522 : vector<16xi32>
    %rev3A_1524 = tpu.dynamic_gather %get3A_1519[%rev3A_1523] in [0] : vector<16xi32>, vector<16xi32> -> vector<16xi32>
    %broadcast_in_dim3A_1525 = arith.constant true
    %broadcast_in_dim3A_1526 = vector.broadcast %broadcast_in_dim3A_1525 : i1 to vector<16xi1>
    %masked_cumsum3A_1527 = tpu.scan <sum>, %rev3A_1524 masked %broadcast_in_dim3A_1526 : vector<16xi32>, vector<16xi1> -> vector<16xi32>
    %add3A_1528 = vector.broadcast %reduce_max3A_1517 : i32 to vector<16xi32>
    %add3A_1529 = arith.addi %masked_cumsum3A_1527, %add3A_1528 : vector<16xi32>
    %ge3A_1530 = vector.broadcast %sub3A_1178 : i32 to vector<16xi32>
    %ge3A_1531 = arith.cmpi sge, %add3A_1529, %ge3A_1530 : vector<16xi32>
    %convert_element_type3A_1532 = arith.extui %ge3A_1531 : vector<16xi1> to vector<16xi32>
    %add3A_1533 = arith.addi %add3A_1501, %convert_element_type3A_1532 : vector<16xi32>
    %jit3A_1534 = arith.constant 0 : i32
    %broadcast_in_dim3A_1535 = vector.broadcast %jit3A_1534 : i32 to vector<16xi32>
    %select_n3A_1536 = arith.select %ge3A_1531, %broadcast_in_dim3A_1535, %add3A_1529 : vector<16xi1>, vector<16xi32>
    %max3A_1537 = arith.maxsi %max3A_1505, %select_n3A_1536 : vector<16xi32>
    %jit3A_1538 = arith.constant 1073741824 : i32
    %broadcast_in_dim3A_1539 = vector.broadcast %jit3A_1538 : i32 to vector<16xi32>
    %select_n3A_1540 = arith.select %ge3A_1531, %add3A_1529, %broadcast_in_dim3A_1539 : vector<16xi1>, vector<16xi32>
    %min3A_1541 = arith.minsi %min3A_1509, %select_n3A_1540 : vector<16xi32>
    %reduce_max3A_1542 = arith.constant true
    %reduce_max3A_1543 = vector.broadcast %reduce_max3A_1542 : i1 to vector<16xi1>
    %reduce_max3A_1544 = arith.constant -2147483648 : i32
    %reduce_max3A_1545 = vector.broadcast %reduce_max3A_1544 : i32 to vector<16xi32>
    %reduce_max3A_1546 = arith.xori %add3A_1529, %reduce_max3A_1545 : vector<16xi32>
    %reduce_max3A_1547 = tpu.scan <max>, %reduce_max3A_1546 masked %reduce_max3A_1543 : vector<16xi32>, vector<16xi1> -> vector<16xi32>
    %reduce_max3A_1548 = arith.xori %reduce_max3A_1547, %reduce_max3A_1545 : vector<16xi32>
    %reduce_max3A_1549 = vector.extract %reduce_max3A_1548[15] : i32 from vector<16xi32>
    %get3A_1550 = arith.constant 96 : index
    %get3A_1551 = tpu.vector_load %arg6[%get3A_1550] {strides = array<i32>} : memref<256xi32, #tpu.memory_space<vmem>>, vector<16xi32>,
    %rev3A_1552 = arith.constant 15 : i32
    %rev3A_1553 = vector.broadcast %rev3A_1552 : i32 to vector<16xi32>
    %rev3A_1554 = tpu.iota {dimensions = array<i32: 0>} : vector<16xi32>
    %rev3A_1555 = arith.subi %rev3A_1553, %rev3A_1554 : vector<16xi32>
    %rev3A_1556 = tpu.dynamic_gather %get3A_1551[%rev3A_1555] in [0] : vector<16xi32>, vector<16xi32> -> vector<16xi32>
    %broadcast_in_dim3A_1557 = arith.constant true
    %broadcast_in_dim3A_1558 = vector.broadcast %broadcast_in_dim3A_1557 : i1 to vector<16xi1>
    %masked_cumsum3A_1559 = tpu.scan <sum>, %rev3A_1556 masked %broadcast_in_dim3A_1558 : vector<16xi32>, vector<16xi1> -> vector<16xi32>
    %add3A_1560 = vector.broadcast %reduce_max3A_1549 : i32 to vector<16xi32>
    %add3A_1561 = arith.addi %masked_cumsum3A_1559, %add3A_1560 : vector<16xi32>
    %ge3A_1562 = vector.broadcast %sub3A_1178 : i32 to vector<16xi32>
    %ge3A_1563 = arith.cmpi sge, %add3A_1561, %ge3A_1562 : vector<16xi32>
    %convert_element_type3A_1564 = arith.extui %ge3A_1563 : vector<16xi1> to vector<16xi32>
    %add3A_1565 = arith.addi %add3A_1533, %convert_element_type3A_1564 : vector<16xi32>
    %jit3A_1566 = arith.constant 0 : i32
    %broadcast_in_dim3A_1567 = vector.broadcast %jit3A_1566 : i32 to vector<16xi32>
    %select_n3A_1568 = arith.select %ge3A_1563, %broadcast_in_dim3A_1567, %add3A_1561 : vector<16xi1>, vector<16xi32>
    %max3A_1569 = arith.maxsi %max3A_1537, %select_n3A_1568 : vector<16xi32>
    %jit3A_1570 = arith.constant 1073741824 : i32
    %broadcast_in_dim3A_1571 = vector.broadcast %jit3A_1570 : i32 to vector<16xi32>
    %select_n3A_1572 = arith.select %ge3A_1563, %add3A_1561, %broadcast_in_dim3A_1571 : vector<16xi1>, vector<16xi32>
    %min3A_1573 = arith.minsi %min3A_1541, %select_n3A_1572 : vector<16xi32>
    %reduce_max3A_1574 = arith.constant true
    %reduce_max3A_1575 = vector.broadcast %reduce_max3A_1574 : i1 to vector<16xi1>
    %reduce_max3A_1576 = arith.constant -2147483648 : i32
    %reduce_max3A_1577 = vector.broadcast %reduce_max3A_1576 : i32 to vector<16xi32>
    %reduce_max3A_1578 = arith.xori %add3A_1561, %reduce_max3A_1577 : vector<16xi32>
    %reduce_max3A_1579 = tpu.scan <max>, %reduce_max3A_1578 masked %reduce_max3A_1575 : vector<16xi32>, vector<16xi1> -> vector<16xi32>
    %reduce_max3A_1580 = arith.xori %reduce_max3A_1579, %reduce_max3A_1577 : vector<16xi32>
    %reduce_max3A_1581 = vector.extract %reduce_max3A_1580[15] : i32 from vector<16xi32>
    %get3A_1582 = arith.constant 80 : index
    %get3A_1583 = tpu.vector_load %arg6[%get3A_1582] {strides = array<i32>} : memref<256xi32, #tpu.memory_space<vmem>>, vector<16xi32>,
    %rev3A_1584 = arith.constant 15 : i32
    %rev3A_1585 = vector.broadcast %rev3A_1584 : i32 to vector<16xi32>
    %rev3A_1586 = tpu.iota {dimensions = array<i32: 0>} : vector<16xi32>
    %rev3A_1587 = arith.subi %rev3A_1585, %rev3A_1586 : vector<16xi32>
    %rev3A_1588 = tpu.dynamic_gather %get3A_1583[%rev3A_1587] in [0] : vector<16xi32>, vector<16xi32> -> vector<16xi32>
    %broadcast_in_dim3A_1589 = arith.constant true
    %broadcast_in_dim3A_1590 = vector.broadcast %broadcast_in_dim3A_1589 : i1 to vector<16xi1>
    %masked_cumsum3A_1591 = tpu.scan <sum>, %rev3A_1588 masked %broadcast_in_dim3A_1590 : vector<16xi32>, vector<16xi1> -> vector<16xi32>
    %add3A_1592 = vector.broadcast %reduce_max3A_1581 : i32 to vector<16xi32>
    %add3A_1593 = arith.addi %masked_cumsum3A_1591, %add3A_1592 : vector<16xi32>
    %ge3A_1594 = vector.broadcast %sub3A_1178 : i32 to vector<16xi32>
    %ge3A_1595 = arith.cmpi sge, %add3A_1593, %ge3A_1594 : vector<16xi32>
    %convert_element_type3A_1596 = arith.extui %ge3A_1595 : vector<16xi1> to vector<16xi32>
    %add3A_1597 = arith.addi %add3A_1565, %convert_element_type3A_1596 : vector<16xi32>
    %jit3A_1598 = arith.constant 0 : i32
    %broadcast_in_dim3A_1599 = vector.broadcast %jit3A_1598 : i32 to vector<16xi32>
    %select_n3A_1600 = arith.select %ge3A_1595, %broadcast_in_dim3A_1599, %add3A_1593 : vector<16xi1>, vector<16xi32>
    %max3A_1601 = arith.maxsi %max3A_1569, %select_n3A_1600 : vector<16xi32>
    %jit3A_1602 = arith.constant 1073741824 : i32
    %broadcast_in_dim3A_1603 = vector.broadcast %jit3A_1602 : i32 to vector<16xi32>
    %select_n3A_1604 = arith.select %ge3A_1595, %add3A_1593, %broadcast_in_dim3A_1603 : vector<16xi1>, vector<16xi32>
    %min3A_1605 = arith.minsi %min3A_1573, %select_n3A_1604 : vector<16xi32>
    %reduce_max3A_1606 = arith.constant true
    %reduce_max3A_1607 = vector.broadcast %reduce_max3A_1606 : i1 to vector<16xi1>
    %reduce_max3A_1608 = arith.constant -2147483648 : i32
    %reduce_max3A_1609 = vector.broadcast %reduce_max3A_1608 : i32 to vector<16xi32>
    %reduce_max3A_1610 = arith.xori %add3A_1593, %reduce_max3A_1609 : vector<16xi32>
    %reduce_max3A_1611 = tpu.scan <max>, %reduce_max3A_1610 masked %reduce_max3A_1607 : vector<16xi32>, vector<16xi1> -> vector<16xi32>
    %reduce_max3A_1612 = arith.xori %reduce_max3A_1611, %reduce_max3A_1609 : vector<16xi32>
    %reduce_max3A_1613 = vector.extract %reduce_max3A_1612[15] : i32 from vector<16xi32>
    %get3A_1614 = arith.constant 64 : index
    %get3A_1615 = tpu.vector_load %arg6[%get3A_1614] {strides = array<i32>} : memref<256xi32, #tpu.memory_space<vmem>>, vector<16xi32>,
    %rev3A_1616 = arith.constant 15 : i32
    %rev3A_1617 = vector.broadcast %rev3A_1616 : i32 to vector<16xi32>
    %rev3A_1618 = tpu.iota {dimensions = array<i32: 0>} : vector<16xi32>
    %rev3A_1619 = arith.subi %rev3A_1617, %rev3A_1618 : vector<16xi32>
    %rev3A_1620 = tpu.dynamic_gather %get3A_1615[%rev3A_1619] in [0] : vector<16xi32>, vector<16xi32> -> vector<16xi32>
    %broadcast_in_dim3A_1621 = arith.constant true
    %broadcast_in_dim3A_1622 = vector.broadcast %broadcast_in_dim3A_1621 : i1 to vector<16xi1>
    %masked_cumsum3A_1623 = tpu.scan <sum>, %rev3A_1620 masked %broadcast_in_dim3A_1622 : vector<16xi32>, vector<16xi1> -> vector<16xi32>
    %add3A_1624 = vector.broadcast %reduce_max3A_1613 : i32 to vector<16xi32>
    %add3A_1625 = arith.addi %masked_cumsum3A_1623, %add3A_1624 : vector<16xi32>
    %ge3A_1626 = vector.broadcast %sub3A_1178 : i32 to vector<16xi32>
    %ge3A_1627 = arith.cmpi sge, %add3A_1625, %ge3A_1626 : vector<16xi32>
    %convert_element_type3A_1628 = arith.extui %ge3A_1627 : vector<16xi1> to vector<16xi32>
    %add3A_1629 = arith.addi %add3A_1597, %convert_element_type3A_1628 : vector<16xi32>
    %jit3A_1630 = arith.constant 0 : i32
    %broadcast_in_dim3A_1631 = vector.broadcast %jit3A_1630 : i32 to vector<16xi32>
    %select_n3A_1632 = arith.select %ge3A_1627, %broadcast_in_dim3A_1631, %add3A_1625 : vector<16xi1>, vector<16xi32>
    %max3A_1633 = arith.maxsi %max3A_1601, %select_n3A_1632 : vector<16xi32>
    %jit3A_1634 = arith.constant 1073741824 : i32
    %broadcast_in_dim3A_1635 = vector.broadcast %jit3A_1634 : i32 to vector<16xi32>
    %select_n3A_1636 = arith.select %ge3A_1627, %add3A_1625, %broadcast_in_dim3A_1635 : vector<16xi1>, vector<16xi32>
    %min3A_1637 = arith.minsi %min3A_1605, %select_n3A_1636 : vector<16xi32>
    %reduce_max3A_1638 = arith.constant true
    %reduce_max3A_1639 = vector.broadcast %reduce_max3A_1638 : i1 to vector<16xi1>
    %reduce_max3A_1640 = arith.constant -2147483648 : i32
    %reduce_max3A_1641 = vector.broadcast %reduce_max3A_1640 : i32 to vector<16xi32>
    %reduce_max3A_1642 = arith.xori %add3A_1625, %reduce_max3A_1641 : vector<16xi32>
    %reduce_max3A_1643 = tpu.scan <max>, %reduce_max3A_1642 masked %reduce_max3A_1639 : vector<16xi32>, vector<16xi1> -> vector<16xi32>
    %reduce_max3A_1644 = arith.xori %reduce_max3A_1643, %reduce_max3A_1641 : vector<16xi32>
    %reduce_max3A_1645 = vector.extract %reduce_max3A_1644[15] : i32 from vector<16xi32>
    %get3A_1646 = arith.constant 48 : index
    %get3A_1647 = tpu.vector_load %arg6[%get3A_1646] {strides = array<i32>} : memref<256xi32, #tpu.memory_space<vmem>>, vector<16xi32>,
    %rev3A_1648 = arith.constant 15 : i32
    %rev3A_1649 = vector.broadcast %rev3A_1648 : i32 to vector<16xi32>
    %rev3A_1650 = tpu.iota {dimensions = array<i32: 0>} : vector<16xi32>
    %rev3A_1651 = arith.subi %rev3A_1649, %rev3A_1650 : vector<16xi32>
    %rev3A_1652 = tpu.dynamic_gather %get3A_1647[%rev3A_1651] in [0] : vector<16xi32>, vector<16xi32> -> vector<16xi32>
    %broadcast_in_dim3A_1653 = arith.constant true
    %broadcast_in_dim3A_1654 = vector.broadcast %broadcast_in_dim3A_1653 : i1 to vector<16xi1>
    %masked_cumsum3A_1655 = tpu.scan <sum>, %rev3A_1652 masked %broadcast_in_dim3A_1654 : vector<16xi32>, vector<16xi1> -> vector<16xi32>
    %add3A_1656 = vector.broadcast %reduce_max3A_1645 : i32 to vector<16xi32>
    %add3A_1657 = arith.addi %masked_cumsum3A_1655, %add3A_1656 : vector<16xi32>
    %ge3A_1658 = vector.broadcast %sub3A_1178 : i32 to vector<16xi32>
    %ge3A_1659 = arith.cmpi sge, %add3A_1657, %ge3A_1658 : vector<16xi32>
    %convert_element_type3A_1660 = arith.extui %ge3A_1659 : vector<16xi1> to vector<16xi32>
    %add3A_1661 = arith.addi %add3A_1629, %convert_element_type3A_1660 : vector<16xi32>
    %jit3A_1662 = arith.constant 0 : i32
    %broadcast_in_dim3A_1663 = vector.broadcast %jit3A_1662 : i32 to vector<16xi32>
    %select_n3A_1664 = arith.select %ge3A_1659, %broadcast_in_dim3A_1663, %add3A_1657 : vector<16xi1>, vector<16xi32>
    %max3A_1665 = arith.maxsi %max3A_1633, %select_n3A_1664 : vector<16xi32>
    %jit3A_1666 = arith.constant 1073741824 : i32
    %broadcast_in_dim3A_1667 = vector.broadcast %jit3A_1666 : i32 to vector<16xi32>
    %select_n3A_1668 = arith.select %ge3A_1659, %add3A_1657, %broadcast_in_dim3A_1667 : vector<16xi1>, vector<16xi32>
    %min3A_1669 = arith.minsi %min3A_1637, %select_n3A_1668 : vector<16xi32>
    %reduce_max3A_1670 = arith.constant true
    %reduce_max3A_1671 = vector.broadcast %reduce_max3A_1670 : i1 to vector<16xi1>
    %reduce_max3A_1672 = arith.constant -2147483648 : i32
    %reduce_max3A_1673 = vector.broadcast %reduce_max3A_1672 : i32 to vector<16xi32>
    %reduce_max3A_1674 = arith.xori %add3A_1657, %reduce_max3A_1673 : vector<16xi32>
    %reduce_max3A_1675 = tpu.scan <max>, %reduce_max3A_1674 masked %reduce_max3A_1671 : vector<16xi32>, vector<16xi1> -> vector<16xi32>
    %reduce_max3A_1676 = arith.xori %reduce_max3A_1675, %reduce_max3A_1673 : vector<16xi32>
    %reduce_max3A_1677 = vector.extract %reduce_max3A_1676[15] : i32 from vector<16xi32>
    %get3A_1678 = arith.constant 32 : index
    %get3A_1679 = tpu.vector_load %arg6[%get3A_1678] {strides = array<i32>} : memref<256xi32, #tpu.memory_space<vmem>>, vector<16xi32>,
    %rev3A_1680 = arith.constant 15 : i32
    %rev3A_1681 = vector.broadcast %rev3A_1680 : i32 to vector<16xi32>
    %rev3A_1682 = tpu.iota {dimensions = array<i32: 0>} : vector<16xi32>
    %rev3A_1683 = arith.subi %rev3A_1681, %rev3A_1682 : vector<16xi32>
    %rev3A_1684 = tpu.dynamic_gather %get3A_1679[%rev3A_1683] in [0] : vector<16xi32>, vector<16xi32> -> vector<16xi32>
    %broadcast_in_dim3A_1685 = arith.constant true
    %broadcast_in_dim3A_1686 = vector.broadcast %broadcast_in_dim3A_1685 : i1 to vector<16xi1>
    %masked_cumsum3A_1687 = tpu.scan <sum>, %rev3A_1684 masked %broadcast_in_dim3A_1686 : vector<16xi32>, vector<16xi1> -> vector<16xi32>
    %add3A_1688 = vector.broadcast %reduce_max3A_1677 : i32 to vector<16xi32>
    %add3A_1689 = arith.addi %masked_cumsum3A_1687, %add3A_1688 : vector<16xi32>
    %ge3A_1690 = vector.broadcast %sub3A_1178 : i32 to vector<16xi32>
    %ge3A_1691 = arith.cmpi sge, %add3A_1689, %ge3A_1690 : vector<16xi32>
    %convert_element_type3A_1692 = arith.extui %ge3A_1691 : vector<16xi1> to vector<16xi32>
    %add3A_1693 = arith.addi %add3A_1661, %convert_element_type3A_1692 : vector<16xi32>
    %jit3A_1694 = arith.constant 0 : i32
    %broadcast_in_dim3A_1695 = vector.broadcast %jit3A_1694 : i32 to vector<16xi32>
    %select_n3A_1696 = arith.select %ge3A_1691, %broadcast_in_dim3A_1695, %add3A_1689 : vector<16xi1>, vector<16xi32>
    %max3A_1697 = arith.maxsi %max3A_1665, %select_n3A_1696 : vector<16xi32>
    %jit3A_1698 = arith.constant 1073741824 : i32
    %broadcast_in_dim3A_1699 = vector.broadcast %jit3A_1698 : i32 to vector<16xi32>
    %select_n3A_1700 = arith.select %ge3A_1691, %add3A_1689, %broadcast_in_dim3A_1699 : vector<16xi1>, vector<16xi32>
    %min3A_1701 = arith.minsi %min3A_1669, %select_n3A_1700 : vector<16xi32>
    %reduce_max3A_1702 = arith.constant true
    %reduce_max3A_1703 = vector.broadcast %reduce_max3A_1702 : i1 to vector<16xi1>
    %reduce_max3A_1704 = arith.constant -2147483648 : i32
    %reduce_max3A_1705 = vector.broadcast %reduce_max3A_1704 : i32 to vector<16xi32>
    %reduce_max3A_1706 = arith.xori %add3A_1689, %reduce_max3A_1705 : vector<16xi32>
    %reduce_max3A_1707 = tpu.scan <max>, %reduce_max3A_1706 masked %reduce_max3A_1703 : vector<16xi32>, vector<16xi1> -> vector<16xi32>
    %reduce_max3A_1708 = arith.xori %reduce_max3A_1707, %reduce_max3A_1705 : vector<16xi32>
    %reduce_max3A_1709 = vector.extract %reduce_max3A_1708[15] : i32 from vector<16xi32>
    %get3A_1710 = arith.constant 16 : index
    %get3A_1711 = tpu.vector_load %arg6[%get3A_1710] {strides = array<i32>} : memref<256xi32, #tpu.memory_space<vmem>>, vector<16xi32>,
    %rev3A_1712 = arith.constant 15 : i32
    %rev3A_1713 = vector.broadcast %rev3A_1712 : i32 to vector<16xi32>
    %rev3A_1714 = tpu.iota {dimensions = array<i32: 0>} : vector<16xi32>
    %rev3A_1715 = arith.subi %rev3A_1713, %rev3A_1714 : vector<16xi32>
    %rev3A_1716 = tpu.dynamic_gather %get3A_1711[%rev3A_1715] in [0] : vector<16xi32>, vector<16xi32> -> vector<16xi32>
    %broadcast_in_dim3A_1717 = arith.constant true
    %broadcast_in_dim3A_1718 = vector.broadcast %broadcast_in_dim3A_1717 : i1 to vector<16xi1>
    %masked_cumsum3A_1719 = tpu.scan <sum>, %rev3A_1716 masked %broadcast_in_dim3A_1718 : vector<16xi32>, vector<16xi1> -> vector<16xi32>
    %add3A_1720 = vector.broadcast %reduce_max3A_1709 : i32 to vector<16xi32>
    %add3A_1721 = arith.addi %masked_cumsum3A_1719, %add3A_1720 : vector<16xi32>
    %ge3A_1722 = vector.broadcast %sub3A_1178 : i32 to vector<16xi32>
    %ge3A_1723 = arith.cmpi sge, %add3A_1721, %ge3A_1722 : vector<16xi32>
    %convert_element_type3A_1724 = arith.extui %ge3A_1723 : vector<16xi1> to vector<16xi32>
    %add3A_1725 = arith.addi %add3A_1693, %convert_element_type3A_1724 : vector<16xi32>
    %jit3A_1726 = arith.constant 0 : i32
    %broadcast_in_dim3A_1727 = vector.broadcast %jit3A_1726 : i32 to vector<16xi32>
    %select_n3A_1728 = arith.select %ge3A_1723, %broadcast_in_dim3A_1727, %add3A_1721 : vector<16xi1>, vector<16xi32>
    %max3A_1729 = arith.maxsi %max3A_1697, %select_n3A_1728 : vector<16xi32>
    %jit3A_1730 = arith.constant 1073741824 : i32
    %broadcast_in_dim3A_1731 = vector.broadcast %jit3A_1730 : i32 to vector<16xi32>
    %select_n3A_1732 = arith.select %ge3A_1723, %add3A_1721, %broadcast_in_dim3A_1731 : vector<16xi1>, vector<16xi32>
    %min3A_1733 = arith.minsi %min3A_1701, %select_n3A_1732 : vector<16xi32>
    %reduce_max3A_1734 = arith.constant true
    %reduce_max3A_1735 = vector.broadcast %reduce_max3A_1734 : i1 to vector<16xi1>
    %reduce_max3A_1736 = arith.constant -2147483648 : i32
    %reduce_max3A_1737 = vector.broadcast %reduce_max3A_1736 : i32 to vector<16xi32>
    %reduce_max3A_1738 = arith.xori %add3A_1721, %reduce_max3A_1737 : vector<16xi32>
    %reduce_max3A_1739 = tpu.scan <max>, %reduce_max3A_1738 masked %reduce_max3A_1735 : vector<16xi32>, vector<16xi1> -> vector<16xi32>
    %reduce_max3A_1740 = arith.xori %reduce_max3A_1739, %reduce_max3A_1737 : vector<16xi32>
    %reduce_max3A_1741 = vector.extract %reduce_max3A_1740[15] : i32 from vector<16xi32>
    %get3A_1742 = arith.constant 0 : index
    %get3A_1743 = tpu.vector_load %arg6[%get3A_1742] {strides = array<i32>} : memref<256xi32, #tpu.memory_space<vmem>>, vector<16xi32>,
    %rev3A_1744 = arith.constant 15 : i32
    %rev3A_1745 = vector.broadcast %rev3A_1744 : i32 to vector<16xi32>
    %rev3A_1746 = tpu.iota {dimensions = array<i32: 0>} : vector<16xi32>
    %rev3A_1747 = arith.subi %rev3A_1745, %rev3A_1746 : vector<16xi32>
    %rev3A_1748 = tpu.dynamic_gather %get3A_1743[%rev3A_1747] in [0] : vector<16xi32>, vector<16xi32> -> vector<16xi32>
    %broadcast_in_dim3A_1749 = arith.constant true
    %broadcast_in_dim3A_1750 = vector.broadcast %broadcast_in_dim3A_1749 : i1 to vector<16xi1>
    %masked_cumsum3A_1751 = tpu.scan <sum>, %rev3A_1748 masked %broadcast_in_dim3A_1750 : vector<16xi32>, vector<16xi1> -> vector<16xi32>
    %add3A_1752 = vector.broadcast %reduce_max3A_1741 : i32 to vector<16xi32>
    %add3A_1753 = arith.addi %masked_cumsum3A_1751, %add3A_1752 : vector<16xi32>
    %ge3A_1754 = vector.broadcast %sub3A_1178 : i32 to vector<16xi32>
    %ge3A_1755 = arith.cmpi sge, %add3A_1753, %ge3A_1754 : vector<16xi32>
    %convert_element_type3A_1756 = arith.extui %ge3A_1755 : vector<16xi1> to vector<16xi32>
    %add3A_1757 = arith.addi %add3A_1725, %convert_element_type3A_1756 : vector<16xi32>
    %jit3A_1758 = arith.constant 0 : i32
    %broadcast_in_dim3A_1759 = vector.broadcast %jit3A_1758 : i32 to vector<16xi32>
    %select_n3A_1760 = arith.select %ge3A_1755, %broadcast_in_dim3A_1759, %add3A_1753 : vector<16xi1>, vector<16xi32>
    %max3A_1761 = arith.maxsi %max3A_1729, %select_n3A_1760 : vector<16xi32>
    %jit3A_1762 = arith.constant 1073741824 : i32
    %broadcast_in_dim3A_1763 = vector.broadcast %jit3A_1762 : i32 to vector<16xi32>
    %select_n3A_1764 = arith.select %ge3A_1755, %add3A_1753, %broadcast_in_dim3A_1763 : vector<16xi1>, vector<16xi32>
    %min3A_1765 = arith.minsi %min3A_1733, %select_n3A_1764 : vector<16xi32>
    %reduce_max3A_1766 = arith.constant true
    %reduce_max3A_1767 = vector.broadcast %reduce_max3A_1766 : i1 to vector<16xi1>
    %reduce_max3A_1768 = arith.constant -2147483648 : i32
    %reduce_max3A_1769 = vector.broadcast %reduce_max3A_1768 : i32 to vector<16xi32>
    %reduce_max3A_1770 = arith.xori %add3A_1753, %reduce_max3A_1769 : vector<16xi32>
    %reduce_max3A_1771 = tpu.scan <max>, %reduce_max3A_1770 masked %reduce_max3A_1767 : vector<16xi32>, vector<16xi1> -> vector<16xi32>
    %reduce_max3A_1772 = arith.xori %reduce_max3A_1771, %reduce_max3A_1769 : vector<16xi32>
    %reduce_max3A_1773 = vector.extract %reduce_max3A_1772[15] : i32 from vector<16xi32>
    %reduce_sum3A_1774 = arith.constant true
    %reduce_sum3A_1775 = vector.broadcast %reduce_sum3A_1774 : i1 to vector<16xi1>
    %reduce_sum3A_1776 = tpu.scan <sum>, %add3A_1757 masked %reduce_sum3A_1775 : vector<16xi32>, vector<16xi1> -> vector<16xi32>
    %reduce_sum3A_1777 = vector.extract %reduce_sum3A_1776[15] : i32 from vector<16xi32>
    %sub3A_1778 = arith.constant 1 : i32
    %sub3A_1779 = arith.subi %reduce_sum3A_1777, %sub3A_1778 : i32
    %reduce_max3A_1780 = arith.constant true
    %reduce_max3A_1781 = vector.broadcast %reduce_max3A_1780 : i1 to vector<16xi1>
    %reduce_max3A_1782 = arith.constant -2147483648 : i32
    %reduce_max3A_1783 = vector.broadcast %reduce_max3A_1782 : i32 to vector<16xi32>
    %reduce_max3A_1784 = arith.xori %max3A_1761, %reduce_max3A_1783 : vector<16xi32>
    %reduce_max3A_1785 = tpu.scan <max>, %reduce_max3A_1784 masked %reduce_max3A_1781 : vector<16xi32>, vector<16xi1> -> vector<16xi32>
    %reduce_max3A_1786 = arith.xori %reduce_max3A_1785, %reduce_max3A_1783 : vector<16xi32>
    %reduce_max3A_1787 = vector.extract %reduce_max3A_1786[15] : i32 from vector<16xi32>
    %reduce_min3A_1788 = arith.constant true
    %reduce_min3A_1789 = vector.broadcast %reduce_min3A_1788 : i1 to vector<16xi1>
    %reduce_min3A_1790 = arith.constant -2147483648 : i32
    %reduce_min3A_1791 = vector.broadcast %reduce_min3A_1790 : i32 to vector<16xi32>
    %reduce_min3A_1792 = arith.xori %min3A_1765, %reduce_min3A_1791 : vector<16xi32>
    %reduce_min3A_1793 = tpu.scan <min>, %reduce_min3A_1792 masked %reduce_min3A_1789 : vector<16xi32>, vector<16xi1> -> vector<16xi32>
    %reduce_min3A_1794 = arith.xori %reduce_min3A_1793, %reduce_min3A_1791 : vector<16xi32>
    %reduce_min3A_1795 = vector.extract %reduce_min3A_1794[15] : i32 from vector<16xi32>
    %sub3A_1796 = arith.subi %sub3A_1178, %reduce_max3A_1787 : i32
    %shift_left3A_1797 = arith.constant 8 : i32
    %shift_left3A_1798 = arith.shli %or3A, %shift_left3A_1797 : i32
    %or3A_1799 = arith.ori %shift_left3A_1798, %sub3A_1779 : i32
    %broadcast_in_dim3A_1800 = arith.constant 0 : i32
    %broadcast_in_dim3A_1801 = vector.broadcast %broadcast_in_dim3A_1800 : i32 to vector<16xi32>
    %swap3A_1802 = arith.constant 0 : index
    %swap3A_1803 = tpu.vector_load %arg6[%swap3A_1802] {strides = array<i32>} : memref<256xi32, #tpu.memory_space<vmem>>, vector<16xi32>,
    tpu.vector_store %arg6[%swap3A_1802], %broadcast_in_dim3A_1801 {strides = array<i32>} : memref<256xi32, #tpu.memory_space<vmem>>, vector<16xi32>,
    %swap3A_1804 = arith.constant 16 : index
    %swap3A_1805 = tpu.vector_load %arg6[%swap3A_1804] {strides = array<i32>} : memref<256xi32, #tpu.memory_space<vmem>>, vector<16xi32>,
    tpu.vector_store %arg6[%swap3A_1804], %broadcast_in_dim3A_1801 {strides = array<i32>} : memref<256xi32, #tpu.memory_space<vmem>>, vector<16xi32>,
    %swap3A_1806 = arith.constant 32 : index
    %swap3A_1807 = tpu.vector_load %arg6[%swap3A_1806] {strides = array<i32>} : memref<256xi32, #tpu.memory_space<vmem>>, vector<16xi32>,
    tpu.vector_store %arg6[%swap3A_1806], %broadcast_in_dim3A_1801 {strides = array<i32>} : memref<256xi32, #tpu.memory_space<vmem>>, vector<16xi32>,
    %swap3A_1808 = arith.constant 48 : index
    %swap3A_1809 = tpu.vector_load %arg6[%swap3A_1808] {strides = array<i32>} : memref<256xi32, #tpu.memory_space<vmem>>, vector<16xi32>,
    tpu.vector_store %arg6[%swap3A_1808], %broadcast_in_dim3A_1801 {strides = array<i32>} : memref<256xi32, #tpu.memory_space<vmem>>, vector<16xi32>,
    %swap3A_1810 = arith.constant 64 : index
    %swap3A_1811 = tpu.vector_load %arg6[%swap3A_1810] {strides = array<i32>} : memref<256xi32, #tpu.memory_space<vmem>>, vector<16xi32>,
    tpu.vector_store %arg6[%swap3A_1810], %broadcast_in_dim3A_1801 {strides = array<i32>} : memref<256xi32, #tpu.memory_space<vmem>>, vector<16xi32>,
    %swap3A_1812 = arith.constant 80 : index
    %swap3A_1813 = tpu.vector_load %arg6[%swap3A_1812] {strides = array<i32>} : memref<256xi32, #tpu.memory_space<vmem>>, vector<16xi32>,
    tpu.vector_store %arg6[%swap3A_1812], %broadcast_in_dim3A_1801 {strides = array<i32>} : memref<256xi32, #tpu.memory_space<vmem>>, vector<16xi32>,
    %swap3A_1814 = arith.constant 96 : index
    %swap3A_1815 = tpu.vector_load %arg6[%swap3A_1814] {strides = array<i32>} : memref<256xi32, #tpu.memory_space<vmem>>, vector<16xi32>,
    tpu.vector_store %arg6[%swap3A_1814], %broadcast_in_dim3A_1801 {strides = array<i32>} : memref<256xi32, #tpu.memory_space<vmem>>, vector<16xi32>,
    %swap3A_1816 = arith.constant 112 : index
    %swap3A_1817 = tpu.vector_load %arg6[%swap3A_1816] {strides = array<i32>} : memref<256xi32, #tpu.memory_space<vmem>>, vector<16xi32>,
    tpu.vector_store %arg6[%swap3A_1816], %broadcast_in_dim3A_1801 {strides = array<i32>} : memref<256xi32, #tpu.memory_space<vmem>>, vector<16xi32>,
    %swap3A_1818 = arith.constant 128 : index
    %swap3A_1819 = tpu.vector_load %arg6[%swap3A_1818] {strides = array<i32>} : memref<256xi32, #tpu.memory_space<vmem>>, vector<16xi32>,
    tpu.vector_store %arg6[%swap3A_1818], %broadcast_in_dim3A_1801 {strides = array<i32>} : memref<256xi32, #tpu.memory_space<vmem>>, vector<16xi32>,
    %swap3A_1820 = arith.constant 144 : index
    %swap3A_1821 = tpu.vector_load %arg6[%swap3A_1820] {strides = array<i32>} : memref<256xi32, #tpu.memory_space<vmem>>, vector<16xi32>,
    tpu.vector_store %arg6[%swap3A_1820], %broadcast_in_dim3A_1801 {strides = array<i32>} : memref<256xi32, #tpu.memory_space<vmem>>, vector<16xi32>,
    %swap3A_1822 = arith.constant 160 : index
    %swap3A_1823 = tpu.vector_load %arg6[%swap3A_1822] {strides = array<i32>} : memref<256xi32, #tpu.memory_space<vmem>>, vector<16xi32>,
    tpu.vector_store %arg6[%swap3A_1822], %broadcast_in_dim3A_1801 {strides = array<i32>} : memref<256xi32, #tpu.memory_space<vmem>>, vector<16xi32>,
    %swap3A_1824 = arith.constant 176 : index
    %swap3A_1825 = tpu.vector_load %arg6[%swap3A_1824] {strides = array<i32>} : memref<256xi32, #tpu.memory_space<vmem>>, vector<16xi32>,
    tpu.vector_store %arg6[%swap3A_1824], %broadcast_in_dim3A_1801 {strides = array<i32>} : memref<256xi32, #tpu.memory_space<vmem>>, vector<16xi32>,
    %swap3A_1826 = arith.constant 192 : index
    %swap3A_1827 = tpu.vector_load %arg6[%swap3A_1826] {strides = array<i32>} : memref<256xi32, #tpu.memory_space<vmem>>, vector<16xi32>,
    tpu.vector_store %arg6[%swap3A_1826], %broadcast_in_dim3A_1801 {strides = array<i32>} : memref<256xi32, #tpu.memory_space<vmem>>, vector<16xi32>,
    %swap3A_1828 = arith.constant 208 : index
    %swap3A_1829 = tpu.vector_load %arg6[%swap3A_1828] {strides = array<i32>} : memref<256xi32, #tpu.memory_space<vmem>>, vector<16xi32>,
    tpu.vector_store %arg6[%swap3A_1828], %broadcast_in_dim3A_1801 {strides = array<i32>} : memref<256xi32, #tpu.memory_space<vmem>>, vector<16xi32>,
    %swap3A_1830 = arith.constant 224 : index
    %swap3A_1831 = tpu.vector_load %arg6[%swap3A_1830] {strides = array<i32>} : memref<256xi32, #tpu.memory_space<vmem>>, vector<16xi32>,
    tpu.vector_store %arg6[%swap3A_1830], %broadcast_in_dim3A_1801 {strides = array<i32>} : memref<256xi32, #tpu.memory_space<vmem>>, vector<16xi32>,
    %swap3A_1832 = arith.constant 240 : index
    %swap3A_1833 = tpu.vector_load %arg6[%swap3A_1832] {strides = array<i32>} : memref<256xi32, #tpu.memory_space<vmem>>, vector<16xi32>,
    tpu.vector_store %arg6[%swap3A_1832], %broadcast_in_dim3A_1801 {strides = array<i32>} : memref<256xi32, #tpu.memory_space<vmem>>, vector<16xi32>,
    %add3A_1834 = arith.constant 15 : i32
    %add3A_1835 = arith.addi %reduce_max3A_1254, %add3A_1834 : i32
    %jit3A_1836 = arith.constant 16 : i32
    %div3A_1837 = arith.divsi %add3A_1835, %jit3A_1836 : i32
    %sign3A_1838 = arith.constant 0 : i32
    %sign3A_1839 = arith.cmpi sgt, %add3A_1835, %sign3A_1838 : i32
    %sign3A_1840 = arith.extui %sign3A_1839 : i1 to i32
    %sign3A_1841 = arith.constant 0 : i32
    %sign3A_1842 = arith.cmpi slt, %add3A_1835, %sign3A_1841 : i32
    %sign3A_1843 = arith.extui %sign3A_1842 : i1 to i32
    %sign3A_1844 = arith.subi %sign3A_1840, %sign3A_1843 : i32
    %sign3A_1845 = arith.constant 0 : i32
    %sign3A_1846 = arith.cmpi sgt, %jit3A_1836, %sign3A_1845 : i32
    %sign3A_1847 = arith.extui %sign3A_1846 : i1 to i32
    %sign3A_1848 = arith.constant 0 : i32
    %sign3A_1849 = arith.cmpi slt, %jit3A_1836, %sign3A_1848 : i32
    %sign3A_1850 = arith.extui %sign3A_1849 : i1 to i32
    %sign3A_1851 = arith.subi %sign3A_1847, %sign3A_1850 : i32
    %ne3A_1852 = arith.cmpi ne, %sign3A_1844, %sign3A_1851 : i32
    %rem3A_1853 = arith.remsi %add3A_1835, %jit3A_1836 : i32
    %ne3A_1854 = arith.constant 0 : i32
    %ne3A_1855 = arith.cmpi ne, %rem3A_1853, %ne3A_1854 : i32
    %and3A_1856 = arith.andi %ne3A_1852, %ne3A_1855 : i1
    %sub3A_1857 = arith.constant 1 : i32
    %sub3A_1858 = arith.subi %div3A_1837, %sub3A_1857 : i32
    %select_n3A_1859 = arith.select %and3A_1856, %sub3A_1858, %div3A_1837 : i32
    %while3A_1860 = arith.constant 0 : i32
    %while3A_1861 = arith.constant 0 : i32
    %while3A_1862 = arith.subi %select_n3A_1859, %while3A_1861 : i32
    %while3A_1863 = arith.addi %while3A_1861, %while3A_1862 : i32
    %while3A_1864 = arith.constant 1 : i32
    %while3A_1865 = arith.divsi %while3A_1862, %while3A_1864 : i32
    %while3A_1866 = arith.muli %while3A_1865, %while3A_1864 : i32
    %while3A_1867 = arith.addi %while3A_1861, %while3A_1866 : i32
    %while3A_1868 = arith.constant 1 : i32
    scf.for %while3A_2425 = %while3A_1861 to %while3A_1867 step %while3A_1868  : i32 {
      %mul3A_2426 = arith.constant 16 : i32
      %mul3A_2427 = arith.muli %while3A_2425, %mul3A_2426 : i32
      %get3A_2428 = arith.index_cast %mul3A_2427 : i32 to index
      %get3A_2429 = tpu.vector_load %arg8[%get3A_2428] {strides = array<i32>} : memref<8192xi32, #tpu.memory_space<vmem>>, vector<16xi32>,
      %bitcast_convert_type3A = tpu.bitcast %get3A_2429 : vector<16xi32> -> vector<16xi32>
      %add3A_2430 = vector.broadcast %mul3A_2427 : i32 to vector<16xi32>
      %add3A_2431 = arith.addi %iota3A, %add3A_2430 : vector<16xi32>
      %lt3A = vector.broadcast %reduce_max3A_1254 : i32 to vector<16xi32>
      %lt3A_2432 = arith.cmpi slt, %add3A_2431, %lt3A : vector<16xi32>
      %shift_right_logical3A = arith.constant 8 : i32
      %shift_right_logical3A_2433 = vector.broadcast %shift_right_logical3A : i32 to vector<16xi32>
      %shift_right_logical3A_2434 = arith.shrui %bitcast_convert_type3A, %shift_right_logical3A_2433 : vector<16xi32>
      %eq3A = vector.broadcast %or3A_1799 : i32 to vector<16xi32>
      %eq3A_2435 = arith.cmpi eq, %shift_right_logical3A_2434, %eq3A : vector<16xi32>
      %and3A_2436 = arith.andi %lt3A_2432, %eq3A_2435 : vector<16xi1>
      %and3A_2437 = arith.constant 255 : i32
      %and3A_2438 = vector.broadcast %and3A_2437 : i32 to vector<16xi32>
      %and3A_2439 = arith.andi %bitcast_convert_type3A, %and3A_2438 : vector<16xi32>
      tpu.vector_store_idx %arg6[%and3A_2439], %broadcast_in_dim3A_7 masked %and3A_2436 {add = true} : memref<256xi32, #tpu.memory_space<vmem>>[vector<16xi32>], vector<16xi32>, vector<16xi1>
    }
    %while3A_1869 = arith.constant 1 : i32
    scf.for %while3A_2425 = %while3A_1867 to %while3A_1863 step %while3A_1869  : i32 {
      %mul3A_2426 = arith.constant 16 : i32
      %mul3A_2427 = arith.muli %while3A_2425, %mul3A_2426 : i32
      %get3A_2428 = arith.index_cast %mul3A_2427 : i32 to index
      %get3A_2429 = tpu.vector_load %arg8[%get3A_2428] {strides = array<i32>} : memref<8192xi32, #tpu.memory_space<vmem>>, vector<16xi32>,
      %bitcast_convert_type3A = tpu.bitcast %get3A_2429 : vector<16xi32> -> vector<16xi32>
      %add3A_2430 = vector.broadcast %mul3A_2427 : i32 to vector<16xi32>
      %add3A_2431 = arith.addi %iota3A, %add3A_2430 : vector<16xi32>
      %lt3A = vector.broadcast %reduce_max3A_1254 : i32 to vector<16xi32>
      %lt3A_2432 = arith.cmpi slt, %add3A_2431, %lt3A : vector<16xi32>
      %shift_right_logical3A = arith.constant 8 : i32
      %shift_right_logical3A_2433 = vector.broadcast %shift_right_logical3A : i32 to vector<16xi32>
      %shift_right_logical3A_2434 = arith.shrui %bitcast_convert_type3A, %shift_right_logical3A_2433 : vector<16xi32>
      %eq3A = vector.broadcast %or3A_1799 : i32 to vector<16xi32>
      %eq3A_2435 = arith.cmpi eq, %shift_right_logical3A_2434, %eq3A : vector<16xi32>
      %and3A_2436 = arith.andi %lt3A_2432, %eq3A_2435 : vector<16xi1>
      %and3A_2437 = arith.constant 255 : i32
      %and3A_2438 = vector.broadcast %and3A_2437 : i32 to vector<16xi32>
      %and3A_2439 = arith.andi %bitcast_convert_type3A, %and3A_2438 : vector<16xi32>
      tpu.vector_store_idx %arg6[%and3A_2439], %broadcast_in_dim3A_7 masked %and3A_2436 {add = true} : memref<256xi32, #tpu.memory_space<vmem>>[vector<16xi32>], vector<16xi32>, vector<16xi1>
    }
    %broadcast_in_dim3A_1870 = arith.constant 0 : i32
    %broadcast_in_dim3A_1871 = vector.broadcast %broadcast_in_dim3A_1870 : i32 to vector<16xi32>
    %broadcast_in_dim3A_1872 = arith.constant 0 : i32
    %broadcast_in_dim3A_1873 = vector.broadcast %broadcast_in_dim3A_1872 : i32 to vector<16xi32>
    %broadcast_in_dim3A_1874 = arith.constant 1073741824 : i32
    %broadcast_in_dim3A_1875 = vector.broadcast %broadcast_in_dim3A_1874 : i32 to vector<16xi32>
    %get3A_1876 = arith.constant 240 : index
    %get3A_1877 = tpu.vector_load %arg6[%get3A_1876] {strides = array<i32>} : memref<256xi32, #tpu.memory_space<vmem>>, vector<16xi32>,
    %rev3A_1878 = arith.constant 15 : i32
    %rev3A_1879 = vector.broadcast %rev3A_1878 : i32 to vector<16xi32>
    %rev3A_1880 = tpu.iota {dimensions = array<i32: 0>} : vector<16xi32>
    %rev3A_1881 = arith.subi %rev3A_1879, %rev3A_1880 : vector<16xi32>
    %rev3A_1882 = tpu.dynamic_gather %get3A_1877[%rev3A_1881] in [0] : vector<16xi32>, vector<16xi32> -> vector<16xi32>
    %broadcast_in_dim3A_1883 = arith.constant true
    %broadcast_in_dim3A_1884 = vector.broadcast %broadcast_in_dim3A_1883 : i1 to vector<16xi1>
    %masked_cumsum3A_1885 = tpu.scan <sum>, %rev3A_1882 masked %broadcast_in_dim3A_1884 : vector<16xi32>, vector<16xi1> -> vector<16xi32>
    %add3A_1886 = arith.constant 0 : i32
    %add3A_1887 = vector.broadcast %add3A_1886 : i32 to vector<16xi32>
    %add3A_1888 = arith.addi %masked_cumsum3A_1885, %add3A_1887 : vector<16xi32>
    %ge3A_1889 = vector.broadcast %sub3A_1796 : i32 to vector<16xi32>
    %ge3A_1890 = arith.cmpi sge, %add3A_1888, %ge3A_1889 : vector<16xi32>
    %convert_element_type3A_1891 = arith.extui %ge3A_1890 : vector<16xi1> to vector<16xi32>
    %add3A_1892 = arith.addi %broadcast_in_dim3A_1871, %convert_element_type3A_1891 : vector<16xi32>
    %jit3A_1893 = arith.constant 0 : i32
    %broadcast_in_dim3A_1894 = vector.broadcast %jit3A_1893 : i32 to vector<16xi32>
    %select_n3A_1895 = arith.select %ge3A_1890, %broadcast_in_dim3A_1894, %add3A_1888 : vector<16xi1>, vector<16xi32>
    %max3A_1896 = arith.maxsi %broadcast_in_dim3A_1873, %select_n3A_1895 : vector<16xi32>
    %jit3A_1897 = arith.constant 1073741824 : i32
    %broadcast_in_dim3A_1898 = vector.broadcast %jit3A_1897 : i32 to vector<16xi32>
    %select_n3A_1899 = arith.select %ge3A_1890, %add3A_1888, %broadcast_in_dim3A_1898 : vector<16xi1>, vector<16xi32>
    %min3A_1900 = arith.minsi %broadcast_in_dim3A_1875, %select_n3A_1899 : vector<16xi32>
    %reduce_max3A_1901 = arith.constant true
    %reduce_max3A_1902 = vector.broadcast %reduce_max3A_1901 : i1 to vector<16xi1>
    %reduce_max3A_1903 = arith.constant -2147483648 : i32
    %reduce_max3A_1904 = vector.broadcast %reduce_max3A_1903 : i32 to vector<16xi32>
    %reduce_max3A_1905 = arith.xori %add3A_1888, %reduce_max3A_1904 : vector<16xi32>
    %reduce_max3A_1906 = tpu.scan <max>, %reduce_max3A_1905 masked %reduce_max3A_1902 : vector<16xi32>, vector<16xi1> -> vector<16xi32>
    %reduce_max3A_1907 = arith.xori %reduce_max3A_1906, %reduce_max3A_1904 : vector<16xi32>
    %reduce_max3A_1908 = vector.extract %reduce_max3A_1907[15] : i32 from vector<16xi32>
    %get3A_1909 = arith.constant 224 : index
    %get3A_1910 = tpu.vector_load %arg6[%get3A_1909] {strides = array<i32>} : memref<256xi32, #tpu.memory_space<vmem>>, vector<16xi32>,
    %rev3A_1911 = arith.constant 15 : i32
    %rev3A_1912 = vector.broadcast %rev3A_1911 : i32 to vector<16xi32>
    %rev3A_1913 = tpu.iota {dimensions = array<i32: 0>} : vector<16xi32>
    %rev3A_1914 = arith.subi %rev3A_1912, %rev3A_1913 : vector<16xi32>
    %rev3A_1915 = tpu.dynamic_gather %get3A_1910[%rev3A_1914] in [0] : vector<16xi32>, vector<16xi32> -> vector<16xi32>
    %broadcast_in_dim3A_1916 = arith.constant true
    %broadcast_in_dim3A_1917 = vector.broadcast %broadcast_in_dim3A_1916 : i1 to vector<16xi1>
    %masked_cumsum3A_1918 = tpu.scan <sum>, %rev3A_1915 masked %broadcast_in_dim3A_1917 : vector<16xi32>, vector<16xi1> -> vector<16xi32>
    %add3A_1919 = vector.broadcast %reduce_max3A_1908 : i32 to vector<16xi32>
    %add3A_1920 = arith.addi %masked_cumsum3A_1918, %add3A_1919 : vector<16xi32>
    %ge3A_1921 = vector.broadcast %sub3A_1796 : i32 to vector<16xi32>
    %ge3A_1922 = arith.cmpi sge, %add3A_1920, %ge3A_1921 : vector<16xi32>
    %convert_element_type3A_1923 = arith.extui %ge3A_1922 : vector<16xi1> to vector<16xi32>
    %add3A_1924 = arith.addi %add3A_1892, %convert_element_type3A_1923 : vector<16xi32>
    %jit3A_1925 = arith.constant 0 : i32
    %broadcast_in_dim3A_1926 = vector.broadcast %jit3A_1925 : i32 to vector<16xi32>
    %select_n3A_1927 = arith.select %ge3A_1922, %broadcast_in_dim3A_1926, %add3A_1920 : vector<16xi1>, vector<16xi32>
    %max3A_1928 = arith.maxsi %max3A_1896, %select_n3A_1927 : vector<16xi32>
    %jit3A_1929 = arith.constant 1073741824 : i32
    %broadcast_in_dim3A_1930 = vector.broadcast %jit3A_1929 : i32 to vector<16xi32>
    %select_n3A_1931 = arith.select %ge3A_1922, %add3A_1920, %broadcast_in_dim3A_1930 : vector<16xi1>, vector<16xi32>
    %min3A_1932 = arith.minsi %min3A_1900, %select_n3A_1931 : vector<16xi32>
    %reduce_max3A_1933 = arith.constant true
    %reduce_max3A_1934 = vector.broadcast %reduce_max3A_1933 : i1 to vector<16xi1>
    %reduce_max3A_1935 = arith.constant -2147483648 : i32
    %reduce_max3A_1936 = vector.broadcast %reduce_max3A_1935 : i32 to vector<16xi32>
    %reduce_max3A_1937 = arith.xori %add3A_1920, %reduce_max3A_1936 : vector<16xi32>
    %reduce_max3A_1938 = tpu.scan <max>, %reduce_max3A_1937 masked %reduce_max3A_1934 : vector<16xi32>, vector<16xi1> -> vector<16xi32>
    %reduce_max3A_1939 = arith.xori %reduce_max3A_1938, %reduce_max3A_1936 : vector<16xi32>
    %reduce_max3A_1940 = vector.extract %reduce_max3A_1939[15] : i32 from vector<16xi32>
    %get3A_1941 = arith.constant 208 : index
    %get3A_1942 = tpu.vector_load %arg6[%get3A_1941] {strides = array<i32>} : memref<256xi32, #tpu.memory_space<vmem>>, vector<16xi32>,
    %rev3A_1943 = arith.constant 15 : i32
    %rev3A_1944 = vector.broadcast %rev3A_1943 : i32 to vector<16xi32>
    %rev3A_1945 = tpu.iota {dimensions = array<i32: 0>} : vector<16xi32>
    %rev3A_1946 = arith.subi %rev3A_1944, %rev3A_1945 : vector<16xi32>
    %rev3A_1947 = tpu.dynamic_gather %get3A_1942[%rev3A_1946] in [0] : vector<16xi32>, vector<16xi32> -> vector<16xi32>
    %broadcast_in_dim3A_1948 = arith.constant true
    %broadcast_in_dim3A_1949 = vector.broadcast %broadcast_in_dim3A_1948 : i1 to vector<16xi1>
    %masked_cumsum3A_1950 = tpu.scan <sum>, %rev3A_1947 masked %broadcast_in_dim3A_1949 : vector<16xi32>, vector<16xi1> -> vector<16xi32>
    %add3A_1951 = vector.broadcast %reduce_max3A_1940 : i32 to vector<16xi32>
    %add3A_1952 = arith.addi %masked_cumsum3A_1950, %add3A_1951 : vector<16xi32>
    %ge3A_1953 = vector.broadcast %sub3A_1796 : i32 to vector<16xi32>
    %ge3A_1954 = arith.cmpi sge, %add3A_1952, %ge3A_1953 : vector<16xi32>
    %convert_element_type3A_1955 = arith.extui %ge3A_1954 : vector<16xi1> to vector<16xi32>
    %add3A_1956 = arith.addi %add3A_1924, %convert_element_type3A_1955 : vector<16xi32>
    %jit3A_1957 = arith.constant 0 : i32
    %broadcast_in_dim3A_1958 = vector.broadcast %jit3A_1957 : i32 to vector<16xi32>
    %select_n3A_1959 = arith.select %ge3A_1954, %broadcast_in_dim3A_1958, %add3A_1952 : vector<16xi1>, vector<16xi32>
    %max3A_1960 = arith.maxsi %max3A_1928, %select_n3A_1959 : vector<16xi32>
    %jit3A_1961 = arith.constant 1073741824 : i32
    %broadcast_in_dim3A_1962 = vector.broadcast %jit3A_1961 : i32 to vector<16xi32>
    %select_n3A_1963 = arith.select %ge3A_1954, %add3A_1952, %broadcast_in_dim3A_1962 : vector<16xi1>, vector<16xi32>
    %min3A_1964 = arith.minsi %min3A_1932, %select_n3A_1963 : vector<16xi32>
    %reduce_max3A_1965 = arith.constant true
    %reduce_max3A_1966 = vector.broadcast %reduce_max3A_1965 : i1 to vector<16xi1>
    %reduce_max3A_1967 = arith.constant -2147483648 : i32
    %reduce_max3A_1968 = vector.broadcast %reduce_max3A_1967 : i32 to vector<16xi32>
    %reduce_max3A_1969 = arith.xori %add3A_1952, %reduce_max3A_1968 : vector<16xi32>
    %reduce_max3A_1970 = tpu.scan <max>, %reduce_max3A_1969 masked %reduce_max3A_1966 : vector<16xi32>, vector<16xi1> -> vector<16xi32>
    %reduce_max3A_1971 = arith.xori %reduce_max3A_1970, %reduce_max3A_1968 : vector<16xi32>
    %reduce_max3A_1972 = vector.extract %reduce_max3A_1971[15] : i32 from vector<16xi32>
    %get3A_1973 = arith.constant 192 : index
    %get3A_1974 = tpu.vector_load %arg6[%get3A_1973] {strides = array<i32>} : memref<256xi32, #tpu.memory_space<vmem>>, vector<16xi32>,
    %rev3A_1975 = arith.constant 15 : i32
    %rev3A_1976 = vector.broadcast %rev3A_1975 : i32 to vector<16xi32>
    %rev3A_1977 = tpu.iota {dimensions = array<i32: 0>} : vector<16xi32>
    %rev3A_1978 = arith.subi %rev3A_1976, %rev3A_1977 : vector<16xi32>
    %rev3A_1979 = tpu.dynamic_gather %get3A_1974[%rev3A_1978] in [0] : vector<16xi32>, vector<16xi32> -> vector<16xi32>
    %broadcast_in_dim3A_1980 = arith.constant true
    %broadcast_in_dim3A_1981 = vector.broadcast %broadcast_in_dim3A_1980 : i1 to vector<16xi1>
    %masked_cumsum3A_1982 = tpu.scan <sum>, %rev3A_1979 masked %broadcast_in_dim3A_1981 : vector<16xi32>, vector<16xi1> -> vector<16xi32>
    %add3A_1983 = vector.broadcast %reduce_max3A_1972 : i32 to vector<16xi32>
    %add3A_1984 = arith.addi %masked_cumsum3A_1982, %add3A_1983 : vector<16xi32>
    %ge3A_1985 = vector.broadcast %sub3A_1796 : i32 to vector<16xi32>
    %ge3A_1986 = arith.cmpi sge, %add3A_1984, %ge3A_1985 : vector<16xi32>
    %convert_element_type3A_1987 = arith.extui %ge3A_1986 : vector<16xi1> to vector<16xi32>
    %add3A_1988 = arith.addi %add3A_1956, %convert_element_type3A_1987 : vector<16xi32>
    %jit3A_1989 = arith.constant 0 : i32
    %broadcast_in_dim3A_1990 = vector.broadcast %jit3A_1989 : i32 to vector<16xi32>
    %select_n3A_1991 = arith.select %ge3A_1986, %broadcast_in_dim3A_1990, %add3A_1984 : vector<16xi1>, vector<16xi32>
    %max3A_1992 = arith.maxsi %max3A_1960, %select_n3A_1991 : vector<16xi32>
    %jit3A_1993 = arith.constant 1073741824 : i32
    %broadcast_in_dim3A_1994 = vector.broadcast %jit3A_1993 : i32 to vector<16xi32>
    %select_n3A_1995 = arith.select %ge3A_1986, %add3A_1984, %broadcast_in_dim3A_1994 : vector<16xi1>, vector<16xi32>
    %min3A_1996 = arith.minsi %min3A_1964, %select_n3A_1995 : vector<16xi32>
    %reduce_max3A_1997 = arith.constant true
    %reduce_max3A_1998 = vector.broadcast %reduce_max3A_1997 : i1 to vector<16xi1>
    %reduce_max3A_1999 = arith.constant -2147483648 : i32
    %reduce_max3A_2000 = vector.broadcast %reduce_max3A_1999 : i32 to vector<16xi32>
    %reduce_max3A_2001 = arith.xori %add3A_1984, %reduce_max3A_2000 : vector<16xi32>
    %reduce_max3A_2002 = tpu.scan <max>, %reduce_max3A_2001 masked %reduce_max3A_1998 : vector<16xi32>, vector<16xi1> -> vector<16xi32>
    %reduce_max3A_2003 = arith.xori %reduce_max3A_2002, %reduce_max3A_2000 : vector<16xi32>
    %reduce_max3A_2004 = vector.extract %reduce_max3A_2003[15] : i32 from vector<16xi32>
    %get3A_2005 = arith.constant 176 : index
    %get3A_2006 = tpu.vector_load %arg6[%get3A_2005] {strides = array<i32>} : memref<256xi32, #tpu.memory_space<vmem>>, vector<16xi32>,
    %rev3A_2007 = arith.constant 15 : i32
    %rev3A_2008 = vector.broadcast %rev3A_2007 : i32 to vector<16xi32>
    %rev3A_2009 = tpu.iota {dimensions = array<i32: 0>} : vector<16xi32>
    %rev3A_2010 = arith.subi %rev3A_2008, %rev3A_2009 : vector<16xi32>
    %rev3A_2011 = tpu.dynamic_gather %get3A_2006[%rev3A_2010] in [0] : vector<16xi32>, vector<16xi32> -> vector<16xi32>
    %broadcast_in_dim3A_2012 = arith.constant true
    %broadcast_in_dim3A_2013 = vector.broadcast %broadcast_in_dim3A_2012 : i1 to vector<16xi1>
    %masked_cumsum3A_2014 = tpu.scan <sum>, %rev3A_2011 masked %broadcast_in_dim3A_2013 : vector<16xi32>, vector<16xi1> -> vector<16xi32>
    %add3A_2015 = vector.broadcast %reduce_max3A_2004 : i32 to vector<16xi32>
    %add3A_2016 = arith.addi %masked_cumsum3A_2014, %add3A_2015 : vector<16xi32>
    %ge3A_2017 = vector.broadcast %sub3A_1796 : i32 to vector<16xi32>
    %ge3A_2018 = arith.cmpi sge, %add3A_2016, %ge3A_2017 : vector<16xi32>
    %convert_element_type3A_2019 = arith.extui %ge3A_2018 : vector<16xi1> to vector<16xi32>
    %add3A_2020 = arith.addi %add3A_1988, %convert_element_type3A_2019 : vector<16xi32>
    %jit3A_2021 = arith.constant 0 : i32
    %broadcast_in_dim3A_2022 = vector.broadcast %jit3A_2021 : i32 to vector<16xi32>
    %select_n3A_2023 = arith.select %ge3A_2018, %broadcast_in_dim3A_2022, %add3A_2016 : vector<16xi1>, vector<16xi32>
    %max3A_2024 = arith.maxsi %max3A_1992, %select_n3A_2023 : vector<16xi32>
    %jit3A_2025 = arith.constant 1073741824 : i32
    %broadcast_in_dim3A_2026 = vector.broadcast %jit3A_2025 : i32 to vector<16xi32>
    %select_n3A_2027 = arith.select %ge3A_2018, %add3A_2016, %broadcast_in_dim3A_2026 : vector<16xi1>, vector<16xi32>
    %min3A_2028 = arith.minsi %min3A_1996, %select_n3A_2027 : vector<16xi32>
    %reduce_max3A_2029 = arith.constant true
    %reduce_max3A_2030 = vector.broadcast %reduce_max3A_2029 : i1 to vector<16xi1>
    %reduce_max3A_2031 = arith.constant -2147483648 : i32
    %reduce_max3A_2032 = vector.broadcast %reduce_max3A_2031 : i32 to vector<16xi32>
    %reduce_max3A_2033 = arith.xori %add3A_2016, %reduce_max3A_2032 : vector<16xi32>
    %reduce_max3A_2034 = tpu.scan <max>, %reduce_max3A_2033 masked %reduce_max3A_2030 : vector<16xi32>, vector<16xi1> -> vector<16xi32>
    %reduce_max3A_2035 = arith.xori %reduce_max3A_2034, %reduce_max3A_2032 : vector<16xi32>
    %reduce_max3A_2036 = vector.extract %reduce_max3A_2035[15] : i32 from vector<16xi32>
    %get3A_2037 = arith.constant 160 : index
    %get3A_2038 = tpu.vector_load %arg6[%get3A_2037] {strides = array<i32>} : memref<256xi32, #tpu.memory_space<vmem>>, vector<16xi32>,
    %rev3A_2039 = arith.constant 15 : i32
    %rev3A_2040 = vector.broadcast %rev3A_2039 : i32 to vector<16xi32>
    %rev3A_2041 = tpu.iota {dimensions = array<i32: 0>} : vector<16xi32>
    %rev3A_2042 = arith.subi %rev3A_2040, %rev3A_2041 : vector<16xi32>
    %rev3A_2043 = tpu.dynamic_gather %get3A_2038[%rev3A_2042] in [0] : vector<16xi32>, vector<16xi32> -> vector<16xi32>
    %broadcast_in_dim3A_2044 = arith.constant true
    %broadcast_in_dim3A_2045 = vector.broadcast %broadcast_in_dim3A_2044 : i1 to vector<16xi1>
    %masked_cumsum3A_2046 = tpu.scan <sum>, %rev3A_2043 masked %broadcast_in_dim3A_2045 : vector<16xi32>, vector<16xi1> -> vector<16xi32>
    %add3A_2047 = vector.broadcast %reduce_max3A_2036 : i32 to vector<16xi32>
    %add3A_2048 = arith.addi %masked_cumsum3A_2046, %add3A_2047 : vector<16xi32>
    %ge3A_2049 = vector.broadcast %sub3A_1796 : i32 to vector<16xi32>
    %ge3A_2050 = arith.cmpi sge, %add3A_2048, %ge3A_2049 : vector<16xi32>
    %convert_element_type3A_2051 = arith.extui %ge3A_2050 : vector<16xi1> to vector<16xi32>
    %add3A_2052 = arith.addi %add3A_2020, %convert_element_type3A_2051 : vector<16xi32>
    %jit3A_2053 = arith.constant 0 : i32
    %broadcast_in_dim3A_2054 = vector.broadcast %jit3A_2053 : i32 to vector<16xi32>
    %select_n3A_2055 = arith.select %ge3A_2050, %broadcast_in_dim3A_2054, %add3A_2048 : vector<16xi1>, vector<16xi32>
    %max3A_2056 = arith.maxsi %max3A_2024, %select_n3A_2055 : vector<16xi32>
    %jit3A_2057 = arith.constant 1073741824 : i32
    %broadcast_in_dim3A_2058 = vector.broadcast %jit3A_2057 : i32 to vector<16xi32>
    %select_n3A_2059 = arith.select %ge3A_2050, %add3A_2048, %broadcast_in_dim3A_2058 : vector<16xi1>, vector<16xi32>
    %min3A_2060 = arith.minsi %min3A_2028, %select_n3A_2059 : vector<16xi32>
    %reduce_max3A_2061 = arith.constant true
    %reduce_max3A_2062 = vector.broadcast %reduce_max3A_2061 : i1 to vector<16xi1>
    %reduce_max3A_2063 = arith.constant -2147483648 : i32
    %reduce_max3A_2064 = vector.broadcast %reduce_max3A_2063 : i32 to vector<16xi32>
    %reduce_max3A_2065 = arith.xori %add3A_2048, %reduce_max3A_2064 : vector<16xi32>
    %reduce_max3A_2066 = tpu.scan <max>, %reduce_max3A_2065 masked %reduce_max3A_2062 : vector<16xi32>, vector<16xi1> -> vector<16xi32>
    %reduce_max3A_2067 = arith.xori %reduce_max3A_2066, %reduce_max3A_2064 : vector<16xi32>
    %reduce_max3A_2068 = vector.extract %reduce_max3A_2067[15] : i32 from vector<16xi32>
    %get3A_2069 = arith.constant 144 : index
    %get3A_2070 = tpu.vector_load %arg6[%get3A_2069] {strides = array<i32>} : memref<256xi32, #tpu.memory_space<vmem>>, vector<16xi32>,
    %rev3A_2071 = arith.constant 15 : i32
    %rev3A_2072 = vector.broadcast %rev3A_2071 : i32 to vector<16xi32>
    %rev3A_2073 = tpu.iota {dimensions = array<i32: 0>} : vector<16xi32>
    %rev3A_2074 = arith.subi %rev3A_2072, %rev3A_2073 : vector<16xi32>
    %rev3A_2075 = tpu.dynamic_gather %get3A_2070[%rev3A_2074] in [0] : vector<16xi32>, vector<16xi32> -> vector<16xi32>
    %broadcast_in_dim3A_2076 = arith.constant true
    %broadcast_in_dim3A_2077 = vector.broadcast %broadcast_in_dim3A_2076 : i1 to vector<16xi1>
    %masked_cumsum3A_2078 = tpu.scan <sum>, %rev3A_2075 masked %broadcast_in_dim3A_2077 : vector<16xi32>, vector<16xi1> -> vector<16xi32>
    %add3A_2079 = vector.broadcast %reduce_max3A_2068 : i32 to vector<16xi32>
    %add3A_2080 = arith.addi %masked_cumsum3A_2078, %add3A_2079 : vector<16xi32>
    %ge3A_2081 = vector.broadcast %sub3A_1796 : i32 to vector<16xi32>
    %ge3A_2082 = arith.cmpi sge, %add3A_2080, %ge3A_2081 : vector<16xi32>
    %convert_element_type3A_2083 = arith.extui %ge3A_2082 : vector<16xi1> to vector<16xi32>
    %add3A_2084 = arith.addi %add3A_2052, %convert_element_type3A_2083 : vector<16xi32>
    %jit3A_2085 = arith.constant 0 : i32
    %broadcast_in_dim3A_2086 = vector.broadcast %jit3A_2085 : i32 to vector<16xi32>
    %select_n3A_2087 = arith.select %ge3A_2082, %broadcast_in_dim3A_2086, %add3A_2080 : vector<16xi1>, vector<16xi32>
    %max3A_2088 = arith.maxsi %max3A_2056, %select_n3A_2087 : vector<16xi32>
    %jit3A_2089 = arith.constant 1073741824 : i32
    %broadcast_in_dim3A_2090 = vector.broadcast %jit3A_2089 : i32 to vector<16xi32>
    %select_n3A_2091 = arith.select %ge3A_2082, %add3A_2080, %broadcast_in_dim3A_2090 : vector<16xi1>, vector<16xi32>
    %min3A_2092 = arith.minsi %min3A_2060, %select_n3A_2091 : vector<16xi32>
    %reduce_max3A_2093 = arith.constant true
    %reduce_max3A_2094 = vector.broadcast %reduce_max3A_2093 : i1 to vector<16xi1>
    %reduce_max3A_2095 = arith.constant -2147483648 : i32
    %reduce_max3A_2096 = vector.broadcast %reduce_max3A_2095 : i32 to vector<16xi32>
    %reduce_max3A_2097 = arith.xori %add3A_2080, %reduce_max3A_2096 : vector<16xi32>
    %reduce_max3A_2098 = tpu.scan <max>, %reduce_max3A_2097 masked %reduce_max3A_2094 : vector<16xi32>, vector<16xi1> -> vector<16xi32>
    %reduce_max3A_2099 = arith.xori %reduce_max3A_2098, %reduce_max3A_2096 : vector<16xi32>
    %reduce_max3A_2100 = vector.extract %reduce_max3A_2099[15] : i32 from vector<16xi32>
    %get3A_2101 = arith.constant 128 : index
    %get3A_2102 = tpu.vector_load %arg6[%get3A_2101] {strides = array<i32>} : memref<256xi32, #tpu.memory_space<vmem>>, vector<16xi32>,
    %rev3A_2103 = arith.constant 15 : i32
    %rev3A_2104 = vector.broadcast %rev3A_2103 : i32 to vector<16xi32>
    %rev3A_2105 = tpu.iota {dimensions = array<i32: 0>} : vector<16xi32>
    %rev3A_2106 = arith.subi %rev3A_2104, %rev3A_2105 : vector<16xi32>
    %rev3A_2107 = tpu.dynamic_gather %get3A_2102[%rev3A_2106] in [0] : vector<16xi32>, vector<16xi32> -> vector<16xi32>
    %broadcast_in_dim3A_2108 = arith.constant true
    %broadcast_in_dim3A_2109 = vector.broadcast %broadcast_in_dim3A_2108 : i1 to vector<16xi1>
    %masked_cumsum3A_2110 = tpu.scan <sum>, %rev3A_2107 masked %broadcast_in_dim3A_2109 : vector<16xi32>, vector<16xi1> -> vector<16xi32>
    %add3A_2111 = vector.broadcast %reduce_max3A_2100 : i32 to vector<16xi32>
    %add3A_2112 = arith.addi %masked_cumsum3A_2110, %add3A_2111 : vector<16xi32>
    %ge3A_2113 = vector.broadcast %sub3A_1796 : i32 to vector<16xi32>
    %ge3A_2114 = arith.cmpi sge, %add3A_2112, %ge3A_2113 : vector<16xi32>
    %convert_element_type3A_2115 = arith.extui %ge3A_2114 : vector<16xi1> to vector<16xi32>
    %add3A_2116 = arith.addi %add3A_2084, %convert_element_type3A_2115 : vector<16xi32>
    %jit3A_2117 = arith.constant 0 : i32
    %broadcast_in_dim3A_2118 = vector.broadcast %jit3A_2117 : i32 to vector<16xi32>
    %select_n3A_2119 = arith.select %ge3A_2114, %broadcast_in_dim3A_2118, %add3A_2112 : vector<16xi1>, vector<16xi32>
    %max3A_2120 = arith.maxsi %max3A_2088, %select_n3A_2119 : vector<16xi32>
    %jit3A_2121 = arith.constant 1073741824 : i32
    %broadcast_in_dim3A_2122 = vector.broadcast %jit3A_2121 : i32 to vector<16xi32>
    %select_n3A_2123 = arith.select %ge3A_2114, %add3A_2112, %broadcast_in_dim3A_2122 : vector<16xi1>, vector<16xi32>
    %min3A_2124 = arith.minsi %min3A_2092, %select_n3A_2123 : vector<16xi32>
    %reduce_max3A_2125 = arith.constant true
    %reduce_max3A_2126 = vector.broadcast %reduce_max3A_2125 : i1 to vector<16xi1>
    %reduce_max3A_2127 = arith.constant -2147483648 : i32
    %reduce_max3A_2128 = vector.broadcast %reduce_max3A_2127 : i32 to vector<16xi32>
    %reduce_max3A_2129 = arith.xori %add3A_2112, %reduce_max3A_2128 : vector<16xi32>
    %reduce_max3A_2130 = tpu.scan <max>, %reduce_max3A_2129 masked %reduce_max3A_2126 : vector<16xi32>, vector<16xi1> -> vector<16xi32>
    %reduce_max3A_2131 = arith.xori %reduce_max3A_2130, %reduce_max3A_2128 : vector<16xi32>
    %reduce_max3A_2132 = vector.extract %reduce_max3A_2131[15] : i32 from vector<16xi32>
    %get3A_2133 = arith.constant 112 : index
    %get3A_2134 = tpu.vector_load %arg6[%get3A_2133] {strides = array<i32>} : memref<256xi32, #tpu.memory_space<vmem>>, vector<16xi32>,
    %rev3A_2135 = arith.constant 15 : i32
    %rev3A_2136 = vector.broadcast %rev3A_2135 : i32 to vector<16xi32>
    %rev3A_2137 = tpu.iota {dimensions = array<i32: 0>} : vector<16xi32>
    %rev3A_2138 = arith.subi %rev3A_2136, %rev3A_2137 : vector<16xi32>
    %rev3A_2139 = tpu.dynamic_gather %get3A_2134[%rev3A_2138] in [0] : vector<16xi32>, vector<16xi32> -> vector<16xi32>
    %broadcast_in_dim3A_2140 = arith.constant true
    %broadcast_in_dim3A_2141 = vector.broadcast %broadcast_in_dim3A_2140 : i1 to vector<16xi1>
    %masked_cumsum3A_2142 = tpu.scan <sum>, %rev3A_2139 masked %broadcast_in_dim3A_2141 : vector<16xi32>, vector<16xi1> -> vector<16xi32>
    %add3A_2143 = vector.broadcast %reduce_max3A_2132 : i32 to vector<16xi32>
    %add3A_2144 = arith.addi %masked_cumsum3A_2142, %add3A_2143 : vector<16xi32>
    %ge3A_2145 = vector.broadcast %sub3A_1796 : i32 to vector<16xi32>
    %ge3A_2146 = arith.cmpi sge, %add3A_2144, %ge3A_2145 : vector<16xi32>
    %convert_element_type3A_2147 = arith.extui %ge3A_2146 : vector<16xi1> to vector<16xi32>
    %add3A_2148 = arith.addi %add3A_2116, %convert_element_type3A_2147 : vector<16xi32>
    %jit3A_2149 = arith.constant 0 : i32
    %broadcast_in_dim3A_2150 = vector.broadcast %jit3A_2149 : i32 to vector<16xi32>
    %select_n3A_2151 = arith.select %ge3A_2146, %broadcast_in_dim3A_2150, %add3A_2144 : vector<16xi1>, vector<16xi32>
    %max3A_2152 = arith.maxsi %max3A_2120, %select_n3A_2151 : vector<16xi32>
    %jit3A_2153 = arith.constant 1073741824 : i32
    %broadcast_in_dim3A_2154 = vector.broadcast %jit3A_2153 : i32 to vector<16xi32>
    %select_n3A_2155 = arith.select %ge3A_2146, %add3A_2144, %broadcast_in_dim3A_2154 : vector<16xi1>, vector<16xi32>
    %min3A_2156 = arith.minsi %min3A_2124, %select_n3A_2155 : vector<16xi32>
    %reduce_max3A_2157 = arith.constant true
    %reduce_max3A_2158 = vector.broadcast %reduce_max3A_2157 : i1 to vector<16xi1>
    %reduce_max3A_2159 = arith.constant -2147483648 : i32
    %reduce_max3A_2160 = vector.broadcast %reduce_max3A_2159 : i32 to vector<16xi32>
    %reduce_max3A_2161 = arith.xori %add3A_2144, %reduce_max3A_2160 : vector<16xi32>
    %reduce_max3A_2162 = tpu.scan <max>, %reduce_max3A_2161 masked %reduce_max3A_2158 : vector<16xi32>, vector<16xi1> -> vector<16xi32>
    %reduce_max3A_2163 = arith.xori %reduce_max3A_2162, %reduce_max3A_2160 : vector<16xi32>
    %reduce_max3A_2164 = vector.extract %reduce_max3A_2163[15] : i32 from vector<16xi32>
    %get3A_2165 = arith.constant 96 : index
    %get3A_2166 = tpu.vector_load %arg6[%get3A_2165] {strides = array<i32>} : memref<256xi32, #tpu.memory_space<vmem>>, vector<16xi32>,
    %rev3A_2167 = arith.constant 15 : i32
    %rev3A_2168 = vector.broadcast %rev3A_2167 : i32 to vector<16xi32>
    %rev3A_2169 = tpu.iota {dimensions = array<i32: 0>} : vector<16xi32>
    %rev3A_2170 = arith.subi %rev3A_2168, %rev3A_2169 : vector<16xi32>
    %rev3A_2171 = tpu.dynamic_gather %get3A_2166[%rev3A_2170] in [0] : vector<16xi32>, vector<16xi32> -> vector<16xi32>
    %broadcast_in_dim3A_2172 = arith.constant true
    %broadcast_in_dim3A_2173 = vector.broadcast %broadcast_in_dim3A_2172 : i1 to vector<16xi1>
    %masked_cumsum3A_2174 = tpu.scan <sum>, %rev3A_2171 masked %broadcast_in_dim3A_2173 : vector<16xi32>, vector<16xi1> -> vector<16xi32>
    %add3A_2175 = vector.broadcast %reduce_max3A_2164 : i32 to vector<16xi32>
    %add3A_2176 = arith.addi %masked_cumsum3A_2174, %add3A_2175 : vector<16xi32>
    %ge3A_2177 = vector.broadcast %sub3A_1796 : i32 to vector<16xi32>
    %ge3A_2178 = arith.cmpi sge, %add3A_2176, %ge3A_2177 : vector<16xi32>
    %convert_element_type3A_2179 = arith.extui %ge3A_2178 : vector<16xi1> to vector<16xi32>
    %add3A_2180 = arith.addi %add3A_2148, %convert_element_type3A_2179 : vector<16xi32>
    %jit3A_2181 = arith.constant 0 : i32
    %broadcast_in_dim3A_2182 = vector.broadcast %jit3A_2181 : i32 to vector<16xi32>
    %select_n3A_2183 = arith.select %ge3A_2178, %broadcast_in_dim3A_2182, %add3A_2176 : vector<16xi1>, vector<16xi32>
    %max3A_2184 = arith.maxsi %max3A_2152, %select_n3A_2183 : vector<16xi32>
    %jit3A_2185 = arith.constant 1073741824 : i32
    %broadcast_in_dim3A_2186 = vector.broadcast %jit3A_2185 : i32 to vector<16xi32>
    %select_n3A_2187 = arith.select %ge3A_2178, %add3A_2176, %broadcast_in_dim3A_2186 : vector<16xi1>, vector<16xi32>
    %min3A_2188 = arith.minsi %min3A_2156, %select_n3A_2187 : vector<16xi32>
    %reduce_max3A_2189 = arith.constant true
    %reduce_max3A_2190 = vector.broadcast %reduce_max3A_2189 : i1 to vector<16xi1>
    %reduce_max3A_2191 = arith.constant -2147483648 : i32
    %reduce_max3A_2192 = vector.broadcast %reduce_max3A_2191 : i32 to vector<16xi32>
    %reduce_max3A_2193 = arith.xori %add3A_2176, %reduce_max3A_2192 : vector<16xi32>
    %reduce_max3A_2194 = tpu.scan <max>, %reduce_max3A_2193 masked %reduce_max3A_2190 : vector<16xi32>, vector<16xi1> -> vector<16xi32>
    %reduce_max3A_2195 = arith.xori %reduce_max3A_2194, %reduce_max3A_2192 : vector<16xi32>
    %reduce_max3A_2196 = vector.extract %reduce_max3A_2195[15] : i32 from vector<16xi32>
    %get3A_2197 = arith.constant 80 : index
    %get3A_2198 = tpu.vector_load %arg6[%get3A_2197] {strides = array<i32>} : memref<256xi32, #tpu.memory_space<vmem>>, vector<16xi32>,
    %rev3A_2199 = arith.constant 15 : i32
    %rev3A_2200 = vector.broadcast %rev3A_2199 : i32 to vector<16xi32>
    %rev3A_2201 = tpu.iota {dimensions = array<i32: 0>} : vector<16xi32>
    %rev3A_2202 = arith.subi %rev3A_2200, %rev3A_2201 : vector<16xi32>
    %rev3A_2203 = tpu.dynamic_gather %get3A_2198[%rev3A_2202] in [0] : vector<16xi32>, vector<16xi32> -> vector<16xi32>
    %broadcast_in_dim3A_2204 = arith.constant true
    %broadcast_in_dim3A_2205 = vector.broadcast %broadcast_in_dim3A_2204 : i1 to vector<16xi1>
    %masked_cumsum3A_2206 = tpu.scan <sum>, %rev3A_2203 masked %broadcast_in_dim3A_2205 : vector<16xi32>, vector<16xi1> -> vector<16xi32>
    %add3A_2207 = vector.broadcast %reduce_max3A_2196 : i32 to vector<16xi32>
    %add3A_2208 = arith.addi %masked_cumsum3A_2206, %add3A_2207 : vector<16xi32>
    %ge3A_2209 = vector.broadcast %sub3A_1796 : i32 to vector<16xi32>
    %ge3A_2210 = arith.cmpi sge, %add3A_2208, %ge3A_2209 : vector<16xi32>
    %convert_element_type3A_2211 = arith.extui %ge3A_2210 : vector<16xi1> to vector<16xi32>
    %add3A_2212 = arith.addi %add3A_2180, %convert_element_type3A_2211 : vector<16xi32>
    %jit3A_2213 = arith.constant 0 : i32
    %broadcast_in_dim3A_2214 = vector.broadcast %jit3A_2213 : i32 to vector<16xi32>
    %select_n3A_2215 = arith.select %ge3A_2210, %broadcast_in_dim3A_2214, %add3A_2208 : vector<16xi1>, vector<16xi32>
    %max3A_2216 = arith.maxsi %max3A_2184, %select_n3A_2215 : vector<16xi32>
    %jit3A_2217 = arith.constant 1073741824 : i32
    %broadcast_in_dim3A_2218 = vector.broadcast %jit3A_2217 : i32 to vector<16xi32>
    %select_n3A_2219 = arith.select %ge3A_2210, %add3A_2208, %broadcast_in_dim3A_2218 : vector<16xi1>, vector<16xi32>
    %min3A_2220 = arith.minsi %min3A_2188, %select_n3A_2219 : vector<16xi32>
    %reduce_max3A_2221 = arith.constant true
    %reduce_max3A_2222 = vector.broadcast %reduce_max3A_2221 : i1 to vector<16xi1>
    %reduce_max3A_2223 = arith.constant -2147483648 : i32
    %reduce_max3A_2224 = vector.broadcast %reduce_max3A_2223 : i32 to vector<16xi32>
    %reduce_max3A_2225 = arith.xori %add3A_2208, %reduce_max3A_2224 : vector<16xi32>
    %reduce_max3A_2226 = tpu.scan <max>, %reduce_max3A_2225 masked %reduce_max3A_2222 : vector<16xi32>, vector<16xi1> -> vector<16xi32>
    %reduce_max3A_2227 = arith.xori %reduce_max3A_2226, %reduce_max3A_2224 : vector<16xi32>
    %reduce_max3A_2228 = vector.extract %reduce_max3A_2227[15] : i32 from vector<16xi32>
    %get3A_2229 = arith.constant 64 : index
    %get3A_2230 = tpu.vector_load %arg6[%get3A_2229] {strides = array<i32>} : memref<256xi32, #tpu.memory_space<vmem>>, vector<16xi32>,
    %rev3A_2231 = arith.constant 15 : i32
    %rev3A_2232 = vector.broadcast %rev3A_2231 : i32 to vector<16xi32>
    %rev3A_2233 = tpu.iota {dimensions = array<i32: 0>} : vector<16xi32>
    %rev3A_2234 = arith.subi %rev3A_2232, %rev3A_2233 : vector<16xi32>
    %rev3A_2235 = tpu.dynamic_gather %get3A_2230[%rev3A_2234] in [0] : vector<16xi32>, vector<16xi32> -> vector<16xi32>
    %broadcast_in_dim3A_2236 = arith.constant true
    %broadcast_in_dim3A_2237 = vector.broadcast %broadcast_in_dim3A_2236 : i1 to vector<16xi1>
    %masked_cumsum3A_2238 = tpu.scan <sum>, %rev3A_2235 masked %broadcast_in_dim3A_2237 : vector<16xi32>, vector<16xi1> -> vector<16xi32>
    %add3A_2239 = vector.broadcast %reduce_max3A_2228 : i32 to vector<16xi32>
    %add3A_2240 = arith.addi %masked_cumsum3A_2238, %add3A_2239 : vector<16xi32>
    %ge3A_2241 = vector.broadcast %sub3A_1796 : i32 to vector<16xi32>
    %ge3A_2242 = arith.cmpi sge, %add3A_2240, %ge3A_2241 : vector<16xi32>
    %convert_element_type3A_2243 = arith.extui %ge3A_2242 : vector<16xi1> to vector<16xi32>
    %add3A_2244 = arith.addi %add3A_2212, %convert_element_type3A_2243 : vector<16xi32>
    %jit3A_2245 = arith.constant 0 : i32
    %broadcast_in_dim3A_2246 = vector.broadcast %jit3A_2245 : i32 to vector<16xi32>
    %select_n3A_2247 = arith.select %ge3A_2242, %broadcast_in_dim3A_2246, %add3A_2240 : vector<16xi1>, vector<16xi32>
    %max3A_2248 = arith.maxsi %max3A_2216, %select_n3A_2247 : vector<16xi32>
    %jit3A_2249 = arith.constant 1073741824 : i32
    %broadcast_in_dim3A_2250 = vector.broadcast %jit3A_2249 : i32 to vector<16xi32>
    %select_n3A_2251 = arith.select %ge3A_2242, %add3A_2240, %broadcast_in_dim3A_2250 : vector<16xi1>, vector<16xi32>
    %min3A_2252 = arith.minsi %min3A_2220, %select_n3A_2251 : vector<16xi32>
    %reduce_max3A_2253 = arith.constant true
    %reduce_max3A_2254 = vector.broadcast %reduce_max3A_2253 : i1 to vector<16xi1>
    %reduce_max3A_2255 = arith.constant -2147483648 : i32
    %reduce_max3A_2256 = vector.broadcast %reduce_max3A_2255 : i32 to vector<16xi32>
    %reduce_max3A_2257 = arith.xori %add3A_2240, %reduce_max3A_2256 : vector<16xi32>
    %reduce_max3A_2258 = tpu.scan <max>, %reduce_max3A_2257 masked %reduce_max3A_2254 : vector<16xi32>, vector<16xi1> -> vector<16xi32>
    %reduce_max3A_2259 = arith.xori %reduce_max3A_2258, %reduce_max3A_2256 : vector<16xi32>
    %reduce_max3A_2260 = vector.extract %reduce_max3A_2259[15] : i32 from vector<16xi32>
    %get3A_2261 = arith.constant 48 : index
    %get3A_2262 = tpu.vector_load %arg6[%get3A_2261] {strides = array<i32>} : memref<256xi32, #tpu.memory_space<vmem>>, vector<16xi32>,
    %rev3A_2263 = arith.constant 15 : i32
    %rev3A_2264 = vector.broadcast %rev3A_2263 : i32 to vector<16xi32>
    %rev3A_2265 = tpu.iota {dimensions = array<i32: 0>} : vector<16xi32>
    %rev3A_2266 = arith.subi %rev3A_2264, %rev3A_2265 : vector<16xi32>
    %rev3A_2267 = tpu.dynamic_gather %get3A_2262[%rev3A_2266] in [0] : vector<16xi32>, vector<16xi32> -> vector<16xi32>
    %broadcast_in_dim3A_2268 = arith.constant true
    %broadcast_in_dim3A_2269 = vector.broadcast %broadcast_in_dim3A_2268 : i1 to vector<16xi1>
    %masked_cumsum3A_2270 = tpu.scan <sum>, %rev3A_2267 masked %broadcast_in_dim3A_2269 : vector<16xi32>, vector<16xi1> -> vector<16xi32>
    %add3A_2271 = vector.broadcast %reduce_max3A_2260 : i32 to vector<16xi32>
    %add3A_2272 = arith.addi %masked_cumsum3A_2270, %add3A_2271 : vector<16xi32>
    %ge3A_2273 = vector.broadcast %sub3A_1796 : i32 to vector<16xi32>
    %ge3A_2274 = arith.cmpi sge, %add3A_2272, %ge3A_2273 : vector<16xi32>
    %convert_element_type3A_2275 = arith.extui %ge3A_2274 : vector<16xi1> to vector<16xi32>
    %add3A_2276 = arith.addi %add3A_2244, %convert_element_type3A_2275 : vector<16xi32>
    %jit3A_2277 = arith.constant 0 : i32
    %broadcast_in_dim3A_2278 = vector.broadcast %jit3A_2277 : i32 to vector<16xi32>
    %select_n3A_2279 = arith.select %ge3A_2274, %broadcast_in_dim3A_2278, %add3A_2272 : vector<16xi1>, vector<16xi32>
    %max3A_2280 = arith.maxsi %max3A_2248, %select_n3A_2279 : vector<16xi32>
    %jit3A_2281 = arith.constant 1073741824 : i32
    %broadcast_in_dim3A_2282 = vector.broadcast %jit3A_2281 : i32 to vector<16xi32>
    %select_n3A_2283 = arith.select %ge3A_2274, %add3A_2272, %broadcast_in_dim3A_2282 : vector<16xi1>, vector<16xi32>
    %min3A_2284 = arith.minsi %min3A_2252, %select_n3A_2283 : vector<16xi32>
    %reduce_max3A_2285 = arith.constant true
    %reduce_max3A_2286 = vector.broadcast %reduce_max3A_2285 : i1 to vector<16xi1>
    %reduce_max3A_2287 = arith.constant -2147483648 : i32
    %reduce_max3A_2288 = vector.broadcast %reduce_max3A_2287 : i32 to vector<16xi32>
    %reduce_max3A_2289 = arith.xori %add3A_2272, %reduce_max3A_2288 : vector<16xi32>
    %reduce_max3A_2290 = tpu.scan <max>, %reduce_max3A_2289 masked %reduce_max3A_2286 : vector<16xi32>, vector<16xi1> -> vector<16xi32>
    %reduce_max3A_2291 = arith.xori %reduce_max3A_2290, %reduce_max3A_2288 : vector<16xi32>
    %reduce_max3A_2292 = vector.extract %reduce_max3A_2291[15] : i32 from vector<16xi32>
    %get3A_2293 = arith.constant 32 : index
    %get3A_2294 = tpu.vector_load %arg6[%get3A_2293] {strides = array<i32>} : memref<256xi32, #tpu.memory_space<vmem>>, vector<16xi32>,
    %rev3A_2295 = arith.constant 15 : i32
    %rev3A_2296 = vector.broadcast %rev3A_2295 : i32 to vector<16xi32>
    %rev3A_2297 = tpu.iota {dimensions = array<i32: 0>} : vector<16xi32>
    %rev3A_2298 = arith.subi %rev3A_2296, %rev3A_2297 : vector<16xi32>
    %rev3A_2299 = tpu.dynamic_gather %get3A_2294[%rev3A_2298] in [0] : vector<16xi32>, vector<16xi32> -> vector<16xi32>
    %broadcast_in_dim3A_2300 = arith.constant true
    %broadcast_in_dim3A_2301 = vector.broadcast %broadcast_in_dim3A_2300 : i1 to vector<16xi1>
    %masked_cumsum3A_2302 = tpu.scan <sum>, %rev3A_2299 masked %broadcast_in_dim3A_2301 : vector<16xi32>, vector<16xi1> -> vector<16xi32>
    %add3A_2303 = vector.broadcast %reduce_max3A_2292 : i32 to vector<16xi32>
    %add3A_2304 = arith.addi %masked_cumsum3A_2302, %add3A_2303 : vector<16xi32>
    %ge3A_2305 = vector.broadcast %sub3A_1796 : i32 to vector<16xi32>
    %ge3A_2306 = arith.cmpi sge, %add3A_2304, %ge3A_2305 : vector<16xi32>
    %convert_element_type3A_2307 = arith.extui %ge3A_2306 : vector<16xi1> to vector<16xi32>
    %add3A_2308 = arith.addi %add3A_2276, %convert_element_type3A_2307 : vector<16xi32>
    %jit3A_2309 = arith.constant 0 : i32
    %broadcast_in_dim3A_2310 = vector.broadcast %jit3A_2309 : i32 to vector<16xi32>
    %select_n3A_2311 = arith.select %ge3A_2306, %broadcast_in_dim3A_2310, %add3A_2304 : vector<16xi1>, vector<16xi32>
    %max3A_2312 = arith.maxsi %max3A_2280, %select_n3A_2311 : vector<16xi32>
    %jit3A_2313 = arith.constant 1073741824 : i32
    %broadcast_in_dim3A_2314 = vector.broadcast %jit3A_2313 : i32 to vector<16xi32>
    %select_n3A_2315 = arith.select %ge3A_2306, %add3A_2304, %broadcast_in_dim3A_2314 : vector<16xi1>, vector<16xi32>
    %min3A_2316 = arith.minsi %min3A_2284, %select_n3A_2315 : vector<16xi32>
    %reduce_max3A_2317 = arith.constant true
    %reduce_max3A_2318 = vector.broadcast %reduce_max3A_2317 : i1 to vector<16xi1>
    %reduce_max3A_2319 = arith.constant -2147483648 : i32
    %reduce_max3A_2320 = vector.broadcast %reduce_max3A_2319 : i32 to vector<16xi32>
    %reduce_max3A_2321 = arith.xori %add3A_2304, %reduce_max3A_2320 : vector<16xi32>
    %reduce_max3A_2322 = tpu.scan <max>, %reduce_max3A_2321 masked %reduce_max3A_2318 : vector<16xi32>, vector<16xi1> -> vector<16xi32>
    %reduce_max3A_2323 = arith.xori %reduce_max3A_2322, %reduce_max3A_2320 : vector<16xi32>
    %reduce_max3A_2324 = vector.extract %reduce_max3A_2323[15] : i32 from vector<16xi32>
    %get3A_2325 = arith.constant 16 : index
    %get3A_2326 = tpu.vector_load %arg6[%get3A_2325] {strides = array<i32>} : memref<256xi32, #tpu.memory_space<vmem>>, vector<16xi32>,
    %rev3A_2327 = arith.constant 15 : i32
    %rev3A_2328 = vector.broadcast %rev3A_2327 : i32 to vector<16xi32>
    %rev3A_2329 = tpu.iota {dimensions = array<i32: 0>} : vector<16xi32>
    %rev3A_2330 = arith.subi %rev3A_2328, %rev3A_2329 : vector<16xi32>
    %rev3A_2331 = tpu.dynamic_gather %get3A_2326[%rev3A_2330] in [0] : vector<16xi32>, vector<16xi32> -> vector<16xi32>
    %broadcast_in_dim3A_2332 = arith.constant true
    %broadcast_in_dim3A_2333 = vector.broadcast %broadcast_in_dim3A_2332 : i1 to vector<16xi1>
    %masked_cumsum3A_2334 = tpu.scan <sum>, %rev3A_2331 masked %broadcast_in_dim3A_2333 : vector<16xi32>, vector<16xi1> -> vector<16xi32>
    %add3A_2335 = vector.broadcast %reduce_max3A_2324 : i32 to vector<16xi32>
    %add3A_2336 = arith.addi %masked_cumsum3A_2334, %add3A_2335 : vector<16xi32>
    %ge3A_2337 = vector.broadcast %sub3A_1796 : i32 to vector<16xi32>
    %ge3A_2338 = arith.cmpi sge, %add3A_2336, %ge3A_2337 : vector<16xi32>
    %convert_element_type3A_2339 = arith.extui %ge3A_2338 : vector<16xi1> to vector<16xi32>
    %add3A_2340 = arith.addi %add3A_2308, %convert_element_type3A_2339 : vector<16xi32>
    %jit3A_2341 = arith.constant 0 : i32
    %broadcast_in_dim3A_2342 = vector.broadcast %jit3A_2341 : i32 to vector<16xi32>
    %select_n3A_2343 = arith.select %ge3A_2338, %broadcast_in_dim3A_2342, %add3A_2336 : vector<16xi1>, vector<16xi32>
    %max3A_2344 = arith.maxsi %max3A_2312, %select_n3A_2343 : vector<16xi32>
    %jit3A_2345 = arith.constant 1073741824 : i32
    %broadcast_in_dim3A_2346 = vector.broadcast %jit3A_2345 : i32 to vector<16xi32>
    %select_n3A_2347 = arith.select %ge3A_2338, %add3A_2336, %broadcast_in_dim3A_2346 : vector<16xi1>, vector<16xi32>
    %min3A_2348 = arith.minsi %min3A_2316, %select_n3A_2347 : vector<16xi32>
    %reduce_max3A_2349 = arith.constant true
    %reduce_max3A_2350 = vector.broadcast %reduce_max3A_2349 : i1 to vector<16xi1>
    %reduce_max3A_2351 = arith.constant -2147483648 : i32
    %reduce_max3A_2352 = vector.broadcast %reduce_max3A_2351 : i32 to vector<16xi32>
    %reduce_max3A_2353 = arith.xori %add3A_2336, %reduce_max3A_2352 : vector<16xi32>
    %reduce_max3A_2354 = tpu.scan <max>, %reduce_max3A_2353 masked %reduce_max3A_2350 : vector<16xi32>, vector<16xi1> -> vector<16xi32>
    %reduce_max3A_2355 = arith.xori %reduce_max3A_2354, %reduce_max3A_2352 : vector<16xi32>
    %reduce_max3A_2356 = vector.extract %reduce_max3A_2355[15] : i32 from vector<16xi32>
    %get3A_2357 = arith.constant 0 : index
    %get3A_2358 = tpu.vector_load %arg6[%get3A_2357] {strides = array<i32>} : memref<256xi32, #tpu.memory_space<vmem>>, vector<16xi32>,
    %rev3A_2359 = arith.constant 15 : i32
    %rev3A_2360 = vector.broadcast %rev3A_2359 : i32 to vector<16xi32>
    %rev3A_2361 = tpu.iota {dimensions = array<i32: 0>} : vector<16xi32>
    %rev3A_2362 = arith.subi %rev3A_2360, %rev3A_2361 : vector<16xi32>
    %rev3A_2363 = tpu.dynamic_gather %get3A_2358[%rev3A_2362] in [0] : vector<16xi32>, vector<16xi32> -> vector<16xi32>
    %broadcast_in_dim3A_2364 = arith.constant true
    %broadcast_in_dim3A_2365 = vector.broadcast %broadcast_in_dim3A_2364 : i1 to vector<16xi1>
    %masked_cumsum3A_2366 = tpu.scan <sum>, %rev3A_2363 masked %broadcast_in_dim3A_2365 : vector<16xi32>, vector<16xi1> -> vector<16xi32>
    %add3A_2367 = vector.broadcast %reduce_max3A_2356 : i32 to vector<16xi32>
    %add3A_2368 = arith.addi %masked_cumsum3A_2366, %add3A_2367 : vector<16xi32>
    %ge3A_2369 = vector.broadcast %sub3A_1796 : i32 to vector<16xi32>
    %ge3A_2370 = arith.cmpi sge, %add3A_2368, %ge3A_2369 : vector<16xi32>
    %convert_element_type3A_2371 = arith.extui %ge3A_2370 : vector<16xi1> to vector<16xi32>
    %add3A_2372 = arith.addi %add3A_2340, %convert_element_type3A_2371 : vector<16xi32>
    %jit3A_2373 = arith.constant 0 : i32
    %broadcast_in_dim3A_2374 = vector.broadcast %jit3A_2373 : i32 to vector<16xi32>
    %select_n3A_2375 = arith.select %ge3A_2370, %broadcast_in_dim3A_2374, %add3A_2368 : vector<16xi1>, vector<16xi32>
    %max3A_2376 = arith.maxsi %max3A_2344, %select_n3A_2375 : vector<16xi32>
    %jit3A_2377 = arith.constant 1073741824 : i32
    %broadcast_in_dim3A_2378 = vector.broadcast %jit3A_2377 : i32 to vector<16xi32>
    %select_n3A_2379 = arith.select %ge3A_2370, %add3A_2368, %broadcast_in_dim3A_2378 : vector<16xi1>, vector<16xi32>
    %min3A_2380 = arith.minsi %min3A_2348, %select_n3A_2379 : vector<16xi32>
    %reduce_max3A_2381 = arith.constant true
    %reduce_max3A_2382 = vector.broadcast %reduce_max3A_2381 : i1 to vector<16xi1>
    %reduce_max3A_2383 = arith.constant -2147483648 : i32
    %reduce_max3A_2384 = vector.broadcast %reduce_max3A_2383 : i32 to vector<16xi32>
    %reduce_max3A_2385 = arith.xori %add3A_2368, %reduce_max3A_2384 : vector<16xi32>
    %reduce_max3A_2386 = tpu.scan <max>, %reduce_max3A_2385 masked %reduce_max3A_2382 : vector<16xi32>, vector<16xi1> -> vector<16xi32>
    %reduce_max3A_2387 = arith.xori %reduce_max3A_2386, %reduce_max3A_2384 : vector<16xi32>
    %reduce_max3A_2388 = vector.extract %reduce_max3A_2387[15] : i32 from vector<16xi32>
    %reduce_sum3A_2389 = arith.constant true
    %reduce_sum3A_2390 = vector.broadcast %reduce_sum3A_2389 : i1 to vector<16xi1>
    %reduce_sum3A_2391 = tpu.scan <sum>, %add3A_2372 masked %reduce_sum3A_2390 : vector<16xi32>, vector<16xi1> -> vector<16xi32>
    %reduce_sum3A_2392 = vector.extract %reduce_sum3A_2391[15] : i32 from vector<16xi32>
    %sub3A_2393 = arith.constant 1 : i32
    %sub3A_2394 = arith.subi %reduce_sum3A_2392, %sub3A_2393 : i32
    %reduce_max3A_2395 = arith.constant true
    %reduce_max3A_2396 = vector.broadcast %reduce_max3A_2395 : i1 to vector<16xi1>
    %reduce_max3A_2397 = arith.constant -2147483648 : i32
    %reduce_max3A_2398 = vector.broadcast %reduce_max3A_2397 : i32 to vector<16xi32>
    %reduce_max3A_2399 = arith.xori %max3A_2376, %reduce_max3A_2398 : vector<16xi32>
    %reduce_max3A_2400 = tpu.scan <max>, %reduce_max3A_2399 masked %reduce_max3A_2396 : vector<16xi32>, vector<16xi1> -> vector<16xi32>
    %reduce_max3A_2401 = arith.xori %reduce_max3A_2400, %reduce_max3A_2398 : vector<16xi32>
    %reduce_max3A_2402 = vector.extract %reduce_max3A_2401[15] : i32 from vector<16xi32>
    %reduce_min3A_2403 = arith.constant true
    %reduce_min3A_2404 = vector.broadcast %reduce_min3A_2403 : i1 to vector<16xi1>
    %reduce_min3A_2405 = arith.constant -2147483648 : i32
    %reduce_min3A_2406 = vector.broadcast %reduce_min3A_2405 : i32 to vector<16xi32>
    %reduce_min3A_2407 = arith.xori %min3A_2380, %reduce_min3A_2406 : vector<16xi32>
    %reduce_min3A_2408 = tpu.scan <min>, %reduce_min3A_2407 masked %reduce_min3A_2404 : vector<16xi32>, vector<16xi1> -> vector<16xi32>
    %reduce_min3A_2409 = arith.xori %reduce_min3A_2408, %reduce_min3A_2406 : vector<16xi32>
    %reduce_min3A_2410 = vector.extract %reduce_min3A_2409[15] : i32 from vector<16xi32>
    %sub3A_2411 = arith.subi %sub3A_1796, %reduce_max3A_2402 : i32
    %shift_left3A_2412 = arith.constant 8 : i32
    %shift_left3A_2413 = arith.shli %or3A_1799, %shift_left3A_2412 : i32
    %or3A_2414 = arith.ori %shift_left3A_2413, %sub3A_2394 : i32
    %sub3A_2415 = arith.subi %reduce_min3A_2410, %reduce_max3A_2402 : i32
    %sub3A_2416 = arith.subi %sub3A_2415, %sub3A_2411 : i32
    %parallel_loop3A_2417 = arith.constant 0 : i32
    %parallel_loop3A_2418 = arith.constant 8192 : i32
    %parallel_loop3A_2419 = arith.constant 16 : i32
    scf.for %parallel_loop3A_2425 = %parallel_loop3A_2417 to %parallel_loop3A_2418 step %parallel_loop3A_2419  : i32 {
      %parallel_loop3A_2426 = arith.index_cast %parallel_loop3A_2425 : i32 to index
      %parallel_loop3A_2427 = tpu.vector_load %arg5[%parallel_loop3A_2426] {strides = array<i32>} : memref<8192xi32, #tpu.memory_space<vmem>>, vector<16xi32>,
      %parallel_loop3A_2428 = arith.constant 0 : i32
      %parallel_loop3A_2429 = tpu.memref_slice %arg4[%parallel_loop3A_2428] : memref<8192xf32, #tpu.memory_space<vmem>> -> memref<8192xf32, #tpu.memory_space<vmem>>
      %parallel_loop3A_2430 = arith.index_cast %parallel_loop3A_2425 : i32 to index
      %parallel_loop3A_2431 = tpu.vector_load %parallel_loop3A_2429[%parallel_loop3A_2430] {strides = array<i32>} : memref<8192xf32, #tpu.memory_space<vmem>>, vector<16xf32>,
      %parallel_loop3A_2432 = vector.broadcast %or3A_2414 : i32 to vector<16xi32>
      %parallel_loop3A_2433 = arith.cmpi uge, %parallel_loop3A_2427, %parallel_loop3A_2432 : vector<16xi32>
      %parallel_loop3A_2434 = arith.constant 0.000000e+00 : f32
      %parallel_loop3A_2435 = vector.broadcast %parallel_loop3A_2434 : f32 to vector<16xf32>
      %parallel_loop3A_2436 = arith.select %parallel_loop3A_2433, %parallel_loop3A_2431, %parallel_loop3A_2435 : vector<16xi1>, vector<16xf32>
      %parallel_loop3A_2437 = arith.constant 0 : i32
      %parallel_loop3A_2438 = tpu.memref_slice %arg4[%parallel_loop3A_2437] : memref<8192xf32, #tpu.memory_space<vmem>> -> memref<8192xf32, #tpu.memory_space<vmem>>
      %parallel_loop3A_2439 = arith.index_cast %parallel_loop3A_2425 : i32 to index
      %parallel_loop3A_2440 = tpu.vector_load %parallel_loop3A_2438[%parallel_loop3A_2439] {strides = array<i32>} : memref<8192xf32, #tpu.memory_space<vmem>>, vector<16xf32>,
      tpu.vector_store %parallel_loop3A_2438[%parallel_loop3A_2439], %parallel_loop3A_2436 {strides = array<i32>} : memref<8192xf32, #tpu.memory_space<vmem>>, vector<16xf32>,
    } {sc.loop_unroll_factor = 8 : i64, sc.parallel_access}
    %gt3A = arith.constant 0 : i32
    %gt3A_2420 = arith.cmpi sgt, %sub3A_2416, %gt3A : i32
    %convert_element_type3A_2421 = arith.extui %gt3A_2420 : i1 to i32
    %cond3A = arith.constant 0 : i32
    %cond3A_2422 = arith.cmpi ne, %convert_element_type3A_2421, %cond3A : i32
    scf.if %cond3A_2422 {
      %scan3A = arith.constant 0 : i32
      %scan3A_2425 = arith.constant 512 : i32
      %scan3A_2426 = arith.addi %scan3A, %scan3A_2425 : i32
      %scan3A_2427 = arith.constant 1 : i32
      %scan3A_2428 = scf.for %scan3A_2430 = %scan3A to %scan3A_2426 step %scan3A_2427 iter_args(%scan3A_2431 = %sub3A_2416) -> (i32)  : i32 {
        %sub3A_2432 = arith.constant 511 : i32
        %sub3A_2433 = arith.subi %sub3A_2432, %scan3A_2430 : i32
        %mul3A_2434 = arith.constant 16 : i32
        %mul3A_2435 = arith.muli %sub3A_2433, %mul3A_2434 : i32
        %get3A_2436 = arith.index_cast %mul3A_2435 : i32 to index
        %get3A_2437 = tpu.vector_load %arg5[%get3A_2436] {strides = array<i32>} : memref<8192xi32, #tpu.memory_space<vmem>>, vector<16xi32>,
        %eq3A = vector.broadcast %or3A_2414 : i32 to vector<16xi32>
        %eq3A_2438 = arith.cmpi eq, %get3A_2437, %eq3A : vector<16xi32>
        %convert_element_type3A_2439 = arith.extui %eq3A_2438 : vector<16xi1> to vector<16xi32>
        %rev3A_2440 = arith.constant 15 : i32
        %rev3A_2441 = vector.broadcast %rev3A_2440 : i32 to vector<16xi32>
        %rev3A_2442 = tpu.iota {dimensions = array<i32: 0>} : vector<16xi32>
        %rev3A_2443 = arith.subi %rev3A_2441, %rev3A_2442 : vector<16xi32>
        %rev3A_2444 = tpu.dynamic_gather %convert_element_type3A_2439[%rev3A_2443] in [0] : vector<16xi32>, vector<16xi32> -> vector<16xi32>
        %broadcast_in_dim3A_2445 = arith.constant true
        %broadcast_in_dim3A_2446 = vector.broadcast %broadcast_in_dim3A_2445 : i1 to vector<16xi1>
        %masked_cumsum3A_2447 = tpu.scan <sum>, %rev3A_2444 masked %broadcast_in_dim3A_2446 : vector<16xi32>, vector<16xi1> -> vector<16xi32>
        %rev3A_2448 = arith.constant 15 : i32
        %rev3A_2449 = vector.broadcast %rev3A_2448 : i32 to vector<16xi32>
        %rev3A_2450 = tpu.iota {dimensions = array<i32: 0>} : vector<16xi32>
        %rev3A_2451 = arith.subi %rev3A_2449, %rev3A_2450 : vector<16xi32>
        %rev3A_2452 = tpu.dynamic_gather %masked_cumsum3A_2447[%rev3A_2451] in [0] : vector<16xi32>, vector<16xi32> -> vector<16xi32>
        %le3A = vector.broadcast %scan3A_2431 : i32 to vector<16xi32>
        %le3A_2453 = arith.cmpi sle, %rev3A_2452, %le3A : vector<16xi32>
        %and3A_2454 = arith.andi %eq3A_2438, %le3A_2453 : vector<16xi1>
        %mul3A_2455 = arith.constant 16 : i32
        %mul3A_2456 = arith.muli %sub3A_2433, %mul3A_2455 : i32
        %get3A_2457 = arith.constant 0 : i32
        %get3A_2458 = tpu.memref_slice %arg4[%get3A_2457] : memref<8192xf32, #tpu.memory_space<vmem>> -> memref<8192xf32, #tpu.memory_space<vmem>>
        %get3A_2459 = arith.index_cast %mul3A_2456 : i32 to index
        %get3A_2460 = tpu.vector_load %get3A_2458[%get3A_2459] {strides = array<i32>} : memref<8192xf32, #tpu.memory_space<vmem>>, vector<16xf32>,
        %jit3A_2461 = arith.constant 0.000000e+00 : f32
        %broadcast_in_dim3A_2462 = vector.broadcast %jit3A_2461 : f32 to vector<16xf32>
        %select_n3A_2463 = arith.select %and3A_2454, %broadcast_in_dim3A_2462, %get3A_2460 : vector<16xi1>, vector<16xf32>
        %mul3A_2464 = arith.constant 16 : i32
        %mul3A_2465 = arith.muli %sub3A_2433, %mul3A_2464 : i32
        %swap3A_2466 = arith.constant 0 : i32
        %swap3A_2467 = tpu.memref_slice %arg4[%swap3A_2466] : memref<8192xf32, #tpu.memory_space<vmem>> -> memref<8192xf32, #tpu.memory_space<vmem>>
        %swap3A_2468 = arith.index_cast %mul3A_2465 : i32 to index
        %swap3A_2469 = tpu.vector_load %swap3A_2467[%swap3A_2468] {strides = array<i32>} : memref<8192xf32, #tpu.memory_space<vmem>>, vector<16xf32>,
        tpu.vector_store %swap3A_2467[%swap3A_2468], %select_n3A_2463 {strides = array<i32>} : memref<8192xf32, #tpu.memory_space<vmem>>, vector<16xf32>,
        %reduce_max3A_2470 = arith.constant true
        %reduce_max3A_2471 = vector.broadcast %reduce_max3A_2470 : i1 to vector<16xi1>
        %reduce_max3A_2472 = arith.constant -2147483648 : i32
        %reduce_max3A_2473 = vector.broadcast %reduce_max3A_2472 : i32 to vector<16xi32>
        %reduce_max3A_2474 = arith.xori %masked_cumsum3A_2447, %reduce_max3A_2473 : vector<16xi32>
        %reduce_max3A_2475 = tpu.scan <max>, %reduce_max3A_2474 masked %reduce_max3A_2471 : vector<16xi32>, vector<16xi1> -> vector<16xi32>
        %reduce_max3A_2476 = arith.xori %reduce_max3A_2475, %reduce_max3A_2473 : vector<16xi32>
        %reduce_max3A_2477 = vector.extract %reduce_max3A_2476[15] : i32 from vector<16xi32>
        %sub3A_2478 = arith.subi %scan3A_2431, %reduce_max3A_2477 : i32
        scf.yield %sub3A_2478 : i32
      }
      %scan3A_2429 = arith.constant 512 : i32
    } else {
    }
    %add3A_2423 = arith.constant 0 : i32
    %add3A_2424 = arith.addi %add3A_4, %add3A_2423 : i32
    "tpu.region"() ({
      %run_scoped3A = tpu.sem_alloc : memref<!tpu.dma_semaphore, #tpu.memory_space<semaphore_mem>>
      %dma_start3A = arith.constant 0 : i32
      %dma_start3A_2425 = tpu.memref_slice %arg4[%dma_start3A] : memref<8192xf32, #tpu.memory_space<vmem>> -> memref<8192xf32, #tpu.memory_space<vmem>>
      %dma_start3A_2426 = arith.constant 0 : i32
      %dma_start3A_2427 = tpu.memref_slice %arg3[%add3A_2424, %dma_start3A_2426] : memref<64x8192xf32, #tpu.memory_space<hbm>> -> memref<1x8192xf32, #tpu.memory_space<hbm>>
      %dma_start3A_2428 = tpu.memref_squeeze %dma_start3A_2427 : memref<1x8192xf32, #tpu.memory_space<hbm>> -> memref<8192xf32, #tpu.memory_space<hbm>>
      %dma_start3A_2429 = arith.constant 0 : i32
      %dma_start3A_2430 = tpu.memref_slice %arg3[%add3A_2424, %dma_start3A_2429] : memref<64x8192xf32, #tpu.memory_space<hbm>> -> memref<1x8192xf32, #tpu.memory_space<hbm>>
      %dma_start3A_2431 = tpu.memref_squeeze %dma_start3A_2430 : memref<1x8192xf32, #tpu.memory_space<hbm>> -> memref<8192xf32, #tpu.memory_space<hbm>>
      %dma_start3A_2432 = arith.constant 0 : i32
      %dma_start3A_2433 = tpu.memref_slice %arg4[%dma_start3A_2432] : memref<8192xf32, #tpu.memory_space<vmem>> -> memref<8192xf32, #tpu.memory_space<vmem>>
      tpu.enqueue_dma source(%dma_start3A_2433 : memref<8192xf32, #tpu.memory_space<vmem>>) target(%dma_start3A_2431 : memref<8192xf32, #tpu.memory_space<hbm>>) target_semaphore(%run_scoped3A : memref<!tpu.dma_semaphore, #tpu.memory_space<semaphore_mem>>)
      %dma_wait3A = arith.constant 0 : i32
      %dma_wait3A_2434 = tpu.memref_slice %arg4[%dma_wait3A] : memref<8192xf32, #tpu.memory_space<vmem>> -> memref<8192xf32, #tpu.memory_space<vmem>>
      %dma_wait3A_2435 = arith.constant 0 : i32
      %dma_wait3A_2436 = tpu.memref_slice %arg3[%add3A_2424, %dma_wait3A_2435] : memref<64x8192xf32, #tpu.memory_space<hbm>> -> memref<1x8192xf32, #tpu.memory_space<hbm>>
      %dma_wait3A_2437 = tpu.memref_squeeze %dma_wait3A_2436 : memref<1x8192xf32, #tpu.memory_space<hbm>> -> memref<8192xf32, #tpu.memory_space<hbm>>
      %dma_wait3A_2438 = arith.constant 0 : i32
      %dma_wait3A_2439 = tpu.memref_slice %arg3[%add3A_2424, %dma_wait3A_2438] : memref<64x8192xf32, #tpu.memory_space<hbm>> -> memref<1x8192xf32, #tpu.memory_space<hbm>>
      %dma_wait3A_2440 = tpu.memref_squeeze %dma_wait3A_2439 : memref<1x8192xf32, #tpu.memory_space<hbm>> -> memref<8192xf32, #tpu.memory_space<hbm>>
      %dma_wait3A_2441 = arith.constant 0 : i32
      %dma_wait3A_2442 = tpu.memref_slice %arg4[%dma_wait3A_2441] : memref<8192xf32, #tpu.memory_space<vmem>> -> memref<8192xf32, #tpu.memory_space<vmem>>
      tpu.wait_dma2 semaphore(%run_scoped3A : memref<!tpu.dma_semaphore, #tpu.memory_space<semaphore_mem>>) src(%dma_wait3A_2442 : memref<8192xf32, #tpu.memory_space<vmem>>) dst(%dma_wait3A_2440 : memref<8192xf32, #tpu.memory_space<hbm>>)
      tpu.yield
    }) : () -> ()
    return
  }
}

module attributes {stable_mosaic.version = 14 : i64} {
  func.func @_tc_topk_mask(%arg0: i32, %arg1: memref<16x8192xf32, #tpu.memory_space<vmem>>, %arg2: memref<16x8192xf32, #tpu.memory_space<vmem>>) attributes {dimension_semantics = [#tpu.dimension_semantics<parallel>], iteration_bounds = array<i64: 2>, scalar_prefetch = 0 : i64, scratch_operands = 0 : i64, tpu.core_type = #tpu.core_type<tc>, window_params = [{transform_indices = @transform_0, window_bounds = array<i64: 16, 8192>}, {transform_indices = @transform_1, window_bounds = array<i64: 16, 8192>}]} {
    %get3A = arith.constant 0 : index
    %get3A_0 = arith.constant 0 : index
    %get3A_1 = vector.load %arg1[%get3A, %get3A_0] : memref<16x8192xf32, #tpu.memory_space<vmem>>, vector<16x8192xf32>
    %bitcast_convert_type3A = tpu.bitcast %get3A_1 : vector<16x8192xf32> -> vector<16x8192xi32>
    %ge3A = arith.constant -2147483648 : i32
    %ge3A_2 = vector.broadcast %ge3A : i32 to vector<16x8192xi32>
    %ge3A_3 = arith.cmpi uge, %bitcast_convert_type3A, %ge3A_2 : vector<16x8192xi32>
    %not3A = arith.constant dense<-1> : vector<16x8192xi32>
    %not3A_4 = arith.xori %bitcast_convert_type3A, %not3A : vector<16x8192xi32>
    %or3A = arith.constant -2147483648 : i32
    %or3A_5 = vector.broadcast %or3A : i32 to vector<16x8192xi32>
    %or3A_6 = arith.ori %bitcast_convert_type3A, %or3A_5 : vector<16x8192xi32>
    %select_n3A = arith.select %ge3A_3, %not3A_4, %or3A_6 : vector<16x8192xi1>, vector<16x8192xi32>
    %broadcast_in_dim3A = arith.constant 0 : i32
    %broadcast_in_dim3A_7 = vector.broadcast %broadcast_in_dim3A : i32 to vector<16x1xi32>
    %scan3A = arith.constant 0 : i32
    %scan3A_8 = arith.constant 32 : i32
    %scan3A_9 = arith.addi %scan3A, %scan3A_8 : i32
    %scan3A_10 = arith.constant 1 : i32
    %scan3A_11 = scf.for %scan3A_31 = %scan3A to %scan3A_9 step %scan3A_10 iter_args(%scan3A_32 = %broadcast_in_dim3A_7) -> (vector<16x1xi32>)  : i32 {
      %sub3A_33 = arith.constant 31 : i32
      %sub3A_34 = arith.subi %sub3A_33, %scan3A_31 : i32
      %shift_left3A = arith.constant 1 : i32
      %shift_left3A_35 = arith.shli %shift_left3A, %sub3A_34 : i32
      %or3A_36 = vector.broadcast %shift_left3A_35 : i32 to vector<16x1xi32>
      %or3A_37 = arith.ori %scan3A_32, %or3A_36 : vector<16x1xi32>
      %ge3A_38 = vector.broadcast %or3A_37 : vector<16x1xi32> to vector<16x8192xi32>
      %ge3A_39 = arith.cmpi uge, %select_n3A, %ge3A_38 : vector<16x8192xi32>
      %convert_element_type3A_40 = arith.extui %ge3A_39 : vector<16x8192xi1> to vector<16x8192xi32>
      %reduce_sum3A_41 = arith.constant dense<0> : vector<16xi32>
      %reduce_sum3A_42 = vector.multi_reduction <add>, %convert_element_type3A_40, %reduce_sum3A_41 [1] : vector<16x8192xi32> to vector<16xi32>
      %broadcast_in_dim3A_43 = vector.shape_cast %reduce_sum3A_42 : vector<16xi32> to vector<16x1xi32>
      %ge3A_44 = arith.constant 4096 : i32
      %ge3A_45 = vector.broadcast %ge3A_44 : i32 to vector<16x1xi32>
      %ge3A_46 = arith.cmpi sge, %broadcast_in_dim3A_43, %ge3A_45 : vector<16x1xi32>
      %select_n3A_47 = arith.select %ge3A_46, %or3A_37, %scan3A_32 : vector<16x1xi1>, vector<16x1xi32>
      scf.yield %select_n3A_47 : vector<16x1xi32>
    }
    %scan3A_12 = arith.constant 32 : i32
    %ge3A_13 = vector.broadcast %scan3A_11 : vector<16x1xi32> to vector<16x8192xi32>
    %ge3A_14 = arith.cmpi uge, %select_n3A, %ge3A_13 : vector<16x8192xi32>
    %convert_element_type3A = arith.extui %ge3A_14 : vector<16x8192xi1> to vector<16x8192xi32>
    %reduce_sum3A = arith.constant dense<0> : vector<16xi32>
    %reduce_sum3A_15 = vector.multi_reduction <add>, %convert_element_type3A, %reduce_sum3A [1] : vector<16x8192xi32> to vector<16xi32>
    %broadcast_in_dim3A_16 = vector.shape_cast %reduce_sum3A_15 : vector<16xi32> to vector<16x1xi32>
    %sub3A = arith.constant 4096 : i32
    %sub3A_17 = vector.broadcast %sub3A : i32 to vector<16x1xi32>
    %sub3A_18 = arith.subi %broadcast_in_dim3A_16, %sub3A_17 : vector<16x1xi32>
    %reduce_sum3A_19 = vector.shape_cast %sub3A_18 : vector<16x1xi32> to vector<1x16x1xi32>
    %reduce_sum3A_20 = arith.constant dense<0> : vector<1xi32>
    %reduce_sum3A_21 = vector.multi_reduction <add>, %reduce_sum3A_19, %reduce_sum3A_20 [1, 2] : vector<1x16x1xi32> to vector<1xi32>
    %reduce_sum3A_22 = vector.shape_cast %reduce_sum3A_21 : vector<1xi32> to vector<1x1x1xi32>
    %reduce_sum3A_23 = vector.extract %reduce_sum3A_22[0, 0, 0] : i32 from vector<1x1x1xi32>
    %eq3A = arith.constant 0 : i32
    %eq3A_24 = arith.cmpi eq, %reduce_sum3A_23, %eq3A : i32
    %convert_element_type3A_25 = arith.extui %eq3A_24 : i1 to i32
    %cond3A = arith.constant 0 : i32
    %cond3A_26 = arith.cmpi ne, %convert_element_type3A_25, %cond3A : i32
    scf.if %cond3A_26 {
      %convert_element_type3A_31 = arith.extui %ge3A_14 : vector<16x8192xi1> to vector<16x8192xi32>
      %convert_element_type3A_32 = arith.sitofp %convert_element_type3A_31 : vector<16x8192xi32> to vector<16x8192xf32>
      %mul3A = arith.mulf %get3A_1, %convert_element_type3A_32 : vector<16x8192xf32>
      %swap3A = arith.constant 0 : index
      %swap3A_33 = arith.constant 0 : index
      %swap3A_34 = vector.load %arg2[%swap3A, %swap3A_33] : memref<16x8192xf32, #tpu.memory_space<vmem>>, vector<16x8192xf32>
      tpu.vector_store %arg2[%swap3A, %swap3A_33], %mul3A {strides = array<i32>} : memref<16x8192xf32, #tpu.memory_space<vmem>>, vector<16x8192xf32>,
    } else {
    }
    %gt3A = arith.constant 0 : i32
    %gt3A_27 = arith.cmpi sgt, %reduce_sum3A_23, %gt3A : i32
    %convert_element_type3A_28 = arith.extui %gt3A_27 : i1 to i32
    %cond3A_29 = arith.constant 0 : i32
    %cond3A_30 = arith.cmpi ne, %convert_element_type3A_28, %cond3A_29 : i32
    scf.if %cond3A_30 {
      %gt3A_31 = vector.broadcast %scan3A_11 : vector<16x1xi32> to vector<16x8192xi32>
      %gt3A_32 = arith.cmpi ugt, %select_n3A, %gt3A_31 : vector<16x8192xi32>
      %eq3A_33 = vector.broadcast %scan3A_11 : vector<16x1xi32> to vector<16x8192xi32>
      %eq3A_34 = arith.cmpi eq, %select_n3A, %eq3A_33 : vector<16x8192xi32>
      %convert_element_type3A_35 = arith.extui %gt3A_32 : vector<16x8192xi1> to vector<16x8192xi32>
      %reduce_sum3A_36 = arith.constant dense<0> : vector<16xi32>
      %reduce_sum3A_37 = vector.multi_reduction <add>, %convert_element_type3A_35, %reduce_sum3A_36 [1] : vector<16x8192xi32> to vector<16xi32>
      %broadcast_in_dim3A_38 = vector.shape_cast %reduce_sum3A_37 : vector<16xi32> to vector<16x1xi32>
      %sub3A_39 = arith.constant 4096 : i32
      %sub3A_40 = vector.broadcast %sub3A_39 : i32 to vector<16x1xi32>
      %sub3A_41 = arith.subi %sub3A_40, %broadcast_in_dim3A_38 : vector<16x1xi32>
      %convert_element_type3A_42 = arith.extui %eq3A_34 : vector<16x8192xi1> to vector<16x8192xi32>
      %broadcast_in_dim3A_43 = arith.constant 0 : i32
      %broadcast_in_dim3A_44 = vector.broadcast %broadcast_in_dim3A_43 : i32 to vector<16x1xi32>
      %slice3A = vector.extract_strided_slice %convert_element_type3A_42 {offsets = [0, 0], sizes = [16, 8191], strides = [1, 1]} : vector<16x8192xi32> to vector<16x8191xi32>
      %concatenate3A = tpu.concatenate %broadcast_in_dim3A_44, %slice3A in 1 : vector<16x1xi32>, vector<16x8191xi32> -> vector<16x8192xi32>
      %add3A = arith.addi %convert_element_type3A_42, %concatenate3A : vector<16x8192xi32>
      %broadcast_in_dim3A_45 = arith.constant 0 : i32
      %broadcast_in_dim3A_46 = vector.broadcast %broadcast_in_dim3A_45 : i32 to vector<16x2xi32>
      %slice3A_47 = vector.extract_strided_slice %add3A {offsets = [0, 0], sizes = [16, 8190], strides = [1, 1]} : vector<16x8192xi32> to vector<16x8190xi32>
      %concatenate3A_48 = tpu.concatenate %broadcast_in_dim3A_46, %slice3A_47 in 1 : vector<16x2xi32>, vector<16x8190xi32> -> vector<16x8192xi32>
      %add3A_49 = arith.addi %add3A, %concatenate3A_48 : vector<16x8192xi32>
      %broadcast_in_dim3A_50 = arith.constant 0 : i32
      %broadcast_in_dim3A_51 = vector.broadcast %broadcast_in_dim3A_50 : i32 to vector<16x4xi32>
      %slice3A_52 = vector.extract_strided_slice %add3A_49 {offsets = [0, 0], sizes = [16, 8188], strides = [1, 1]} : vector<16x8192xi32> to vector<16x8188xi32>
      %concatenate3A_53 = tpu.concatenate %broadcast_in_dim3A_51, %slice3A_52 in 1 : vector<16x4xi32>, vector<16x8188xi32> -> vector<16x8192xi32>
      %add3A_54 = arith.addi %add3A_49, %concatenate3A_53 : vector<16x8192xi32>
      %broadcast_in_dim3A_55 = arith.constant 0 : i32
      %broadcast_in_dim3A_56 = vector.broadcast %broadcast_in_dim3A_55 : i32 to vector<16x8xi32>
      %slice3A_57 = vector.extract_strided_slice %add3A_54 {offsets = [0, 0], sizes = [16, 8184], strides = [1, 1]} : vector<16x8192xi32> to vector<16x8184xi32>
      %concatenate3A_58 = tpu.concatenate %broadcast_in_dim3A_56, %slice3A_57 in 1 : vector<16x8xi32>, vector<16x8184xi32> -> vector<16x8192xi32>
      %add3A_59 = arith.addi %add3A_54, %concatenate3A_58 : vector<16x8192xi32>
      %broadcast_in_dim3A_60 = arith.constant 0 : i32
      %broadcast_in_dim3A_61 = vector.broadcast %broadcast_in_dim3A_60 : i32 to vector<16x16xi32>
      %slice3A_62 = vector.extract_strided_slice %add3A_59 {offsets = [0, 0], sizes = [16, 8176], strides = [1, 1]} : vector<16x8192xi32> to vector<16x8176xi32>
      %concatenate3A_63 = tpu.concatenate %broadcast_in_dim3A_61, %slice3A_62 in 1 : vector<16x16xi32>, vector<16x8176xi32> -> vector<16x8192xi32>
      %add3A_64 = arith.addi %add3A_59, %concatenate3A_63 : vector<16x8192xi32>
      %broadcast_in_dim3A_65 = arith.constant 0 : i32
      %broadcast_in_dim3A_66 = vector.broadcast %broadcast_in_dim3A_65 : i32 to vector<16x32xi32>
      %slice3A_67 = vector.extract_strided_slice %add3A_64 {offsets = [0, 0], sizes = [16, 8160], strides = [1, 1]} : vector<16x8192xi32> to vector<16x8160xi32>
      %concatenate3A_68 = tpu.concatenate %broadcast_in_dim3A_66, %slice3A_67 in 1 : vector<16x32xi32>, vector<16x8160xi32> -> vector<16x8192xi32>
      %add3A_69 = arith.addi %add3A_64, %concatenate3A_68 : vector<16x8192xi32>
      %broadcast_in_dim3A_70 = arith.constant 0 : i32
      %broadcast_in_dim3A_71 = vector.broadcast %broadcast_in_dim3A_70 : i32 to vector<16x64xi32>
      %slice3A_72 = vector.extract_strided_slice %add3A_69 {offsets = [0, 0], sizes = [16, 8128], strides = [1, 1]} : vector<16x8192xi32> to vector<16x8128xi32>
      %concatenate3A_73 = tpu.concatenate %broadcast_in_dim3A_71, %slice3A_72 in 1 : vector<16x64xi32>, vector<16x8128xi32> -> vector<16x8192xi32>
      %add3A_74 = arith.addi %add3A_69, %concatenate3A_73 : vector<16x8192xi32>
      %broadcast_in_dim3A_75 = arith.constant 0 : i32
      %broadcast_in_dim3A_76 = vector.broadcast %broadcast_in_dim3A_75 : i32 to vector<16x128xi32>
      %slice3A_77 = vector.extract_strided_slice %add3A_74 {offsets = [0, 0], sizes = [16, 8064], strides = [1, 1]} : vector<16x8192xi32> to vector<16x8064xi32>
      %concatenate3A_78 = tpu.concatenate %broadcast_in_dim3A_76, %slice3A_77 in 1 : vector<16x128xi32>, vector<16x8064xi32> -> vector<16x8192xi32>
      %add3A_79 = arith.addi %add3A_74, %concatenate3A_78 : vector<16x8192xi32>
      %broadcast_in_dim3A_80 = arith.constant 0 : i32
      %broadcast_in_dim3A_81 = vector.broadcast %broadcast_in_dim3A_80 : i32 to vector<16x256xi32>
      %slice3A_82 = vector.extract_strided_slice %add3A_79 {offsets = [0, 0], sizes = [16, 7936], strides = [1, 1]} : vector<16x8192xi32> to vector<16x7936xi32>
      %concatenate3A_83 = tpu.concatenate %broadcast_in_dim3A_81, %slice3A_82 in 1 : vector<16x256xi32>, vector<16x7936xi32> -> vector<16x8192xi32>
      %add3A_84 = arith.addi %add3A_79, %concatenate3A_83 : vector<16x8192xi32>
      %broadcast_in_dim3A_85 = arith.constant 0 : i32
      %broadcast_in_dim3A_86 = vector.broadcast %broadcast_in_dim3A_85 : i32 to vector<16x512xi32>
      %slice3A_87 = vector.extract_strided_slice %add3A_84 {offsets = [0, 0], sizes = [16, 7680], strides = [1, 1]} : vector<16x8192xi32> to vector<16x7680xi32>
      %concatenate3A_88 = tpu.concatenate %broadcast_in_dim3A_86, %slice3A_87 in 1 : vector<16x512xi32>, vector<16x7680xi32> -> vector<16x8192xi32>
      %add3A_89 = arith.addi %add3A_84, %concatenate3A_88 : vector<16x8192xi32>
      %broadcast_in_dim3A_90 = arith.constant 0 : i32
      %broadcast_in_dim3A_91 = vector.broadcast %broadcast_in_dim3A_90 : i32 to vector<16x1024xi32>
      %slice3A_92 = vector.extract_strided_slice %add3A_89 {offsets = [0, 0], sizes = [16, 7168], strides = [1, 1]} : vector<16x8192xi32> to vector<16x7168xi32>
      %concatenate3A_93 = tpu.concatenate %broadcast_in_dim3A_91, %slice3A_92 in 1 : vector<16x1024xi32>, vector<16x7168xi32> -> vector<16x8192xi32>
      %add3A_94 = arith.addi %add3A_89, %concatenate3A_93 : vector<16x8192xi32>
      %broadcast_in_dim3A_95 = arith.constant 0 : i32
      %broadcast_in_dim3A_96 = vector.broadcast %broadcast_in_dim3A_95 : i32 to vector<16x2048xi32>
      %slice3A_97 = vector.extract_strided_slice %add3A_94 {offsets = [0, 0], sizes = [16, 6144], strides = [1, 1]} : vector<16x8192xi32> to vector<16x6144xi32>
      %concatenate3A_98 = tpu.concatenate %broadcast_in_dim3A_96, %slice3A_97 in 1 : vector<16x2048xi32>, vector<16x6144xi32> -> vector<16x8192xi32>
      %add3A_99 = arith.addi %add3A_94, %concatenate3A_98 : vector<16x8192xi32>
      %broadcast_in_dim3A_100 = arith.constant 0 : i32
      %broadcast_in_dim3A_101 = vector.broadcast %broadcast_in_dim3A_100 : i32 to vector<16x4096xi32>
      %slice3A_102 = vector.extract_strided_slice %add3A_99 {offsets = [0, 0], sizes = [16, 4096], strides = [1, 1]} : vector<16x8192xi32> to vector<16x4096xi32>
      %concatenate3A_103 = tpu.concatenate %broadcast_in_dim3A_101, %slice3A_102 in 1 : vector<16x4096xi32>, vector<16x4096xi32> -> vector<16x8192xi32>
      %add3A_104 = arith.addi %add3A_99, %concatenate3A_103 : vector<16x8192xi32>
      %le3A = vector.broadcast %sub3A_41 : vector<16x1xi32> to vector<16x8192xi32>
      %le3A_105 = arith.cmpi sle, %add3A_104, %le3A : vector<16x8192xi32>
      %and3A = arith.andi %eq3A_34, %le3A_105 : vector<16x8192xi1>
      %or3A_106 = arith.ori %gt3A_32, %and3A : vector<16x8192xi1>
      %convert_element_type3A_107 = arith.extui %or3A_106 : vector<16x8192xi1> to vector<16x8192xi32>
      %convert_element_type3A_108 = arith.sitofp %convert_element_type3A_107 : vector<16x8192xi32> to vector<16x8192xf32>
      %mul3A = arith.mulf %get3A_1, %convert_element_type3A_108 : vector<16x8192xf32>
      %swap3A = arith.constant 0 : index
      %swap3A_109 = arith.constant 0 : index
      %swap3A_110 = vector.load %arg2[%swap3A, %swap3A_109] : memref<16x8192xf32, #tpu.memory_space<vmem>>, vector<16x8192xf32>
      tpu.vector_store %arg2[%swap3A, %swap3A_109], %mul3A {strides = array<i32>} : memref<16x8192xf32, #tpu.memory_space<vmem>>, vector<16x8192xf32>,
    } else {
    }
    return
  }
  func.func @transform_0(%arg0: i32) -> (i32, i32) {
    %c0_i32 = arith.constant 0 : i32
    %c0_i32_0 = arith.constant 0 : i32
    return %arg0, %c0_i32 : i32, i32
  }
  func.func @transform_1(%arg0: i32) -> (i32, i32) {
    %c0_i32 = arith.constant 0 : i32
    %c0_i32_0 = arith.constant 0 : i32
    return %arg0, %c0_i32 : i32, i32
  }
}

</mosaic_0001>

<sc_bundles>
// kernel: kernel.4.cloned.1.call-start
scs
__scs_entry_jumppad:
0x0: {  	(pc) =	sbr.rel $0x88, $3  }
0x1: {  	(tag) =	ssettag $0x0;
	lr =	simm.s32 $0x1  }
0x2: {  	[smem:$0x3FA0] =	sst lr;
	_ =	strace $0xD0000000  }
0x3: {  	_ = 	snop  }
0x4: {  	_ = 	snop  }
0x5: {  	_ = 	snop  }
0x6: {  	_ = 	snop  }
0x7: {  	_ = 	snop  }
__scs_overlays_trampoline_lowered:
0x8: {  	[smem:$0x3FAF] =	sst s0  }
0x9: {  	[smem:$0x3FB0] =	sst s1  }
0xa: {  	[smem:$0x3FB1] =	sst s2  }
0xb: {  	[smem:$0x3FB2] =	sst s3  }
0xc: {  	[smem:$0x3FB3] =	sst s4  }
0xd: {  	[smem:$0x3FB4] =	sst s5  }
0xe: {  	[smem:$0x3FB5] =	sst s6  }
0xf: {  	[smem:$0x3FB6] =	sst s7  }
0x10: {  	[smem:$0x3FB7] =	sst s8  }
0x11: {  	[smem:$0x3FB8] =	sst s9;
	s0 =	simm.s32 @!p0 $0x0  }
0x12: {  	s1 =	sld [smem:$0x3F9E];
	s0 =	simm.s32 @p0 $0x1  }
0x13: {  	[smem:$0x3FB9] =	sst s0;
	s0 =	simm.s32 @!p1 $0x0  }
0x14: {  	s2 =	sld [smem:$0x3F9D];
	s0 =	simm.s32 @p1 $0x1  }
0x15: {  	[smem:$0x3FBA] =	sst s0;
	s0 =	simm.s32 @!p2 $0x0  }
0x16: {  	s3 =	sld [smem:$0x3FDB];
	s0 =	simm.s32 @p2 $0x1  }
0x17: {  	s4 =	simm.s32 $0x1BF5;
	[smem:$0x3FBC] =	sst s0  }
0x18: {  	s0 =	sld [smem:$0x3F9F];
	_ =	swait.ge [sflag:s4], $0x0  }
0x19: {  	s7 =	sld [smem:$0x3FA0]  }
0x1a: {  	s8 =	sadd.s32 $0xFFFFE003, lr  }
0x1b: {  	s9 =	sadd.s32 $0xFFFFFEF7, lr;
	s5 =	simm.s32 $0xFFFFFFFF;
	p2 =	slt.u32 s8, $0xFFFFF086  }
0x1c: {  	p1 =	slt.u32 s9, $0xF7A;
	s5 =	simm.s32 @!p2 $0x0  }
0x1d: {  	s5 =	simm.s32 @p1 $0x1;
	p0 =	seq.s32 s7, s2  }
0x1e: {  	s7 =	smul.u32 @!p0 $0xF7A, s2;
	p2 =	seq.s32 @!p0 s5, $0x0  }
0x1f: {  	s9 =	smul.u32 $0xF7A, s1;
	s8 =	simm.s32 @!p0 $0x1BF5;
	p2 =	por !p2, p0  }
0x20: {  	[sflag:s8] =	ssyncset.s32 @!p0 $0xFFFFF086;
	s6 =	sadd.s32 @!p0 s3, s7;
	s7 =	simm.s32 @!p0 $0x108  }
0x21: {  	s3 =	sadd.s32 s3, s9;
	s6 =	sadd.s32 @!p0 $0x88, s6;
	s7 =	simm.s32 @p2 $0x1082  }
0x22: {  	[simem:s7], [sflag:s8] =	dma.local @!p0 [hbm:s6], $0xF7A  }
0x23: {  	s9 =	sor.u32 $0xD0000000, s2;
	s6 =	simm.s32 $0x108;
	_ =	swait.ge @!p0 [sflag:s8], $0x0  }
0x24: {  	s3 =	sadd.s32 $0x88, s3;
	s6 =	simm.s32 @!p1 $0x1082;
	[sflag:s4] =	ssyncset.s32 $0xFFFFF086  }
0x25: {  	[simem:s6], [sflag:s4] =	dma.local [hbm:s3], $0xF7A  }
0x26: {  	[smem:$0x3FA0] =	sst s1;
	(tag) =	ssettag s2;
	_ =	strace s9  }
0x27: {  	s1 =	sld [smem:$0x3FB0]  }
0x28: {  	s2 =	sld [smem:$0x3FB1]  }
0x29: {  	s4 =	sld [smem:$0x3FB3]  }
0x2a: {  	p0 =	seq.s32 s5, $0x0;
	s5 =	sld [smem:$0x3FB4]  }
0x2b: {  	s6 =	sld [smem:$0x3FB5]  }
0x2c: {  	s7 =	sld [smem:$0x3FB6]  }
0x2d: {  	s3 =	simm.s32 $0x108;
	s8 =	sld [smem:$0x3FB7]  }
0x2e: {  	s3 =	simm.s32 @!p0 $0x1082;
	s9 =	sld [smem:$0x3FB8]  }
0x2f: {  	lr =	sadd.s32 s0, s3;
	s0 =	sld [smem:$0x3FAF]  }
0x30: {  	s3 =	sld [smem:$0x3FB2]  }
0x31: {  	[smem:$0x3FBB] =	sst s10  }
0x32: {  	s10 =	sld [smem:$0x3FB9];
	_ =	sdelay $0x3  }
0x33: {  	p0 =	seq.s32 s10, $0x1;
	s10 =	sld [smem:$0x3FBB];
	_ =	sdelay $0x3  }
0x34: {  	[smem:$0x3FBB] =	sst s10  }
0x35: {  	s10 =	sld [smem:$0x3FBA];
	_ =	sdelay $0x3  }
0x36: {  	p1 =	seq.s32 s10, $0x1;
	s10 =	sld [smem:$0x3FBB];
	_ =	sdelay $0x3  }
0x37: {  	[smem:$0x3FBB] =	sst s10  }
0x38: {  	s10 =	sld [smem:$0x3FBC]  }
0x39: {  	_ = 	snop;
	(pc) =	sbr.ind lr, $3  }
0x3a: {  	_ = 	snop  }
0x3b: {  	_ = 	snop  }
0x3c: {  	p2 =	seq.s32 s10, $0x1;
	s10 =	sld [smem:$0x3FBB]  }
0x3d: {  	_ =	shalt  }
0x3e: {  	_ =	shalt  }
0x3f: {  	_ =	shalt  }
0x40: {  	_ =	shalt  }
0x41: {  	_ =	shalt  }
0x42: {  	_ =	shalt  }
0x43: {  	_ =	shalt  }
0x44: {  	_ =	shalt  }
0x45: {  	_ =	shalt  }
0x46: {  	_ =	shalt  }
0x47: {  	_ =	shalt  }
0x48: {  	_ =	shalt  }
0x49: {  	_ =	shalt  }
0x4a: {  	_ =	shalt  }
0x4b: {  	_ =	shalt  }
0x4c: {  	_ =	shalt  }
0x4d: {  	_ =	shalt  }
0x4e: {  	_ =	shalt  }
0x4f: {  	_ =	shalt  }
0x50: {  	_ =	shalt  }
0x51: {  	_ =	shalt  }
0x52: {  	_ =	shalt  }
0x53: {  	_ =	shalt  }
0x54: {  	_ =	shalt  }
0x55: {  	_ =	shalt  }
0x56: {  	_ =	shalt  }
0x57: {  	_ =	shalt  }
0x58: {  	_ =	shalt  }
0x59: {  	_ =	shalt  }
0x5a: {  	_ =	shalt  }
0x5b: {  	_ =	shalt  }
0x5c: {  	_ =	shalt  }
0x5d: {  	_ =	shalt  }
0x5e: {  	_ =	shalt  }
0x5f: {  	_ =	shalt  }
0x60: {  	_ =	shalt  }
0x61: {  	_ =	shalt  }
0x62: {  	_ =	shalt  }
0x63: {  	_ =	shalt  }
0x64: {  	_ =	shalt  }
0x65: {  	_ =	shalt  }
0x66: {  	_ =	shalt  }
0x67: {  	_ =	shalt  }
0x68: {  	_ =	shalt  }
0x69: {  	_ =	shalt  }
0x6a: {  	_ =	shalt  }
0x6b: {  	_ =	shalt  }
0x6c: {  	_ =	shalt  }
0x6d: {  	_ =	shalt  }
0x6e: {  	_ =	shalt  }
0x6f: {  	_ =	shalt  }
0x70: {  	_ =	shalt  }
0x71: {  	_ =	shalt  }
0x72: {  	_ =	shalt  }
0x73: {  	_ =	shalt  }
0x74: {  	_ =	shalt  }
0x75: {  	_ =	shalt  }
0x76: {  	_ =	shalt  }
0x77: {  	_ =	shalt  }
0x78: {  	_ =	shalt  }
0x79: {  	_ =	shalt  }
0x7a: {  	_ =	shalt  }
0x7b: {  	_ =	shalt  }
0x7c: {  	_ =	shalt  }
0x7d: {  	_ =	shalt  }
0x7e: {  	_ =	shalt  }
0x7f: {  	_ =	shalt  }
0x80: {  	_ =	shalt  }
0x81: {  	_ =	shalt  }
0x82: {  	_ =	shalt  }
0x83: {  	_ =	shalt  }
0x84: {  	_ =	shalt  }
0x85: {  	_ =	shalt  }
0x86: {  	_ =	shalt  }
0x87: {  	_ =	shalt  }
.Lfunc_end0:
.L_simem_size_0:
called_computation_lowered:
.L_overlay_start_0:
0x88: {  	s2 =	sld [smem:$0x3FD9]  }
0x89: {  	s3 =	sld [smem:$0x3FFE];
	_ =	sdelay $0x1  }
0x8a: {  	s1 =	srdreg.scid  }
0x8b: {  	s0 =	sand.u32 $0x1, s1  }
0x8c: {  	s18 =	sshll.u32 s0, $0xA;
	s2 =	sadd.s32 s3, s2  }
0x8d: {  	s2 =	sadd.s32 s2, s18  }
0x8e: {  	[smem:$0x3FC7] =	sst s2  }
0x8f: {  	_ = 	snop  }
0x90: {  	s2 =	sld [smem:$0x3FC9]  }
0x91: {  	s19 =	sld [smem:$0x3FD0];
	(tm) =	ssettm $0x1  }
0x92: {  	s4 =	sld [smem:$0x3FFB];
	_ =	sdelay $0x3  }
0x93: {  	_ =	strace s4  }
0x94: {  	s4 =	sld [smem:$0x3FFC];
	_ =	sdelay $0x3  }
0x95: {  	_ =	strace s4  }
0x96: {  	s4 =	sld [smem:$0x3FFD];
	_ =	sdelay $0x3  }
0x97: {  	_ =	strace s4  }
0x98: {  	_ =	strace $0x8FFFFFFF  }
0x99: {  	s20 =	sld [smem:$0x3FDB];
	_ =	sdelay $0x1  }
0x9a: {  	s5 =	simm.s32 $_scs_section_size  }
0x9b: {  	s6 =	simm.s32 $_size__tile_overlayer_lowered;
	s7 =	simm.s32 $_tile_overlayer_lowered  }
0x9c: {  	s23 =	simm.s32 $0x1BFF;
	s22 =	sshll.u32 s7, $0x1;
	s4 =	sadd.s32 s5, s20  }
0x9d: {  	s8 =	simm.s32 $0x0;
	s21 =	sshll.u32 s6, $0x1;
	s6 =	sadd.s32 s22, s4  }
0x9e: {  	[timem:s8], [sflag:s23] =	dma.local [hbm:s6], s21  }
0x9f: {  	_ =	swait.ge [sflag:s23], s21  }
0xa0: {  	s5 =	ssub.s32 $0x0, s21;
	[sflag:s23] =	ssyncset.done $0x0  }
0xa1: {  	[sflag:s23] =	ssyncadd.s32 s5;
	_ =	sdelay $0x1  }
0xa2: {  	s24 =	simm.s32 $0x1B8B  }
0xa3: {  	_ =	swait.ge [sflag:s24], $0x1  }
0xa4: {  	[sflag:s24] =	ssyncset.done $0x0  }
0xa5: {  	s25 =	simm.s32 $0x1B8E;
	[sflag:s24] =	ssyncadd.s32 $0xFFFFFFFF  }
0xa6: {  	s26 =	simm.s32 $execute0_lowered;
	[smem:$0x3FD2] =	sst s25  }
0xa7: {  	s5 =	sshll.u32 s26, $0x1;
	_ =	strace $0x80000046;
	[dreg:$0x1] =	wrdreg $0xFFFFFFFF  }
0xa8: {  	s28 =	simm.s32 $_size_execute0_lowered;
	s4 =	sadd.s32 s4, s5;
	[dreg:$0x0] =	wrdreg $0x0  }
0xa9: {  	s5 =	sshll.u32 s28, $0x1;
	[dreg:$0x2] =	wrdreg s4  }
0xaa: {  	[dreg:$0x3] =	wrdreg s5  }
0xab: {  	[dreg:$0x4] =	wrdreg $0xC0  }
0xac: {  	_ =	task [dreg:s8], $0x5FFFF  }
0xad: {  	[dreg:$0x1] =	wrdreg $0xFFFFFFFF  }
0xae: {  	[dreg:$0x0] =	wrdreg $0x60  }
0xaf: {  	[dreg:$0x2] =	wrdreg s2  }
0xb0: {  	[dreg:$0x3] =	wrdreg s19  }
0xb1: {  	[dreg:$0x4] =	wrdreg $0x9  }
0xb2: {  	_ =	task.clear_ibuf [dreg:s8], $0x5FFFF;
	_ =	strace $0x90000046  }
0xb3: {  	s29 =	simm.s32 $0x9;
	_ =	strace $0x80000048  }
0xb4: {  	_ =	swait.ge [sflag:s29], $0x1  }
0xb5: {  	[sflag:s29] =	ssyncadd.s32 $0xFFFFFFFF  }
0xb6: {  	_ =	strace $0x90000048  }
0xb7: {  	_ =	sfence  }
0xb8: {  	s30 =	sld [smem:$0x0];
	_ =	sdelay $0x2  }
0xb9: {  	s31 =	sshll.u32 s1, $0xD;
	s1 =	sshrl.u32 s1, $0x2  }
0xba: {  	s3 =	sand.u32 $0x4000, s31;
	s1 =	sadd.s32 s1, s30  }
0xbb: {  	s0 =	sor.u32 s3, s0;
	s1 =	sshll.u32 s1, $0x11  }
0xbc: {  	s0 =	sor.u32 s1, s0  }
0xbd: {  	s0 =	sadd.s32 $0x8F2B, s0  }
0xbe: {  	[sflag:s0] =	ssyncadd.remote.s32 $0x1  }
0xbf: {  	_ =	sfence.sel $0xFFFF  }
0xc0: {  	[dreg:$0x0] =	wrdreg $0xFFFFFFFF;
	(pc) =	sbr.abs _section_cstart, $3  }
0xc1: {  	[dreg:$0x1] =	wrdreg $0xFFFFFFFF  }
0xc2: {  	_ =	task.clear_ibuf [dreg:s8], $0x2FFFF;
	_ =	strace $0x9FFFFFFF  }
0xc3: {  	(tm) =	ssettm $0x7FFFFFFF  }
tec
execute0_lowered:
.L_overlay_start_1:
0x0: {  	(tag) =	ssettag $0x1  }
0x1: {  	s3 =	rddreg [dreg:$0x0];
	s1 =	srdreg.scid  }
0x2: {  	s0 =	stileid.u32;
	s4 =	rddreg [dreg:$0x1]  }
0x3: {  	s9 =	simm.s32 $0x4000;
	s10 =	simm.s32 $0x4100;
	s11 =	simm.s32 $0x6100  }
0x4: {  	s12 =	simm.s32 $0x0;
	s5 =	sand.u32 $0x1, s1;
	s30 =	sshll.u32 s0, $0x5  }
0x5: {  	s2 =	sshll.u32 s0, $0xB;
	s1 =	rddreg [dreg:$0x2];
	s6 =	sshll.u32 s5, $0x4  }
0x6: {  	s7 =	sand.u32 $0x60, s30;
	s8 =	sand.u32 $0x6000, s2;
	s2 =	simm.s32 $0x0  }
.Ltmp0:
0x7: {  	s5 =	ssub.s32 $0x2, s5;
	s6 =	sor.u32 s6, s7;
	(pc) =	sbr.rel .LBB2_1-.Ltmp0, $4  }
0x8: {  	v0 =	vlaneseq.u32;
	[smem:$0x7FF] =	sst s2;
	s31 =	sshrl.u32 s5, $0x1;
	s7 =	simm.s32 $0x400  }
0x9: {  	v3 =	vmul.u32 $0xFFFFFFFF, v0;
	s6 =	sor.u32 s8, s6;
	_ =	strace $0x80000047;
	s5 =	ssub.s32 s5, s31  }
0xa: {  	s8 =	simm.s32 $0x1;
	s6 =	sor.u32 $0x8000, s6;
	s5 =	smax.u32 s5, $0x1  }
0xb: {  	v1 =	vimm.s32 $0x0;
	v2 =	vimm.s32 $0x1;
	v3 =	vadd.s32 $0xF, v3;
	s3 =	sadd.s32 s3, s6;
	s4 =	sadd.s32 s4, s6;
	s6 =	simm.s32 $0x80  }
.LBB2_26:
0xc: {  	v9 =	vld [tilespmem:s18+$0x0];
	s19 =	spop (v2sf);
	v5 =	vperm.xlane v5, v3  }
0xd: {  	vm4 =	veq.s32 v8, v6;
	s24 =	sshra.s32 s20, $0x2;
	s21 =	sxor.u32 $0x80000000, s19  }
0xe: {  	v8 =	vsel vm4, $0x1, v1;
	v10 =	vld [tilespmem:s24+$0x2000];
	s17 =	ssub.s32 s17, s21  }
0xf: {  	v8 =	vperm.xlane v8, v3;
	vm5 =	vle.s32 v5, s17  }
0x10: {  	v5, _, _ =	vpop (xrf0);
	vm3 =	vmand vm3, vm5  }
0x11: {  	(xrf0) =	vadd.scan.msk.s32 $0xffff, v8;
	v56 =	vxor.u32 $0x80000000, v5;
	v11, _, _ =	vpop (xrf0);
	v9 =	vsel vm3, $0x0, v9  }
0x12: {  	(xrf0) =	vmax.scan.msk.u32 $0xffff, v56;
	(v2sf) =	vpush v11, $0xF;
	[tilespmem:s18+$0x0] =	vst v9  }
0x13: {  	v4 =	vperm.xlane v4, v3;
	s25 =	spop (v2sf);
	vm8 =	veq.s32 v10, v6;
	v57 =	vld [tilespmem:s15+$0x0]  }
0x14: {  	s18 =	sxor.u32 $0x80000000, s25;
	v6 =	vsel vm8, $0x1, v1  }
0x15: {  	s17 =	ssub.s32 s17, s18;
	v6 =	vperm.xlane v6, v3  }
0x16: {  	vm2 =	vmmov vm2;
	vm9 =	vle.s32 v4, s17  }
0x17: {  	vm2 =	vmand vm2, vm9;
	v4, _, _ =	vpop (xrf0);
	(xrf0) =	vadd.scan.msk.s32 $0xffff, v6  }
0x18: {  	v58 =	vxor.u32 $0x80000000, v4;
	v59, _, _ =	vpop (xrf0);
	v8 =	vsel vm2, $0x0, v57  }
0x19: {  	(xrf0) =	vmax.scan.msk.u32 $0xffff, v58;
	(v2sf) =	vpush v59, $0xF;
	[tilespmem:s15+$0x0] =	vst v8  }
0x1a: {  	s26 =	spop (v2sf);
	v60 =	vld [tilespmem:s14+$0x0]  }
0x1b: {  	v7 =	vperm.xlane v7, v3;
	s15 =	sxor.u32 $0x80000000, s26  }
0x1c: {  	vm1 =	vmmov vm1;
	s15 =	ssub.s32 s17, s15  }
0x1d: {  	vm1 =	vmmov vm1;
	vm10 =	vle.s32 v7, s15;
	v61, _, _ =	vpop (xrf0)  }
0x1e: {  	vm1 =	vmand vm1, vm10;
	v62 =	vxor.u32 $0x80000000, v61  }
0x1f: {  	v63, _, _ =	vpop (xrf0);
	(xrf0) =	vmax.scan.msk.u32 $0xffff, v62;
	v6 =	vsel vm1, $0x0, v60  }
0x20: {  	(v2sf) =	vpush v63, $0xF;
	[tilespmem:s14+$0x0] =	vst v6  }
0x21: {  	v5 =	vperm.xlane v5, v3;
	v6 =	vld [tilespmem:s13+$0x0];
	s28 =	spop (v2sf)  }
0x22: {  	vm0 =	vmmov vm0;
	s14 =	sxor.u32 $0x80000000, s28  }
0x23: {  	vm0 =	vmmov vm0;
	s14 =	ssub.s32 s15, s14  }
0x24: {  	vm0 =	vmmov vm0;
	vm11 =	vle.s32 v5, s14  }
0x25: {  	v5, _, _ =	vpop (xrf0);
	vm0 =	vmand vm0, vm11  }
0x26: {  	(v2sf) =	vpush v5, $0xF;
	v6 =	vsel vm0, $0x0, v6  }
0x27: {  	[tilespmem:s13+$0x0] =	vst v6  }
0x28: {  	vm12 =	vmmov vm4;
	v5 =	vld [tilespmem:s16+$0x0];
	s29 =	spop (v2sf)  }
0x29: {  	v4 =	vperm.xlane v4, v3;
	vm0 =	vmmov vm12;
	s13 =	sxor.u32 $0x80000000, s29  }
0x2a: {  	vm0 =	vmmov vm0;
	s13 =	ssub.s32 s14, s13  }
0x2b: {  	vm0 =	vmmov vm0;
	vm13 =	vle.s32 v4, s13  }
0x2c: {  	vm0 =	vmand vm0, vm13  }
0x2d: {  	v4 =	vsel vm0, $0x0, v5  }
0x2e: {  	[tilespmem:s16+$0x0] =	vst v4  }
0x2f: {  	vm14 =	vmmov vm8;
	s30 =	spop (v2sf);
	v4 =	vld [tilespmem:s24+$0x0]  }
0x30: {  	vm0 =	vmmov vm14;
	v5 =	vperm.xlane v61, v3;
	s14 =	sxor.u32 $0x80000000, s30  }
0x31: {  	vm0 =	vmmov vm0;
	s13 =	ssub.s32 s13, s14  }
0x32: {  	vm0 =	vmmov vm0;
	vm15 =	vle.s32 v5, s13  }
0x33: {  	vm0 =	vmand vm0, vm15  }
0x34: {  	v4 =	vsel vm0, $0x0, v4  }
0x35: {  	s31 =	spop (v2sf);
	[tilespmem:s24+$0x0] =	vst v4  }
.LBB2_27:
0x36: {  	s12 =	sadd.s32 $0x1, s12  }
0x37: {  	p0 =	sne.s32 s12, s5  }
.Ltmp1:
0x38: {  	_ = 	snop;
	(pc) =	sbr.rel @!p0 .LBB2_28-.Ltmp1, $4  }
0x39: {  	[hbm4b:s4+s6] =	stream.strided.scatter [tilespmem:s2], [sflag:$0x1], $0x2000, s7, s6, $0x38;
	[tilespmem:$0x8100] =	vst v63  }
0x3a: {  	_ =	swait.ge [sflag:s8], $0x2000  }
0x3b: {  	[sflag:s8] =	ssyncset.done $0x0  }
0x3c: {  	[sflag:s8] =	ssyncadd.s32 $0xFFFFE000  }
.LBB2_1:
0x3d: {  	[tilespmem:s2], [sflag:$0x1] =	stream.strided.gather [hbm4b:s3+s6], $0x2000, s7, s6, $0x38;
	[tilespmem:$0x8100] =	vst v63  }
0x3e: {  	_ =	swait.ge [sflag:s8], $0x2000  }
0x3f: {  	[sflag:s8] =	ssyncset.done $0x0  }
0x40: {  	[sflag:s8] =	ssyncadd.s32 $0xFFFFE000  }
0x41: {  	[tilespmem:$0x4000] =	vst v1  }
0x42: {  	[tilespmem:$0x4010] =	vst v1  }
0x43: {  	[tilespmem:$0x4020] =	vst v1  }
0x44: {  	[tilespmem:$0x4030] =	vst v1  }
0x45: {  	[tilespmem:$0x4040] =	vst v1  }
0x46: {  	[tilespmem:$0x4050] =	vst v1  }
0x47: {  	[tilespmem:$0x4060] =	vst v1  }
0x48: {  	[tilespmem:$0x4070] =	vst v1  }
0x49: {  	[tilespmem:$0x4080] =	vst v1  }
0x4a: {  	[tilespmem:$0x4090] =	vst v1  }
0x4b: {  	[tilespmem:$0x40A0] =	vst v1  }
0x4c: {  	[tilespmem:$0x40B0] =	vst v1  }
0x4d: {  	[tilespmem:$0x40C0] =	vst v1  }
0x4e: {  	[tilespmem:$0x40D0] =	vst v1  }
0x4f: {  	[tilespmem:$0x40E0] =	vst v1  }
0x50: {  	s14 =	simm.s32 $0x40;
	[tilespmem:$0x40F0] =	vst v1  }
0x51: {  	v4 =	vld [tilespmem:s14+$0x10]  }
0x52: {  	v7 =	vld [tilespmem:s14+$0xFFFFFFD0]  }
0x53: {  	v8 =	vld [tilespmem:s14+$0xFFFFFFC0]  }
0x54: {  	v9 =	vld [tilespmem:s14+$0x30]  }
0x55: {  	v13 =	vld [tilespmem:s14+$0xFFFFFFE0]  }
0x56: {  	vm0 =	vlt.s32 v4, $0x0;
	v5 =	vxor.u32 $0xFFFFFFFF, v4;
	v4 =	vor.u32 $0x80000000, v4  }
0x57: {  	v6 =	vld [tilespmem:s14+$0x20];
	vm1 =	vlt.s32 v7, $0x0;
	v10 =	vxor.u32 $0xFFFFFFFF, v7;
	v12 =	vsel vm0, v5, v4  }
0x58: {  	v7 =	vor.u32 $0x80000000, v7;
	v11 =	vor.u32 $0x80000000, v8;
	v5 =	vld [tilespmem:s14+$0xFFFFFFF0];
	v14 =	vshrl.u32 v12, $0x18  }
0x59: {  	v15 =	vxor.u32 $0xFFFFFFFF, v9;
	v4 =	vxor.u32 $0xFFFFFFFF, v8;
	vm0 =	vlt.s32 v8, $0x0  }
0x5a: {  	v16 =	vor.u32 $0x80000000, v9;
	vm2 =	vlt.s32 v13, $0x0;
	v11 =	vsel vm0, v4, v11  }
0x5b: {  	s13 =	simm.s32 $0x2040;
	vm3 =	vlt.s32 v9, $0x0;
	v8 =	vsel vm1, v10, v7;
	v7 =	vld [tilespmem:s14+$0x0];
	v10 =	vshrl.u32 v11, $0x18  }
0x5c: {  	v9 =	vsel vm3, v15, v16;
	v4 =	vshrl.u32 v8, $0x18;
	vm0 =	vlt.s32 v6, $0x0;
	[tilespmem:s13+$0x10] =	vst v12  }
0x5d: {  	s15 =	simm.s32 $0xC0;
	s16 =	simm.s32 $0x2040;
	s14 =	simm.s32 $0x0;
	v12 =	vxor.u32 $0xFFFFFFFF, v13;
	v13 =	vor.u32 $0x80000000, v13;
	vm1 =	vlt.s32 v5, $0x0;
	[tilespmem:v14+s9+$0x0] =	vst.idx.add.s32.msk $0xffff, v2  }
.LBB2_2:
0x5e: {  	v14 =	vld [tilespmem:s15+$0xFFFFFFD0];
	s14 =	sadd.s32 $0x80, s14;
	[tilespmem:s13+$0xFFFFFFC0] =	vst v11;
	v11 =	vsel vm2, v12, v13;
	v12 =	vor.u32 $0x80000000, v5;
	v13 =	vor.u32 $0x80000000, v6;
	s16 =	sadd.s32 $0x80, s16  }
0x5f: {  	v15 =	vxor.u32 $0xFFFFFFFF, v5;
	v6 =	vxor.u32 $0xFFFFFFFF, v6;
	p0 =	slt.u32 s14, $0x1F80;
	[tilespmem:s13+$0xFFFFFFD0] =	vst v8;
	v8 =	vshrl.u32 v11, $0x18;
	v5 =	vld [tilespmem:s15+$0xFFFFFFF0]  }
0x60: {  	[tilespmem:v10+s9+$0x0] =	vst.idx.add.s32.msk $0xffff, v2;
	v10 =	vsel vm1, v15, v12;
	vm1 =	vlt.s32 v7, $0x0;
	v12 =	vshrl.u32 v9, $0x18  }
0x61: {  	v16 =	vxor.u32 $0xFFFFFFFF, v7;
	v7 =	vor.u32 $0x80000000, v7;
	v15 =	vld [tilespmem:s15+$0x10];
	[tilespmem:s13+$0xFFFFFFF0] =	vst v10;
	v10 =	vshrl.u32 v10, $0x18  }
0x62: {  	v7 =	vsel vm1, v16, v7;
	v17 =	vld [tilespmem:s15+$0xFFFFFFC0];
	[tilespmem:s13+$0xFFFFFFE0] =	vst v11;
	v11 =	vsel vm0, v6, v13  }
0x63: {  	v6 =	vld [tilespmem:s15+$0x20];
	v13 =	vshrl.u32 v11, $0x18;
	[tilespmem:s13+$0x30] =	vst v9  }
0x64: {  	[tilespmem:v8+s9+$0x0] =	vst.idx.add.s32.msk $0xffff, v2  }
0x65: {  	v9 =	vshrl.u32 v7, $0x18;
	[tilespmem:v12+s9+$0x0] =	vst.idx.add.s32.msk $0xffff, v2  }
0x66: {  	vm0 =	vlt.s32 v15, $0x0;
	v8 =	vxor.u32 $0xFFFFFFFF, v15;
	v12 =	vor.u32 $0x80000000, v15;
	v15 =	vld [tilespmem:s15+$0x30];
	[tilespmem:s13+$0x0] =	vst v7  }
0x67: {  	vm1 =	vlt.s32 v14, $0x0;
	v7 =	vxor.u32 $0xFFFFFFFF, v14;
	v16 =	vld [tilespmem:s15+$0xFFFFFFE0];
	v12 =	vsel vm0, v8, v12;
	[tilespmem:s13+$0x20] =	vst v11;
	s13 =	smov.u32 s16  }
0x68: {  	v11 =	vxor.u32 $0xFFFFFFFF, v17;
	v8 =	vor.u32 $0x80000000, v14;
	v14 =	vshrl.u32 v12, $0x18;
	[tilespmem:v13+s9+$0x0] =	vst.idx.add.s32.msk $0xffff, v2  }
.Ltmp2:
0x69: {  	vm0 =	vlt.s32 v17, $0x0;
	v13 =	vor.u32 $0x80000000, v17;
	v8 =	vsel vm1, v7, v8;
	[tilespmem:v4+s9+$0x0] =	vst.idx.add.s32.msk $0xffff, v2;
	(pc) =	sbr.rel @p0 .LBB2_2-.Ltmp2, $4  }
0x6a: {  	v11 =	vsel vm0, v11, v13;
	v4 =	vshrl.u32 v8, $0x18;
	vm0 =	vlt.s32 v6, $0x0;
	[tilespmem:v10+s9+$0x0] =	vst.idx.add.s32.msk $0xffff, v2  }
0x6b: {  	v10 =	vshrl.u32 v11, $0x18;
	v7 =	vld [tilespmem:s15+$0x0];
	[tilespmem:s16+$0x10] =	vst v12;
	v17 =	vxor.u32 $0xFFFFFFFF, v15;
	v18 =	vor.u32 $0x80000000, v15  }
0x6c: {  	vm3 =	vlt.s32 v15, $0x0;
	vm2 =	vlt.s32 v16, $0x0;
	v12 =	vxor.u32 $0xFFFFFFFF, v16;
	[tilespmem:v9+s9+$0x0] =	vst.idx.add.s32.msk $0xffff, v2  }
0x6d: {  	vm1 =	vlt.s32 v5, $0x0;
	s15 =	sadd.s32 $0x80, s15;
	v13 =	vor.u32 $0x80000000, v16;
	v9 =	vsel vm3, v17, v18;
	[tilespmem:v14+s9+$0x0] =	vst.idx.add.s32.msk $0xffff, v2  }
0x6e: {  	_ = 	snop  }
0x6f: {  	[tilespmem:s13+$0xFFFFFFC0] =	vst v11  }
0x70: {  	[tilespmem:s13+$0xFFFFFFD0] =	vst v8  }
0x71: {  	v11 =	vsel vm2, v12, v13;
	[tilespmem:s13+$0x30] =	vst v9  }
0x72: {  	v12 =	vor.u32 $0x80000000, v5;
	v5 =	vxor.u32 $0xFFFFFFFF, v5;
	v8 =	vshrl.u32 v11, $0x18;
	[tilespmem:v10+s9+$0x0] =	vst.idx.add.s32.msk $0xffff, v2  }
0x73: {  	v5 =	vsel vm1, v5, v12;
	v12 =	vor.u32 $0x80000000, v6;
	v6 =	vxor.u32 $0xFFFFFFFF, v6;
	[tilespmem:s13+$0xFFFFFFE0] =	vst v11  }
0x74: {  	v10 =	vshrl.u32 v9, $0x18;
	[tilespmem:v4+s9+$0x0] =	vst.idx.add.s32.msk $0xffff, v2;
	v6 =	vsel vm0, v6, v12;
	vm0 =	vlt.s32 v7, $0x0  }
0x75: {  	[tilespmem:s13+$0xFFFFFFF0] =	vst v5;
	v9 =	vxor.u32 $0xFFFFFFFF, v7;
	v7 =	vor.u32 $0x80000000, v7;
	v5 =	vshrl.u32 v5, $0x18  }
0x76: {  	v11 =	vshrl.u32 v6, $0x18;
	v7 =	vsel vm0, v9, v7;
	[tilespmem:s13+$0x20] =	vst v6  }
0x77: {  	[tilespmem:v8+s9+$0x0] =	vst.idx.add.s32.msk $0xffff, v2;
	v8 =	vshrl.u32 v7, $0x18  }
0x78: {  	[tilespmem:s13+$0x0] =	vst v7  }
0x79: {  	[tilespmem:v10+s9+$0x0] =	vst.idx.add.s32.msk $0xffff, v2  }
0x7a: {  	[tilespmem:v5+s9+$0x0] =	vst.idx.add.s32.msk $0xffff, v2  }
0x7b: {  	[tilespmem:v11+s9+$0x0] =	vst.idx.add.s32.msk $0xffff, v2  }
0x7c: {  	[tilespmem:v8+s9+$0x0] =	vst.idx.add.s32.msk $0xffff, v2  }
0x7d: {  	v4 =	vld [tilespmem:$0x40F0];
	_ =	sdelay $0x4  }
0x7e: {  	v4 =	vperm.xlane v4, v3;
	_ =	sdelay $0x1  }
0x7f: {  	(xrf0) =	vadd.scan.msk.s32 $0xffff, v4;
	_ =	sdelay $0x5  }
0x80: {  	v4, _, _ =	vpop (xrf0)  }
0x81: {  	v5 =	vxor.u32 $0x80000000, v4  }
0x82: {  	(xrf0) =	vmax.scan.msk.u32 $0xffff, v5;
	_ =	sdelay $0x5  }
0x83: {  	v5, _, _ =	vpop (xrf0)  }
0x84: {  	(v2sf) =	vpush v5, $0xF;
	_ =	sdelay $0x2  }
0x85: {  	v5 =	vld [tilespmem:$0x40E0];
	_ =	sdelay $0x4  }
0x86: {  	v5 =	vperm.xlane v5, v3;
	_ =	sdelay $0x1  }
0x87: {  	(xrf0) =	vadd.scan.msk.s32 $0xffff, v5;
	_ =	sdelay $0x4  }
0x88: {  	s15 =	spop (v2sf)  }
0x89: {  	v5, _, _ =	vpop (xrf0);
	s13 =	sxor.u32 $0x80000000, s15  }
0x8a: {  	v5 =	vadd.s32 s13, v5  }
0x8b: {  	v6 =	vxor.u32 $0x80000000, v5  }
0x8c: {  	(xrf0) =	vmax.scan.msk.u32 $0xffff, v6;
	_ =	sdelay $0x5  }
0x8d: {  	v6, _, _ =	vpop (xrf0)  }
0x8e: {  	(v2sf) =	vpush v6, $0xF;
	_ =	sdelay $0x2  }
0x8f: {  	v6 =	vld [tilespmem:$0x40D0];
	_ =	sdelay $0x4  }
0x90: {  	v6 =	vperm.xlane v6, v3;
	_ =	sdelay $0x1  }
0x91: {  	(xrf0) =	vadd.scan.msk.s32 $0xffff, v6;
	_ =	sdelay $0x4  }
0x92: {  	s16 =	spop (v2sf)  }
0x93: {  	v6, _, _ =	vpop (xrf0);
	s13 =	sxor.u32 $0x80000000, s16  }
0x94: {  	v6 =	vadd.s32 s13, v6  }
0x95: {  	v7 =	vxor.u32 $0x80000000, v6  }
0x96: {  	(xrf0) =	vmax.scan.msk.u32 $0xffff, v7;
	_ =	sdelay $0x5  }
0x97: {  	v7, _, _ =	vpop (xrf0)  }
0x98: {  	(v2sf) =	vpush v7, $0xF;
	_ =	sdelay $0x2  }
0x99: {  	v7 =	vld [tilespmem:$0x40C0];
	_ =	sdelay $0x4  }
0x9a: {  	v7 =	vperm.xlane v7, v3;
	_ =	sdelay $0x1  }
0x9b: {  	(xrf0) =	vadd.scan.msk.s32 $0xffff, v7;
	_ =	sdelay $0x4  }
0x9c: {  	s17 =	spop (v2sf)  }
0x9d: {  	v7, _, _ =	vpop (xrf0);
	s13 =	sxor.u32 $0x80000000, s17  }
0x9e: {  	v7 =	vadd.s32 s13, v7  }
0x9f: {  	v8 =	vxor.u32 $0x80000000, v7  }
0xa0: {  	(xrf0) =	vmax.scan.msk.u32 $0xffff, v8;
	_ =	sdelay $0x5  }
0xa1: {  	v8, _, _ =	vpop (xrf0)  }
0xa2: {  	(v2sf) =	vpush v8, $0xF;
	_ =	sdelay $0x2  }
0xa3: {  	v8 =	vld [tilespmem:$0x40B0];
	_ =	sdelay $0x4  }
0xa4: {  	v8 =	vperm.xlane v8, v3;
	_ =	sdelay $0x1  }
0xa5: {  	(xrf0) =	vadd.scan.msk.s32 $0xffff, v8;
	_ =	sdelay $0x4  }
0xa6: {  	s18 =	spop (v2sf)  }
0xa7: {  	v8, _, _ =	vpop (xrf0);
	s13 =	sxor.u32 $0x80000000, s18  }
0xa8: {  	v8 =	vadd.s32 s13, v8  }
0xa9: {  	v9 =	vxor.u32 $0x80000000, v8  }
0xaa: {  	(xrf0) =	vmax.scan.msk.u32 $0xffff, v9;
	_ =	sdelay $0x5  }
0xab: {  	v9, _, _ =	vpop (xrf0)  }
0xac: {  	(v2sf) =	vpush v9, $0xF;
	_ =	sdelay $0x2  }
0xad: {  	v9 =	vld [tilespmem:$0x40A0];
	_ =	sdelay $0x4  }
0xae: {  	v9 =	vperm.xlane v9, v3;
	_ =	sdelay $0x1  }
0xaf: {  	(xrf0) =	vadd.scan.msk.s32 $0xffff, v9;
	_ =	sdelay $0x4  }
0xb0: {  	s19 =	spop (v2sf)  }
0xb1: {  	v9, _, _ =	vpop (xrf0);
	s13 =	sxor.u32 $0x80000000, s19  }
0xb2: {  	v9 =	vadd.s32 s13, v9  }
0xb3: {  	v10 =	vxor.u32 $0x80000000, v9  }
0xb4: {  	(xrf0) =	vmax.scan.msk.u32 $0xffff, v10;
	_ =	sdelay $0x5  }
0xb5: {  	v10, _, _ =	vpop (xrf0)  }
0xb6: {  	(v2sf) =	vpush v10, $0xF;
	_ =	sdelay $0x2  }
0xb7: {  	v10 =	vld [tilespmem:$0x4090];
	_ =	sdelay $0x4  }
0xb8: {  	v10 =	vperm.xlane v10, v3;
	_ =	sdelay $0x1  }
0xb9: {  	(xrf0) =	vadd.scan.msk.s32 $0xffff, v10;
	_ =	sdelay $0x4  }
0xba: {  	s20 =	spop (v2sf)  }
0xbb: {  	v10, _, _ =	vpop (xrf0);
	s13 =	sxor.u32 $0x80000000, s20  }
0xbc: {  	v10 =	vadd.s32 s13, v10  }
0xbd: {  	v11 =	vxor.u32 $0x80000000, v10  }
0xbe: {  	(xrf0) =	vmax.scan.msk.u32 $0xffff, v11;
	_ =	sdelay $0x5  }
0xbf: {  	v11, _, _ =	vpop (xrf0)  }
0xc0: {  	(v2sf) =	vpush v11, $0xF;
	_ =	sdelay $0x2  }
0xc1: {  	v11 =	vld [tilespmem:$0x4080];
	_ =	sdelay $0x4  }
0xc2: {  	v11 =	vperm.xlane v11, v3;
	_ =	sdelay $0x1  }
0xc3: {  	(xrf0) =	vadd.scan.msk.s32 $0xffff, v11;
	_ =	sdelay $0x4  }
0xc4: {  	s21 =	spop (v2sf)  }
0xc5: {  	v11, _, _ =	vpop (xrf0);
	s13 =	sxor.u32 $0x80000000, s21  }
0xc6: {  	v12 =	vadd.s32 s13, v11  }
0xc7: {  	v11 =	vxor.u32 $0x80000000, v12  }
0xc8: {  	(xrf0) =	vmax.scan.msk.u32 $0xffff, v11;
	_ =	sdelay $0x5  }
0xc9: {  	v11, _, _ =	vpop (xrf0)  }
0xca: {  	(v2sf) =	vpush v11, $0xF;
	_ =	sdelay $0x2  }
0xcb: {  	v11 =	vld [tilespmem:$0x4070];
	_ =	sdelay $0x4  }
0xcc: {  	v11 =	vperm.xlane v11, v3;
	_ =	sdelay $0x1  }
0xcd: {  	(xrf0) =	vadd.scan.msk.s32 $0xffff, v11;
	_ =	sdelay $0x4  }
0xce: {  	s22 =	spop (v2sf)  }
0xcf: {  	v11, _, _ =	vpop (xrf0);
	s13 =	sxor.u32 $0x80000000, s22  }
0xd0: {  	v16 =	vadd.s32 s13, v11  }
0xd1: {  	v11 =	vxor.u32 $0x80000000, v16  }
0xd2: {  	(xrf0) =	vmax.scan.msk.u32 $0xffff, v11;
	_ =	sdelay $0x5  }
0xd3: {  	v11, _, _ =	vpop (xrf0)  }
0xd4: {  	(v2sf) =	vpush v11, $0xF;
	_ =	sdelay $0x2  }
0xd5: {  	v11 =	vld [tilespmem:$0x4060];
	_ =	sdelay $0x4  }
0xd6: {  	v11 =	vperm.xlane v11, v3;
	_ =	sdelay $0x1  }
0xd7: {  	(xrf0) =	vadd.scan.msk.s32 $0xffff, v11;
	_ =	sdelay $0x4  }
0xd8: {  	s23 =	spop (v2sf)  }
0xd9: {  	v11, _, _ =	vpop (xrf0);
	s13 =	sxor.u32 $0x80000000, s23  }
0xda: {  	v11 =	vadd.s32 s13, v11  }
0xdb: {  	v13 =	vxor.u32 $0x80000000, v11  }
0xdc: {  	(xrf0) =	vmax.scan.msk.u32 $0xffff, v13;
	_ =	sdelay $0x5  }
0xdd: {  	v13, _, _ =	vpop (xrf0)  }
0xde: {  	(v2sf) =	vpush v13, $0xF;
	_ =	sdelay $0x2  }
0xdf: {  	v13 =	vld [tilespmem:$0x4050];
	_ =	sdelay $0x4  }
0xe0: {  	v13 =	vperm.xlane v13, v3;
	_ =	sdelay $0x1  }
0xe1: {  	(xrf0) =	vadd.scan.msk.s32 $0xffff, v13;
	_ =	sdelay $0x4  }
0xe2: {  	s24 =	spop (v2sf)  }
0xe3: {  	v13, _, _ =	vpop (xrf0);
	s13 =	sxor.u32 $0x80000000, s24  }
0xe4: {  	v13 =	vadd.s32 s13, v13  }
0xe5: {  	v14 =	vxor.u32 $0x80000000, v13  }
0xe6: {  	(xrf0) =	vmax.scan.msk.u32 $0xffff, v14;
	_ =	sdelay $0x5  }
0xe7: {  	v14, _, _ =	vpop (xrf0)  }
0xe8: {  	(v2sf) =	vpush v14, $0xF;
	_ =	sdelay $0x2  }
0xe9: {  	v14 =	vld [tilespmem:$0x4040];
	_ =	sdelay $0x4  }
0xea: {  	v14 =	vperm.xlane v14, v3;
	_ =	sdelay $0x1  }
0xeb: {  	(xrf0) =	vadd.scan.msk.s32 $0xffff, v14;
	_ =	sdelay $0x4  }
0xec: {  	s25 =	spop (v2sf)  }
0xed: {  	v14, _, _ =	vpop (xrf0);
	s13 =	sxor.u32 $0x80000000, s25  }
0xee: {  	v14 =	vadd.s32 s13, v14  }
0xef: {  	v15 =	vxor.u32 $0x80000000, v14  }
0xf0: {  	(xrf0) =	vmax.scan.msk.u32 $0xffff, v15;
	_ =	sdelay $0x5  }
0xf1: {  	v15, _, _ =	vpop (xrf0)  }
0xf2: {  	(v2sf) =	vpush v15, $0xF;
	_ =	sdelay $0x2  }
0xf3: {  	v15 =	vld [tilespmem:$0x4030];
	_ =	sdelay $0x4  }
0xf4: {  	v15 =	vperm.xlane v15, v3;
	_ =	sdelay $0x1  }
0xf5: {  	(xrf0) =	vadd.scan.msk.s32 $0xffff, v15;
	_ =	sdelay $0x4  }
0xf6: {  	s26 =	spop (v2sf)  }
0xf7: {  	v15, _, _ =	vpop (xrf0);
	s13 =	sxor.u32 $0x80000000, s26  }
0xf8: {  	v15 =	vadd.s32 s13, v15  }
0xf9: {  	v17 =	vxor.u32 $0x80000000, v15  }
0xfa: {  	(xrf0) =	vmax.scan.msk.u32 $0xffff, v17;
	_ =	sdelay $0x5  }
0xfb: {  	v17, _, _ =	vpop (xrf0)  }
0xfc: {  	(v2sf) =	vpush v17, $0xF;
	_ =	sdelay $0x2  }
0xfd: {  	v17 =	vld [tilespmem:$0x4020];
	_ =	sdelay $0x4  }
0xfe: {  	v17 =	vperm.xlane v17, v3;
	_ =	sdelay $0x1  }
0xff: {  	(xrf0) =	vadd.scan.msk.s32 $0xffff, v17;
	_ =	sdelay $0x4  }
0x100: {  	s28 =	spop (v2sf)  }
0x101: {  	v17, _, _ =	vpop (xrf0);
	s13 =	sxor.u32 $0x80000000, s28  }
0x102: {  	v17 =	vadd.s32 s13, v17  }
0x103: {  	v18 =	vxor.u32 $0x80000000, v17  }
0x104: {  	(xrf0) =	vmax.scan.msk.u32 $0xffff, v18;
	_ =	sdelay $0x5  }
0x105: {  	v18, _, _ =	vpop (xrf0)  }
0x106: {  	(v2sf) =	vpush v18, $0xF;
	_ =	sdelay $0x2  }
0x107: {  	v18 =	vld [tilespmem:$0x4010];
	_ =	sdelay $0x4  }
0x108: {  	v18 =	vperm.xlane v18, v3;
	_ =	sdelay $0x1  }
0x109: {  	(xrf0) =	vadd.scan.msk.s32 $0xffff, v18;
	_ =	sdelay $0x4  }
0x10a: {  	s29 =	spop (v2sf)  }
0x10b: {  	v18, _, _ =	vpop (xrf0);
	s13 =	sxor.u32 $0x80000000, s29  }
0x10c: {  	v18 =	vadd.s32 s13, v18  }
0x10d: {  	v19 =	vxor.u32 $0x80000000, v18  }
0x10e: {  	(xrf0) =	vmax.scan.msk.u32 $0xffff, v19;
	_ =	sdelay $0x4  }
0x10f: {  	v20 =	vimm.s32 $0x0;
	vm0 =	vgt.s32 v5, $0xFFF  }
0x110: {  	vm10 =	vgt.s32 v4, $0xFFF;
	v20 =	vsel vm0, $0xFFFFFFFF, v20;
	v19, _, _ =	vpop (xrf0)  }
0x111: {  	[tilespmem:$0x1FF70] =	vst v20;
	v20 =	vsel vm0, $0x1, v1;
	(v2sf) =	vpush v19, $0xF;
	v19 =	vsel vm10, $0x1, v1  }
0x112: {  	vm0 =	vgt.s32 v6, $0xFFF;
	v19 =	vadd.s32 v19, v20;
	v20 =	vimm.s32 $0x0  }
0x113: {  	v20 =	vsel vm0, $0xFFFFFFFF, v20  }
0x114: {  	vm9 =	vgt.s32 v7, $0xFFF;
	[tilespmem:$0x1FF80] =	vst v20;
	v20 =	vsel vm0, $0x1, v1  }
0x115: {  	vm11 =	vgt.s32 v8, $0xFFF;
	v19 =	vadd.s32 v20, v19;
	v20 =	vsel vm9, $0x1, v1  }
0x116: {  	vm14 =	vgt.s32 v9, $0xFFF;
	v19 =	vadd.s32 v20, v19;
	v20 =	vsel vm11, $0x1, v1  }
0x117: {  	vm12 =	vgt.s32 v10, $0xFFF;
	v19 =	vadd.s32 v20, v19;
	v20 =	vsel vm14, $0x1, v1  }
0x118: {  	vm15 =	vgt.s32 v12, $0xFFF;
	v19 =	vadd.s32 v20, v19;
	v20 =	vsel vm12, $0x1, v1  }
0x119: {  	vm13 =	vgt.s32 v16, $0xFFF;
	v19 =	vadd.s32 v20, v19;
	v20 =	vsel vm15, $0x1, v1  }
0x11a: {  	v19 =	vadd.s32 v20, v19;
	v20 =	vsel vm13, $0x1, v1  }
0x11b: {  	vm0 =	vgt.s32 v11, $0xFFF;
	v19 =	vadd.s32 v20, v19;
	v20 =	vimm.s32 $0x0  }
0x11c: {  	v20 =	vsel vm0, $0xFFFFFFFF, v20  }
0x11d: {  	v21 =	vld [tilespmem:$0x4000];
	[tilespmem:$0x1FF90] =	vst v20;
	v20 =	vsel vm0, $0x1, v1  }
0x11e: {  	vm0 =	vgt.s32 v13, $0xFFF;
	v19 =	vadd.s32 v20, v19;
	v20 =	vimm.s32 $0x0  }
0x11f: {  	v20 =	vsel vm0, $0xFFFFFFFF, v20  }
0x120: {  	[tilespmem:$0x1FFA0] =	vst v20;
	v20 =	vsel vm0, $0x1, v1  }
0x121: {  	vm0 =	vgt.s32 v14, $0xFFF;
	v19 =	vadd.s32 v20, v19;
	v20 =	vimm.s32 $0x0  }
0x122: {  	v21 =	vperm.xlane v21, v3;
	v20 =	vsel vm0, $0xFFFFFFFF, v20  }
0x123: {  	[tilespmem:$0x1FFB0] =	vst v20;
	v20 =	vsel vm0, $0x1, v1  }
0x124: {  	(xrf0) =	vadd.scan.msk.s32 $0xffff, v21;
	vm0 =	vgt.s32 v15, $0xFFF;
	v19 =	vadd.s32 v20, v19;
	v20 =	vimm.s32 $0x0  }
0x125: {  	v20 =	vsel vm0, $0xFFFFFFFF, v20  }
0x126: {  	v21 =	vimm.s32 $0x0;
	[tilespmem:$0x1FFC0] =	vst v20;
	v20 =	vsel vm0, $0x1, v1;
	vm0 =	vgt.s32 v17, $0xFFF  }
0x127: {  	v21 =	vsel vm0, $0xFFFFFFFF, v21  }
0x128: {  	v20 =	vadd.s32 v20, v19;
	[tilespmem:$0x1FFD0] =	vst v21;
	v21 =	vsel vm0, $0x1, v1  }
0x129: {  	s30 =	spop (v2sf);
	vm0 =	vgt.s32 v18, $0xFFF;
	v20 =	vadd.s32 v21, v20;
	v21 =	vimm.s32 $0x0  }
0x12a: {  	s13 =	sxor.u32 $0x80000000, s30;
	v19, _, _ =	vpop (xrf0);
	v21 =	vsel vm0, $0xFFFFFFFF, v21  }
0x12b: {  	v29 =	vimm.s32 $0x0;
	v19 =	vadd.s32 s13, v19;
	[tilespmem:$0x1FFE0] =	vst v21;
	v21 =	vsel vm0, $0x1, v1  }
0x12c: {  	vm0 =	vgt.s32 v19, $0xFFF;
	v20 =	vadd.s32 v21, v20;
	v21 =	vimm.s32 $0x0  }
0x12d: {  	[tilespmem:$0x4000] =	vst v29;
	v21 =	vsel vm0, $0xFFFFFFFF, v21  }
0x12e: {  	[tilespmem:$0x1FFF0] =	vst v21;
	v21 =	vsel vm0, $0x1, v1  }
0x12f: {  	[tilespmem:$0x40F0] =	vst v29;
	v20 =	vadd.s32 v21, v20  }
0x130: {  	[tilespmem:$0x40E0] =	vst v29;
	(xrf0) =	vadd.scan.msk.s32 $0xffff, v20  }
0x131: {  	[tilespmem:$0x40D0] =	vst v29  }
0x132: {  	[tilespmem:$0x40C0] =	vst v29  }
0x133: {  	[tilespmem:$0x40B0] =	vst v29  }
0x134: {  	[tilespmem:$0x40A0] =	vst v29  }
0x135: {  	[tilespmem:$0x4090] =	vst v29  }
0x136: {  	[tilespmem:$0x4080] =	vst v29;
	v20, _, _ =	vpop (xrf0)  }
0x137: {  	[tilespmem:$0x4070] =	vst v29;
	(v2sf) =	vpush v20, $0xF  }
0x138: {  	[tilespmem:$0x4060] =	vst v29  }
0x139: {  	[tilespmem:$0x4050] =	vst v29  }
0x13a: {  	[tilespmem:$0x4040] =	vst v29  }
0x13b: {  	[tilespmem:$0x4030] =	vst v29  }
0x13c: {  	[tilespmem:$0x4020] =	vst v29  }
0x13d: {  	s14 =	simm.s32 $0x2040;
	[tilespmem:$0x4010] =	vst v29  }
0x13e: {  	v26 =	vld [tilespmem:s14+$0xFFFFFFC0]  }
0x13f: {  	v24 =	vld [tilespmem:s14+$0xFFFFFFD0]  }
0x140: {  	v21 =	vld [tilespmem:s14+$0x0]  }
0x141: {  	v25 =	vld [tilespmem:s14+$0x10];
	_ =	sdelay $0x1  }
0x142: {  	v23 =	vld [tilespmem:s14+$0x30]  }
0x143: {  	v20 =	vld [tilespmem:s14+$0xFFFFFFE0]  }
0x144: {  	v22 =	vshrl.u32 v26, $0x18  }
0x145: {  	v33 =	vshrl.u32 v21, $0x18;
	v32 =	vshrl.u32 v24, $0x18;
	v35 =	vshrl.u32 v25, $0x10;
	s31 =	spop (v2sf)  }
0x146: {  	v36 =	vshrl.u32 v26, $0x10;
	v37 =	vshrl.u32 v21, $0x10;
	v39 =	vshrl.u32 v24, $0x10;
	s13 =	sadd.s32 $0xFFFFFFFF, s31  }
0x147: {  	v40 =	vshrl.u32 v25, $0x18;
	v54 =	vshrl.u32 v23, $0x18;
	v28 =	vmov s13  }
0x148: {  	v43 =	vshrl.u32 v23, $0x10;
	v30 =	vshrl.u32 v20, $0x10;
	vm5 =	veq.s32 v22, v28  }
0x149: {  	v42 =	vand.u32 $0xFF, v37;
	v34 =	vand.u32 $0xFF, v30;
	v30 =	vsel vm5, $0x1, v1  }
0x14a: {  	v27 =	vshrl.u32 v20, $0x18;
	v22 =	vld [tilespmem:s14+$0xFFFFFFF0];
	vm0 =	veq.s32 v32, v28;
	v31 =	vmpcnt.ones.xlane vm5;
	(xrf0) =	vadd.scan.msk.s32 $0xffff, v30  }
0x14b: {  	v56 =	vand.u32 $0xFF, v36;
	vm4 =	veq.s32 v27, v28;
	v27 =	vmpcnt.ones.xlane vm0  }
0x14c: {  	v43 =	vand.u32 $0xFF, v43;
	vm1 =	veq.s32 v33, v28;
	v31 =	vadd.s32 v29, v31  }
0x14d: {  	vm3 =	veq.s32 v54, v28;
	v38 =	vsel vm4, $0x1, v1;
	v32 =	vadd.s32 v31, v27;
	v27 =	vld [tilespmem:s14+$0x20]  }
0x14e: {  	vm7 =	veq.s32 v40, v28;
	v57 =	vsel vm0, $0x1, v1;
	v58 =	vsel vm1, $0x1, v1;
	(xrf0) =	vadd.scan.msk.s32 $0xffff, v38  }
0x14f: {  	v59 =	vsel vm3, $0x1, v1;
	v40 =	vsel vm7, $0x1, v1;
	(xrf0) =	vadd.scan.msk.s32 $0xffff, v57;
	v41 =	vshrl.u32 v22, $0x18  }
0x150: {  	v30 =	vand.u32 $0xFF, v35;
	v55 =	vshrl.u32 v22, $0x10;
	vm2 =	veq.s32 v41, v28;
	v60, _, _ =	vpop (xrf0);
	(xrf0) =	vadd.scan.msk.s32 $0xffff, v59  }
0x151: {  	v33 =	vand.u32 $0xFF, v55;
	[tilespmem:v34+s9+$0x0] =	vst.idx.add.s32.msk vm4, v2;
	v41 =	vsel vm2, $0x1, v1;
	v61 =	vadd.s32 v60, v29  }
0x152: {  	[tilespmem:v42+s9+$0x0] =	vst.idx.add.s32.msk vm1, v2;
	v62 =	vshrl.u32 v27, $0x18;
	(xrf0) =	vadd.scan.msk.s32 $0xffff, v41;
	v37 =	vadd.s32 $0xFFFFFFFF, v61  }
0x153: {  	[tilespmem:v56+s9+$0x0] =	vst.idx.add.s32.msk vm5, v2;
	v34 =	vand.u32 $0xFF, v39;
	(xrf0) =	vadd.scan.msk.s32 $0xffff, v58;
	vm6 =	veq.s32 v62, v28  }
0x154: {  	v39 =	vmpcnt.ones.xlane vm4;
	[tilespmem:v43+s9+$0x0] =	vst.idx.add.s32.msk vm3, v2;
	v35, _, _ =	vpop (xrf0);
	v63 =	vsel vm6, $0x1, v1;
	(xrf0) =	vadd.scan.msk.s32 $0xffff, v40  }
0x155: {  	s15 =	simm.s32 $0x20C0;
	s14 =	simm.s32 $0x0;
	v36 =	vmpcnt.ones.xlane vm2;
	v29 =	vmpcnt.ones.xlane vm3;
	v38, _, _ =	vpop (xrf0);
	v40 =	vshrl.u32 v27, $0x10;
	(xrf0) =	vadd.scan.msk.s32 $0xffff, v63  }
.LBB2_4:
0x156: {  	s14 =	sadd.s32 $0x80, s14;
	v35 =	vadd.s32 v35, v32;
	[tilespmem:v33+s9+$0x0] =	vst.idx.add.s32.msk vm2, v2;
	v33 =	vand.u32 $0xFF, v40;
	v40, _, _ =	vpop (xrf0);
	vm8 =	vmmov vm4  }
0x157: {  	v43 =	vmpcnt.ones.xlane vm7;
	p0 =	slt.u32 s14, $0x1F80;
	[tilespmem:v37+s10+$0x0] =	vst.idx.msk vm5, v26;
	v26 =	vld [tilespmem:s15+$0xFFFFFFC0];
	v32 =	vadd.s32 v32, v39;
	v37 =	vmpcnt.ones.xlane vm1  }
0x158: {  	v31 =	vadd.s32 v38, v31;
	v38 =	vmpcnt.ones.xlane vm6;
	v41 =	vld [tilespmem:s15+$0xFFFFFFD0];
	v36 =	vadd.s32 v32, v36;
	v42, _, _ =	vpop (xrf0)  }
0x159: {  	v31 =	vadd.s32 $0xFFFFFFFF, v31;
	v32 =	vadd.s32 v42, v32;
	v37 =	vadd.s32 v36, v37;
	[tilespmem:v30+s9+$0x0] =	vst.idx.add.s32.msk vm7, v2;
	v30, _, _ =	vpop (xrf0)  }
0x15a: {  	v42 =	vld [tilespmem:s15+$0xFFFFFFE0];
	v32 =	vadd.s32 $0xFFFFFFFF, v32;
	v30 =	vadd.s32 v30, v36;
	v36 =	vadd.s32 v37, v43;
	v39, _, _ =	vpop (xrf0)  }
0x15b: {  	v43 =	vld [tilespmem:s15+$0x0];
	v30 =	vadd.s32 $0xFFFFFFFF, v30;
	v37 =	vadd.s32 v39, v37;
	v38 =	vadd.s32 v36, v38;
	v39, _, _ =	vpop (xrf0)  }
0x15c: {  	v44 =	vld [tilespmem:s15+$0x10];
	v37 =	vadd.s32 $0xFFFFFFFF, v37;
	v36 =	vadd.s32 v39, v36;
	v39 =	vadd.s32 v40, v38  }
0x15d: {  	v29 =	vadd.s32 v38, v29;
	[tilespmem:v34+s9+$0x0] =	vst.idx.add.s32.msk vm0, v2;
	v34 =	vadd.s32 $0xFFFFFFFF, v36;
	v36 =	vadd.s32 $0xFFFFFFFF, v39  }
0x15e: {  	v35 =	vadd.s32 $0xFFFFFFFF, v35;
	v38 =	vld [tilespmem:s15+$0x30]  }
0x15f: {  	v39 =	vshrl.u32 v42, $0x18;
	v40 =	vshrl.u32 v42, $0x10;
	[tilespmem:v33+s9+$0x0] =	vst.idx.add.s32.msk vm6, v2  }
0x160: {  	v33 =	vshrl.u32 v26, $0x18;
	vm4 =	veq.s32 v39, v28;
	v39 =	vld [tilespmem:s15+$0xFFFFFFF0];
	v45 =	vshrl.u32 v43, $0x18;
	[tilespmem:v31+s10+$0x0] =	vst.idx.msk vm0, v24;
	v24 =	vmovc v41  }
0x161: {  	vm5 =	veq.s32 v33, v28;
	v33 =	vand.u32 $0xFF, v40;
	v31 =	vshrl.u32 v24, $0x18;
	[tilespmem:v37+s10+$0x0] =	vst.idx.msk vm7, v25;
	v25 =	vmovc v44  }
0x162: {  	v37 =	vsel vm5, $0x1, v1;
	v40 =	vmpcnt.ones.xlane vm5;
	v41 =	vshrl.u32 v25, $0x10;
	[tilespmem:v34+s10+$0x0] =	vst.idx.msk vm6, v27  }
0x163: {  	v34 =	vshrl.u32 v26, $0x10;
	vm0 =	veq.s32 v31, v28;
	v27 =	vshrl.u32 v43, $0x10;
	[tilespmem:v36+s10+$0x0] =	vst.idx.msk vm3, v23;
	v23 =	vmovc v38  }
0x164: {  	v31 =	vadd.s32 v29, v40;
	v36 =	vsel vm4, $0x1, v1;
	(xrf0) =	vadd.scan.msk.s32 $0xffff, v37;
	[tilespmem:v30+s10+$0x0] =	vst.idx.msk vm1, v21;
	v21 =	vmovc v43  }
0x165: {  	v38 =	vshrl.u32 v24, $0x10;
	v37 =	vmpcnt.ones.xlane vm0;
	(xrf0) =	vadd.scan.msk.s32 $0xffff, v36;
	[tilespmem:v32+s10+$0x0] =	vst.idx.msk vm2, v22;
	v22 =	vmovc v39  }
0x166: {  	v30 =	vand.u32 $0xFF, v41;
	v39 =	vshrl.u32 v25, $0x18;
	v36 =	vshrl.u32 v23, $0x18;
	[tilespmem:v35+s10+$0x0] =	vst.idx.msk vm8, v20;
	v20 =	vmovc v42  }
0x167: {  	v40 =	vand.u32 $0xFF, v27;
	v32 =	vadd.s32 v31, v37;
	v35 =	vshrl.u32 v22, $0x18;
	[tilespmem:v33+s9+$0x0] =	vst.idx.add.s32.msk vm4, v2  }
0x168: {  	vm1 =	veq.s32 v45, v28;
	v37 =	vshrl.u32 v23, $0x10;
	v33 =	vshrl.u32 v22, $0x10;
	v27 =	vld [tilespmem:s15+$0x20]  }
0x169: {  	v34 =	vand.u32 $0xFF, v34;
	v41 =	vsel vm0, $0x1, v1;
	vm3 =	veq.s32 v36, v28  }
0x16a: {  	v42 =	vsel vm1, $0x1, v1;
	v36 =	vsel vm3, $0x1, v1;
	v33 =	vand.u32 $0xFF, v33;
	v43, _, _ =	vpop (xrf0);
	(xrf0) =	vadd.scan.msk.s32 $0xffff, v41  }
0x16b: {  	vm2 =	veq.s32 v35, v28;
	v41 =	vadd.s32 v43, v29;
	v43 =	vand.u32 $0xFF, v37;
	v35, _, _ =	vpop (xrf0);
	(xrf0) =	vadd.scan.msk.s32 $0xffff, v36  }
.Ltmp3:
0x16c: {  	v44 =	vsel vm2, $0x1, v1;
	v36 =	vmpcnt.ones.xlane vm2;
	v29 =	vmpcnt.ones.xlane vm3;
	(pc) =	sbr.rel @p0 .LBB2_4-.Ltmp3, $4  }
0x16d: {  	vm7 =	veq.s32 v39, v28;
	v37 =	vadd.s32 $0xFFFFFFFF, v41;
	v39 =	vshrl.u32 v27, $0x18;
	(xrf0) =	vadd.scan.msk.s32 $0xffff, v44  }
0x16e: {  	[tilespmem:v40+s9+$0x0] =	vst.idx.add.s32.msk vm1, v2;
	v40 =	vsel vm7, $0x1, v1;
	vm6 =	veq.s32 v39, v28;
	(xrf0) =	vadd.scan.msk.s32 $0xffff, v42  }
0x16f: {  	[tilespmem:v34+s9+$0x0] =	vst.idx.add.s32.msk vm5, v2;
	v34 =	vand.u32 $0xFF, v38;
	v41 =	vsel vm6, $0x1, v1;
	(xrf0) =	vadd.scan.msk.s32 $0xffff, v40  }
0x170: {  	s15 =	sadd.s32 $0x80, s15;
	v39 =	vmpcnt.ones.xlane vm4;
	v40 =	vshrl.u32 v27, $0x10;
	[tilespmem:v43+s9+$0x0] =	vst.idx.add.s32.msk vm3, v2;
	v38, _, _ =	vpop (xrf0);
	(xrf0) =	vadd.scan.msk.s32 $0xffff, v41  }
0x171: {  	v28 =	vld [tilespmem:$0x1FF70]  }
0x172: {  	vm8 =	vgt.s32 v4, $0x0  }
0x173: {  	v4 =	vnsel vm8, $0x0, v4  }
0x174: {  	v58 =	vld [tilespmem:$0x1FF80];
	v4 =	vsel vm10, $0x0, v4  }
0x175: {  	vm8 =	vgt.s32 v4, v5  }
0x176: {  	v5 =	vsel vm8, v4, v5;
	vm8 =	vnez.u8 v28  }
0x177: {  	v4 =	vsel vm8, v4, v5  }
0x178: {  	vm8 =	vgt.s32 v4, v6  }
0x179: {  	v5 =	vsel vm8, v4, v6;
	vm8 =	vnez.u8 v58  }
0x17a: {  	v4 =	vsel vm8, v4, v5  }
0x17b: {  	vm8 =	vgt.s32 v4, v7  }
0x17c: {  	v5 =	vsel vm8, v4, v7  }
0x17d: {  	v4 =	vsel vm9, v4, v5;
	v5 =	vsel vm11, $0x0, v8  }
0x17e: {  	vm8 =	vgt.s32 v4, v5  }
0x17f: {  	v4 =	vsel vm8, v4, v5;
	v5 =	vsel vm14, $0x0, v9  }
0x180: {  	vm8 =	vgt.s32 v4, v5  }
0x181: {  	v4 =	vsel vm8, v4, v5;
	v5 =	vsel vm12, $0x0, v10  }
0x182: {  	vm8 =	vgt.s32 v4, v5  }
0x183: {  	v4 =	vsel vm8, v4, v5;
	v5 =	vsel vm15, $0x0, v12;
	_ =	sdelay $0x1  }
0x184: {  	vm8 =	vgt.s32 v4, v5  }
0x185: {  	v4 =	vsel vm8, v4, v5;
	v5, _, _ =	vpop (xrf0)  }
0x186: {  	v61 =	vmpcnt.ones.xlane vm1;
	v60 =	vadd.s32 v32, v39;
	v62, _, _ =	vpop (xrf0)  }
0x187: {  	v63 =	vand.u32 $0xFF, v40;
	v40 =	vadd.s32 v60, v36;
	v41, _, _ =	vpop (xrf0)  }
0x188: {  	v43 =	vadd.s32 v38, v31;
	v8 =	vadd.s32 v40, v61;
	v44, _, _ =	vpop (xrf0)  }
0x189: {  	v42 =	vmpcnt.ones.xlane vm7;
	[tilespmem:v37+s10+$0x0] =	vst.idx.msk vm5, v26;
	v28 =	vadd.s32 $0xFFFFFFFF, v43;
	v31 =	vadd.s32 v44, v8  }
0x18a: {  	v45 =	vmpcnt.ones.xlane vm6;
	v48 =	vld [tilespmem:$0x1FF90];
	v47 =	vadd.s32 $0xFFFFFFFF, v31  }
0x18b: {  	[tilespmem:v30+s9+$0x0] =	vst.idx.add.s32.msk vm7, v2;
	v8 =	vadd.s32 v8, v42;
	v46, _, _ =	vpop (xrf0)  }
0x18c: {  	v50 =	vld [tilespmem:$0x1FFA0];
	v49 =	vadd.s32 v8, v45;
	v8 =	vadd.s32 v46, v8  }
0x18d: {  	[tilespmem:v34+s9+$0x0] =	vst.idx.add.s32.msk vm0, v2;
	v5 =	vadd.s32 v5, v49;
	v8 =	vadd.s32 $0xFFFFFFFF, v8  }
0x18e: {  	[tilespmem:v28+s10+$0x0] =	vst.idx.msk vm0, v24;
	v5 =	vadd.s32 $0xFFFFFFFF, v5  }
0x18f: {  	[tilespmem:v47+s10+$0x0] =	vst.idx.msk vm7, v25  }
0x190: {  	v51 =	vld [tilespmem:$0x1FFB0]  }
0x191: {  	[tilespmem:v63+s9+$0x0] =	vst.idx.add.s32.msk vm6, v2  }
0x192: {  	v59 =	vsel vm13, $0x0, v16;
	[tilespmem:v8+s10+$0x0] =	vst.idx.msk vm6, v27  }
0x193: {  	vm9 =	vnez.u8 v48;
	vm8 =	vgt.s32 v4, v59;
	[tilespmem:v5+s10+$0x0] =	vst.idx.msk vm3, v23  }
0x194: {  	v11 =	vsel vm9, $0x0, v11;
	v4 =	vsel vm8, v4, v59;
	v5 =	vld [tilespmem:$0x1FFC0]  }
0x195: {  	vm10 =	vnez.u8 v50;
	vm5 =	vgt.s32 v4, v11;
	v10 =	vadd.s32 v41, v40  }
0x196: {  	v4 =	vsel vm5, v4, v11;
	v11 =	vsel vm10, $0x0, v13;
	v10 =	vadd.s32 $0xFFFFFFFF, v10  }
0x197: {  	vm11 =	vgt.s32 v4, v11;
	vm12 =	vnez.u8 v51  }
0x198: {  	v4 =	vsel vm11, v4, v11;
	v11 =	vsel vm12, $0x0, v14  }
0x199: {  	vm14 =	vgt.s32 v4, v11;
	vm15 =	vnez.u8 v5  }
0x19a: {  	v4 =	vsel vm14, v4, v11;
	v5 =	vsel vm15, $0x0, v15  }
0x19b: {  	[tilespmem:v10+s10+$0x0] =	vst.idx.msk vm1, v21;
	vm6 =	vgt.s32 v4, v5  }
0x19c: {  	v52 =	vadd.s32 v35, v32;
	vm13 =	vmmov vm4;
	v4 =	vsel vm6, v4, v5;
	v5 =	vld [tilespmem:$0x1FFD0]  }
0x19d: {  	v53 =	vadd.s32 $0xFFFFFFFF, v52;
	v7 =	vadd.s32 v62, v60  }
0x19e: {  	v7 =	vadd.s32 $0xFFFFFFFF, v7;
	_ =	sdelay $0x2  }
0x19f: {  	[tilespmem:v33+s9+$0x0] =	vst.idx.add.s32.msk vm2, v2;
	vm7 =	vnez.u8 v5  }
0x1a0: {  	[tilespmem:v53+s10+$0x0] =	vst.idx.msk vm13, v20;
	v5 =	vsel vm7, $0x0, v17  }
0x1a1: {  	[tilespmem:v7+s10+$0x0] =	vst.idx.msk vm2, v22;
	vm1 =	vgt.s32 v4, v5  }
0x1a2: {  	v4 =	vsel vm1, v4, v5;
	v5 =	vld [tilespmem:$0x1FFE0];
	_ =	sdelay $0x4  }
0x1a3: {  	vm8 =	vnez.u8 v5  }
0x1a4: {  	v5 =	vsel vm8, $0x0, v18  }
0x1a5: {  	vm0 =	vgt.s32 v4, v5  }
0x1a6: {  	v4 =	vsel vm0, v4, v5;
	v5 =	vld [tilespmem:$0x1FFF0];
	_ =	sdelay $0x4  }
0x1a7: {  	v6 =	vld [tilespmem:$0x40F0];
	vm9 =	vnez.u8 v5  }
0x1a8: {  	v5 =	vsel vm9, $0x0, v19  }
0x1a9: {  	vm0 =	vgt.s32 v4, v5  }
0x1aa: {  	v4 =	vsel vm0, v4, v5  }
0x1ab: {  	v5 =	vadd.s32 v49, v29;
	v4 =	vxor.u32 $0x80000000, v4  }
0x1ac: {  	(xrf0) =	vmax.scan.msk.u32 $0xffff, v4;
	v4 =	vxor.u32 $0x80000000, v5;
	v5 =	vperm.xlane v6, v3  }
0x1ad: {  	(xrf0) =	vmax.scan.msk.u32 $0xffff, v4  }
0x1ae: {  	(xrf0) =	vadd.scan.msk.s32 $0xffff, v5;
	_ =	sdelay $0x3  }
0x1af: {  	v5, _, _ =	vpop (xrf0)  }
0x1b0: {  	v54, _, _ =	vpop (xrf0)  }
0x1b1: {  	v4, _, _ =	vpop (xrf0)  }
0x1b2: {  	v55 =	vxor.u32 $0x80000000, v4  }
0x1b3: {  	(xrf0) =	vmax.scan.msk.u32 $0xffff, v55;
	_ =	sdelay $0x4  }
0x1b4: {  	(v2sf) =	vpush v5, $0xF  }
0x1b5: {  	(v2sf) =	vpush v54, $0xF;
	v5, _, _ =	vpop (xrf0)  }
0x1b6: {  	(v2sf) =	vpush v5, $0xF;
	_ =	sdelay $0x2  }
0x1b7: {  	v5 =	vld [tilespmem:$0x40E0];
	_ =	sdelay $0x4  }
0x1b8: {  	v5 =	vperm.xlane v5, v3;
	_ =	sdelay $0x1  }
0x1b9: {  	(xrf0) =	vadd.scan.msk.s32 $0xffff, v5;
	_ =	sdelay $0x2  }
0x1ba: {  	s14 =	spop (v2sf)  }
0x1bb: {  	s15 =	spop (v2sf)  }
0x1bc: {  	s16 =	spop (v2sf)  }
0x1bd: {  	v5, _, _ =	vpop (xrf0);
	s16 =	sxor.u32 $0x80000000, s16  }
0x1be: {  	v5 =	vadd.s32 s16, v5  }
0x1bf: {  	v56 =	vxor.u32 $0x80000000, v5  }
0x1c0: {  	(xrf0) =	vmax.scan.msk.u32 $0xffff, v56;
	_ =	sdelay $0x5  }
0x1c1: {  	v6, _, _ =	vpop (xrf0)  }
0x1c2: {  	(v2sf) =	vpush v6, $0xF;
	_ =	sdelay $0x2  }
0x1c3: {  	v57 =	vld [tilespmem:$0x40D0];
	_ =	sdelay $0x4  }
0x1c4: {  	v6 =	vperm.xlane v57, v3;
	_ =	sdelay $0x1  }
0x1c5: {  	(xrf0) =	vadd.scan.msk.s32 $0xffff, v6;
	_ =	sdelay $0x4  }
0x1c6: {  	s29 =	spop (v2sf)  }
0x1c7: {  	v6, _, _ =	vpop (xrf0);
	s16 =	sxor.u32 $0x80000000, s29  }
0x1c8: {  	v6 =	vadd.s32 s16, v6  }
0x1c9: {  	v58 =	vxor.u32 $0x80000000, v6  }
0x1ca: {  	(xrf0) =	vmax.scan.msk.u32 $0xffff, v58;
	_ =	sdelay $0x5  }
0x1cb: {  	v7, _, _ =	vpop (xrf0)  }
0x1cc: {  	(v2sf) =	vpush v7, $0xF;
	_ =	sdelay $0x2  }
0x1cd: {  	v59 =	vld [tilespmem:$0x40C0];
	_ =	sdelay $0x4  }
0x1ce: {  	v7 =	vperm.xlane v59, v3;
	_ =	sdelay $0x1  }
0x1cf: {  	(xrf0) =	vadd.scan.msk.s32 $0xffff, v7;
	_ =	sdelay $0x4  }
0x1d0: {  	s30 =	spop (v2sf)  }
0x1d1: {  	v7, _, _ =	vpop (xrf0);
	s16 =	sxor.u32 $0x80000000, s30  }
0x1d2: {  	v7 =	vadd.s32 s16, v7  }
0x1d3: {  	v60 =	vxor.u32 $0x80000000, v7  }
0x1d4: {  	(xrf0) =	vmax.scan.msk.u32 $0xffff, v60;
	_ =	sdelay $0x5  }
0x1d5: {  	v8, _, _ =	vpop (xrf0)  }
0x1d6: {  	(v2sf) =	vpush v8, $0xF;
	_ =	sdelay $0x2  }
0x1d7: {  	v61 =	vld [tilespmem:$0x40B0];
	_ =	sdelay $0x4  }
0x1d8: {  	v8 =	vperm.xlane v61, v3;
	_ =	sdelay $0x1  }
0x1d9: {  	(xrf0) =	vadd.scan.msk.s32 $0xffff, v8;
	_ =	sdelay $0x4  }
0x1da: {  	s31 =	spop (v2sf)  }
0x1db: {  	v8, _, _ =	vpop (xrf0);
	s16 =	sxor.u32 $0x80000000, s31  }
0x1dc: {  	v8 =	vadd.s32 s16, v8  }
0x1dd: {  	v62 =	vxor.u32 $0x80000000, v8  }
0x1de: {  	(xrf0) =	vmax.scan.msk.u32 $0xffff, v62;
	_ =	sdelay $0x5  }
0x1df: {  	v9, _, _ =	vpop (xrf0)  }
0x1e0: {  	(v2sf) =	vpush v9, $0xF;
	_ =	sdelay $0x2  }
0x1e1: {  	v63 =	vld [tilespmem:$0x40A0];
	_ =	sdelay $0x4  }
0x1e2: {  	v9 =	vperm.xlane v63, v3;
	_ =	sdelay $0x1  }
0x1e3: {  	(xrf0) =	vadd.scan.msk.s32 $0xffff, v9;
	_ =	sdelay $0x4  }
0x1e4: {  	s17 =	spop (v2sf)  }
0x1e5: {  	v9, _, _ =	vpop (xrf0);
	s16 =	sxor.u32 $0x80000000, s17  }
0x1e6: {  	v9 =	vadd.s32 s16, v9  }
0x1e7: {  	v12 =	vxor.u32 $0x80000000, v9  }
0x1e8: {  	(xrf0) =	vmax.scan.msk.u32 $0xffff, v12;
	_ =	sdelay $0x5  }
0x1e9: {  	v10, _, _ =	vpop (xrf0)  }
0x1ea: {  	(v2sf) =	vpush v10, $0xF;
	_ =	sdelay $0x2  }
0x1eb: {  	v13 =	vld [tilespmem:$0x4090];
	_ =	sdelay $0x4  }
0x1ec: {  	v10 =	vperm.xlane v13, v3;
	_ =	sdelay $0x1  }
0x1ed: {  	(xrf0) =	vadd.scan.msk.s32 $0xffff, v10;
	_ =	sdelay $0x4  }
0x1ee: {  	s18 =	spop (v2sf)  }
0x1ef: {  	v10, _, _ =	vpop (xrf0);
	s16 =	sxor.u32 $0x80000000, s18  }
0x1f0: {  	v10 =	vadd.s32 s16, v10  }
0x1f1: {  	v14 =	vxor.u32 $0x80000000, v10  }
0x1f2: {  	(xrf0) =	vmax.scan.msk.u32 $0xffff, v14;
	_ =	sdelay $0x5  }
0x1f3: {  	v11, _, _ =	vpop (xrf0)  }
0x1f4: {  	(v2sf) =	vpush v11, $0xF;
	_ =	sdelay $0x2  }
0x1f5: {  	v15 =	vld [tilespmem:$0x4080];
	_ =	sdelay $0x4  }
0x1f6: {  	v11 =	vperm.xlane v15, v3;
	_ =	sdelay $0x1  }
0x1f7: {  	(xrf0) =	vadd.scan.msk.s32 $0xffff, v11;
	_ =	sdelay $0x4  }
0x1f8: {  	s19 =	spop (v2sf)  }
0x1f9: {  	v11, _, _ =	vpop (xrf0);
	s16 =	sxor.u32 $0x80000000, s19  }
0x1fa: {  	v11 =	vadd.s32 s16, v11  }
0x1fb: {  	v16 =	vxor.u32 $0x80000000, v11  }
0x1fc: {  	(xrf0) =	vmax.scan.msk.u32 $0xffff, v16;
	_ =	sdelay $0x5  }
0x1fd: {  	v12, _, _ =	vpop (xrf0)  }
0x1fe: {  	(v2sf) =	vpush v12, $0xF;
	_ =	sdelay $0x2  }
0x1ff: {  	v17 =	vld [tilespmem:$0x4070];
	_ =	sdelay $0x4  }
0x200: {  	v12 =	vperm.xlane v17, v3;
	_ =	sdelay $0x1  }
0x201: {  	(xrf0) =	vadd.scan.msk.s32 $0xffff, v12;
	_ =	sdelay $0x4  }
0x202: {  	s20 =	spop (v2sf)  }
0x203: {  	v12, _, _ =	vpop (xrf0);
	s16 =	sxor.u32 $0x80000000, s20  }
0x204: {  	v12 =	vadd.s32 s16, v12  }
0x205: {  	v18 =	vxor.u32 $0x80000000, v12  }
0x206: {  	(xrf0) =	vmax.scan.msk.u32 $0xffff, v18;
	_ =	sdelay $0x5  }
0x207: {  	v13, _, _ =	vpop (xrf0)  }
0x208: {  	(v2sf) =	vpush v13, $0xF;
	_ =	sdelay $0x2  }
0x209: {  	v19 =	vld [tilespmem:$0x4060];
	_ =	sdelay $0x4  }
0x20a: {  	v13 =	vperm.xlane v19, v3;
	_ =	sdelay $0x1  }
0x20b: {  	(xrf0) =	vadd.scan.msk.s32 $0xffff, v13;
	_ =	sdelay $0x4  }
0x20c: {  	s21 =	spop (v2sf)  }
0x20d: {  	v13, _, _ =	vpop (xrf0);
	s16 =	sxor.u32 $0x80000000, s21  }
0x20e: {  	v13 =	vadd.s32 s16, v13  }
0x20f: {  	v20 =	vxor.u32 $0x80000000, v13  }
0x210: {  	(xrf0) =	vmax.scan.msk.u32 $0xffff, v20;
	_ =	sdelay $0x5  }
0x211: {  	v14, _, _ =	vpop (xrf0)  }
0x212: {  	(v2sf) =	vpush v14, $0xF;
	_ =	sdelay $0x2  }
0x213: {  	v21 =	vld [tilespmem:$0x4050];
	_ =	sdelay $0x4  }
0x214: {  	v14 =	vperm.xlane v21, v3;
	_ =	sdelay $0x1  }
0x215: {  	(xrf0) =	vadd.scan.msk.s32 $0xffff, v14;
	_ =	sdelay $0x4  }
0x216: {  	s22 =	spop (v2sf)  }
0x217: {  	v14, _, _ =	vpop (xrf0);
	s16 =	sxor.u32 $0x80000000, s22  }
0x218: {  	v14 =	vadd.s32 s16, v14  }
0x219: {  	v22 =	vxor.u32 $0x80000000, v14  }
0x21a: {  	(xrf0) =	vmax.scan.msk.u32 $0xffff, v22;
	_ =	sdelay $0x5  }
0x21b: {  	v15, _, _ =	vpop (xrf0)  }
0x21c: {  	(v2sf) =	vpush v15, $0xF;
	_ =	sdelay $0x2  }
0x21d: {  	v23 =	vld [tilespmem:$0x4040];
	_ =	sdelay $0x4  }
0x21e: {  	v15 =	vperm.xlane v23, v3;
	_ =	sdelay $0x1  }
0x21f: {  	(xrf0) =	vadd.scan.msk.s32 $0xffff, v15;
	_ =	sdelay $0x4  }
0x220: {  	s23 =	spop (v2sf)  }
0x221: {  	v15, _, _ =	vpop (xrf0);
	s16 =	sxor.u32 $0x80000000, s23  }
0x222: {  	v15 =	vadd.s32 s16, v15  }
0x223: {  	v24 =	vxor.u32 $0x80000000, v15  }
0x224: {  	(xrf0) =	vmax.scan.msk.u32 $0xffff, v24;
	_ =	sdelay $0x5  }
0x225: {  	v16, _, _ =	vpop (xrf0)  }
0x226: {  	(v2sf) =	vpush v16, $0xF;
	_ =	sdelay $0x2  }
0x227: {  	v25 =	vld [tilespmem:$0x4030];
	_ =	sdelay $0x4  }
0x228: {  	v16 =	vperm.xlane v25, v3;
	_ =	sdelay $0x1  }
0x229: {  	(xrf0) =	vadd.scan.msk.s32 $0xffff, v16;
	_ =	sdelay $0x4  }
0x22a: {  	s24 =	spop (v2sf)  }
0x22b: {  	v16, _, _ =	vpop (xrf0);
	s16 =	sxor.u32 $0x80000000, s24  }
0x22c: {  	v16 =	vadd.s32 s16, v16  }
0x22d: {  	v26 =	vxor.u32 $0x80000000, v16  }
0x22e: {  	(xrf0) =	vmax.scan.msk.u32 $0xffff, v26;
	_ =	sdelay $0x5  }
0x22f: {  	v17, _, _ =	vpop (xrf0)  }
0x230: {  	(v2sf) =	vpush v17, $0xF;
	_ =	sdelay $0x2  }
0x231: {  	v27 =	vld [tilespmem:$0x4020];
	_ =	sdelay $0x4  }
0x232: {  	v17 =	vperm.xlane v27, v3;
	_ =	sdelay $0x1  }
0x233: {  	(xrf0) =	vadd.scan.msk.s32 $0xffff, v17;
	_ =	sdelay $0x4  }
0x234: {  	s25 =	spop (v2sf)  }
0x235: {  	v17, _, _ =	vpop (xrf0);
	s16 =	sxor.u32 $0x80000000, s25  }
0x236: {  	v17 =	vadd.s32 s16, v17  }
0x237: {  	v28 =	vxor.u32 $0x80000000, v17  }
0x238: {  	(xrf0) =	vmax.scan.msk.u32 $0xffff, v28;
	_ =	sdelay $0x5  }
0x239: {  	v18, _, _ =	vpop (xrf0)  }
0x23a: {  	(v2sf) =	vpush v18, $0xF;
	_ =	sdelay $0x2  }
0x23b: {  	v29 =	vld [tilespmem:$0x4010];
	_ =	sdelay $0x4  }
0x23c: {  	v18 =	vperm.xlane v29, v3;
	_ =	sdelay $0x1  }
0x23d: {  	s14 =	sxor.u32 $0x80000000, s14;
	(xrf0) =	vadd.scan.msk.s32 $0xffff, v18  }
0x23e: {  	vm10 =	vgt.s32 v4, $0x0;
	s14 =	ssub.s32 $0x1000, s14  }
0x23f: {  	vm11 =	vge.s32 v4, s14;
	v4 =	vnsel vm10, $0x0, v4  }
0x240: {  	v4 =	vsel vm11, $0x0, v4  }
0x241: {  	vm12 =	vgt.s32 v4, v5  }
0x242: {  	vm13 =	vge.s32 v5, s14;
	v30 =	vsel vm12, v4, v5;
	s26 =	spop (v2sf)  }
0x243: {  	v5 =	vsel vm11, $0x1, v1;
	v31 =	vsel vm13, $0x1, v1;
	v4 =	vsel vm13, v4, v30;
	v32, _, _ =	vpop (xrf0);
	s16 =	sxor.u32 $0x80000000, s26  }
0x244: {  	v5 =	vadd.s32 v5, v31;
	vm0 =	vgt.s32 v4, v6;
	v18 =	vadd.s32 s16, v32  }
0x245: {  	v46 =	vld [tilespmem:$0x4000];
	vm14 =	vge.s32 v6, s14;
	v6 =	vsel vm0, v4, v6;
	v33 =	vxor.u32 $0x80000000, v18  }
0x246: {  	v34 =	vsel vm14, $0x1, v1;
	v4 =	vsel vm14, v4, v6;
	vm15 =	vge.s32 v7, s14;
	(xrf0) =	vmax.scan.msk.u32 $0xffff, v33  }
0x247: {  	v5 =	vadd.s32 v34, v5;
	vm1 =	vgt.s32 v4, v7;
	v35 =	vsel vm15, $0x1, v1  }
0x248: {  	v36 =	vsel vm1, v4, v7;
	v5 =	vadd.s32 v35, v5;
	vm4 =	vge.s32 v8, s14  }
0x249: {  	v4 =	vsel vm15, v4, v36;
	v37 =	vsel vm4, $0x1, v1;
	v38 =	vsel vm4, $0x0, v8  }
0x24a: {  	v8 =	vperm.xlane v46, v3;
	vm0 =	vgt.s32 v4, v38;
	vm5 =	vge.s32 v9, s14  }
0x24b: {  	v5 =	vadd.s32 v37, v5;
	v4 =	vsel vm0, v4, v38;
	v40 =	vsel vm5, $0x0, v9  }
0x24c: {  	v39 =	vsel vm5, $0x1, v1;
	vm0 =	vgt.s32 v4, v40;
	vm6 =	vge.s32 v10, s14;
	v41, _, _ =	vpop (xrf0)  }
0x24d: {  	v4 =	vsel vm0, v4, v40;
	v42 =	vsel vm6, $0x0, v10;
	(v2sf) =	vpush v41, $0xF  }
0x24e: {  	v5 =	vadd.s32 v39, v5;
	vm0 =	vgt.s32 v4, v42;
	vm7 =	vge.s32 v11, s14  }
0x24f: {  	v43 =	vsel vm6, $0x1, v1;
	v4 =	vsel vm0, v4, v42;
	v44 =	vsel vm7, $0x0, v11  }
0x250: {  	v5 =	vadd.s32 v43, v5;
	vm0 =	vgt.s32 v4, v44;
	vm8 =	vge.s32 v12, s14  }
0x251: {  	v45 =	vsel vm7, $0x1, v1;
	v4 =	vsel vm0, v4, v44;
	v47 =	vsel vm8, $0x0, v12  }
0x252: {  	v5 =	vadd.s32 v45, v5;
	vm0 =	vgt.s32 v4, v47;
	vm9 =	vge.s32 v13, s14  }
0x253: {  	v48 =	vsel vm8, $0x1, v1;
	v4 =	vsel vm0, v4, v47;
	v49 =	vsel vm9, $0x0, v13  }
0x254: {  	v5 =	vadd.s32 v48, v5;
	vm0 =	vgt.s32 v4, v49;
	vm10 =	vge.s32 v14, s14  }
0x255: {  	v50 =	vsel vm9, $0x1, v1;
	v4 =	vsel vm0, v4, v49;
	v51 =	vsel vm10, $0x0, v14  }
0x256: {  	v5 =	vadd.s32 v50, v5;
	vm0 =	vgt.s32 v4, v51;
	vm11 =	vge.s32 v15, s14  }
0x257: {  	v52 =	vsel vm10, $0x1, v1;
	v4 =	vsel vm0, v4, v51;
	v53 =	vsel vm11, $0x0, v15;
	(xrf0) =	vadd.scan.msk.s32 $0xffff, v8  }
0x258: {  	v5 =	vadd.s32 v52, v5;
	vm0 =	vgt.s32 v4, v53;
	vm12 =	vge.s32 v16, s14  }
0x259: {  	v54 =	vsel vm11, $0x1, v1;
	v4 =	vsel vm0, v4, v53;
	v55 =	vsel vm12, $0x0, v16  }
0x25a: {  	v5 =	vadd.s32 v54, v5;
	vm0 =	vgt.s32 v4, v55;
	vm13 =	vge.s32 v17, s14  }
0x25b: {  	v56 =	vsel vm12, $0x1, v1;
	v4 =	vsel vm0, v4, v55;
	v57 =	vsel vm13, $0x0, v17  }
0x25c: {  	v5 =	vadd.s32 v56, v5;
	v58 =	vsel vm13, $0x1, v1;
	vm0 =	vgt.s32 v4, v57;
	s28 =	spop (v2sf)  }
0x25d: {  	v5 =	vadd.s32 v58, v5;
	v4 =	vsel vm0, v4, v57;
	vm14 =	vge.s32 v18, s14;
	v60, _, _ =	vpop (xrf0);
	s16 =	sxor.u32 $0x80000000, s28  }
0x25e: {  	v59 =	vsel vm14, $0x0, v18;
	v61 =	vsel vm14, $0x1, v1;
	v8 =	vadd.s32 s16, v60  }
0x25f: {  	vm0 =	vgt.s32 v4, v59;
	v5 =	vadd.s32 v61, v5;
	vm15 =	vge.s32 v8, s14  }
0x260: {  	v4 =	vsel vm0, v4, v59;
	v62 =	vsel vm15, $0x1, v1;
	v63 =	vsel vm15, $0x0, v8  }
0x261: {  	v5 =	vadd.s32 v62, v5;
	vm0 =	vgt.s32 v4, v63  }
0x262: {  	v4 =	vsel vm0, v4, v63;
	(xrf0) =	vadd.scan.msk.s32 $0xffff, v5  }
0x263: {  	v4 =	vxor.u32 $0x80000000, v4  }
0x264: {  	(xrf0) =	vmax.scan.msk.u32 $0xffff, v4;
	_ =	sdelay $0x3  }
0x265: {  	v4, _, _ =	vpop (xrf0)  }
0x266: {  	(v2sf) =	vpush v4, $0xF  }
0x267: {  	v4, _, _ =	vpop (xrf0)  }
0x268: {  	[tilespmem:$0x4000] =	vst v1;
	(v2sf) =	vpush v4, $0xF  }
0x269: {  	[tilespmem:$0x4020] =	vst v1  }
0x26a: {  	[tilespmem:$0x4030] =	vst v1  }
0x26b: {  	[tilespmem:$0x4040] =	vst v1;
	s29 =	sadd.s32 $0x8000000F, s15  }
0x26c: {  	[tilespmem:$0x4050] =	vst v1;
	s17 =	sand.u32 $0xF, s29  }
0x26d: {  	[tilespmem:$0x4080] =	vst v1;
	p0 =	slt.s32 s29, $0x1;
	p1 =	sne.s32 s17, $0x0;
	s18 =	sshra.s32 s29, $0x1F  }
0x26e: {  	[tilespmem:$0x4090] =	vst v1;
	p0 =	por !p0, !p1;
	s30 =	sshrl.u32 s18, $0x1C  }
0x26f: {  	[tilespmem:$0x40A0] =	vst v1;
	s17 =	simm.s32 $0x1;
	p0 =	por !p0, !p0;
	s16 =	sadd.s32 s30, s29  }
0x270: {  	[tilespmem:$0x40B0] =	vst v1;
	s17 =	simm.s32 @!p0 $0x0;
	s16 =	sshra.s32 s16, $0x4  }
0x271: {  	[tilespmem:$0x40C0] =	vst v1;
	s17 =	ssub.s32 s16, s17  }
0x272: {  	[tilespmem:$0x40D0] =	vst v1;
	p0 =	slt.s32 s17, $0x1  }
.Ltmp4:
0x273: {  	[tilespmem:$0x40F0] =	vst v1;
	(pc) =	sbr.rel @p0 .LBB2_6-.Ltmp4, $4  }
0x274: {  	[tilespmem:$0x4070] =	vst v1  }
0x275: {  	[tilespmem:$0x4060] =	vst v1;
	s31 =	spop (v2sf)  }
0x276: {  	s13 =	sshll.u32 s13, $0x8;
	[tilespmem:$0x4010] =	vst v1;
	s18 =	sadd.s32 $0xFFFFFFFF, s31  }
0x277: {  	[tilespmem:$0x40E0] =	vst v1;
	s16 =	spop (v2sf);
	s13 =	sor.u32 s13, s18  }
0x278: {  	p1 =	sne.s32 s17, $0x1  }
.Ltmp5:
0x279: {  	_ = 	snop;
	(pc) =	sbr.rel @!p1 .LBB2_8-.Ltmp5, $3  }
0x27a: {  	_ =	sdelay $0x1  }
0x27b: {  	s15 =	sxor.u32 $0x80000000, s15;
	s18 =	simm.s32 $0x4100  }
0x27c: {  	v6 =	vmov s13;
	v9 =	vimm.s32 $0x0;
	s17 =	sadd.s32 $0xFFFFFFFF, s17;
	p0 =	por $0x0, $0x0;
	v5 =	vmov s15;
	s15 =	simm.s32 $0x0;
	v4 =	vld [tilespmem:s18+$0x0]  }
0x27d: {  	_ =	sdelay $0x3  }
0x27e: {  	v7 =	vor.u32 s15, v0;
	v8 =	vshrl.u32 v4, $0x10  }
0x27f: {  	vm0 =	vlt.s32 v7, v5;
	vm1 =	veq.s32 v8, v6  }
0x280: {  	vm0 =	vmand vm0, vm1  }
0x281: {  	v7 =	vsel vm0, $0x1, v1  }
0x282: {  	(xrf0) =	vadd.scan.msk.s32 $0xffff, v7;
	_ =	sdelay $0x5  }
0x283: {  	v7 =	vshrl.u32 v4, $0x8;
	v8, _, _ =	vpop (xrf0)  }
0x284: {  	v7 =	vand.u32 $0xFF, v7;
	v8 =	vadd.s32 v8, v9  }
0x285: {  	v10 =	vadd.s32 $0xFFFFFFFF, v8  }
0x286: {  	p1 =	sne.s32 s17, $0x1  }
.Ltmp6:
0x287: {  	_ = 	snop;
	(pc) =	sbr.rel @!p1 .LBB2_10-.Ltmp6, $4  }
0x288: {  	v8 =	vmpcnt.ones.xlane vm0  }
0x289: {  	[tilespmem:v7+s9+$0x0] =	vst.idx.add.s32.msk vm0, v2  }
0x28a: {  	s18 =	simm.s32 $0x4110;
	v8 =	vadd.s32 v9, v8;
	[tilespmem:v10+s11+$0x0] =	vst.idx.msk vm0, v4  }
0x28b: {  	s19 =	sadd.s32 $0xFFFFFFFF, s17;
	p0 =	por $0x1, $0x1;
	s17 =	simm.s32 $0x0;
	v7 =	vmov v8;
	v4 =	vld [tilespmem:s18+$0x0]  }
.LBB2_11:
0x28c: {  	p1 =	sne.s32 s19, $0x1;
	_ =	sdelay $0x2  }
0x28d: {  	s17 =	sadd.s32 $0x10, s17  }
0x28e: {  	v9 =	vor.u32 s17, v0;
	v10 =	vshrl.u32 v4, $0x10;
	v11 =	vshrl.u32 v4, $0x8  }
0x28f: {  	vm0 =	vlt.s32 v9, v5;
	vm1 =	veq.s32 v10, v6  }
0x290: {  	vm0 =	vmand vm0, vm1  }
0x291: {  	v9 =	vand.u32 $0xFF, v11;
	v10 =	vsel vm0, $0x1, v1;
	v11 =	vmpcnt.ones.xlane vm0  }
0x292: {  	(xrf0) =	vadd.scan.msk.s32 $0xffff, v10  }
0x293: {  	v8 =	vadd.s32 v8, v11;
	_ =	sdelay $0x2  }
0x294: {  	[tilespmem:v9+s9+$0x0] =	vst.idx.add.s32.msk vm0, v2;
	_ =	sdelay $0x1  }
0x295: {  	v9, _, _ =	vpop (xrf0)  }
0x296: {  	v9 =	vadd.s32 v9, v7;
	v7 =	vmov v8  }
0x297: {  	v9 =	vadd.s32 $0xFFFFFFFF, v9;
	_ =	sdelay $0x1  }
.Ltmp7:
0x298: {  	(pc) =	sbr.rel @p1 .LBB2_11-.Ltmp7, $3  }
0x299: {  	_ =	sdelay $0x1  }
0x29a: {  	s18 =	sadd.s32 $0x10, s18;
	[tilespmem:v9+s11+$0x0] =	vst.idx.msk vm0, v4  }
0x29b: {  	s19 =	sadd.s32 $0xFFFFFFFF, s19;
	v4 =	vld [tilespmem:s18+$0x0]  }
0x29c: {  	v9 =	vmov v8  }
.LBB2_13:
0x29d: {  	_ = 	snop  }
0x29e: {  	s17 =	sadd.s32 @p0 $0x10, s17  }
0x29f: {  	s15 =	smov.u32 @p0 s17  }
0x2a0: {  	v8 =	vor.u32 s15, v0;
	v10 =	vshrl.u32 v4, $0x10  }
0x2a1: {  	vm0 =	vlt.s32 v8, v5;
	vm1 =	veq.s32 v10, v6  }
0x2a2: {  	vm0 =	vmand vm0, vm1  }
0x2a3: {  	v5 =	vsel vm0, $0x1, v1  }
0x2a4: {  	(xrf0) =	vadd.scan.msk.s32 $0xffff, v5;
	_ =	sdelay $0x5  }
0x2a5: {  	v5 =	vshrl.u32 v4, $0x8;
	v6, _, _ =	vpop (xrf0)  }
0x2a6: {  	v5 =	vand.u32 $0xFF, v5;
	v6 =	vadd.s32 v6, v7  }
0x2a7: {  	v6 =	vadd.s32 $0xFFFFFFFF, v6  }
.Ltmp8:
0x2a8: {  	_ = 	snop;
	(pc) =	sbr.rel .LBB2_14-.Ltmp8, $3  }
0x2a9: {  	v7 =	vmpcnt.ones.xlane vm0;
	_ =	sdelay $0x1  }
0x2aa: {  	[tilespmem:v5+s9+$0x0] =	vst.idx.add.s32.msk vm0, v2;
	v7 =	vadd.s32 v9, v7  }
0x2ab: {  	[tilespmem:v6+s11+$0x0] =	vst.idx.msk vm0, v4;
	v4 =	vxor.u32 $0x80000000, v7  }
.LBB2_6:
0x2ac: {  	v4 =	vimm.s32 $0x80000000  }
.LBB2_14:
0x2ad: {  	v5 =	vld [tilespmem:$0x40F0];
	_ =	sdelay $0x4  }
0x2ae: {  	v5 =	vperm.xlane v5, v3  }
0x2af: {  	(xrf0) =	vmax.scan.msk.u32 $0xffff, v4  }
0x2b0: {  	(xrf0) =	vadd.scan.msk.s32 $0xffff, v5;
	_ =	sdelay $0x4  }
0x2b1: {  	v5, _, _ =	vpop (xrf0)  }
0x2b2: {  	v4, _, _ =	vpop (xrf0)  }
0x2b3: {  	v6 =	vxor.u32 $0x80000000, v4  }
0x2b4: {  	(xrf0) =	vmax.scan.msk.u32 $0xffff, v6;
	_ =	sdelay $0x5  }
0x2b5: {  	(v2sf) =	vpush v5, $0xF;
	v5, _, _ =	vpop (xrf0)  }
0x2b6: {  	(v2sf) =	vpush v5, $0xF;
	_ =	sdelay $0x2  }
0x2b7: {  	v5 =	vld [tilespmem:$0x40E0];
	_ =	sdelay $0x4  }
0x2b8: {  	v5 =	vperm.xlane v5, v3;
	_ =	sdelay $0x1  }
0x2b9: {  	(xrf0) =	vadd.scan.msk.s32 $0xffff, v5;
	_ =	sdelay $0x3  }
0x2ba: {  	s15 =	spop (v2sf)  }
0x2bb: {  	s17 =	spop (v2sf)  }
0x2bc: {  	v5, _, _ =	vpop (xrf0);
	s17 =	sxor.u32 $0x80000000, s17  }
0x2bd: {  	v5 =	vadd.s32 s17, v5  }
0x2be: {  	v24 =	vxor.u32 $0x80000000, v5  }
0x2bf: {  	(xrf0) =	vmax.scan.msk.u32 $0xffff, v24;
	_ =	sdelay $0x5  }
0x2c0: {  	v6, _, _ =	vpop (xrf0)  }
0x2c1: {  	(v2sf) =	vpush v6, $0xF;
	_ =	sdelay $0x2  }
0x2c2: {  	v25 =	vld [tilespmem:$0x40D0];
	_ =	sdelay $0x4  }
0x2c3: {  	v6 =	vperm.xlane v25, v3;
	_ =	sdelay $0x1  }
0x2c4: {  	(xrf0) =	vadd.scan.msk.s32 $0xffff, v6;
	_ =	sdelay $0x4  }
0x2c5: {  	s26 =	spop (v2sf)  }
0x2c6: {  	v6, _, _ =	vpop (xrf0);
	s17 =	sxor.u32 $0x80000000, s26  }
0x2c7: {  	v6 =	vadd.s32 s17, v6  }
0x2c8: {  	v7 =	vxor.u32 $0x80000000, v6  }
0x2c9: {  	(xrf0) =	vmax.scan.msk.u32 $0xffff, v7;
	_ =	sdelay $0x5  }
0x2ca: {  	v7, _, _ =	vpop (xrf0)  }
0x2cb: {  	(v2sf) =	vpush v7, $0xF;
	_ =	sdelay $0x2  }
0x2cc: {  	v26 =	vld [tilespmem:$0x40C0];
	_ =	sdelay $0x4  }
0x2cd: {  	v7 =	vperm.xlane v26, v3;
	_ =	sdelay $0x1  }
0x2ce: {  	(xrf0) =	vadd.scan.msk.s32 $0xffff, v7;
	_ =	sdelay $0x4  }
0x2cf: {  	s28 =	spop (v2sf)  }
0x2d0: {  	v7, _, _ =	vpop (xrf0);
	s17 =	sxor.u32 $0x80000000, s28  }
0x2d1: {  	v7 =	vadd.s32 s17, v7  }
0x2d2: {  	v8 =	vxor.u32 $0x80000000, v7  }
0x2d3: {  	(xrf0) =	vmax.scan.msk.u32 $0xffff, v8;
	_ =	sdelay $0x5  }
0x2d4: {  	v8, _, _ =	vpop (xrf0)  }
0x2d5: {  	(v2sf) =	vpush v8, $0xF;
	_ =	sdelay $0x2  }
0x2d6: {  	v27 =	vld [tilespmem:$0x40B0];
	_ =	sdelay $0x4  }
0x2d7: {  	v8 =	vperm.xlane v27, v3;
	_ =	sdelay $0x1  }
0x2d8: {  	(xrf0) =	vadd.scan.msk.s32 $0xffff, v8;
	_ =	sdelay $0x4  }
0x2d9: {  	s29 =	spop (v2sf)  }
0x2da: {  	v8, _, _ =	vpop (xrf0);
	s17 =	sxor.u32 $0x80000000, s29  }
0x2db: {  	v8 =	vadd.s32 s17, v8  }
0x2dc: {  	v9 =	vxor.u32 $0x80000000, v8  }
0x2dd: {  	(xrf0) =	vmax.scan.msk.u32 $0xffff, v9;
	_ =	sdelay $0x5  }
0x2de: {  	v9, _, _ =	vpop (xrf0)  }
0x2df: {  	(v2sf) =	vpush v9, $0xF;
	_ =	sdelay $0x2  }
0x2e0: {  	v28 =	vld [tilespmem:$0x40A0];
	_ =	sdelay $0x4  }
0x2e1: {  	v9 =	vperm.xlane v28, v3;
	_ =	sdelay $0x1  }
0x2e2: {  	(xrf0) =	vadd.scan.msk.s32 $0xffff, v9;
	_ =	sdelay $0x4  }
0x2e3: {  	s30 =	spop (v2sf)  }
0x2e4: {  	v9, _, _ =	vpop (xrf0);
	s17 =	sxor.u32 $0x80000000, s30  }
0x2e5: {  	v9 =	vadd.s32 s17, v9  }
0x2e6: {  	v10 =	vxor.u32 $0x80000000, v9  }
0x2e7: {  	(xrf0) =	vmax.scan.msk.u32 $0xffff, v10;
	_ =	sdelay $0x5  }
0x2e8: {  	v10, _, _ =	vpop (xrf0)  }
0x2e9: {  	(v2sf) =	vpush v10, $0xF;
	_ =	sdelay $0x2  }
0x2ea: {  	v29 =	vld [tilespmem:$0x4090];
	_ =	sdelay $0x4  }
0x2eb: {  	v10 =	vperm.xlane v29, v3;
	_ =	sdelay $0x1  }
0x2ec: {  	(xrf0) =	vadd.scan.msk.s32 $0xffff, v10;
	_ =	sdelay $0x4  }
0x2ed: {  	s31 =	spop (v2sf)  }
0x2ee: {  	v10, _, _ =	vpop (xrf0);
	s17 =	sxor.u32 $0x80000000, s31  }
0x2ef: {  	v10 =	vadd.s32 s17, v10  }
0x2f0: {  	v11 =	vxor.u32 $0x80000000, v10  }
0x2f1: {  	(xrf0) =	vmax.scan.msk.u32 $0xffff, v11;
	_ =	sdelay $0x5  }
0x2f2: {  	v11, _, _ =	vpop (xrf0)  }
0x2f3: {  	(v2sf) =	vpush v11, $0xF;
	_ =	sdelay $0x2  }
0x2f4: {  	v30 =	vld [tilespmem:$0x4080];
	_ =	sdelay $0x4  }
0x2f5: {  	v11 =	vperm.xlane v30, v3;
	_ =	sdelay $0x1  }
0x2f6: {  	(xrf0) =	vadd.scan.msk.s32 $0xffff, v11;
	_ =	sdelay $0x4  }
0x2f7: {  	s18 =	spop (v2sf)  }
0x2f8: {  	v11, _, _ =	vpop (xrf0);
	s17 =	sxor.u32 $0x80000000, s18  }
0x2f9: {  	v11 =	vadd.s32 s17, v11  }
0x2fa: {  	v12 =	vxor.u32 $0x80000000, v11  }
0x2fb: {  	(xrf0) =	vmax.scan.msk.u32 $0xffff, v12;
	_ =	sdelay $0x5  }
0x2fc: {  	v12, _, _ =	vpop (xrf0)  }
0x2fd: {  	(v2sf) =	vpush v12, $0xF;
	_ =	sdelay $0x2  }
0x2fe: {  	v31 =	vld [tilespmem:$0x4070];
	_ =	sdelay $0x4  }
0x2ff: {  	v12 =	vperm.xlane v31, v3;
	_ =	sdelay $0x1  }
0x300: {  	(xrf0) =	vadd.scan.msk.s32 $0xffff, v12;
	_ =	sdelay $0x4  }
0x301: {  	s19 =	spop (v2sf)  }
0x302: {  	v12, _, _ =	vpop (xrf0);
	s17 =	sxor.u32 $0x80000000, s19  }
0x303: {  	v12 =	vadd.s32 s17, v12  }
0x304: {  	v13 =	vxor.u32 $0x80000000, v12  }
0x305: {  	(xrf0) =	vmax.scan.msk.u32 $0xffff, v13;
	_ =	sdelay $0x5  }
0x306: {  	v13, _, _ =	vpop (xrf0)  }
0x307: {  	(v2sf) =	vpush v13, $0xF;
	_ =	sdelay $0x2  }
0x308: {  	v32 =	vld [tilespmem:$0x4060];
	_ =	sdelay $0x4  }
0x309: {  	v13 =	vperm.xlane v32, v3;
	_ =	sdelay $0x1  }
0x30a: {  	(xrf0) =	vadd.scan.msk.s32 $0xffff, v13;
	_ =	sdelay $0x4  }
0x30b: {  	s20 =	spop (v2sf)  }
0x30c: {  	v13, _, _ =	vpop (xrf0);
	s17 =	sxor.u32 $0x80000000, s20  }
0x30d: {  	v13 =	vadd.s32 s17, v13  }
0x30e: {  	v14 =	vxor.u32 $0x80000000, v13  }
0x30f: {  	(xrf0) =	vmax.scan.msk.u32 $0xffff, v14;
	_ =	sdelay $0x5  }
0x310: {  	v14, _, _ =	vpop (xrf0)  }
0x311: {  	(v2sf) =	vpush v14, $0xF;
	_ =	sdelay $0x2  }
0x312: {  	v33 =	vld [tilespmem:$0x4050];
	_ =	sdelay $0x4  }
0x313: {  	v14 =	vperm.xlane v33, v3;
	_ =	sdelay $0x1  }
0x314: {  	(xrf0) =	vadd.scan.msk.s32 $0xffff, v14;
	_ =	sdelay $0x4  }
0x315: {  	s21 =	spop (v2sf)  }
0x316: {  	v14, _, _ =	vpop (xrf0);
	s17 =	sxor.u32 $0x80000000, s21  }
0x317: {  	v14 =	vadd.s32 s17, v14  }
0x318: {  	v15 =	vxor.u32 $0x80000000, v14  }
0x319: {  	(xrf0) =	vmax.scan.msk.u32 $0xffff, v15;
	_ =	sdelay $0x5  }
0x31a: {  	v15, _, _ =	vpop (xrf0)  }
0x31b: {  	(v2sf) =	vpush v15, $0xF;
	_ =	sdelay $0x2  }
0x31c: {  	v34 =	vld [tilespmem:$0x4040];
	_ =	sdelay $0x4  }
0x31d: {  	v15 =	vperm.xlane v34, v3;
	_ =	sdelay $0x1  }
0x31e: {  	(xrf0) =	vadd.scan.msk.s32 $0xffff, v15;
	_ =	sdelay $0x4  }
0x31f: {  	s22 =	spop (v2sf)  }
0x320: {  	v15, _, _ =	vpop (xrf0);
	s17 =	sxor.u32 $0x80000000, s22  }
0x321: {  	v15 =	vadd.s32 s17, v15  }
0x322: {  	v16 =	vxor.u32 $0x80000000, v15  }
0x323: {  	(xrf0) =	vmax.scan.msk.u32 $0xffff, v16;
	_ =	sdelay $0x5  }
0x324: {  	v16, _, _ =	vpop (xrf0)  }
0x325: {  	(v2sf) =	vpush v16, $0xF;
	_ =	sdelay $0x2  }
0x326: {  	v35 =	vld [tilespmem:$0x4030];
	_ =	sdelay $0x4  }
0x327: {  	v16 =	vperm.xlane v35, v3;
	_ =	sdelay $0x1  }
0x328: {  	(xrf0) =	vadd.scan.msk.s32 $0xffff, v16;
	_ =	sdelay $0x4  }
0x329: {  	s23 =	spop (v2sf)  }
0x32a: {  	v16, _, _ =	vpop (xrf0);
	s17 =	sxor.u32 $0x80000000, s23  }
0x32b: {  	v16 =	vadd.s32 s17, v16  }
0x32c: {  	v17 =	vxor.u32 $0x80000000, v16  }
0x32d: {  	(xrf0) =	vmax.scan.msk.u32 $0xffff, v17;
	_ =	sdelay $0x5  }
0x32e: {  	v17, _, _ =	vpop (xrf0)  }
0x32f: {  	(v2sf) =	vpush v17, $0xF;
	_ =	sdelay $0x2  }
0x330: {  	v36 =	vld [tilespmem:$0x4020];
	_ =	sdelay $0x4  }
0x331: {  	v17 =	vperm.xlane v36, v3;
	_ =	sdelay $0x1  }
0x332: {  	(xrf0) =	vadd.scan.msk.s32 $0xffff, v17;
	_ =	sdelay $0x4  }
0x333: {  	s24 =	spop (v2sf)  }
0x334: {  	v17, _, _ =	vpop (xrf0);
	s17 =	sxor.u32 $0x80000000, s24  }
0x335: {  	v17 =	vadd.s32 s17, v17  }
0x336: {  	v18 =	vxor.u32 $0x80000000, v17  }
0x337: {  	(xrf0) =	vmax.scan.msk.u32 $0xffff, v18;
	_ =	sdelay $0x5  }
0x338: {  	v18, _, _ =	vpop (xrf0)  }
0x339: {  	(v2sf) =	vpush v18, $0xF;
	_ =	sdelay $0x2  }
0x33a: {  	v37 =	vld [tilespmem:$0x4010]  }
0x33b: {  	s16 =	sxor.u32 $0x80000000, s16  }
0x33c: {  	s14 =	ssub.s32 s14, s16;
	vm0 =	vgt.s32 v4, $0x0  }
0x33d: {  	vm1 =	vge.s32 v4, s14;
	v4 =	vnsel vm0, $0x0, v4  }
0x33e: {  	v4 =	vsel vm1, $0x0, v4  }
0x33f: {  	vm14 =	vgt.s32 v4, v5;
	v18 =	vperm.xlane v37, v3  }
0x340: {  	vm5 =	vge.s32 v5, s14;
	v5 =	vsel vm14, v4, v5  }
0x341: {  	v4 =	vsel vm5, v4, v5;
	(xrf0) =	vadd.scan.msk.s32 $0xffff, v18  }
0x342: {  	vm15 =	vgt.s32 v4, v6  }
0x343: {  	vm6 =	vge.s32 v6, s14;
	v5 =	vsel vm15, v4, v6  }
0x344: {  	v4 =	vsel vm6, v4, v5  }
0x345: {  	vm9 =	vgt.s32 v4, v7  }
0x346: {  	vm7 =	vge.s32 v7, s14;
	v5 =	vsel vm9, v4, v7;
	vm3 =	vge.s32 v8, s14;
	s25 =	spop (v2sf)  }
0x347: {  	v4 =	vsel vm7, v4, v5;
	v5 =	vsel vm3, $0x0, v8;
	v38, _, _ =	vpop (xrf0);
	s16 =	sxor.u32 $0x80000000, s25  }
0x348: {  	vm10 =	vgt.s32 v4, v5;
	vm4 =	vge.s32 v9, s14;
	v6 =	vadd.s32 s16, v38  }
0x349: {  	v4 =	vsel vm10, v4, v5;
	v5 =	vsel vm4, $0x0, v9;
	v39 =	vxor.u32 $0x80000000, v6  }
0x34a: {  	v46 =	vld [tilespmem:$0x4000];
	vm0 =	vgt.s32 v4, v5;
	vm2 =	vge.s32 v10, s14;
	(xrf0) =	vmax.scan.msk.u32 $0xffff, v39  }
0x34b: {  	v4 =	vsel vm0, v4, v5;
	v5 =	vsel vm2, $0x0, v10  }
0x34c: {  	vm8 =	vgt.s32 v4, v5;
	vm0 =	vge.s32 v11, s14  }
0x34d: {  	v4 =	vsel vm8, v4, v5;
	v5 =	vsel vm0, $0x0, v11;
	_ =	sdelay $0x1  }
0x34e: {  	v51 =	vperm.xlane v46, v3;
	vm11 =	vgt.s32 v4, v5  }
0x34f: {  	v40 =	vsel vm1, $0x1, v1;
	v41 =	vsel vm5, $0x1, v1;
	v4 =	vsel vm11, v4, v5;
	v5, _, _ =	vpop (xrf0)  }
0x350: {  	v42 =	vsel vm6, $0x1, v1;
	v7 =	vadd.s32 v40, v41;
	(v2sf) =	vpush v5, $0xF  }
0x351: {  	v7 =	vadd.s32 v42, v7;
	v45 =	vsel vm3, $0x1, v1;
	vm12 =	vge.s32 v12, s14  }
0x352: {  	v48 =	vsel vm4, $0x1, v1;
	v50 =	vsel vm2, $0x1, v1;
	v43 =	vsel vm12, $0x0, v12  }
0x353: {  	v52 =	vsel vm0, $0x1, v1;
	vm13 =	vgt.s32 v4, v43;
	vm14 =	vge.s32 v13, s14  }
0x354: {  	v53 =	vsel vm12, $0x1, v1;
	v4 =	vsel vm13, v4, v43;
	v44 =	vsel vm14, $0x0, v13  }
0x355: {  	v55 =	vsel vm14, $0x1, v1;
	vm15 =	vgt.s32 v4, v44;
	vm8 =	vge.s32 v14, s14  }
0x356: {  	v4 =	vsel vm15, v4, v44;
	v47 =	vsel vm8, $0x0, v14;
	v57 =	vsel vm8, $0x1, v1  }
0x357: {  	vm3 =	vgt.s32 v4, v47;
	vm9 =	vge.s32 v15, s14;
	v5 =	vsel vm7, $0x1, v1  }
0x358: {  	v4 =	vsel vm3, v4, v47;
	v49 =	vsel vm9, $0x0, v15;
	v5 =	vadd.s32 v5, v7  }
0x359: {  	v58 =	vsel vm9, $0x1, v1;
	vm10 =	vgt.s32 v4, v49;
	v5 =	vadd.s32 v45, v5  }
0x35a: {  	v4 =	vsel vm10, v4, v49;
	vm11 =	vge.s32 v16, s14;
	(xrf0) =	vadd.scan.msk.s32 $0xffff, v51;
	v5 =	vadd.s32 v48, v5  }
0x35b: {  	v54 =	vsel vm11, $0x0, v16;
	v59 =	vsel vm11, $0x1, v1;
	v5 =	vadd.s32 v50, v5  }
0x35c: {  	vm12 =	vgt.s32 v4, v54;
	vm13 =	vge.s32 v17, s14;
	v5 =	vadd.s32 v52, v5  }
0x35d: {  	v4 =	vsel vm12, v4, v54;
	v56 =	vsel vm13, $0x0, v17;
	v5 =	vadd.s32 v53, v5  }
0x35e: {  	vm1 =	vgt.s32 v4, v56;
	vm14 =	vge.s32 v6, s14;
	v5 =	vadd.s32 v55, v5  }
0x35f: {  	v4 =	vsel vm1, v4, v56;
	v6 =	vsel vm14, $0x0, v6;
	v5 =	vadd.s32 v57, v5;
	s26 =	spop (v2sf)  }
0x360: {  	v61 =	vsel vm13, $0x1, v1;
	vm1 =	vgt.s32 v4, v6;
	v60, _, _ =	vpop (xrf0);
	v5 =	vadd.s32 v58, v5;
	s16 =	sxor.u32 $0x80000000, s26  }
0x361: {  	v4 =	vsel vm1, v4, v6;
	v5 =	vadd.s32 v59, v5;
	v6 =	vadd.s32 s16, v60  }
0x362: {  	v62 =	vsel vm14, $0x1, v1;
	v5 =	vadd.s32 v61, v5;
	vm15 =	vge.s32 v6, s14  }
0x363: {  	v5 =	vadd.s32 v62, v5;
	v63 =	vsel vm15, $0x1, v1;
	v6 =	vsel vm15, $0x0, v6  }
0x364: {  	v5 =	vadd.s32 v63, v5;
	vm0 =	vgt.s32 v4, v6  }
0x365: {  	v4 =	vsel vm0, v4, v6;
	(xrf0) =	vadd.scan.msk.s32 $0xffff, v5  }
0x366: {  	v4 =	vxor.u32 $0x80000000, v4  }
0x367: {  	(xrf0) =	vmax.scan.msk.u32 $0xffff, v4;
	_ =	sdelay $0x3  }
0x368: {  	v4, _, _ =	vpop (xrf0)  }
0x369: {  	(v2sf) =	vpush v4, $0xF  }
0x36a: {  	v4, _, _ =	vpop (xrf0)  }
0x36b: {  	[tilespmem:$0x4000] =	vst v1;
	(v2sf) =	vpush v4, $0xF  }
0x36c: {  	[tilespmem:$0x4010] =	vst v1  }
0x36d: {  	[tilespmem:$0x4020] =	vst v1  }
0x36e: {  	[tilespmem:$0x4030] =	vst v1;
	s28 =	sadd.s32 $0x8000000F, s15  }
0x36f: {  	[tilespmem:$0x4040] =	vst v1;
	s29 =	sand.u32 $0xF, s28  }
0x370: {  	[tilespmem:$0x4050] =	vst v1;
	p0 =	slt.s32 s28, $0x1;
	p1 =	sne.s32 s29, $0x0;
	s18 =	sshra.s32 s28, $0x1F  }
0x371: {  	[tilespmem:$0x4060] =	vst v1;
	p0 =	por !p0, !p1;
	s30 =	sshrl.u32 s18, $0x1C  }
0x372: {  	[tilespmem:$0x4070] =	vst v1;
	p0 =	por !p0, !p0;
	s17 =	simm.s32 $0x1;
	s16 =	sadd.s32 s30, s28  }
0x373: {  	[tilespmem:$0x4080] =	vst v1;
	s17 =	simm.s32 @!p0 $0x0;
	s16 =	sshra.s32 s16, $0x4  }
0x374: {  	[tilespmem:$0x4090] =	vst v1;
	s17 =	ssub.s32 s16, s17  }
0x375: {  	[tilespmem:$0x40A0] =	vst v1;
	p0 =	slt.s32 s17, $0x1  }
.Ltmp9:
0x376: {  	[tilespmem:$0x40B0] =	vst v1;
	(pc) =	sbr.rel @p0 .LBB2_21-.Ltmp9, $4  }
0x377: {  	[tilespmem:$0x40C0] =	vst v1  }
0x378: {  	[tilespmem:$0x40D0] =	vst v1;
	s31 =	spop (v2sf)  }
0x379: {  	s13 =	sshll.u32 s13, $0x8;
	[tilespmem:$0x40F0] =	vst v1;
	s18 =	sadd.s32 $0xFFFFFFFF, s31  }
0x37a: {  	[tilespmem:$0x40E0] =	vst v1;
	s16 =	spop (v2sf);
	s13 =	sor.u32 s13, s18  }
0x37b: {  	p1 =	sne.s32 s17, $0x1  }
.Ltmp10:
0x37c: {  	_ = 	snop;
	(pc) =	sbr.rel @!p1 .LBB2_16-.Ltmp10, $3  }
0x37d: {  	_ =	sdelay $0x1  }
0x37e: {  	s15 =	sxor.u32 $0x80000000, s15;
	s18 =	simm.s32 $0x6100  }
0x37f: {  	v5 =	vmov s13;
	s17 =	sadd.s32 $0xFFFFFFFF, s17;
	p0 =	por $0x0, $0x0;
	v4 =	vmov s15;
	s15 =	simm.s32 $0x0;
	v6 =	vld [tilespmem:s18+$0x0]  }
0x380: {  	_ =	sdelay $0x3  }
0x381: {  	v7 =	vor.u32 s15, v0;
	v8 =	vshrl.u32 v6, $0x8  }
0x382: {  	vm0 =	vlt.s32 v7, v4;
	vm1 =	veq.s32 v8, v5  }
0x383: {  	vm0 =	vmand vm0, vm1  }
0x384: {  	v6 =	vand.u32 $0xFF, v6  }
0x385: {  	p1 =	sne.s32 s17, $0x1  }
.Ltmp11:
0x386: {  	_ = 	snop;
	(pc) =	sbr.rel @!p1 .LBB2_18-.Ltmp11, $3  }
0x387: {  	_ =	sdelay $0x1  }
0x388: {  	s18 =	simm.s32 $0x6110;
	[tilespmem:v6+s9+$0x0] =	vst.idx.add.s32.msk vm0, v2  }
0x389: {  	s19 =	sadd.s32 $0xFFFFFFFF, s17;
	p0 =	por $0x1, $0x1;
	s17 =	simm.s32 $0x0;
	v6 =	vld [tilespmem:s18+$0x0]  }
.LBB2_19:
0x38a: {  	p1 =	sne.s32 s19, $0x1;
	_ =	sdelay $0x2  }
0x38b: {  	s17 =	sadd.s32 $0x10, s17  }
0x38c: {  	v7 =	vor.u32 s17, v0;
	v8 =	vshrl.u32 v6, $0x8  }
0x38d: {  	vm0 =	vlt.s32 v7, v4;
	vm1 =	veq.s32 v8, v5  }
0x38e: {  	vm0 =	vmand vm0, vm1  }
0x38f: {  	v6 =	vand.u32 $0xFF, v6;
	_ =	sdelay $0x1  }
.Ltmp12:
0x390: {  	(pc) =	sbr.rel @p1 .LBB2_19-.Ltmp12, $3  }
0x391: {  	_ =	sdelay $0x1  }
0x392: {  	s18 =	sadd.s32 $0x10, s18;
	[tilespmem:v6+s9+$0x0] =	vst.idx.add.s32.msk vm0, v2  }
0x393: {  	s19 =	sadd.s32 $0xFFFFFFFF, s19;
	v6 =	vld [tilespmem:s18+$0x0]  }
.LBB2_20:
0x394: {  	_ =	sdelay $0x1  }
0x395: {  	s17 =	sadd.s32 @p0 $0x10, s17  }
0x396: {  	s15 =	smov.u32 @p0 s17  }
0x397: {  	v7 =	vor.u32 s15, v0;
	v8 =	vshrl.u32 v6, $0x8  }
0x398: {  	vm0 =	vlt.s32 v7, v4;
	vm1 =	veq.s32 v8, v5  }
0x399: {  	vm0 =	vmand vm0, vm1  }
0x39a: {  	v4 =	vand.u32 $0xFF, v6;
	_ =	sdelay $0x4  }
0x39b: {  	[tilespmem:v4+s9+$0x0] =	vst.idx.add.s32.msk vm0, v2  }
.LBB2_21:
0x39c: {  	v4 =	vld [tilespmem:$0x40F0];
	_ =	sdelay $0x4  }
0x39d: {  	v4 =	vperm.xlane v4, v3;
	_ =	sdelay $0x1  }
0x39e: {  	(xrf0) =	vadd.scan.msk.s32 $0xffff, v4;
	_ =	sdelay $0x5  }
0x39f: {  	v4, _, _ =	vpop (xrf0)  }
0x3a0: {  	v5 =	vxor.u32 $0x80000000, v4  }
0x3a1: {  	(xrf0) =	vmax.scan.msk.u32 $0xffff, v5;
	_ =	sdelay $0x5  }
0x3a2: {  	v5, _, _ =	vpop (xrf0)  }
0x3a3: {  	(v2sf) =	vpush v5, $0xF;
	_ =	sdelay $0x2  }
0x3a4: {  	v5 =	vld [tilespmem:$0x40E0];
	_ =	sdelay $0x4  }
0x3a5: {  	v5 =	vperm.xlane v5, v3;
	_ =	sdelay $0x1  }
0x3a6: {  	(xrf0) =	vadd.scan.msk.s32 $0xffff, v5;
	_ =	sdelay $0x4  }
0x3a7: {  	s15 =	spop (v2sf)  }
0x3a8: {  	v5, _, _ =	vpop (xrf0);
	s15 =	sxor.u32 $0x80000000, s15  }
0x3a9: {  	v5 =	vadd.s32 s15, v5  }
0x3aa: {  	v6 =	vxor.u32 $0x80000000, v5  }
0x3ab: {  	(xrf0) =	vmax.scan.msk.u32 $0xffff, v6;
	_ =	sdelay $0x5  }
0x3ac: {  	v6, _, _ =	vpop (xrf0)  }
0x3ad: {  	(v2sf) =	vpush v6, $0xF;
	_ =	sdelay $0x2  }
0x3ae: {  	v6 =	vld [tilespmem:$0x40D0];
	_ =	sdelay $0x4  }
0x3af: {  	v6 =	vperm.xlane v6, v3;
	_ =	sdelay $0x1  }
0x3b0: {  	(xrf0) =	vadd.scan.msk.s32 $0xffff, v6;
	_ =	sdelay $0x4  }
0x3b1: {  	s29 =	spop (v2sf)  }
0x3b2: {  	v6, _, _ =	vpop (xrf0);
	s15 =	sxor.u32 $0x80000000, s29  }
0x3b3: {  	v7 =	vadd.s32 s15, v6  }
0x3b4: {  	v6 =	vxor.u32 $0x80000000, v7  }
0x3b5: {  	(xrf0) =	vmax.scan.msk.u32 $0xffff, v6;
	_ =	sdelay $0x5  }
0x3b6: {  	v6, _, _ =	vpop (xrf0)  }
0x3b7: {  	(v2sf) =	vpush v6, $0xF;
	_ =	sdelay $0x2  }
0x3b8: {  	v6 =	vld [tilespmem:$0x40C0];
	_ =	sdelay $0x4  }
0x3b9: {  	v6 =	vperm.xlane v6, v3;
	_ =	sdelay $0x1  }
0x3ba: {  	(xrf0) =	vadd.scan.msk.s32 $0xffff, v6;
	_ =	sdelay $0x4  }
0x3bb: {  	s30 =	spop (v2sf)  }
0x3bc: {  	v6, _, _ =	vpop (xrf0);
	s15 =	sxor.u32 $0x80000000, s30  }
0x3bd: {  	v8 =	vadd.s32 s15, v6  }
0x3be: {  	v6 =	vxor.u32 $0x80000000, v8  }
0x3bf: {  	(xrf0) =	vmax.scan.msk.u32 $0xffff, v6;
	_ =	sdelay $0x5  }
0x3c0: {  	v6, _, _ =	vpop (xrf0)  }
0x3c1: {  	(v2sf) =	vpush v6, $0xF;
	_ =	sdelay $0x2  }
0x3c2: {  	v6 =	vld [tilespmem:$0x40B0];
	_ =	sdelay $0x4  }
0x3c3: {  	v6 =	vperm.xlane v6, v3;
	_ =	sdelay $0x1  }
0x3c4: {  	(xrf0) =	vadd.scan.msk.s32 $0xffff, v6;
	_ =	sdelay $0x4  }
0x3c5: {  	s31 =	spop (v2sf)  }
0x3c6: {  	v6, _, _ =	vpop (xrf0);
	s15 =	sxor.u32 $0x80000000, s31  }
0x3c7: {  	v9 =	vadd.s32 s15, v6  }
0x3c8: {  	v6 =	vxor.u32 $0x80000000, v9  }
0x3c9: {  	(xrf0) =	vmax.scan.msk.u32 $0xffff, v6;
	_ =	sdelay $0x5  }
0x3ca: {  	v6, _, _ =	vpop (xrf0)  }
0x3cb: {  	(v2sf) =	vpush v6, $0xF;
	_ =	sdelay $0x2  }
0x3cc: {  	v6 =	vld [tilespmem:$0x40A0];
	_ =	sdelay $0x4  }
0x3cd: {  	v6 =	vperm.xlane v6, v3;
	_ =	sdelay $0x1  }
0x3ce: {  	(xrf0) =	vadd.scan.msk.s32 $0xffff, v6;
	_ =	sdelay $0x4  }
0x3cf: {  	s17 =	spop (v2sf)  }
0x3d0: {  	v6, _, _ =	vpop (xrf0);
	s15 =	sxor.u32 $0x80000000, s17  }
0x3d1: {  	v10 =	vadd.s32 s15, v6  }
0x3d2: {  	v6 =	vxor.u32 $0x80000000, v10  }
0x3d3: {  	(xrf0) =	vmax.scan.msk.u32 $0xffff, v6;
	_ =	sdelay $0x5  }
0x3d4: {  	v6, _, _ =	vpop (xrf0)  }
0x3d5: {  	(v2sf) =	vpush v6, $0xF;
	_ =	sdelay $0x2  }
0x3d6: {  	v6 =	vld [tilespmem:$0x4090];
	_ =	sdelay $0x4  }
0x3d7: {  	v6 =	vperm.xlane v6, v3;
	_ =	sdelay $0x1  }
0x3d8: {  	(xrf0) =	vadd.scan.msk.s32 $0xffff, v6;
	_ =	sdelay $0x4  }
0x3d9: {  	s18 =	spop (v2sf)  }
0x3da: {  	v6, _, _ =	vpop (xrf0);
	s15 =	sxor.u32 $0x80000000, s18  }
0x3db: {  	v11 =	vadd.s32 s15, v6  }
0x3dc: {  	v6 =	vxor.u32 $0x80000000, v11  }
0x3dd: {  	(xrf0) =	vmax.scan.msk.u32 $0xffff, v6;
	_ =	sdelay $0x5  }
0x3de: {  	v6, _, _ =	vpop (xrf0)  }
0x3df: {  	(v2sf) =	vpush v6, $0xF;
	_ =	sdelay $0x2  }
0x3e0: {  	v6 =	vld [tilespmem:$0x4080];
	_ =	sdelay $0x4  }
0x3e1: {  	v6 =	vperm.xlane v6, v3;
	_ =	sdelay $0x1  }
0x3e2: {  	(xrf0) =	vadd.scan.msk.s32 $0xffff, v6;
	_ =	sdelay $0x4  }
0x3e3: {  	s19 =	spop (v2sf)  }
0x3e4: {  	v6, _, _ =	vpop (xrf0);
	s15 =	sxor.u32 $0x80000000, s19  }
0x3e5: {  	v12 =	vadd.s32 s15, v6  }
0x3e6: {  	v6 =	vxor.u32 $0x80000000, v12  }
0x3e7: {  	(xrf0) =	vmax.scan.msk.u32 $0xffff, v6;
	_ =	sdelay $0x5  }
0x3e8: {  	v6, _, _ =	vpop (xrf0)  }
0x3e9: {  	(v2sf) =	vpush v6, $0xF;
	_ =	sdelay $0x2  }
0x3ea: {  	v6 =	vld [tilespmem:$0x4070];
	_ =	sdelay $0x4  }
0x3eb: {  	v6 =	vperm.xlane v6, v3;
	_ =	sdelay $0x1  }
0x3ec: {  	(xrf0) =	vadd.scan.msk.s32 $0xffff, v6;
	_ =	sdelay $0x4  }
0x3ed: {  	s20 =	spop (v2sf)  }
0x3ee: {  	v6, _, _ =	vpop (xrf0);
	s15 =	sxor.u32 $0x80000000, s20  }
0x3ef: {  	v13 =	vadd.s32 s15, v6  }
0x3f0: {  	v6 =	vxor.u32 $0x80000000, v13  }
0x3f1: {  	(xrf0) =	vmax.scan.msk.u32 $0xffff, v6;
	_ =	sdelay $0x5  }
0x3f2: {  	v6, _, _ =	vpop (xrf0)  }
0x3f3: {  	(v2sf) =	vpush v6, $0xF;
	_ =	sdelay $0x2  }
0x3f4: {  	v6 =	vld [tilespmem:$0x4060];
	_ =	sdelay $0x4  }
0x3f5: {  	v6 =	vperm.xlane v6, v3;
	_ =	sdelay $0x1  }
0x3f6: {  	(xrf0) =	vadd.scan.msk.s32 $0xffff, v6;
	_ =	sdelay $0x4  }
0x3f7: {  	s21 =	spop (v2sf)  }
0x3f8: {  	v6, _, _ =	vpop (xrf0);
	s15 =	sxor.u32 $0x80000000, s21  }
0x3f9: {  	v14 =	vadd.s32 s15, v6  }
0x3fa: {  	v6 =	vxor.u32 $0x80000000, v14  }
0x3fb: {  	(xrf0) =	vmax.scan.msk.u32 $0xffff, v6;
	_ =	sdelay $0x5  }
0x3fc: {  	v6, _, _ =	vpop (xrf0)  }
0x3fd: {  	(v2sf) =	vpush v6, $0xF;
	_ =	sdelay $0x2  }
0x3fe: {  	v6 =	vld [tilespmem:$0x4050];
	_ =	sdelay $0x4  }
0x3ff: {  	v6 =	vperm.xlane v6, v3;
	_ =	sdelay $0x1  }
0x400: {  	(xrf0) =	vadd.scan.msk.s32 $0xffff, v6;
	_ =	sdelay $0x4  }
0x401: {  	s22 =	spop (v2sf)  }
0x402: {  	v6, _, _ =	vpop (xrf0);
	s15 =	sxor.u32 $0x80000000, s22  }
0x403: {  	v15 =	vadd.s32 s15, v6  }
0x404: {  	v6 =	vxor.u32 $0x80000000, v15  }
0x405: {  	(xrf0) =	vmax.scan.msk.u32 $0xffff, v6;
	_ =	sdelay $0x5  }
0x406: {  	v6, _, _ =	vpop (xrf0)  }
0x407: {  	(v2sf) =	vpush v6, $0xF;
	_ =	sdelay $0x2  }
0x408: {  	v6 =	vld [tilespmem:$0x4040];
	_ =	sdelay $0x4  }
0x409: {  	v6 =	vperm.xlane v6, v3;
	_ =	sdelay $0x1  }
0x40a: {  	(xrf0) =	vadd.scan.msk.s32 $0xffff, v6;
	_ =	sdelay $0x4  }
0x40b: {  	s23 =	spop (v2sf)  }
0x40c: {  	v6, _, _ =	vpop (xrf0);
	s15 =	sxor.u32 $0x80000000, s23  }
0x40d: {  	v16 =	vadd.s32 s15, v6  }
0x40e: {  	v6 =	vxor.u32 $0x80000000, v16  }
0x40f: {  	(xrf0) =	vmax.scan.msk.u32 $0xffff, v6;
	_ =	sdelay $0x5  }
0x410: {  	v6, _, _ =	vpop (xrf0)  }
0x411: {  	(v2sf) =	vpush v6, $0xF;
	_ =	sdelay $0x2  }
0x412: {  	v6 =	vld [tilespmem:$0x4030];
	_ =	sdelay $0x4  }
0x413: {  	v6 =	vperm.xlane v6, v3;
	_ =	sdelay $0x1  }
0x414: {  	(xrf0) =	vadd.scan.msk.s32 $0xffff, v6;
	_ =	sdelay $0x4  }
0x415: {  	s24 =	spop (v2sf)  }
0x416: {  	v6, _, _ =	vpop (xrf0);
	s15 =	sxor.u32 $0x80000000, s24  }
0x417: {  	v17 =	vadd.s32 s15, v6  }
0x418: {  	v6 =	vxor.u32 $0x80000000, v17  }
0x419: {  	(xrf0) =	vmax.scan.msk.u32 $0xffff, v6;
	_ =	sdelay $0x5  }
0x41a: {  	v6, _, _ =	vpop (xrf0)  }
0x41b: {  	(v2sf) =	vpush v6, $0xF;
	_ =	sdelay $0x2  }
0x41c: {  	v6 =	vld [tilespmem:$0x4020];
	_ =	sdelay $0x4  }
0x41d: {  	v6 =	vperm.xlane v6, v3;
	_ =	sdelay $0x1  }
0x41e: {  	(xrf0) =	vadd.scan.msk.s32 $0xffff, v6;
	_ =	sdelay $0x4  }
0x41f: {  	s25 =	spop (v2sf)  }
0x420: {  	v6, _, _ =	vpop (xrf0);
	s15 =	sxor.u32 $0x80000000, s25  }
0x421: {  	v18 =	vadd.s32 s15, v6  }
0x422: {  	v6 =	vxor.u32 $0x80000000, v18  }
0x423: {  	(xrf0) =	vmax.scan.msk.u32 $0xffff, v6;
	_ =	sdelay $0x5  }
0x424: {  	v6, _, _ =	vpop (xrf0)  }
0x425: {  	(v2sf) =	vpush v6, $0xF;
	_ =	sdelay $0x2  }
0x426: {  	v6 =	vld [tilespmem:$0x4010];
	_ =	sdelay $0x4  }
0x427: {  	v6 =	vperm.xlane v6, v3;
	_ =	sdelay $0x1  }
0x428: {  	(xrf0) =	vadd.scan.msk.s32 $0xffff, v6;
	_ =	sdelay $0x4  }
0x429: {  	s26 =	spop (v2sf)  }
0x42a: {  	v6, _, _ =	vpop (xrf0);
	s15 =	sxor.u32 $0x80000000, s26  }
0x42b: {  	v19 =	vadd.s32 s15, v6  }
0x42c: {  	v6 =	vxor.u32 $0x80000000, v19  }
0x42d: {  	(xrf0) =	vmax.scan.msk.u32 $0xffff, v6;
	_ =	sdelay $0x2  }
0x42e: {  	v21 =	vld [tilespmem:$0x4000];
	_ =	sdelay $0x2  }
0x42f: {  	s28 =	sxor.u32 $0x80000000, s16;
	v6, _, _ =	vpop (xrf0)  }
0x430: {  	s14 =	ssub.s32 s14, s28;
	(v2sf) =	vpush v6, $0xF  }
0x431: {  	v21 =	vperm.xlane v21, v3;
	vm0 =	vge.s32 v4, s14;
	vm1 =	vge.s32 v5, s14  }
0x432: {  	v20 =	vsel vm1, $0x1, v1;
	v6 =	vsel vm0, $0x1, v1;
	vm0 =	vge.s32 v7, s14  }
0x433: {  	v6 =	vadd.s32 v6, v20;
	v20 =	vsel vm0, $0x1, v1;
	vm0 =	vge.s32 v8, s14  }
0x434: {  	v6 =	vadd.s32 v20, v6;
	v20 =	vsel vm0, $0x1, v1;
	vm0 =	vge.s32 v9, s14  }
0x435: {  	v6 =	vadd.s32 v20, v6;
	v20 =	vsel vm0, $0x1, v1;
	vm0 =	vge.s32 v10, s14  }
0x436: {  	v6 =	vadd.s32 v20, v6;
	v20 =	vsel vm0, $0x1, v1;
	vm0 =	vge.s32 v11, s14  }
0x437: {  	v6 =	vadd.s32 v20, v6;
	v20 =	vsel vm0, $0x1, v1;
	vm0 =	vge.s32 v12, s14  }
0x438: {  	v6 =	vadd.s32 v20, v6;
	v20 =	vsel vm0, $0x1, v1;
	vm0 =	vge.s32 v13, s14  }
0x439: {  	v6 =	vadd.s32 v20, v6;
	v20 =	vsel vm0, $0x1, v1;
	vm0 =	vge.s32 v14, s14  }
0x43a: {  	(xrf0) =	vadd.scan.msk.s32 $0xffff, v21;
	v6 =	vadd.s32 v20, v6;
	v20 =	vsel vm0, $0x1, v1;
	vm0 =	vge.s32 v15, s14  }
0x43b: {  	v6 =	vadd.s32 v20, v6;
	v20 =	vsel vm0, $0x1, v1;
	vm0 =	vge.s32 v16, s14  }
0x43c: {  	v6 =	vadd.s32 v20, v6;
	v20 =	vsel vm0, $0x1, v1;
	vm0 =	vge.s32 v17, s14  }
0x43d: {  	v6 =	vadd.s32 v20, v6;
	v20 =	vsel vm0, $0x1, v1;
	_ =	sdelay $0x1  }
0x43e: {  	s29 =	spop (v2sf)  }
0x43f: {  	vm0 =	vge.s32 v18, s14;
	v6 =	vadd.s32 v20, v6;
	v20, _, _ =	vpop (xrf0);
	s15 =	sxor.u32 $0x80000000, s29  }
0x440: {  	v21 =	vsel vm0, $0x1, v1;
	vm0 =	vge.s32 v19, s14;
	v20 =	vadd.s32 s15, v20  }
0x441: {  	v6 =	vadd.s32 v21, v6;
	v21 =	vsel vm0, $0x1, v1;
	vm0 =	vge.s32 v20, s14  }
0x442: {  	v6 =	vadd.s32 v21, v6;
	v21 =	vsel vm0, $0x1, v1  }
0x443: {  	v6 =	vadd.s32 v21, v6  }
0x444: {  	(xrf0) =	vadd.scan.msk.s32 $0xffff, v6;
	_ =	sdelay $0x5  }
0x445: {  	v6, _, _ =	vpop (xrf0)  }
0x446: {  	(v2sf) =	vpush v6, $0xF;
	_ =	sdelay $0x5  }
0x447: {  	s30 =	simm.s32 $0x2040  }
0x448: {  	v22 =	vld [tilespmem:s30+$0xFFFFFFD0]  }
0x449: {  	v25 =	vld [tilespmem:s30+$0xFFFFFFE0]  }
0x44a: {  	v26 =	vld [tilespmem:s30+$0xFFFFFFF0]  }
0x44b: {  	v27 =	vld [tilespmem:s30+$0x0]  }
0x44c: {  	v28 =	vld [tilespmem:s30+$0x10]  }
0x44d: {  	v29 =	vld [tilespmem:s30+$0x20]  }
0x44e: {  	v30 =	vld [tilespmem:s30+$0xFFFFFFC0]  }
0x44f: {  	s15 =	simm.s32 $0x40;
	v21 =	vld [tilespmem:s30+$0x30]  }
0x450: {  	v24 =	vld [tilespmem:s15+$0x30];
	s17 =	spop (v2sf)  }
0x451: {  	s13 =	sshll.u32 s13, $0x8;
	v31 =	vld [tilespmem:s15+$0xFFFFFFC0];
	s31 =	sadd.s32 $0xFFFFFFFF, s17  }
0x452: {  	v32 =	vld [tilespmem:s15+$0xFFFFFFD0];
	s13 =	sor.u32 s13, s31  }
0x453: {  	v23 =	vld [tilespmem:s15+$0xFFFFFFE0];
	v6 =	vmov s13  }
0x454: {  	vm0 =	vlt.u32 v21, v6;
	vm5 =	vlt.u32 v22, v6;
	vm4 =	vlt.u32 v25, v6;
	v22 =	vld [tilespmem:s15+$0xFFFFFFF0]  }
0x455: {  	vm2 =	vlt.u32 v26, v6;
	v21 =	vsel vm0, $0x0, v24;
	vm0 =	vlt.u32 v30, v6;
	v24 =	vld [tilespmem:s15+$0x0]  }
0x456: {  	vm3 =	vlt.u32 v27, v6;
	vm1 =	vlt.u32 v28, v6;
	v25 =	vld [tilespmem:s15+$0x10];
	[tilespmem:s15+$0x30] =	vst v21;
	v26 =	vsel vm0, $0x0, v31  }
0x457: {  	s16 =	simm.s32 $0x20C0;
	s17 =	simm.s32 $0x40;
	s13 =	simm.s32 $0x0;
	v27 =	vsel vm5, $0x0, v32;
	vm0 =	vlt.u32 v29, v6;
	v21 =	vmov s14;
	[tilespmem:s15+$0xFFFFFFC0] =	vst v26;
	v26 =	vld [tilespmem:s15+$0x20]  }
.LBB2_22:
0x458: {  	v28 =	vld [tilespmem:s16+$0x30];
	s13 =	sadd.s32 $0x80, s13;
	[tilespmem:s15+$0xFFFFFFD0] =	vst v27;
	v23 =	vsel vm4, $0x0, v23;
	s17 =	sadd.s32 $0x80, s17  }
0x459: {  	v27 =	vld [tilespmem:s17+$0x30];
	p0 =	slt.u32 s13, $0x1F80;
	[tilespmem:s15+$0xFFFFFFE0] =	vst v23;
	v22 =	vsel vm2, $0x0, v22  }
0x45a: {  	v23 =	vld [tilespmem:s16+$0xFFFFFFD0];
	[tilespmem:s15+$0xFFFFFFF0] =	vst v22;
	v22 =	vsel vm3, $0x0, v24  }
0x45b: {  	v24 =	vld [tilespmem:s16+$0xFFFFFFE0];
	[tilespmem:s15+$0x0] =	vst v22;
	v22 =	vsel vm1, $0x0, v25  }
0x45c: {  	v25 =	vld [tilespmem:s16+$0xFFFFFFF0];
	[tilespmem:s15+$0x10] =	vst v22;
	v22 =	vsel vm0, $0x0, v26  }
0x45d: {  	v26 =	vld [tilespmem:s16+$0x0];
	vm0 =	vlt.u32 v28, v6;
	[tilespmem:s15+$0x20] =	vst v22;
	s15 =	smov.u32 s17  }
0x45e: {  	v22 =	vld [tilespmem:s16+$0x10];
	v27 =	vsel vm0, $0x0, v27  }
0x45f: {  	vm5 =	vlt.u32 v23, v6;
	v28 =	vld [tilespmem:s16+$0x20];
	[tilespmem:s17+$0x30] =	vst v27  }
0x460: {  	v27 =	vld [tilespmem:s16+$0xFFFFFFC0];
	vm4 =	vlt.u32 v24, v6  }
0x461: {  	v29 =	vld [tilespmem:s17+$0xFFFFFFC0];
	vm2 =	vlt.u32 v25, v6  }
0x462: {  	v30 =	vld [tilespmem:s17+$0xFFFFFFD0];
	vm3 =	vlt.u32 v26, v6  }
.Ltmp13:
0x463: {  	v23 =	vld [tilespmem:s17+$0xFFFFFFE0];
	vm1 =	vlt.u32 v22, v6;
	(pc) =	sbr.rel @p0 .LBB2_22-.Ltmp13, $4  }
0x464: {  	v22 =	vld [tilespmem:s17+$0xFFFFFFF0];
	vm0 =	vlt.u32 v28, v6  }
0x465: {  	vm6 =	vlt.u32 v27, v6;
	v24 =	vld [tilespmem:s17+$0x0]  }
0x466: {  	v26 =	vsel vm6, $0x0, v29;
	v25 =	vld [tilespmem:s17+$0x10]  }
0x467: {  	s16 =	sadd.s32 $0x80, s16;
	[tilespmem:s17+$0xFFFFFFC0] =	vst v26;
	v27 =	vsel vm5, $0x0, v30;
	v26 =	vld [tilespmem:s17+$0x20]  }
0x468: {  	vm5 =	vlt.s32 v4, $0x40000000  }
0x469: {  	vm6 =	vge.s32 v4, v21;
	v4 =	vnsel vm5, $0x40000000, v4  }
0x46a: {  	v4 =	vnsel vm6, $0x40000000, v4  }
0x46b: {  	vm14 =	vlt.s32 v4, v5  }
0x46c: {  	vm15 =	vge.s32 v5, v21;
	vm9 =	vge.s32 v7, v21;
	v5 =	vsel vm14, v4, v5  }
0x46d: {  	v4 =	vsel vm15, v5, v4;
	v5 =	vnsel vm9, $0x40000000, v7  }
0x46e: {  	vm10 =	vge.s32 v8, v21;
	vm6 =	vlt.s32 v4, v5  }
0x46f: {  	v4 =	vsel vm6, v4, v5;
	v5 =	vnsel vm10, $0x40000000, v8  }
0x470: {  	vm11 =	vge.s32 v9, v21;
	vm6 =	vlt.s32 v4, v5  }
0x471: {  	v4 =	vsel vm6, v4, v5;
	v5 =	vnsel vm11, $0x40000000, v9  }
0x472: {  	vm12 =	vge.s32 v10, v21;
	vm6 =	vlt.s32 v4, v5  }
0x473: {  	v4 =	vsel vm6, v4, v5;
	v5 =	vnsel vm12, $0x40000000, v10  }
0x474: {  	vm13 =	vge.s32 v11, v21;
	vm6 =	vlt.s32 v4, v5  }
0x475: {  	v4 =	vsel vm6, v4, v5;
	v5 =	vnsel vm13, $0x40000000, v11  }
0x476: {  	vm14 =	vge.s32 v12, v21;
	vm6 =	vlt.s32 v4, v5  }
0x477: {  	v4 =	vsel vm6, v4, v5;
	v5 =	vnsel vm14, $0x40000000, v12  }
0x478: {  	vm15 =	vge.s32 v13, v21;
	vm6 =	vlt.s32 v4, v5  }
0x479: {  	v4 =	vsel vm6, v4, v5;
	v5 =	vnsel vm15, $0x40000000, v13  }
0x47a: {  	vm9 =	vge.s32 v14, v21;
	vm6 =	vlt.s32 v4, v5  }
0x47b: {  	v4 =	vsel vm6, v4, v5;
	v5 =	vnsel vm9, $0x40000000, v14  }
0x47c: {  	vm10 =	vge.s32 v15, v21;
	vm6 =	vlt.s32 v4, v5  }
0x47d: {  	v4 =	vsel vm6, v4, v5;
	v5 =	vnsel vm10, $0x40000000, v15  }
0x47e: {  	vm11 =	vge.s32 v16, v21;
	vm6 =	vlt.s32 v4, v5  }
0x47f: {  	v4 =	vsel vm6, v4, v5;
	v5 =	vnsel vm11, $0x40000000, v16  }
0x480: {  	vm12 =	vge.s32 v17, v21;
	vm6 =	vlt.s32 v4, v5  }
0x481: {  	v4 =	vsel vm6, v4, v5;
	v5 =	vnsel vm12, $0x40000000, v17  }
0x482: {  	vm13 =	vge.s32 v18, v21;
	vm6 =	vlt.s32 v4, v5  }
0x483: {  	v4 =	vsel vm6, v4, v5;
	v5 =	vnsel vm13, $0x40000000, v18  }
0x484: {  	vm14 =	vge.s32 v19, v21;
	vm6 =	vlt.s32 v4, v5  }
0x485: {  	v4 =	vsel vm6, v4, v5;
	v5 =	vnsel vm14, $0x40000000, v19  }
0x486: {  	vm15 =	vge.s32 v20, v21;
	vm6 =	vlt.s32 v4, v5  }
0x487: {  	v4 =	vsel vm6, v4, v5;
	v5 =	vnsel vm15, $0x40000000, v20  }
0x488: {  	vm5 =	vlt.s32 v4, v5  }
0x489: {  	v4 =	vsel vm5, v4, v5  }
0x48a: {  	v4 =	vxor.u32 $0x80000000, v4  }
0x48b: {  	(xrf0) =	vmin.scan.msk.u32 $0xffff, v4;
	_ =	sdelay $0x5  }
0x48c: {  	v4, _, _ =	vpop (xrf0)  }
0x48d: {  	(v2sf) =	vpush v4, $0xF;
	_ =	sdelay $0xe  }
0x48e: {  	s13 =	spop (v2sf)  }
0x48f: {  	s13 =	sxor.u32 $0x80000000, s13  }
0x490: {  	s17 =	ssub.s32 s13, s14  }
0x491: {  	[tilespmem:s15+$0xFFFFFFD0] =	vst v27;
	v5 =	vsel vm2, $0x0, v22;
	p0 =	slt.s32 s17, $0x1  }
.Ltmp14:
0x492: {  	[tilespmem:s15+$0xFFFFFFF0] =	vst v5;
	v5 =	vsel vm1, $0x0, v25;
	(pc) =	sbr.rel @p0 .LBB2_27-.Ltmp14, $4  }
0x493: {  	[tilespmem:s15+$0x10] =	vst v5;
	v4 =	vsel vm4, $0x0, v23  }
0x494: {  	[tilespmem:s15+$0xFFFFFFE0] =	vst v4;
	v4 =	vsel vm3, $0x0, v24  }
0x495: {  	[tilespmem:s15+$0x0] =	vst v4;
	v4 =	vsel vm0, $0x0, v26  }
0x496: {  	[tilespmem:s15+$0x20] =	vst v4  }
0x497: {  	s19 =	simm.s32 $0x1FF0  }
0x498: {  	v4 =	vld [tilespmem:s19+$0x2000];
	_ =	sdelay $0x4  }
0x499: {  	s18 =	simm.s32 $0x1FE0;
	vm0 =	veq.s32 v4, v6  }
0x49a: {  	v4 =	vld [tilespmem:s18+$0x2000];
	v5 =	vsel vm0, $0x1, v1  }
0x49b: {  	v5 =	vperm.xlane v5, v3;
	_ =	sdelay $0x1  }
0x49c: {  	(xrf0) =	vadd.scan.msk.s32 $0xffff, v5  }
0x49d: {  	s15 =	simm.s32 $0x1FD0  }
0x49e: {  	v5 =	vld [tilespmem:s15+$0x2000];
	vm1 =	veq.s32 v4, v6  }
0x49f: {  	v4 =	vsel vm1, $0x1, v1  }
0x4a0: {  	v4 =	vperm.xlane v4, v3;
	_ =	sdelay $0x1  }
0x4a1: {  	(xrf0) =	vadd.scan.msk.s32 $0xffff, v4;
	v7, _, _ =	vpop (xrf0)  }
0x4a2: {  	s14 =	simm.s32 $0x1FC0;
	vm2 =	veq.s32 v5, v6;
	v5 =	vxor.u32 $0x80000000, v7  }
0x4a3: {  	v8 =	vld [tilespmem:s14+$0x2000];
	v4 =	vsel vm2, $0x1, v1;
	(xrf0) =	vmax.scan.msk.u32 $0xffff, v5  }
0x4a4: {  	v4 =	vperm.xlane v4, v3;
	_ =	sdelay $0x1  }
0x4a5: {  	(xrf0) =	vadd.scan.msk.s32 $0xffff, v4  }
0x4a6: {  	v5, _, _ =	vpop (xrf0)  }
0x4a7: {  	vm3 =	veq.s32 v8, v6;
	v4 =	vxor.u32 $0x80000000, v5  }
0x4a8: {  	(xrf0) =	vmax.scan.msk.u32 $0xffff, v4;
	v4 =	vsel vm3, $0x1, v1;
	v8, _, _ =	vpop (xrf0)  }
0x4a9: {  	(v2sf) =	vpush v8, $0xF  }
0x4aa: {  	s13 =	simm.s32 $0x1FB0;
	v10 =	vperm.xlane v4, v3  }
0x4ab: {  	v9 =	vld [tilespmem:s13+$0x2000];
	v4, _, _ =	vpop (xrf0)  }
0x4ac: {  	(xrf0) =	vadd.scan.msk.s32 $0xffff, v10;
	v10 =	vxor.u32 $0x80000000, v4  }
0x4ad: {  	(xrf0) =	vmax.scan.msk.u32 $0xffff, v10  }
0x4ae: {  	v7 =	vperm.xlane v7, v3  }
0x4af: {  	vm0 =	vmmov vm0  }
0x4b0: {  	vm4 =	veq.s32 v9, v6;
	vm0 =	vmmov vm0  }
0x4b1: {  	vm5 =	vmmov vm3;
	vm0 =	vmmov vm0;
	vm1 =	vmmov vm1;
	v10 =	vld [tilespmem:s19+$0x0];
	v8, _, _ =	vpop (xrf0)  }
0x4b2: {  	vm0 =	vmmov vm0;
	vm1 =	vmmov vm1;
	vm3 =	vle.s32 v7, s17;
	v7, _, _ =	vpop (xrf0)  }
0x4b3: {  	s16 =	simm.s32 $0x1FA0;
	vm2 =	vmmov vm2;
	(v2sf) =	vpush v8, $0xF;
	v8 =	vsel vm4, $0x1, v1;
	v11, _, _ =	vpop (xrf0)  }
0x4b4: {  	vm2 =	vmmov vm2;
	v9 =	vperm.xlane v8, v3;
	v8 =	vld [tilespmem:s16+$0x2000];
	(v2sf) =	vpush v11, $0xF  }
0x4b5: {  	vm1 =	vmmov vm1;
	vm2 =	vmmov vm2;
	vm0 =	vmand vm0, vm3  }
0x4b6: {  	vm3 =	vmmov vm1;
	(xrf0) =	vadd.scan.msk.s32 $0xffff, v9;
	v9 =	vxor.u32 $0x80000000, v7;
	v10 =	vsel vm0, $0x0, v10  }
0x4b7: {  	s20 =	simm.s32 $0x7E40;
	s21 =	simm.s32 $0x7E00;
	vm1 =	vmmov vm5;
	vm0 =	vmmov vm4;
	(xrf0) =	vmax.scan.msk.u32 $0xffff, v9;
	[tilespmem:s19+$0x0] =	vst v10  }
.LBB2_25:
0x4b8: {  	p0 =	sne.s32 s21, $0x0;
	v9 =	vld [tilespmem:s18+$0x0];
	s19 =	spop (v2sf);
	s22 =	smov.u32 s14  }
0x4b9: {  	vm4 =	veq.s32 v8, v6;
	v10 =	vperm.xlane v5, v3;
	v5 =	vmovc v4;
	v4 =	vmov v7;
	s14 =	smov.u32 s13;
	s13 =	smov.u32 s16;
	s19 =	sxor.u32 $0x80000000, s19  }
.Ltmp15:
0x4ba: {  	s16 =	sshra.s32 s20, $0x2;
	v12 =	vsel vm4, $0x1, v1;
	s17 =	ssub.s32 s17, s19;
	(pc) =	sbr.rel @p0 .LBB2_25-.Ltmp15, $4  }
0x4bb: {  	s20 =	smov.u32 s21;
	v12 =	vperm.xlane v12, v3;
	v8 =	vld [tilespmem:s16+$0x2000];
	vm5 =	vle.s32 v10, s17  }
0x4bc: {  	v7, _, _ =	vpop (xrf0);
	vm5 =	vmand vm3, vm5;
	vm3 =	vmmov vm2;
	vm2 =	vmmov vm1  }
0x4bd: {  	vm1 =	vmmov vm0;
	(xrf0) =	vadd.scan.msk.s32 $0xffff, v12;
	v10 =	vxor.u32 $0x80000000, v7;
	v11, _, _ =	vpop (xrf0);
	v9 =	vsel vm5, $0x0, v9  }
0x4be: {  	s21 =	sadd.s32 $0xFFFFFFC0, s21;
	vm0 =	vmmov vm4;
	(xrf0) =	vmax.scan.msk.u32 $0xffff, v10;
	(v2sf) =	vpush v11, $0xF;
	[tilespmem:s18+$0x0] =	vst v9;
	s18 =	smov.u32 s15;
	s15 =	smov.u32 s22  }
.Ltmp16:
0x4bf: {  	_ = 	snop;
	(pc) =	sbr.rel .LBB2_26-.Ltmp16, $1  }
0x4c0: {  	_ =	sdelay $0x3  }
.LBB2_8:
.Ltmp17:
0x4c1: {  	(pc) =	sbr.rel .LBB2_13-.Ltmp17, $2  }
0x4c2: {  	_ =	sdelay $0x2  }
0x4c3: {  	s17 =	simm.s32 $0x0;
	v7 =	vimm.s32 $0x0  }
.LBB2_16:
.Ltmp18:
0x4c4: {  	(pc) =	sbr.rel .LBB2_20-.Ltmp18, $2  }
0x4c5: {  	_ =	sdelay $0x2  }
0x4c6: {  	s17 =	simm.s32 $0x0  }
.LBB2_10:
.Ltmp19:
0x4c7: {  	(pc) =	sbr.rel .LBB2_13-.Ltmp19, $2  }
0x4c8: {  	_ =	sdelay $0x2  }
0x4c9: {  	s17 =	simm.s32 $0x0;
	v9 =	vmov v8;
	v7 =	vmov v8  }
.LBB2_18:
.Ltmp20:
0x4ca: {  	(pc) =	sbr.rel .LBB2_20-.Ltmp20, $2  }
0x4cb: {  	_ =	sdelay $0x2  }
0x4cc: {  	s17 =	simm.s32 $0x0  }
.LBB2_28:
0x4cd: {  	_ =	sfence.sel $0x180000  }
0x4ce: {  	[bflag:$0x0] =	sbarrier.arrive $0xFFFF  }
0x4cf: {  	p0 =	sne.s32 s0, $0x0;
	_ =	strace $0x90000047  }
0x4d0: {  	s0 =	sadd.s32 @!p0 $0x100000, s1;
	[bflag:$0x2] =	sbarrier.arrive $0xFFFF  }
0x4d1: {  	[sflag:s0] =	ssyncadd.tile.s32 @!p0 $0x1;
	_ =	shalt  }
.Lfunc_end2:
_tile_overlayer_lowered:
.L_overlay_start_2:
0x4d2: {  	(tag) =	ssettag $0x2  }
0x4d3: {  	s0 =	rddreg [dreg:$0x0];
	s2 =	stileid.u32  }
0x4d4: {  	s1 =	rddreg [dreg:$0x1];
	p0 =	sne.s32 s2, $0x0  }
0x4d5: {  	s3 =	rddreg [dreg:$0x2];
	[bflag:$0x3] =	sbarrier.arrive $0xFFFF;
	s2 =	simm.s32 @!p0 $0x1C01  }
0x4d6: {  	[timem:s3], [sflag:s2] =	dma.local @!p0 [hbm:s0], s1  }
0x4d7: {  	s0 =	simm.s32 @!p0 $0x1  }
0x4d8: {  	_ =	swait.ge @!p0 [sflag:s0], s1  }
0x4d9: {  	s1 =	ssub.s32 @!p0 $0x0, s1;
	[sflag:s0] =	ssyncset.done @!p0 $0x0  }
0x4da: {  	[sflag:s0] =	ssyncadd.s32 @!p0 s1  }
0x4db: {  	[bflag:$0x3] =	sbarrier.arrive $0xFFFF  }
0x4dc: {  	_ =	shalt  }

</sc_bundles>
